<compile_context>
chip_gen: v7x
topology: tpu7x:2x2x1
jax: 0.10.2.dev20260603
libtpu: 0.0.44.dev20260713+nightly
codegen_flags: <defaults>
</compile_context>

<pallas_src>
import functools

import jax
import jax.numpy as jnp
from jax import lax
from jax.experimental import pallas as pl
from jax.experimental.pallas import tpu as pltpu
from jax.experimental.pallas import tpu_sc as plsc

_N = 10000
_E = 320000
_D = 128

_NC = 2
_NS = 16
_NW = _NC * _NS
_CH = 128
_EP = 327680
_NSTG = 10
_CPS = 8
_NPAD = 240
_NA = _N + _NPAD
_RPS = 624
_TAIL = _N - _RPS * _NS
_DEG_PAD = 10240
_DPS = _DEG_PAD // _NS


def _sc_agg_body(with_deg, h_hbm, src_hbm, dst_hbm, *refs):
    if with_deg:
        (out_hbm, deg_hbm, srcv, dstv, rows_a, rows_b, onesv, acc, dacc,
         sem_a, sem_b, sem_i) = refs
    else:
        (out_hbm, srcv, dstv, rows_a, rows_b, onesv, acc, sem_a, sem_b,
         sem_i) = refs
    c = lax.axis_index("c")
    s = lax.axis_index("s")
    w = s * _NC + c

    zero16 = jnp.zeros((16,), jnp.float32)
    def _zrow(i, carry):
        rows_a[i // (_D // 16), pl.ds((i % (_D // 16)) * 16, 16)] = zero16
        return carry
    lax.fori_loop(0, _CH * _D // 16, _zrow, 0)
    one16 = jnp.full((16,), 1.0, jnp.float32)
    for i in range(_CH // 16):
        onesv[pl.ds(i * 16, 16)] = one16

    for t in range(_RPS // _CH):
        pltpu.sync_copy(rows_a, acc.at[pl.ds(s * _RPS + t * _CH, _CH)])
    rem = _RPS % _CH
    if rem:
        pltpu.sync_copy(rows_a.at[pl.ds(0, rem)],
                        acc.at[pl.ds(s * _RPS + (_RPS // _CH) * _CH, rem)])

    @pl.when(s == _NS - 1)
    def _():
        pltpu.sync_copy(rows_a.at[pl.ds(0, _TAIL)],
                        acc.at[pl.ds(_RPS * _NS, _TAIL)])

    if with_deg:
        for t in range(_DPS // _D):
            pltpu.sync_copy(rows_a.at[0], dacc.at[pl.ds(s * _DPS + t * _D, _D)])
    plsc.subcore_barrier()

    def _sidx(j):
        return srcv.at[(j // _CPS) % 2, j % _CPS]

    def _didx(j):
        return dstv.at[(j // _CPS) % 2, j % _CPS]

    def _g(j, buf):
        pltpu.async_copy(h_hbm.at[_sidx(j)], buf, sem_a)

    def _gw(j, buf):
        pltpu.make_async_copy(h_hbm.at[_sidx(j)], buf, sem_a).wait()

    def _s(j, buf):
        pltpu.async_copy(buf, acc.at[_didx(j)], sem_b, add=True)
        if with_deg:
            pltpu.sync_copy(onesv, dacc.at[_didx(j)], add=True)

    def _sw(j, buf):
        pltpu.make_async_copy(buf, acc.at[_didx(j)], sem_b).wait()

    def _ipf(st):
        pltpu.async_copy(src_hbm.at[w, st], srcv.at[st % 2], sem_i)
        pltpu.async_copy(dst_hbm.at[w, st], dstv.at[st % 2], sem_i)

    def _ipw(st):
        pltpu.make_async_copy(src_hbm.at[w, st], srcv.at[st % 2],
                              sem_i).wait()
        pltpu.make_async_copy(dst_hbm.at[w, st], dstv.at[st % 2],
                              sem_i).wait()

    pltpu.sync_copy(src_hbm.at[w, 0], srcv.at[0])
    pltpu.sync_copy(dst_hbm.at[w, 0], dstv.at[0])
    _ipf(1)
    _g(0, rows_a)
    _gw(0, rows_a)
    _g(1, rows_b)
    _s(0, rows_a)

    _nchunk = _NSTG * _CPS
    def _pair(k, carry):
        j0 = 2 * k
        st = j0 // _CPS
        at_entry = (j0 % _CPS) == 0

        @pl.when(at_entry)
        def _():
            _ipw(st)
        _gw(j0 - 1, rows_b)
        _sw(j0 - 2, rows_a)
        _g(j0, rows_a)
        _s(j0 - 1, rows_b)
        _gw(j0, rows_a)
        _sw(j0 - 1, rows_b)

        @pl.when(at_entry & (st < _NSTG - 1))
        def _():
            _ipf(st + 1)
        _g(j0 + 1, rows_b)
        _s(j0, rows_a)
        return carry
    lax.fori_loop(1, _nchunk // 2, _pair, 0)
    _gw(_nchunk - 1, rows_b)
    _sw(_nchunk - 2, rows_a)
    _s(_nchunk - 1, rows_b)
    _sw(_nchunk - 1, rows_b)
    plsc.subcore_barrier()

    pltpu.sync_copy(acc.at[pl.ds(s * _RPS, _RPS)],
                    out_hbm.at[c, pl.ds(s * _RPS, _RPS)])

    @pl.when(s == _NS - 1)
    def _():
        pltpu.sync_copy(acc.at[pl.ds(_RPS * _NS, _TAIL)],
                        out_hbm.at[c, pl.ds(_RPS * _NS, _TAIL)])

    if with_deg:
        pltpu.sync_copy(dacc.at[pl.ds(s * _DPS, _DPS)],
                        deg_hbm.at[c, pl.ds(s * _DPS, _DPS)])


def _make_sc_agg(with_deg):
    mesh = plsc.VectorSubcoreMesh(core_axis_name="c", subcore_axis_name="s")
    out_type = [jax.ShapeDtypeStruct((_NC, _N, _D), jnp.float32)]
    if with_deg:
        out_type.append(jax.ShapeDtypeStruct((_NC, _DEG_PAD), jnp.float32))
    scratch = [
        pltpu.VMEM((2, _CPS, _CH), jnp.int32),
        pltpu.VMEM((2, _CPS, _CH), jnp.int32),
        pltpu.VMEM((_CH, _D), jnp.float32),
        pltpu.VMEM((_CH, _D), jnp.float32),
        pltpu.VMEM((_CH,), jnp.float32),
        pltpu.VMEM_SHARED((_NA, _D), jnp.float32),
    ]
    if with_deg:
        scratch.append(pltpu.VMEM_SHARED((_DEG_PAD,), jnp.float32))
    scratch.append(pltpu.SemaphoreType.DMA)
    scratch.append(pltpu.SemaphoreType.DMA)
    scratch.append(pltpu.SemaphoreType.DMA)
    return pl.kernel(
        functools.partial(_sc_agg_body, with_deg),
        out_type=tuple(out_type) if with_deg else out_type[0],
        mesh=mesh,
        scratch_types=scratch,
    )


_R = 2000


def _layer1_body(h_ref, agg_ref, deg_ref, ws_ref, wn_ref, b_ref, out_ref):
    a = agg_ref[0] + agg_ref[1]
    inv = 1.0 / jnp.maximum(deg_ref[...], 1.0)
    out_ref[...] = jnp.maximum(
        jnp.dot(h_ref[...], ws_ref[...], preferred_element_type=jnp.float32, precision=jax.lax.Precision.HIGHEST)
        + jnp.dot(a * inv, wn_ref[...], preferred_element_type=jnp.float32, precision=jax.lax.Precision.HIGHEST)
        + b_ref[...], 0.0)


def _layer2_body(h_ref, agg_ref, deg_ref, ws_ref, wn_ref, b_ref, wp_ref,
                 bp_ref, out_ref, colsum):
    i = pl.program_id(0)
    a = agg_ref[0] + agg_ref[1]
    inv = 1.0 / jnp.maximum(deg_ref[...], 1.0)
    h2 = jnp.maximum(
        jnp.dot(h_ref[...], ws_ref[...], preferred_element_type=jnp.float32, precision=jax.lax.Precision.HIGHEST)
        + jnp.dot(a * inv, wn_ref[...], preferred_element_type=jnp.float32, precision=jax.lax.Precision.HIGHEST)
        + b_ref[...], 0.0)

    @pl.when(i == 0)
    def _():
        colsum[...] = jnp.zeros_like(colsum)

    colsum[...] += jnp.sum(h2, axis=0, keepdims=True)

    @pl.when(i == pl.num_programs(0) - 1)
    def _():
        out_ref[...] = (
            jnp.dot(colsum[...] * (1.0 / _N), wp_ref[...],
                    preferred_element_type=jnp.float32, precision=jax.lax.Precision.HIGHEST) + bp_ref[...])


def _tc_layer1(h, agg, deg2d, Ws, Wn, b):
    return pl.pallas_call(
        _layer1_body,
        grid=(_N // _R,),
        in_specs=[
            pl.BlockSpec((_R, _D), lambda i: (i, 0)),
            pl.BlockSpec((_NC, _R, _D), lambda i: (0, i, 0)),
            pl.BlockSpec((_R, 1), lambda i: (i, 0)),
            pl.BlockSpec((_D, _D), lambda i: (0, 0)),
            pl.BlockSpec((_D, _D), lambda i: (0, 0)),
            pl.BlockSpec((1, _D), lambda i: (0, 0)),
        ],
        out_specs=pl.BlockSpec((_R, _D), lambda i: (i, 0)),
        out_shape=jax.ShapeDtypeStruct((_N, _D), jnp.float32),
    )(h, agg, deg2d, Ws, Wn, b)


def _tc_layer2(h, agg, deg2d, Ws, Wn, b, Wp, bp):
    return pl.pallas_call(
        _layer2_body,
        grid=(_N // _R,),
        in_specs=[
            pl.BlockSpec((_R, _D), lambda i: (i, 0)),
            pl.BlockSpec((_NC, _R, _D), lambda i: (0, i, 0)),
            pl.BlockSpec((_R, 1), lambda i: (i, 0)),
            pl.BlockSpec((_D, _D), lambda i: (0, 0)),
            pl.BlockSpec((_D, _D), lambda i: (0, 0)),
            pl.BlockSpec((1, _D), lambda i: (0, 0)),
            pl.BlockSpec((_D, 1), lambda i: (0, 0)),
            pl.BlockSpec((1, 1), lambda i: (0, 0)),
        ],
        out_specs=pl.BlockSpec((1, 1), lambda i: (0, 0)),
        out_shape=jax.ShapeDtypeStruct((1, 1), jnp.float32),
        scratch_shapes=[pltpu.VMEM((1, _D), jnp.float32)],
    )(h, agg, deg2d, Ws, Wn, b, Wp, bp)


def kernel(x, edge_index, W_self1, W_neigh1, b1, W_self2, W_neigh2, b2, Wp, bp):
    npad = _EP - _E
    pad_iota = jnp.arange(npad, dtype=jnp.int32)
    src = jnp.concatenate(
        [edge_index[0].astype(jnp.int32), pad_iota % _N]
    ).reshape(_NW, _NSTG, _CPS, _CH)
    dst = jnp.concatenate(
        [edge_index[1].astype(jnp.int32), _N + pad_iota % _NPAD]
    ).reshape(_NW, _NSTG, _CPS, _CH)

    agg1, degp = _make_sc_agg(True)(x, src, dst)
    deg2d = (degp[0, :_N] + degp[1, :_N]).reshape(_N, 1)
    h1 = _tc_layer1(x, agg1, deg2d, W_self1, W_neigh1, b1.reshape(1, _D))
    agg2 = _make_sc_agg(False)(h1, src, dst)
    return _tc_layer2(h1, agg2, deg2d, W_self2, W_neigh2, b2.reshape(1, _D),
                      Wp, bp.reshape(1, 1))

# --- scband reference (transcript-rebuilt; emitter-appended) ---
"""Pipeline reference for scband-graph-sage-predicter-69131793596984 (READ-ONLY COPY).

The authoritative reference and input builder live on the scoring server;
editing this copy changes nothing except your own understanding.
"""

import jax, jax.numpy as jnp
import numpy as np

N_NODES = 10000
N_EDGES = 320000
D_IN = 128
D_HID = 128
D_OUT = 1


def setup_inputs(seed: int = 0) -> dict:
    key = jax.random.key(seed)
    ks = jax.random.split(key, 12)
    x = jax.random.normal(ks[0], (N_NODES, D_IN), dtype=jnp.float32)
    edge_index = jax.random.randint(ks[1], (2, N_EDGES), 0, N_NODES, dtype=jnp.int64)
    s1 = 1.0 / np.sqrt(D_IN)
    s2 = 1.0 / np.sqrt(D_HID)
    W_self1 = jax.random.uniform(ks[2], (D_IN, D_HID), jnp.float32, -s1, s1)
    W_neigh1 = jax.random.uniform(ks[3], (D_IN, D_HID), jnp.float32, -s1, s1)
    b1 = jax.random.uniform(ks[4], (D_HID,), jnp.float32, -s1, s1)
    W_self2 = jax.random.uniform(ks[5], (D_HID, D_HID), jnp.float32, -s2, s2)
    W_neigh2 = jax.random.uniform(ks[6], (D_HID, D_HID), jnp.float32, -s2, s2)
    b2 = jax.random.uniform(ks[7], (D_HID,), jnp.float32, -s2, s2)
    Wp = jax.random.uniform(ks[8], (D_HID, D_OUT), jnp.float32, -s2, s2)
    bp = jax.random.uniform(ks[9], (D_OUT,), jnp.float32, -s2, s2)
    return {"x": x, "edge_index": edge_index,
            "W_self1": W_self1, "W_neigh1": W_neigh1, "b1": b1,
            "W_self2": W_self2, "W_neigh2": W_neigh2, "b2": b2,
            "Wp": Wp, "bp": bp}


def _sage_layer(h, src, dst, n_nodes, W_self, W_neigh, b):
    # DGL SAGEConv with 'mean' aggregator: h_neigh = mean_{u in N(v)} h_u
    # out = relu(fc_self(h_v) + fc_neigh(h_neigh) + bias)
    msg = h[src]
    agg = jax.ops.segment_sum(msg, dst, num_segments=n_nodes)
    deg = jax.ops.segment_sum(jnp.ones((src.shape[0],), h.dtype), dst, num_segments=n_nodes)
    mean_neigh = agg / jnp.maximum(deg, 1.0)[:, None]
    return jax.nn.relu(h @ W_self + mean_neigh @ W_neigh + b)


def reference(x, edge_index, W_self1, W_neigh1, b1, W_self2, W_neigh2, b2, Wp, bp):
    src = edge_index[0]
    dst = edge_index[1]
    n = x.shape[0]
    h = _sage_layer(x, src, dst, n, W_self1, W_neigh1, b1)
    h = _sage_layer(h, src, dst, n, W_self2, W_neigh2, b2)
    # AvgPooling readout over the (single) graph -> [1, D_HID]
    graph_feats_origin = jnp.mean(h, axis=0, keepdims=True)
    graph_feats = graph_feats_origin @ Wp + bp
    return graph_feats

if __name__ == "__main__":
    import jax
    _d = setup_inputs()
    print(jax.jit(kernel)(*tuple(_d.values())))

</pallas_src>

<mosaic_0001>
#map = affine_map<(d0, d1) -> (0, 0)>
#map1 = affine_map<(d0, d1) -> (0, 0, 0, 0)>
#map2 = affine_map<(d0, d1) -> (0, 0, 0)>
module attributes {stable_mosaic.version = 14 : i64} {
  func.func @_sc_agg_body(%arg0: i32, %arg1: i32, %arg2: memref<10000x128xf32, #tpu.memory_space<hbm>>, %arg3: memref<32x10x8x128xi32, #tpu.memory_space<hbm>>, %arg4: memref<32x10x8x128xi32, #tpu.memory_space<hbm>>, %arg5: memref<2x10000x128xf32, #tpu.memory_space<hbm>>, %arg6: memref<2x8x128xi32, #tpu.memory_space<vmem>>, %arg7: memref<2x8x128xi32, #tpu.memory_space<vmem>>, %arg8: memref<128x128xf32, #tpu.memory_space<vmem>>, %arg9: memref<128x128xf32, #tpu.memory_space<vmem>>, %arg10: memref<128xf32, #tpu.memory_space<vmem>>, %arg11: memref<10240x128xf32, #tpu.memory_space<vmem_shared>>, %arg12: memref<!tpu.dma_semaphore, #tpu.memory_space<semaphore_mem>>, %arg13: memref<!tpu.dma_semaphore, #tpu.memory_space<semaphore_mem>>, %arg14: memref<!tpu.dma_semaphore, #tpu.memory_space<semaphore_mem>>) attributes {dimension_semantics = [#tpu.dimension_semantics<core_parallel>, #tpu.dimension_semantics<subcore_parallel>], iteration_bounds = array<i64: 2, 16>, scalar_prefetch = 0 : i64, scratch_operands = 9 : i64, tpu.core_type = #tpu.core_type<sc_vector_subcore>, window_params = [{transform_indices = #map}, {transform_indices = #map1}, {transform_indices = #map1}, {transform_indices = #map2}]} {
    %mul3A = arith.constant 2 : i32
    %mul3A_0 = arith.muli %arg1, %mul3A : i32
    %add3A = arith.addi %mul3A_0, %arg0 : i32
    %broadcast_in_dim3A = arith.constant 0.000000e+00 : f32
    %broadcast_in_dim3A_1 = vector.broadcast %broadcast_in_dim3A : f32 to vector<16xf32>
    %scan3A = arith.constant 0 : i32
    %scan3A_2 = arith.constant 0 : i32
    %scan3A_3 = arith.constant 1024 : i32
    %scan3A_4 = arith.addi %scan3A_2, %scan3A_3 : i32
    %scan3A_5 = arith.constant 1 : i32
    scf.for %scan3A_179 = %scan3A_2 to %scan3A_4 step %scan3A_5  : i32 {
      %jit3A = arith.constant 8 : i32
      %div3A = arith.divsi %scan3A_179, %jit3A : i32
      %sign3A = arith.constant 0 : i32
      %sign3A_180 = arith.cmpi sgt, %scan3A_179, %sign3A : i32
      %sign3A_181 = arith.extui %sign3A_180 : i1 to i32
      %sign3A_182 = arith.constant 0 : i32
      %sign3A_183 = arith.cmpi slt, %scan3A_179, %sign3A_182 : i32
      %sign3A_184 = arith.extui %sign3A_183 : i1 to i32
      %sign3A_185 = arith.subi %sign3A_181, %sign3A_184 : i32
      %sign3A_186 = arith.constant 0 : i32
      %sign3A_187 = arith.cmpi sgt, %jit3A, %sign3A_186 : i32
      %sign3A_188 = arith.extui %sign3A_187 : i1 to i32
      %sign3A_189 = arith.constant 0 : i32
      %sign3A_190 = arith.cmpi slt, %jit3A, %sign3A_189 : i32
      %sign3A_191 = arith.extui %sign3A_190 : i1 to i32
      %sign3A_192 = arith.subi %sign3A_188, %sign3A_191 : i32
      %ne3A = arith.cmpi ne, %sign3A_185, %sign3A_192 : i32
      %rem3A = arith.remsi %scan3A_179, %jit3A : i32
      %ne3A_193 = arith.constant 0 : i32
      %ne3A_194 = arith.cmpi ne, %rem3A, %ne3A_193 : i32
      %and3A = arith.andi %ne3A, %ne3A_194 : i1
      %sub3A = arith.constant 1 : i32
      %sub3A_195 = arith.subi %div3A, %sub3A : i32
      %select_n3A = arith.select %and3A, %sub3A_195, %div3A : i32
      %jit3A_196 = arith.constant 8 : i32
      %eq3A_197 = arith.constant 0 : i32
      %eq3A_198 = arith.cmpi eq, %jit3A_196, %eq3A_197 : i32
      %jit3A_199 = arith.constant 1 : i32
      %select_n3A_200 = arith.select %eq3A_198, %jit3A_199, %jit3A_196 : i32
      %rem3A_201 = arith.remsi %scan3A_179, %select_n3A_200 : i32
      %ne3A_202 = arith.constant 0 : i32
      %ne3A_203 = arith.cmpi ne, %rem3A_201, %ne3A_202 : i32
      %lt3A = arith.constant 0 : i32
      %lt3A_204 = arith.cmpi slt, %rem3A_201, %lt3A : i32
      %lt3A_205 = arith.constant 0 : i32
      %lt3A_206 = arith.cmpi slt, %select_n3A_200, %lt3A_205 : i32
      %ne3A_207 = arith.xori %lt3A_204, %lt3A_206 : i1
      %and3A_208 = arith.andi %ne3A_207, %ne3A_203 : i1
      %add3A_209 = arith.addi %rem3A_201, %select_n3A_200 : i32
      %select_n3A_210 = arith.select %and3A_208, %add3A_209, %rem3A_201 : i32
      %mul3A_211 = arith.constant 16 : i32
      %mul3A_212 = arith.muli %select_n3A_210, %mul3A_211 : i32
      %swap3A_213 = arith.index_cast %select_n3A : i32 to index
      %swap3A_214 = arith.index_cast %mul3A_212 : i32 to index
      %swap3A_215 = tpu.vector_load %arg8[%swap3A_213, %swap3A_214] {strides = array<i32>} : memref<128x128xf32, #tpu.memory_space<vmem>>, vector<1x16xf32>,
      %swap3A_216 = vector.shape_cast %swap3A_215 : vector<1x16xf32> to vector<16xf32>
      %swap3A_217 = vector.shape_cast %broadcast_in_dim3A_1 : vector<16xf32> to vector<1x16xf32>
      tpu.vector_store %arg8[%swap3A_213, %swap3A_214], %swap3A_217 {strides = array<i32>} : memref<128x128xf32, #tpu.memory_space<vmem>>, vector<1x16xf32>,
    }
    %scan3A_6 = arith.constant 1024 : i32
    %broadcast_in_dim3A_7 = arith.constant 1.000000e+00 : f32
    %broadcast_in_dim3A_8 = vector.broadcast %broadcast_in_dim3A_7 : f32 to vector<16xf32>
    %swap3A = arith.constant 0 : index
    %swap3A_9 = tpu.vector_load %arg10[%swap3A] {strides = array<i32>} : memref<128xf32, #tpu.memory_space<vmem>>, vector<16xf32>,
    %swap3A_10 = vector.shape_cast %swap3A_9 : vector<16xf32> to vector<16xf32>
    %swap3A_11 = vector.shape_cast %broadcast_in_dim3A_8 : vector<16xf32> to vector<16xf32>
    tpu.vector_store %arg10[%swap3A], %swap3A_11 {strides = array<i32>} : memref<128xf32, #tpu.memory_space<vmem>>, vector<16xf32>,
    %swap3A_12 = arith.constant 16 : index
    %swap3A_13 = tpu.vector_load %arg10[%swap3A_12] {strides = array<i32>} : memref<128xf32, #tpu.memory_space<vmem>>, vector<16xf32>,
    %swap3A_14 = vector.shape_cast %swap3A_13 : vector<16xf32> to vector<16xf32>
    %swap3A_15 = vector.shape_cast %broadcast_in_dim3A_8 : vector<16xf32> to vector<16xf32>
    tpu.vector_store %arg10[%swap3A_12], %swap3A_15 {strides = array<i32>} : memref<128xf32, #tpu.memory_space<vmem>>, vector<16xf32>,
    %swap3A_16 = arith.constant 32 : index
    %swap3A_17 = tpu.vector_load %arg10[%swap3A_16] {strides = array<i32>} : memref<128xf32, #tpu.memory_space<vmem>>, vector<16xf32>,
    %swap3A_18 = vector.shape_cast %swap3A_17 : vector<16xf32> to vector<16xf32>
    %swap3A_19 = vector.shape_cast %broadcast_in_dim3A_8 : vector<16xf32> to vector<16xf32>
    tpu.vector_store %arg10[%swap3A_16], %swap3A_19 {strides = array<i32>} : memref<128xf32, #tpu.memory_space<vmem>>, vector<16xf32>,
    %swap3A_20 = arith.constant 48 : index
    %swap3A_21 = tpu.vector_load %arg10[%swap3A_20] {strides = array<i32>} : memref<128xf32, #tpu.memory_space<vmem>>, vector<16xf32>,
    %swap3A_22 = vector.shape_cast %swap3A_21 : vector<16xf32> to vector<16xf32>
    %swap3A_23 = vector.shape_cast %broadcast_in_dim3A_8 : vector<16xf32> to vector<16xf32>
    tpu.vector_store %arg10[%swap3A_20], %swap3A_23 {strides = array<i32>} : memref<128xf32, #tpu.memory_space<vmem>>, vector<16xf32>,
    %swap3A_24 = arith.constant 64 : index
    %swap3A_25 = tpu.vector_load %arg10[%swap3A_24] {strides = array<i32>} : memref<128xf32, #tpu.memory_space<vmem>>, vector<16xf32>,
    %swap3A_26 = vector.shape_cast %swap3A_25 : vector<16xf32> to vector<16xf32>
    %swap3A_27 = vector.shape_cast %broadcast_in_dim3A_8 : vector<16xf32> to vector<16xf32>
    tpu.vector_store %arg10[%swap3A_24], %swap3A_27 {strides = array<i32>} : memref<128xf32, #tpu.memory_space<vmem>>, vector<16xf32>,
    %swap3A_28 = arith.constant 80 : index
    %swap3A_29 = tpu.vector_load %arg10[%swap3A_28] {strides = array<i32>} : memref<128xf32, #tpu.memory_space<vmem>>, vector<16xf32>,
    %swap3A_30 = vector.shape_cast %swap3A_29 : vector<16xf32> to vector<16xf32>
    %swap3A_31 = vector.shape_cast %broadcast_in_dim3A_8 : vector<16xf32> to vector<16xf32>
    tpu.vector_store %arg10[%swap3A_28], %swap3A_31 {strides = array<i32>} : memref<128xf32, #tpu.memory_space<vmem>>, vector<16xf32>,
    %swap3A_32 = arith.constant 96 : index
    %swap3A_33 = tpu.vector_load %arg10[%swap3A_32] {strides = array<i32>} : memref<128xf32, #tpu.memory_space<vmem>>, vector<16xf32>,
    %swap3A_34 = vector.shape_cast %swap3A_33 : vector<16xf32> to vector<16xf32>
    %swap3A_35 = vector.shape_cast %broadcast_in_dim3A_8 : vector<16xf32> to vector<16xf32>
    tpu.vector_store %arg10[%swap3A_32], %swap3A_35 {strides = array<i32>} : memref<128xf32, #tpu.memory_space<vmem>>, vector<16xf32>,
    %swap3A_36 = arith.constant 112 : index
    %swap3A_37 = tpu.vector_load %arg10[%swap3A_36] {strides = array<i32>} : memref<128xf32, #tpu.memory_space<vmem>>, vector<16xf32>,
    %swap3A_38 = vector.shape_cast %swap3A_37 : vector<16xf32> to vector<16xf32>
    %swap3A_39 = vector.shape_cast %broadcast_in_dim3A_8 : vector<16xf32> to vector<16xf32>
    tpu.vector_store %arg10[%swap3A_36], %swap3A_39 {strides = array<i32>} : memref<128xf32, #tpu.memory_space<vmem>>, vector<16xf32>,
    %mul3A_40 = arith.constant 624 : i32
    %mul3A_41 = arith.muli %arg1, %mul3A_40 : i32
    %add3A_42 = arith.constant 0 : i32
    %add3A_43 = arith.addi %mul3A_41, %add3A_42 : i32
    "tpu.region"() ({
      %run_scoped3A_179 = tpu.sem_alloc : memref<!tpu.dma_semaphore, #tpu.memory_space<semaphore_mem>>
      %dma_start3A_180 = arith.constant 0 : i32
      %dma_start3A_181 = tpu.memref_slice %arg11[%add3A_43, %dma_start3A_180] : memref<10240x128xf32, #tpu.memory_space<vmem_shared>> -> memref<128x128xf32, #tpu.memory_space<vmem_shared>>
      %dma_start3A_182 = arith.constant 0 : i32
      %dma_start3A_183 = tpu.memref_slice %arg11[%add3A_43, %dma_start3A_182] : memref<10240x128xf32, #tpu.memory_space<vmem_shared>> -> memref<128x128xf32, #tpu.memory_space<vmem_shared>>
      tpu.enqueue_dma source(%arg8 : memref<128x128xf32, #tpu.memory_space<vmem>>) target(%dma_start3A_183 : memref<128x128xf32, #tpu.memory_space<vmem_shared>>) target_semaphore(%run_scoped3A_179 : memref<!tpu.dma_semaphore, #tpu.memory_space<semaphore_mem>>)
      %dma_wait3A_184 = arith.constant 0 : i32
      %dma_wait3A_185 = tpu.memref_slice %arg11[%add3A_43, %dma_wait3A_184] : memref<10240x128xf32, #tpu.memory_space<vmem_shared>> -> memref<128x128xf32, #tpu.memory_space<vmem_shared>>
      %dma_wait3A_186 = arith.constant 0 : i32
      %dma_wait3A_187 = tpu.memref_slice %arg11[%add3A_43, %dma_wait3A_186] : memref<10240x128xf32, #tpu.memory_space<vmem_shared>> -> memref<128x128xf32, #tpu.memory_space<vmem_shared>>
      tpu.wait_dma2 semaphore(%run_scoped3A_179 : memref<!tpu.dma_semaphore, #tpu.memory_space<semaphore_mem>>) src(%arg8 : memref<128x128xf32, #tpu.memory_space<vmem>>) dst(%dma_wait3A_187 : memref<128x128xf32, #tpu.memory_space<vmem_shared>>)
      tpu.yield
    }) : () -> ()
    %mul3A_44 = arith.constant 624 : i32
    %mul3A_45 = arith.muli %arg1, %mul3A_44 : i32
    %add3A_46 = arith.constant 128 : i32
    %add3A_47 = arith.addi %mul3A_45, %add3A_46 : i32
    "tpu.region"() ({
      %run_scoped3A_179 = tpu.sem_alloc : memref<!tpu.dma_semaphore, #tpu.memory_space<semaphore_mem>>
      %dma_start3A_180 = arith.constant 0 : i32
      %dma_start3A_181 = tpu.memref_slice %arg11[%add3A_47, %dma_start3A_180] : memref<10240x128xf32, #tpu.memory_space<vmem_shared>> -> memref<128x128xf32, #tpu.memory_space<vmem_shared>>
      %dma_start3A_182 = arith.constant 0 : i32
      %dma_start3A_183 = tpu.memref_slice %arg11[%add3A_47, %dma_start3A_182] : memref<10240x128xf32, #tpu.memory_space<vmem_shared>> -> memref<128x128xf32, #tpu.memory_space<vmem_shared>>
      tpu.enqueue_dma source(%arg8 : memref<128x128xf32, #tpu.memory_space<vmem>>) target(%dma_start3A_183 : memref<128x128xf32, #tpu.memory_space<vmem_shared>>) target_semaphore(%run_scoped3A_179 : memref<!tpu.dma_semaphore, #tpu.memory_space<semaphore_mem>>)
      %dma_wait3A_184 = arith.constant 0 : i32
      %dma_wait3A_185 = tpu.memref_slice %arg11[%add3A_47, %dma_wait3A_184] : memref<10240x128xf32, #tpu.memory_space<vmem_shared>> -> memref<128x128xf32, #tpu.memory_space<vmem_shared>>
      %dma_wait3A_186 = arith.constant 0 : i32
      %dma_wait3A_187 = tpu.memref_slice %arg11[%add3A_47, %dma_wait3A_186] : memref<10240x128xf32, #tpu.memory_space<vmem_shared>> -> memref<128x128xf32, #tpu.memory_space<vmem_shared>>
      tpu.wait_dma2 semaphore(%run_scoped3A_179 : memref<!tpu.dma_semaphore, #tpu.memory_space<semaphore_mem>>) src(%arg8 : memref<128x128xf32, #tpu.memory_space<vmem>>) dst(%dma_wait3A_187 : memref<128x128xf32, #tpu.memory_space<vmem_shared>>)
      tpu.yield
    }) : () -> ()
    %mul3A_48 = arith.constant 624 : i32
    %mul3A_49 = arith.muli %arg1, %mul3A_48 : i32
    %add3A_50 = arith.constant 256 : i32
    %add3A_51 = arith.addi %mul3A_49, %add3A_50 : i32
    "tpu.region"() ({
      %run_scoped3A_179 = tpu.sem_alloc : memref<!tpu.dma_semaphore, #tpu.memory_space<semaphore_mem>>
      %dma_start3A_180 = arith.constant 0 : i32
      %dma_start3A_181 = tpu.memref_slice %arg11[%add3A_51, %dma_start3A_180] : memref<10240x128xf32, #tpu.memory_space<vmem_shared>> -> memref<128x128xf32, #tpu.memory_space<vmem_shared>>
      %dma_start3A_182 = arith.constant 0 : i32
      %dma_start3A_183 = tpu.memref_slice %arg11[%add3A_51, %dma_start3A_182] : memref<10240x128xf32, #tpu.memory_space<vmem_shared>> -> memref<128x128xf32, #tpu.memory_space<vmem_shared>>
      tpu.enqueue_dma source(%arg8 : memref<128x128xf32, #tpu.memory_space<vmem>>) target(%dma_start3A_183 : memref<128x128xf32, #tpu.memory_space<vmem_shared>>) target_semaphore(%run_scoped3A_179 : memref<!tpu.dma_semaphore, #tpu.memory_space<semaphore_mem>>)
      %dma_wait3A_184 = arith.constant 0 : i32
      %dma_wait3A_185 = tpu.memref_slice %arg11[%add3A_51, %dma_wait3A_184] : memref<10240x128xf32, #tpu.memory_space<vmem_shared>> -> memref<128x128xf32, #tpu.memory_space<vmem_shared>>
      %dma_wait3A_186 = arith.constant 0 : i32
      %dma_wait3A_187 = tpu.memref_slice %arg11[%add3A_51, %dma_wait3A_186] : memref<10240x128xf32, #tpu.memory_space<vmem_shared>> -> memref<128x128xf32, #tpu.memory_space<vmem_shared>>
      tpu.wait_dma2 semaphore(%run_scoped3A_179 : memref<!tpu.dma_semaphore, #tpu.memory_space<semaphore_mem>>) src(%arg8 : memref<128x128xf32, #tpu.memory_space<vmem>>) dst(%dma_wait3A_187 : memref<128x128xf32, #tpu.memory_space<vmem_shared>>)
      tpu.yield
    }) : () -> ()
    %mul3A_52 = arith.constant 624 : i32
    %mul3A_53 = arith.muli %arg1, %mul3A_52 : i32
    %add3A_54 = arith.constant 384 : i32
    %add3A_55 = arith.addi %mul3A_53, %add3A_54 : i32
    "tpu.region"() ({
      %run_scoped3A_179 = tpu.sem_alloc : memref<!tpu.dma_semaphore, #tpu.memory_space<semaphore_mem>>
      %dma_start3A_180 = arith.constant 0 : i32
      %dma_start3A_181 = tpu.memref_slice %arg11[%add3A_55, %dma_start3A_180] : memref<10240x128xf32, #tpu.memory_space<vmem_shared>> -> memref<128x128xf32, #tpu.memory_space<vmem_shared>>
      %dma_start3A_182 = arith.constant 0 : i32
      %dma_start3A_183 = tpu.memref_slice %arg11[%add3A_55, %dma_start3A_182] : memref<10240x128xf32, #tpu.memory_space<vmem_shared>> -> memref<128x128xf32, #tpu.memory_space<vmem_shared>>
      tpu.enqueue_dma source(%arg8 : memref<128x128xf32, #tpu.memory_space<vmem>>) target(%dma_start3A_183 : memref<128x128xf32, #tpu.memory_space<vmem_shared>>) target_semaphore(%run_scoped3A_179 : memref<!tpu.dma_semaphore, #tpu.memory_space<semaphore_mem>>)
      %dma_wait3A_184 = arith.constant 0 : i32
      %dma_wait3A_185 = tpu.memref_slice %arg11[%add3A_55, %dma_wait3A_184] : memref<10240x128xf32, #tpu.memory_space<vmem_shared>> -> memref<128x128xf32, #tpu.memory_space<vmem_shared>>
      %dma_wait3A_186 = arith.constant 0 : i32
      %dma_wait3A_187 = tpu.memref_slice %arg11[%add3A_55, %dma_wait3A_186] : memref<10240x128xf32, #tpu.memory_space<vmem_shared>> -> memref<128x128xf32, #tpu.memory_space<vmem_shared>>
      tpu.wait_dma2 semaphore(%run_scoped3A_179 : memref<!tpu.dma_semaphore, #tpu.memory_space<semaphore_mem>>) src(%arg8 : memref<128x128xf32, #tpu.memory_space<vmem>>) dst(%dma_wait3A_187 : memref<128x128xf32, #tpu.memory_space<vmem_shared>>)
      tpu.yield
    }) : () -> ()
    %mul3A_56 = arith.constant 624 : i32
    %mul3A_57 = arith.muli %arg1, %mul3A_56 : i32
    %add3A_58 = arith.constant 512 : i32
    %add3A_59 = arith.addi %mul3A_57, %add3A_58 : i32
    "tpu.region"() ({
      %run_scoped3A_179 = tpu.sem_alloc : memref<!tpu.dma_semaphore, #tpu.memory_space<semaphore_mem>>
      %dma_start3A_180 = arith.constant 0 : i32
      %dma_start3A_181 = arith.constant 0 : i32
      %dma_start3A_182 = tpu.memref_slice %arg8[%dma_start3A_180, %dma_start3A_181] : memref<128x128xf32, #tpu.memory_space<vmem>> -> memref<112x128xf32, #tpu.memory_space<vmem>>
      %dma_start3A_183 = arith.constant 0 : i32
      %dma_start3A_184 = tpu.memref_slice %arg11[%add3A_59, %dma_start3A_183] : memref<10240x128xf32, #tpu.memory_space<vmem_shared>> -> memref<112x128xf32, #tpu.memory_space<vmem_shared>>
      %dma_start3A_185 = arith.constant 0 : i32
      %dma_start3A_186 = tpu.memref_slice %arg11[%add3A_59, %dma_start3A_185] : memref<10240x128xf32, #tpu.memory_space<vmem_shared>> -> memref<112x128xf32, #tpu.memory_space<vmem_shared>>
      %dma_start3A_187 = arith.constant 0 : i32
      %dma_start3A_188 = arith.constant 0 : i32
      %dma_start3A_189 = tpu.memref_slice %arg8[%dma_start3A_187, %dma_start3A_188] : memref<128x128xf32, #tpu.memory_space<vmem>> -> memref<112x128xf32, #tpu.memory_space<vmem>>
      tpu.enqueue_dma source(%dma_start3A_189 : memref<112x128xf32, #tpu.memory_space<vmem>>) target(%dma_start3A_186 : memref<112x128xf32, #tpu.memory_space<vmem_shared>>) target_semaphore(%run_scoped3A_179 : memref<!tpu.dma_semaphore, #tpu.memory_space<semaphore_mem>>)
      %dma_wait3A_190 = arith.constant 0 : i32
      %dma_wait3A_191 = arith.constant 0 : i32
      %dma_wait3A_192 = tpu.memref_slice %arg8[%dma_wait3A_190, %dma_wait3A_191] : memref<128x128xf32, #tpu.memory_space<vmem>> -> memref<112x128xf32, #tpu.memory_space<vmem>>
      %dma_wait3A_193 = arith.constant 0 : i32
      %dma_wait3A_194 = tpu.memref_slice %arg11[%add3A_59, %dma_wait3A_193] : memref<10240x128xf32, #tpu.memory_space<vmem_shared>> -> memref<112x128xf32, #tpu.memory_space<vmem_shared>>
      %dma_wait3A_195 = arith.constant 0 : i32
      %dma_wait3A_196 = tpu.memref_slice %arg11[%add3A_59, %dma_wait3A_195] : memref<10240x128xf32, #tpu.memory_space<vmem_shared>> -> memref<112x128xf32, #tpu.memory_space<vmem_shared>>
      %dma_wait3A_197 = arith.constant 0 : i32
      %dma_wait3A_198 = arith.constant 0 : i32
      %dma_wait3A_199 = tpu.memref_slice %arg8[%dma_wait3A_197, %dma_wait3A_198] : memref<128x128xf32, #tpu.memory_space<vmem>> -> memref<112x128xf32, #tpu.memory_space<vmem>>
      tpu.wait_dma2 semaphore(%run_scoped3A_179 : memref<!tpu.dma_semaphore, #tpu.memory_space<semaphore_mem>>) src(%dma_wait3A_199 : memref<112x128xf32, #tpu.memory_space<vmem>>) dst(%dma_wait3A_196 : memref<112x128xf32, #tpu.memory_space<vmem_shared>>)
      tpu.yield
    }) : () -> ()
    %eq3A = arith.constant 15 : i32
    %eq3A_60 = arith.cmpi eq, %arg1, %eq3A : i32
    %convert_element_type3A = arith.extui %eq3A_60 : i1 to i32
    %cond3A = arith.constant 0 : i32
    %cond3A_61 = arith.cmpi ne, %convert_element_type3A, %cond3A : i32
    scf.if %cond3A_61 {
      "tpu.region"() ({
        %run_scoped3A_179 = tpu.sem_alloc : memref<!tpu.dma_semaphore, #tpu.memory_space<semaphore_mem>>
        %dma_start3A_180 = arith.constant 0 : i32
        %dma_start3A_181 = arith.constant 0 : i32
        %dma_start3A_182 = tpu.memref_slice %arg8[%dma_start3A_180, %dma_start3A_181] : memref<128x128xf32, #tpu.memory_space<vmem>> -> memref<16x128xf32, #tpu.memory_space<vmem>>
        %dma_start3A_183 = arith.constant 9984 : i32
        %dma_start3A_184 = arith.constant 0 : i32
        %dma_start3A_185 = tpu.memref_slice %arg11[%dma_start3A_183, %dma_start3A_184] : memref<10240x128xf32, #tpu.memory_space<vmem_shared>> -> memref<16x128xf32, #tpu.memory_space<vmem_shared>>
        %dma_start3A_186 = arith.constant 9984 : i32
        %dma_start3A_187 = arith.constant 0 : i32
        %dma_start3A_188 = tpu.memref_slice %arg11[%dma_start3A_186, %dma_start3A_187] : memref<10240x128xf32, #tpu.memory_space<vmem_shared>> -> memref<16x128xf32, #tpu.memory_space<vmem_shared>>
        %dma_start3A_189 = arith.constant 0 : i32
        %dma_start3A_190 = arith.constant 0 : i32
        %dma_start3A_191 = tpu.memref_slice %arg8[%dma_start3A_189, %dma_start3A_190] : memref<128x128xf32, #tpu.memory_space<vmem>> -> memref<16x128xf32, #tpu.memory_space<vmem>>
        tpu.enqueue_dma source(%dma_start3A_191 : memref<16x128xf32, #tpu.memory_space<vmem>>) target(%dma_start3A_188 : memref<16x128xf32, #tpu.memory_space<vmem_shared>>) target_semaphore(%run_scoped3A_179 : memref<!tpu.dma_semaphore, #tpu.memory_space<semaphore_mem>>)
        %dma_wait3A_192 = arith.constant 0 : i32
        %dma_wait3A_193 = arith.constant 0 : i32
        %dma_wait3A_194 = tpu.memref_slice %arg8[%dma_wait3A_192, %dma_wait3A_193] : memref<128x128xf32, #tpu.memory_space<vmem>> -> memref<16x128xf32, #tpu.memory_space<vmem>>
        %dma_wait3A_195 = arith.constant 9984 : i32
        %dma_wait3A_196 = arith.constant 0 : i32
        %dma_wait3A_197 = tpu.memref_slice %arg11[%dma_wait3A_195, %dma_wait3A_196] : memref<10240x128xf32, #tpu.memory_space<vmem_shared>> -> memref<16x128xf32, #tpu.memory_space<vmem_shared>>
        %dma_wait3A_198 = arith.constant 9984 : i32
        %dma_wait3A_199 = arith.constant 0 : i32
        %dma_wait3A_200 = tpu.memref_slice %arg11[%dma_wait3A_198, %dma_wait3A_199] : memref<10240x128xf32, #tpu.memory_space<vmem_shared>> -> memref<16x128xf32, #tpu.memory_space<vmem_shared>>
        %dma_wait3A_201 = arith.constant 0 : i32
        %dma_wait3A_202 = arith.constant 0 : i32
        %dma_wait3A_203 = tpu.memref_slice %arg8[%dma_wait3A_201, %dma_wait3A_202] : memref<128x128xf32, #tpu.memory_space<vmem>> -> memref<16x128xf32, #tpu.memory_space<vmem>>
        tpu.wait_dma2 semaphore(%run_scoped3A_179 : memref<!tpu.dma_semaphore, #tpu.memory_space<semaphore_mem>>) src(%dma_wait3A_203 : memref<16x128xf32, #tpu.memory_space<vmem>>) dst(%dma_wait3A_200 : memref<16x128xf32, #tpu.memory_space<vmem_shared>>)
        tpu.yield
      }) : () -> ()
    } else {
    }
    %barrier3A = arith.constant 0 : index
    tpu.barrier barrier_id(%barrier3A)
    %run_scoped3A = arith.constant 0 : i32
    %run_scoped3A_62 = arith.constant 0 : i32
    "tpu.region"() ({
      %run_scoped3A_179 = tpu.sem_alloc : memref<!tpu.dma_semaphore, #tpu.memory_space<semaphore_mem>>
      %dma_start3A_180 = arith.constant 0 : i32
      %dma_start3A_181 = arith.constant 0 : i32
      %dma_start3A_182 = tpu.memref_slice %arg6[%run_scoped3A_62, %dma_start3A_180, %dma_start3A_181] : memref<2x8x128xi32, #tpu.memory_space<vmem>> -> memref<1x8x128xi32, #tpu.memory_space<vmem>>
      %dma_start3A_183 = tpu.memref_squeeze %dma_start3A_182 : memref<1x8x128xi32, #tpu.memory_space<vmem>> -> memref<8x128xi32, #tpu.memory_space<vmem>>
      %dma_start3A_184 = arith.constant 0 : i32
      %dma_start3A_185 = arith.constant 0 : i32
      %dma_start3A_186 = tpu.memref_slice %arg3[%add3A, %run_scoped3A, %dma_start3A_184, %dma_start3A_185] : memref<32x10x8x128xi32, #tpu.memory_space<hbm>> -> memref<1x1x8x128xi32, #tpu.memory_space<hbm>>
      %dma_start3A_187 = tpu.memref_squeeze %dma_start3A_186 : memref<1x1x8x128xi32, #tpu.memory_space<hbm>> -> memref<8x128xi32, #tpu.memory_space<hbm>>
      %dma_start3A_188 = arith.constant 0 : i32
      %dma_start3A_189 = arith.constant 0 : i32
      %dma_start3A_190 = tpu.memref_slice %arg6[%run_scoped3A_62, %dma_start3A_188, %dma_start3A_189] : memref<2x8x128xi32, #tpu.memory_space<vmem>> -> memref<1x8x128xi32, #tpu.memory_space<vmem>>
      %dma_start3A_191 = tpu.memref_squeeze %dma_start3A_190 : memref<1x8x128xi32, #tpu.memory_space<vmem>> -> memref<8x128xi32, #tpu.memory_space<vmem>>
      %dma_start3A_192 = arith.constant 0 : i32
      %dma_start3A_193 = arith.constant 0 : i32
      %dma_start3A_194 = tpu.memref_slice %arg3[%add3A, %run_scoped3A, %dma_start3A_192, %dma_start3A_193] : memref<32x10x8x128xi32, #tpu.memory_space<hbm>> -> memref<1x1x8x128xi32, #tpu.memory_space<hbm>>
      %dma_start3A_195 = tpu.memref_squeeze %dma_start3A_194 : memref<1x1x8x128xi32, #tpu.memory_space<hbm>> -> memref<8x128xi32, #tpu.memory_space<hbm>>
      tpu.enqueue_dma source(%dma_start3A_195 : memref<8x128xi32, #tpu.memory_space<hbm>>) target(%dma_start3A_191 : memref<8x128xi32, #tpu.memory_space<vmem>>) target_semaphore(%run_scoped3A_179 : memref<!tpu.dma_semaphore, #tpu.memory_space<semaphore_mem>>)
      %dma_wait3A_196 = arith.constant 0 : i32
      %dma_wait3A_197 = arith.constant 0 : i32
      %dma_wait3A_198 = tpu.memref_slice %arg6[%run_scoped3A_62, %dma_wait3A_196, %dma_wait3A_197] : memref<2x8x128xi32, #tpu.memory_space<vmem>> -> memref<1x8x128xi32, #tpu.memory_space<vmem>>
      %dma_wait3A_199 = tpu.memref_squeeze %dma_wait3A_198 : memref<1x8x128xi32, #tpu.memory_space<vmem>> -> memref<8x128xi32, #tpu.memory_space<vmem>>
      %dma_wait3A_200 = arith.constant 0 : i32
      %dma_wait3A_201 = arith.constant 0 : i32
      %dma_wait3A_202 = tpu.memref_slice %arg3[%add3A, %run_scoped3A, %dma_wait3A_200, %dma_wait3A_201] : memref<32x10x8x128xi32, #tpu.memory_space<hbm>> -> memref<1x1x8x128xi32, #tpu.memory_space<hbm>>
      %dma_wait3A_203 = tpu.memref_squeeze %dma_wait3A_202 : memref<1x1x8x128xi32, #tpu.memory_space<hbm>> -> memref<8x128xi32, #tpu.memory_space<hbm>>
      %dma_wait3A_204 = arith.constant 0 : i32
      %dma_wait3A_205 = arith.constant 0 : i32
      %dma_wait3A_206 = tpu.memref_slice %arg6[%run_scoped3A_62, %dma_wait3A_204, %dma_wait3A_205] : memref<2x8x128xi32, #tpu.memory_space<vmem>> -> memref<1x8x128xi32, #tpu.memory_space<vmem>>
      %dma_wait3A_207 = tpu.memref_squeeze %dma_wait3A_206 : memref<1x8x128xi32, #tpu.memory_space<vmem>> -> memref<8x128xi32, #tpu.memory_space<vmem>>
      %dma_wait3A_208 = arith.constant 0 : i32
      %dma_wait3A_209 = arith.constant 0 : i32
      %dma_wait3A_210 = tpu.memref_slice %arg3[%add3A, %run_scoped3A, %dma_wait3A_208, %dma_wait3A_209] : memref<32x10x8x128xi32, #tpu.memory_space<hbm>> -> memref<1x1x8x128xi32, #tpu.memory_space<hbm>>
      %dma_wait3A_211 = tpu.memref_squeeze %dma_wait3A_210 : memref<1x1x8x128xi32, #tpu.memory_space<hbm>> -> memref<8x128xi32, #tpu.memory_space<hbm>>
      tpu.wait_dma2 semaphore(%run_scoped3A_179 : memref<!tpu.dma_semaphore, #tpu.memory_space<semaphore_mem>>) src(%dma_wait3A_211 : memref<8x128xi32, #tpu.memory_space<hbm>>) dst(%dma_wait3A_207 : memref<8x128xi32, #tpu.memory_space<vmem>>)
      tpu.yield
    }) : () -> ()
    %run_scoped3A_63 = arith.constant 0 : i32
    %run_scoped3A_64 = arith.constant 0 : i32
    "tpu.region"() ({
      %run_scoped3A_179 = tpu.sem_alloc : memref<!tpu.dma_semaphore, #tpu.memory_space<semaphore_mem>>
      %dma_start3A_180 = arith.constant 0 : i32
      %dma_start3A_181 = arith.constant 0 : i32
      %dma_start3A_182 = tpu.memref_slice %arg7[%run_scoped3A_64, %dma_start3A_180, %dma_start3A_181] : memref<2x8x128xi32, #tpu.memory_space<vmem>> -> memref<1x8x128xi32, #tpu.memory_space<vmem>>
      %dma_start3A_183 = tpu.memref_squeeze %dma_start3A_182 : memref<1x8x128xi32, #tpu.memory_space<vmem>> -> memref<8x128xi32, #tpu.memory_space<vmem>>
      %dma_start3A_184 = arith.constant 0 : i32
      %dma_start3A_185 = arith.constant 0 : i32
      %dma_start3A_186 = tpu.memref_slice %arg4[%add3A, %run_scoped3A_63, %dma_start3A_184, %dma_start3A_185] : memref<32x10x8x128xi32, #tpu.memory_space<hbm>> -> memref<1x1x8x128xi32, #tpu.memory_space<hbm>>
      %dma_start3A_187 = tpu.memref_squeeze %dma_start3A_186 : memref<1x1x8x128xi32, #tpu.memory_space<hbm>> -> memref<8x128xi32, #tpu.memory_space<hbm>>
      %dma_start3A_188 = arith.constant 0 : i32
      %dma_start3A_189 = arith.constant 0 : i32
      %dma_start3A_190 = tpu.memref_slice %arg7[%run_scoped3A_64, %dma_start3A_188, %dma_start3A_189] : memref<2x8x128xi32, #tpu.memory_space<vmem>> -> memref<1x8x128xi32, #tpu.memory_space<vmem>>
      %dma_start3A_191 = tpu.memref_squeeze %dma_start3A_190 : memref<1x8x128xi32, #tpu.memory_space<vmem>> -> memref<8x128xi32, #tpu.memory_space<vmem>>
      %dma_start3A_192 = arith.constant 0 : i32
      %dma_start3A_193 = arith.constant 0 : i32
      %dma_start3A_194 = tpu.memref_slice %arg4[%add3A, %run_scoped3A_63, %dma_start3A_192, %dma_start3A_193] : memref<32x10x8x128xi32, #tpu.memory_space<hbm>> -> memref<1x1x8x128xi32, #tpu.memory_space<hbm>>
      %dma_start3A_195 = tpu.memref_squeeze %dma_start3A_194 : memref<1x1x8x128xi32, #tpu.memory_space<hbm>> -> memref<8x128xi32, #tpu.memory_space<hbm>>
      tpu.enqueue_dma source(%dma_start3A_195 : memref<8x128xi32, #tpu.memory_space<hbm>>) target(%dma_start3A_191 : memref<8x128xi32, #tpu.memory_space<vmem>>) target_semaphore(%run_scoped3A_179 : memref<!tpu.dma_semaphore, #tpu.memory_space<semaphore_mem>>)
      %dma_wait3A_196 = arith.constant 0 : i32
      %dma_wait3A_197 = arith.constant 0 : i32
      %dma_wait3A_198 = tpu.memref_slice %arg7[%run_scoped3A_64, %dma_wait3A_196, %dma_wait3A_197] : memref<2x8x128xi32, #tpu.memory_space<vmem>> -> memref<1x8x128xi32, #tpu.memory_space<vmem>>
      %dma_wait3A_199 = tpu.memref_squeeze %dma_wait3A_198 : memref<1x8x128xi32, #tpu.memory_space<vmem>> -> memref<8x128xi32, #tpu.memory_space<vmem>>
      %dma_wait3A_200 = arith.constant 0 : i32
      %dma_wait3A_201 = arith.constant 0 : i32
      %dma_wait3A_202 = tpu.memref_slice %arg4[%add3A, %run_scoped3A_63, %dma_wait3A_200, %dma_wait3A_201] : memref<32x10x8x128xi32, #tpu.memory_space<hbm>> -> memref<1x1x8x128xi32, #tpu.memory_space<hbm>>
      %dma_wait3A_203 = tpu.memref_squeeze %dma_wait3A_202 : memref<1x1x8x128xi32, #tpu.memory_space<hbm>> -> memref<8x128xi32, #tpu.memory_space<hbm>>
      %dma_wait3A_204 = arith.constant 0 : i32
      %dma_wait3A_205 = arith.constant 0 : i32
      %dma_wait3A_206 = tpu.memref_slice %arg7[%run_scoped3A_64, %dma_wait3A_204, %dma_wait3A_205] : memref<2x8x128xi32, #tpu.memory_space<vmem>> -> memref<1x8x128xi32, #tpu.memory_space<vmem>>
      %dma_wait3A_207 = tpu.memref_squeeze %dma_wait3A_206 : memref<1x8x128xi32, #tpu.memory_space<vmem>> -> memref<8x128xi32, #tpu.memory_space<vmem>>
      %dma_wait3A_208 = arith.constant 0 : i32
      %dma_wait3A_209 = arith.constant 0 : i32
      %dma_wait3A_210 = tpu.memref_slice %arg4[%add3A, %run_scoped3A_63, %dma_wait3A_208, %dma_wait3A_209] : memref<32x10x8x128xi32, #tpu.memory_space<hbm>> -> memref<1x1x8x128xi32, #tpu.memory_space<hbm>>
      %dma_wait3A_211 = tpu.memref_squeeze %dma_wait3A_210 : memref<1x1x8x128xi32, #tpu.memory_space<hbm>> -> memref<8x128xi32, #tpu.memory_space<hbm>>
      tpu.wait_dma2 semaphore(%run_scoped3A_179 : memref<!tpu.dma_semaphore, #tpu.memory_space<semaphore_mem>>) src(%dma_wait3A_211 : memref<8x128xi32, #tpu.memory_space<hbm>>) dst(%dma_wait3A_207 : memref<8x128xi32, #tpu.memory_space<vmem>>)
      tpu.yield
    }) : () -> ()
    %dma_start3A = arith.constant 1 : i32
    %dma_start3A_65 = arith.constant 1 : i32
    %dma_start3A_66 = arith.constant 0 : i32
    %dma_start3A_67 = arith.constant 0 : i32
    %dma_start3A_68 = tpu.memref_slice %arg6[%dma_start3A_65, %dma_start3A_66, %dma_start3A_67] : memref<2x8x128xi32, #tpu.memory_space<vmem>> -> memref<1x8x128xi32, #tpu.memory_space<vmem>>
    %dma_start3A_69 = tpu.memref_squeeze %dma_start3A_68 : memref<1x8x128xi32, #tpu.memory_space<vmem>> -> memref<8x128xi32, #tpu.memory_space<vmem>>
    %dma_start3A_70 = arith.constant 0 : i32
    %dma_start3A_71 = arith.constant 0 : i32
    %dma_start3A_72 = tpu.memref_slice %arg3[%add3A, %dma_start3A, %dma_start3A_70, %dma_start3A_71] : memref<32x10x8x128xi32, #tpu.memory_space<hbm>> -> memref<1x1x8x128xi32, #tpu.memory_space<hbm>>
    %dma_start3A_73 = tpu.memref_squeeze %dma_start3A_72 : memref<1x1x8x128xi32, #tpu.memory_space<hbm>> -> memref<8x128xi32, #tpu.memory_space<hbm>>
    %dma_start3A_74 = arith.constant 0 : i32
    %dma_start3A_75 = arith.constant 0 : i32
    %dma_start3A_76 = tpu.memref_slice %arg6[%dma_start3A_65, %dma_start3A_74, %dma_start3A_75] : memref<2x8x128xi32, #tpu.memory_space<vmem>> -> memref<1x8x128xi32, #tpu.memory_space<vmem>>
    %dma_start3A_77 = tpu.memref_squeeze %dma_start3A_76 : memref<1x8x128xi32, #tpu.memory_space<vmem>> -> memref<8x128xi32, #tpu.memory_space<vmem>>
    %dma_start3A_78 = arith.constant 0 : i32
    %dma_start3A_79 = arith.constant 0 : i32
    %dma_start3A_80 = tpu.memref_slice %arg3[%add3A, %dma_start3A, %dma_start3A_78, %dma_start3A_79] : memref<32x10x8x128xi32, #tpu.memory_space<hbm>> -> memref<1x1x8x128xi32, #tpu.memory_space<hbm>>
    %dma_start3A_81 = tpu.memref_squeeze %dma_start3A_80 : memref<1x1x8x128xi32, #tpu.memory_space<hbm>> -> memref<8x128xi32, #tpu.memory_space<hbm>>
    tpu.enqueue_dma source(%dma_start3A_81 : memref<8x128xi32, #tpu.memory_space<hbm>>) target(%dma_start3A_77 : memref<8x128xi32, #tpu.memory_space<vmem>>) target_semaphore(%arg14 : memref<!tpu.dma_semaphore, #tpu.memory_space<semaphore_mem>>)
    %dma_start3A_82 = arith.constant 1 : i32
    %dma_start3A_83 = arith.constant 1 : i32
    %dma_start3A_84 = arith.constant 0 : i32
    %dma_start3A_85 = arith.constant 0 : i32
    %dma_start3A_86 = tpu.memref_slice %arg7[%dma_start3A_83, %dma_start3A_84, %dma_start3A_85] : memref<2x8x128xi32, #tpu.memory_space<vmem>> -> memref<1x8x128xi32, #tpu.memory_space<vmem>>
    %dma_start3A_87 = tpu.memref_squeeze %dma_start3A_86 : memref<1x8x128xi32, #tpu.memory_space<vmem>> -> memref<8x128xi32, #tpu.memory_space<vmem>>
    %dma_start3A_88 = arith.constant 0 : i32
    %dma_start3A_89 = arith.constant 0 : i32
    %dma_start3A_90 = tpu.memref_slice %arg4[%add3A, %dma_start3A_82, %dma_start3A_88, %dma_start3A_89] : memref<32x10x8x128xi32, #tpu.memory_space<hbm>> -> memref<1x1x8x128xi32, #tpu.memory_space<hbm>>
    %dma_start3A_91 = tpu.memref_squeeze %dma_start3A_90 : memref<1x1x8x128xi32, #tpu.memory_space<hbm>> -> memref<8x128xi32, #tpu.memory_space<hbm>>
    %dma_start3A_92 = arith.constant 0 : i32
    %dma_start3A_93 = arith.constant 0 : i32
    %dma_start3A_94 = tpu.memref_slice %arg7[%dma_start3A_83, %dma_start3A_92, %dma_start3A_93] : memref<2x8x128xi32, #tpu.memory_space<vmem>> -> memref<1x8x128xi32, #tpu.memory_space<vmem>>
    %dma_start3A_95 = tpu.memref_squeeze %dma_start3A_94 : memref<1x8x128xi32, #tpu.memory_space<vmem>> -> memref<8x128xi32, #tpu.memory_space<vmem>>
    %dma_start3A_96 = arith.constant 0 : i32
    %dma_start3A_97 = arith.constant 0 : i32
    %dma_start3A_98 = tpu.memref_slice %arg4[%add3A, %dma_start3A_82, %dma_start3A_96, %dma_start3A_97] : memref<32x10x8x128xi32, #tpu.memory_space<hbm>> -> memref<1x1x8x128xi32, #tpu.memory_space<hbm>>
    %dma_start3A_99 = tpu.memref_squeeze %dma_start3A_98 : memref<1x1x8x128xi32, #tpu.memory_space<hbm>> -> memref<8x128xi32, #tpu.memory_space<hbm>>
    tpu.enqueue_dma source(%dma_start3A_99 : memref<8x128xi32, #tpu.memory_space<hbm>>) target(%dma_start3A_95 : memref<8x128xi32, #tpu.memory_space<vmem>>) target_semaphore(%arg14 : memref<!tpu.dma_semaphore, #tpu.memory_space<semaphore_mem>>)
    %dma_start3A_100 = arith.constant 0 : i32
    %dma_start3A_101 = arith.constant 0 : i32
    %dma_start3A_102 = arith.constant 0 : i32
    %dma_start3A_103 = tpu.memref_slice %arg6[%dma_start3A_100, %dma_start3A_101, %dma_start3A_102] : memref<2x8x128xi32, #tpu.memory_space<vmem>> -> memref<1x1x128xi32, #tpu.memory_space<vmem>>
    %dma_start3A_104 = tpu.memref_squeeze %dma_start3A_103 : memref<1x1x128xi32, #tpu.memory_space<vmem>> -> memref<128xi32, #tpu.memory_space<vmem>>
    %dma_start3A_105 = arith.constant 0 : i32
    %dma_start3A_106 = arith.constant 0 : i32
    %dma_start3A_107 = tpu.memref_slice %arg2[%dma_start3A_105, %dma_start3A_106] : memref<10000x128xf32, #tpu.memory_space<hbm>> -> memref<10000x128xf32, #tpu.memory_space<hbm>>
    tpu.enqueue_indirect_dma source(%dma_start3A_107 : memref<10000x128xf32, #tpu.memory_space<hbm>>) target(%arg8 : memref<128x128xf32, #tpu.memory_space<vmem>>) offsets(%dma_start3A_104 : memref<128xi32, #tpu.memory_space<vmem>>) semaphore(%arg12 : memref<!tpu.dma_semaphore, #tpu.memory_space<semaphore_mem>>)
    %dma_wait3A = arith.constant 0 : i32
    %dma_wait3A_108 = arith.constant 0 : i32
    %dma_wait3A_109 = arith.constant 0 : i32
    %dma_wait3A_110 = tpu.memref_slice %arg6[%dma_wait3A, %dma_wait3A_108, %dma_wait3A_109] : memref<2x8x128xi32, #tpu.memory_space<vmem>> -> memref<1x1x128xi32, #tpu.memory_space<vmem>>
    %dma_wait3A_111 = tpu.memref_squeeze %dma_wait3A_110 : memref<1x1x128xi32, #tpu.memory_space<vmem>> -> memref<128xi32, #tpu.memory_space<vmem>>
    %dma_wait3A_112 = arith.constant 0 : i32
    %dma_wait3A_113 = arith.constant 0 : i32
    %dma_wait3A_114 = tpu.memref_slice %arg2[%dma_wait3A_112, %dma_wait3A_113] : memref<10000x128xf32, #tpu.memory_space<hbm>> -> memref<10000x128xf32, #tpu.memory_space<hbm>>
    tpu.wait_indirect_dma semaphore(%arg12 : memref<!tpu.dma_semaphore, #tpu.memory_space<semaphore_mem>>) src(%dma_wait3A_114 : memref<10000x128xf32, #tpu.memory_space<hbm>>) dst(%arg8 : memref<128x128xf32, #tpu.memory_space<vmem>>)
    %dma_start3A_115 = arith.constant 0 : i32
    %dma_start3A_116 = arith.constant 1 : i32
    %dma_start3A_117 = arith.constant 0 : i32
    %dma_start3A_118 = tpu.memref_slice %arg6[%dma_start3A_115, %dma_start3A_116, %dma_start3A_117] : memref<2x8x128xi32, #tpu.memory_space<vmem>> -> memref<1x1x128xi32, #tpu.memory_space<vmem>>
    %dma_start3A_119 = tpu.memref_squeeze %dma_start3A_118 : memref<1x1x128xi32, #tpu.memory_space<vmem>> -> memref<128xi32, #tpu.memory_space<vmem>>
    %dma_start3A_120 = arith.constant 0 : i32
    %dma_start3A_121 = arith.constant 0 : i32
    %dma_start3A_122 = tpu.memref_slice %arg2[%dma_start3A_120, %dma_start3A_121] : memref<10000x128xf32, #tpu.memory_space<hbm>> -> memref<10000x128xf32, #tpu.memory_space<hbm>>
    tpu.enqueue_indirect_dma source(%dma_start3A_122 : memref<10000x128xf32, #tpu.memory_space<hbm>>) target(%arg9 : memref<128x128xf32, #tpu.memory_space<vmem>>) offsets(%dma_start3A_119 : memref<128xi32, #tpu.memory_space<vmem>>) semaphore(%arg12 : memref<!tpu.dma_semaphore, #tpu.memory_space<semaphore_mem>>)
    %dma_start3A_123 = arith.constant 0 : i32
    %dma_start3A_124 = arith.constant 0 : i32
    %dma_start3A_125 = arith.constant 0 : i32
    %dma_start3A_126 = tpu.memref_slice %arg7[%dma_start3A_123, %dma_start3A_124, %dma_start3A_125] : memref<2x8x128xi32, #tpu.memory_space<vmem>> -> memref<1x1x128xi32, #tpu.memory_space<vmem>>
    %dma_start3A_127 = tpu.memref_squeeze %dma_start3A_126 : memref<1x1x128xi32, #tpu.memory_space<vmem>> -> memref<128xi32, #tpu.memory_space<vmem>>
    %dma_start3A_128 = arith.constant 0 : i32
    %dma_start3A_129 = arith.constant 0 : i32
    %dma_start3A_130 = tpu.memref_slice %arg11[%dma_start3A_128, %dma_start3A_129] : memref<10240x128xf32, #tpu.memory_space<vmem_shared>> -> memref<10240x128xf32, #tpu.memory_space<vmem_shared>>
    tpu.enqueue_indirect_dma source(%arg8 : memref<128x128xf32, #tpu.memory_space<vmem>>) target(%dma_start3A_130 : memref<10240x128xf32, #tpu.memory_space<vmem_shared>>) offsets(%dma_start3A_127 : memref<128xi32, #tpu.memory_space<vmem>>) semaphore(%arg13 : memref<!tpu.dma_semaphore, #tpu.memory_space<semaphore_mem>>) {add = true}
    %scan3A_131 = arith.constant 0 : i32
    %scan3A_132 = arith.constant 1 : i32
    %scan3A_133 = arith.constant 39 : i32
    %scan3A_134 = arith.addi %scan3A_132, %scan3A_133 : i32
    %scan3A_135 = arith.constant 1 : i32
    scf.for %scan3A_179 = %scan3A_132 to %scan3A_134 step %scan3A_135  : i32 {
      %mul3A_180 = arith.constant 2 : i32
      %mul3A_181 = arith.muli %mul3A_180, %scan3A_179 : i32
      %jit3A = arith.constant 8 : i32
      %div3A = arith.divsi %mul3A_181, %jit3A : i32
      %sign3A = arith.constant 0 : i32
      %sign3A_182 = arith.cmpi sgt, %mul3A_181, %sign3A : i32
      %sign3A_183 = arith.extui %sign3A_182 : i1 to i32
      %sign3A_184 = arith.constant 0 : i32
      %sign3A_185 = arith.cmpi slt, %mul3A_181, %sign3A_184 : i32
      %sign3A_186 = arith.extui %sign3A_185 : i1 to i32
      %sign3A_187 = arith.subi %sign3A_183, %sign3A_186 : i32
      %sign3A_188 = arith.constant 0 : i32
      %sign3A_189 = arith.cmpi sgt, %jit3A, %sign3A_188 : i32
      %sign3A_190 = arith.extui %sign3A_189 : i1 to i32
      %sign3A_191 = arith.constant 0 : i32
      %sign3A_192 = arith.cmpi slt, %jit3A, %sign3A_191 : i32
      %sign3A_193 = arith.extui %sign3A_192 : i1 to i32
      %sign3A_194 = arith.subi %sign3A_190, %sign3A_193 : i32
      %ne3A = arith.cmpi ne, %sign3A_187, %sign3A_194 : i32
      %rem3A = arith.remsi %mul3A_181, %jit3A : i32
      %ne3A_195 = arith.constant 0 : i32
      %ne3A_196 = arith.cmpi ne, %rem3A, %ne3A_195 : i32
      %and3A = arith.andi %ne3A, %ne3A_196 : i1
      %sub3A = arith.constant 1 : i32
      %sub3A_197 = arith.subi %div3A, %sub3A : i32
      %select_n3A = arith.select %and3A, %sub3A_197, %div3A : i32
      %jit3A_198 = arith.constant 8 : i32
      %eq3A_199 = arith.constant 0 : i32
      %eq3A_200 = arith.cmpi eq, %jit3A_198, %eq3A_199 : i32
      %jit3A_201 = arith.constant 1 : i32
      %select_n3A_202 = arith.select %eq3A_200, %jit3A_201, %jit3A_198 : i32
      %rem3A_203 = arith.remsi %mul3A_181, %select_n3A_202 : i32
      %ne3A_204 = arith.constant 0 : i32
      %ne3A_205 = arith.cmpi ne, %rem3A_203, %ne3A_204 : i32
      %lt3A = arith.constant 0 : i32
      %lt3A_206 = arith.cmpi slt, %rem3A_203, %lt3A : i32
      %lt3A_207 = arith.constant 0 : i32
      %lt3A_208 = arith.cmpi slt, %select_n3A_202, %lt3A_207 : i32
      %ne3A_209 = arith.xori %lt3A_206, %lt3A_208 : i1
      %and3A_210 = arith.andi %ne3A_209, %ne3A_205 : i1
      %add3A_211 = arith.addi %rem3A_203, %select_n3A_202 : i32
      %select_n3A_212 = arith.select %and3A_210, %add3A_211, %rem3A_203 : i32
      %eq3A_213 = arith.constant 0 : i32
      %eq3A_214 = arith.cmpi eq, %select_n3A_212, %eq3A_213 : i32
      %convert_element_type3A_215 = arith.extui %eq3A_214 : i1 to i32
      %cond3A_216 = arith.constant 0 : i32
      %cond3A_217 = arith.cmpi ne, %convert_element_type3A_215, %cond3A_216 : i32
      scf.if %cond3A_217 {
        %jit3A_730 = arith.constant 2 : i32
        %eq3A_731 = arith.constant 0 : i32
        %eq3A_732 = arith.cmpi eq, %jit3A_730, %eq3A_731 : i32
        %jit3A_733 = arith.constant 1 : i32
        %select_n3A_734 = arith.select %eq3A_732, %jit3A_733, %jit3A_730 : i32
        %rem3A_735 = arith.remsi %select_n3A, %select_n3A_734 : i32
        %ne3A_736 = arith.constant 0 : i32
        %ne3A_737 = arith.cmpi ne, %rem3A_735, %ne3A_736 : i32
        %lt3A_738 = arith.constant 0 : i32
        %lt3A_739 = arith.cmpi slt, %rem3A_735, %lt3A_738 : i32
        %lt3A_740 = arith.constant 0 : i32
        %lt3A_741 = arith.cmpi slt, %select_n3A_734, %lt3A_740 : i32
        %ne3A_742 = arith.xori %lt3A_739, %lt3A_741 : i1
        %and3A_743 = arith.andi %ne3A_742, %ne3A_737 : i1
        %add3A_744 = arith.addi %rem3A_735, %select_n3A_734 : i32
        %select_n3A_745 = arith.select %and3A_743, %add3A_744, %rem3A_735 : i32
        %dma_wait3A_746 = arith.constant 0 : i32
        %dma_wait3A_747 = arith.constant 0 : i32
        %dma_wait3A_748 = tpu.memref_slice %arg6[%select_n3A_745, %dma_wait3A_746, %dma_wait3A_747] : memref<2x8x128xi32, #tpu.memory_space<vmem>> -> memref<1x8x128xi32, #tpu.memory_space<vmem>>
        %dma_wait3A_749 = tpu.memref_squeeze %dma_wait3A_748 : memref<1x8x128xi32, #tpu.memory_space<vmem>> -> memref<8x128xi32, #tpu.memory_space<vmem>>
        %dma_wait3A_750 = arith.constant 0 : i32
        %dma_wait3A_751 = arith.constant 0 : i32
        %dma_wait3A_752 = tpu.memref_slice %arg3[%add3A, %select_n3A, %dma_wait3A_750, %dma_wait3A_751] : memref<32x10x8x128xi32, #tpu.memory_space<hbm>> -> memref<1x1x8x128xi32, #tpu.memory_space<hbm>>
        %dma_wait3A_753 = tpu.memref_squeeze %dma_wait3A_752 : memref<1x1x8x128xi32, #tpu.memory_space<hbm>> -> memref<8x128xi32, #tpu.memory_space<hbm>>
        %dma_wait3A_754 = arith.constant 0 : i32
        %dma_wait3A_755 = arith.constant 0 : i32
        %dma_wait3A_756 = tpu.memref_slice %arg6[%select_n3A_745, %dma_wait3A_754, %dma_wait3A_755] : memref<2x8x128xi32, #tpu.memory_space<vmem>> -> memref<1x8x128xi32, #tpu.memory_space<vmem>>
        %dma_wait3A_757 = tpu.memref_squeeze %dma_wait3A_756 : memref<1x8x128xi32, #tpu.memory_space<vmem>> -> memref<8x128xi32, #tpu.memory_space<vmem>>
        %dma_wait3A_758 = arith.constant 0 : i32
        %dma_wait3A_759 = arith.constant 0 : i32
        %dma_wait3A_760 = tpu.memref_slice %arg3[%add3A, %select_n3A, %dma_wait3A_758, %dma_wait3A_759] : memref<32x10x8x128xi32, #tpu.memory_space<hbm>> -> memref<1x1x8x128xi32, #tpu.memory_space<hbm>>
        %dma_wait3A_761 = tpu.memref_squeeze %dma_wait3A_760 : memref<1x1x8x128xi32, #tpu.memory_space<hbm>> -> memref<8x128xi32, #tpu.memory_space<hbm>>
        tpu.wait_dma2 semaphore(%arg14 : memref<!tpu.dma_semaphore, #tpu.memory_space<semaphore_mem>>) src(%dma_wait3A_761 : memref<8x128xi32, #tpu.memory_space<hbm>>) dst(%dma_wait3A_757 : memref<8x128xi32, #tpu.memory_space<vmem>>)
        %jit3A_762 = arith.constant 2 : i32
        %eq3A_763 = arith.constant 0 : i32
        %eq3A_764 = arith.cmpi eq, %jit3A_762, %eq3A_763 : i32
        %jit3A_765 = arith.constant 1 : i32
        %select_n3A_766 = arith.select %eq3A_764, %jit3A_765, %jit3A_762 : i32
        %rem3A_767 = arith.remsi %select_n3A, %select_n3A_766 : i32
        %ne3A_768 = arith.constant 0 : i32
        %ne3A_769 = arith.cmpi ne, %rem3A_767, %ne3A_768 : i32
        %lt3A_770 = arith.constant 0 : i32
        %lt3A_771 = arith.cmpi slt, %rem3A_767, %lt3A_770 : i32
        %lt3A_772 = arith.constant 0 : i32
        %lt3A_773 = arith.cmpi slt, %select_n3A_766, %lt3A_772 : i32
        %ne3A_774 = arith.xori %lt3A_771, %lt3A_773 : i1
        %and3A_775 = arith.andi %ne3A_774, %ne3A_769 : i1
        %add3A_776 = arith.addi %rem3A_767, %select_n3A_766 : i32
        %select_n3A_777 = arith.select %and3A_775, %add3A_776, %rem3A_767 : i32
        %dma_wait3A_778 = arith.constant 0 : i32
        %dma_wait3A_779 = arith.constant 0 : i32
        %dma_wait3A_780 = tpu.memref_slice %arg7[%select_n3A_777, %dma_wait3A_778, %dma_wait3A_779] : memref<2x8x128xi32, #tpu.memory_space<vmem>> -> memref<1x8x128xi32, #tpu.memory_space<vmem>>
        %dma_wait3A_781 = tpu.memref_squeeze %dma_wait3A_780 : memref<1x8x128xi32, #tpu.memory_space<vmem>> -> memref<8x128xi32, #tpu.memory_space<vmem>>
        %dma_wait3A_782 = arith.constant 0 : i32
        %dma_wait3A_783 = arith.constant 0 : i32
        %dma_wait3A_784 = tpu.memref_slice %arg4[%add3A, %select_n3A, %dma_wait3A_782, %dma_wait3A_783] : memref<32x10x8x128xi32, #tpu.memory_space<hbm>> -> memref<1x1x8x128xi32, #tpu.memory_space<hbm>>
        %dma_wait3A_785 = tpu.memref_squeeze %dma_wait3A_784 : memref<1x1x8x128xi32, #tpu.memory_space<hbm>> -> memref<8x128xi32, #tpu.memory_space<hbm>>
        %dma_wait3A_786 = arith.constant 0 : i32
        %dma_wait3A_787 = arith.constant 0 : i32
        %dma_wait3A_788 = tpu.memref_slice %arg7[%select_n3A_777, %dma_wait3A_786, %dma_wait3A_787] : memref<2x8x128xi32, #tpu.memory_space<vmem>> -> memref<1x8x128xi32, #tpu.memory_space<vmem>>
        %dma_wait3A_789 = tpu.memref_squeeze %dma_wait3A_788 : memref<1x8x128xi32, #tpu.memory_space<vmem>> -> memref<8x128xi32, #tpu.memory_space<vmem>>
        %dma_wait3A_790 = arith.constant 0 : i32
        %dma_wait3A_791 = arith.constant 0 : i32
        %dma_wait3A_792 = tpu.memref_slice %arg4[%add3A, %select_n3A, %dma_wait3A_790, %dma_wait3A_791] : memref<32x10x8x128xi32, #tpu.memory_space<hbm>> -> memref<1x1x8x128xi32, #tpu.memory_space<hbm>>
        %dma_wait3A_793 = tpu.memref_squeeze %dma_wait3A_792 : memref<1x1x8x128xi32, #tpu.memory_space<hbm>> -> memref<8x128xi32, #tpu.memory_space<hbm>>
        tpu.wait_dma2 semaphore(%arg14 : memref<!tpu.dma_semaphore, #tpu.memory_space<semaphore_mem>>) src(%dma_wait3A_793 : memref<8x128xi32, #tpu.memory_space<hbm>>) dst(%dma_wait3A_789 : memref<8x128xi32, #tpu.memory_space<vmem>>)
      } else {
      }
      %sub3A_218 = arith.constant 1 : i32
      %sub3A_219 = arith.subi %mul3A_181, %sub3A_218 : i32
      %jit3A_220 = arith.constant 8 : i32
      %div3A_221 = arith.divsi %sub3A_219, %jit3A_220 : i32
      %sign3A_222 = arith.constant 0 : i32
      %sign3A_223 = arith.cmpi sgt, %sub3A_219, %sign3A_222 : i32
      %sign3A_224 = arith.extui %sign3A_223 : i1 to i32
      %sign3A_225 = arith.constant 0 : i32
      %sign3A_226 = arith.cmpi slt, %sub3A_219, %sign3A_225 : i32
      %sign3A_227 = arith.extui %sign3A_226 : i1 to i32
      %sign3A_228 = arith.subi %sign3A_224, %sign3A_227 : i32
      %sign3A_229 = arith.constant 0 : i32
      %sign3A_230 = arith.cmpi sgt, %jit3A_220, %sign3A_229 : i32
      %sign3A_231 = arith.extui %sign3A_230 : i1 to i32
      %sign3A_232 = arith.constant 0 : i32
      %sign3A_233 = arith.cmpi slt, %jit3A_220, %sign3A_232 : i32
      %sign3A_234 = arith.extui %sign3A_233 : i1 to i32
      %sign3A_235 = arith.subi %sign3A_231, %sign3A_234 : i32
      %ne3A_236 = arith.cmpi ne, %sign3A_228, %sign3A_235 : i32
      %rem3A_237 = arith.remsi %sub3A_219, %jit3A_220 : i32
      %ne3A_238 = arith.constant 0 : i32
      %ne3A_239 = arith.cmpi ne, %rem3A_237, %ne3A_238 : i32
      %and3A_240 = arith.andi %ne3A_236, %ne3A_239 : i1
      %sub3A_241 = arith.constant 1 : i32
      %sub3A_242 = arith.subi %div3A_221, %sub3A_241 : i32
      %select_n3A_243 = arith.select %and3A_240, %sub3A_242, %div3A_221 : i32
      %jit3A_244 = arith.constant 2 : i32
      %eq3A_245 = arith.constant 0 : i32
      %eq3A_246 = arith.cmpi eq, %jit3A_244, %eq3A_245 : i32
      %jit3A_247 = arith.constant 1 : i32
      %select_n3A_248 = arith.select %eq3A_246, %jit3A_247, %jit3A_244 : i32
      %rem3A_249 = arith.remsi %select_n3A_243, %select_n3A_248 : i32
      %ne3A_250 = arith.constant 0 : i32
      %ne3A_251 = arith.cmpi ne, %rem3A_249, %ne3A_250 : i32
      %lt3A_252 = arith.constant 0 : i32
      %lt3A_253 = arith.cmpi slt, %rem3A_249, %lt3A_252 : i32
      %lt3A_254 = arith.constant 0 : i32
      %lt3A_255 = arith.cmpi slt, %select_n3A_248, %lt3A_254 : i32
      %ne3A_256 = arith.xori %lt3A_253, %lt3A_255 : i1
      %and3A_257 = arith.andi %ne3A_256, %ne3A_251 : i1
      %add3A_258 = arith.addi %rem3A_249, %select_n3A_248 : i32
      %select_n3A_259 = arith.select %and3A_257, %add3A_258, %rem3A_249 : i32
      %jit3A_260 = arith.constant 8 : i32
      %eq3A_261 = arith.constant 0 : i32
      %eq3A_262 = arith.cmpi eq, %jit3A_260, %eq3A_261 : i32
      %jit3A_263 = arith.constant 1 : i32
      %select_n3A_264 = arith.select %eq3A_262, %jit3A_263, %jit3A_260 : i32
      %rem3A_265 = arith.remsi %sub3A_219, %select_n3A_264 : i32
      %ne3A_266 = arith.constant 0 : i32
      %ne3A_267 = arith.cmpi ne, %rem3A_265, %ne3A_266 : i32
      %lt3A_268 = arith.constant 0 : i32
      %lt3A_269 = arith.cmpi slt, %rem3A_265, %lt3A_268 : i32
      %lt3A_270 = arith.constant 0 : i32
      %lt3A_271 = arith.cmpi slt, %select_n3A_264, %lt3A_270 : i32
      %ne3A_272 = arith.xori %lt3A_269, %lt3A_271 : i1
      %and3A_273 = arith.andi %ne3A_272, %ne3A_267 : i1
      %add3A_274 = arith.addi %rem3A_265, %select_n3A_264 : i32
      %select_n3A_275 = arith.select %and3A_273, %add3A_274, %rem3A_265 : i32
      %dma_wait3A_276 = arith.constant 0 : i32
      %dma_wait3A_277 = tpu.memref_slice %arg6[%select_n3A_259, %select_n3A_275, %dma_wait3A_276] : memref<2x8x128xi32, #tpu.memory_space<vmem>> -> memref<1x1x128xi32, #tpu.memory_space<vmem>>
      %dma_wait3A_278 = tpu.memref_squeeze %dma_wait3A_277 : memref<1x1x128xi32, #tpu.memory_space<vmem>> -> memref<128xi32, #tpu.memory_space<vmem>>
      %dma_wait3A_279 = arith.constant 0 : i32
      %dma_wait3A_280 = arith.constant 0 : i32
      %dma_wait3A_281 = tpu.memref_slice %arg2[%dma_wait3A_279, %dma_wait3A_280] : memref<10000x128xf32, #tpu.memory_space<hbm>> -> memref<10000x128xf32, #tpu.memory_space<hbm>>
      tpu.wait_indirect_dma semaphore(%arg12 : memref<!tpu.dma_semaphore, #tpu.memory_space<semaphore_mem>>) src(%dma_wait3A_281 : memref<10000x128xf32, #tpu.memory_space<hbm>>) dst(%arg9 : memref<128x128xf32, #tpu.memory_space<vmem>>)
      %sub3A_282 = arith.constant 2 : i32
      %sub3A_283 = arith.subi %mul3A_181, %sub3A_282 : i32
      %jit3A_284 = arith.constant 8 : i32
      %div3A_285 = arith.divsi %sub3A_283, %jit3A_284 : i32
      %sign3A_286 = arith.constant 0 : i32
      %sign3A_287 = arith.cmpi sgt, %sub3A_283, %sign3A_286 : i32
      %sign3A_288 = arith.extui %sign3A_287 : i1 to i32
      %sign3A_289 = arith.constant 0 : i32
      %sign3A_290 = arith.cmpi slt, %sub3A_283, %sign3A_289 : i32
      %sign3A_291 = arith.extui %sign3A_290 : i1 to i32
      %sign3A_292 = arith.subi %sign3A_288, %sign3A_291 : i32
      %sign3A_293 = arith.constant 0 : i32
      %sign3A_294 = arith.cmpi sgt, %jit3A_284, %sign3A_293 : i32
      %sign3A_295 = arith.extui %sign3A_294 : i1 to i32
      %sign3A_296 = arith.constant 0 : i32
      %sign3A_297 = arith.cmpi slt, %jit3A_284, %sign3A_296 : i32
      %sign3A_298 = arith.extui %sign3A_297 : i1 to i32
      %sign3A_299 = arith.subi %sign3A_295, %sign3A_298 : i32
      %ne3A_300 = arith.cmpi ne, %sign3A_292, %sign3A_299 : i32
      %rem3A_301 = arith.remsi %sub3A_283, %jit3A_284 : i32
      %ne3A_302 = arith.constant 0 : i32
      %ne3A_303 = arith.cmpi ne, %rem3A_301, %ne3A_302 : i32
      %and3A_304 = arith.andi %ne3A_300, %ne3A_303 : i1
      %sub3A_305 = arith.constant 1 : i32
      %sub3A_306 = arith.subi %div3A_285, %sub3A_305 : i32
      %select_n3A_307 = arith.select %and3A_304, %sub3A_306, %div3A_285 : i32
      %jit3A_308 = arith.constant 2 : i32
      %eq3A_309 = arith.constant 0 : i32
      %eq3A_310 = arith.cmpi eq, %jit3A_308, %eq3A_309 : i32
      %jit3A_311 = arith.constant 1 : i32
      %select_n3A_312 = arith.select %eq3A_310, %jit3A_311, %jit3A_308 : i32
      %rem3A_313 = arith.remsi %select_n3A_307, %select_n3A_312 : i32
      %ne3A_314 = arith.constant 0 : i32
      %ne3A_315 = arith.cmpi ne, %rem3A_313, %ne3A_314 : i32
      %lt3A_316 = arith.constant 0 : i32
      %lt3A_317 = arith.cmpi slt, %rem3A_313, %lt3A_316 : i32
      %lt3A_318 = arith.constant 0 : i32
      %lt3A_319 = arith.cmpi slt, %select_n3A_312, %lt3A_318 : i32
      %ne3A_320 = arith.xori %lt3A_317, %lt3A_319 : i1
      %and3A_321 = arith.andi %ne3A_320, %ne3A_315 : i1
      %add3A_322 = arith.addi %rem3A_313, %select_n3A_312 : i32
      %select_n3A_323 = arith.select %and3A_321, %add3A_322, %rem3A_313 : i32
      %jit3A_324 = arith.constant 8 : i32
      %eq3A_325 = arith.constant 0 : i32
      %eq3A_326 = arith.cmpi eq, %jit3A_324, %eq3A_325 : i32
      %jit3A_327 = arith.constant 1 : i32
      %select_n3A_328 = arith.select %eq3A_326, %jit3A_327, %jit3A_324 : i32
      %rem3A_329 = arith.remsi %sub3A_283, %select_n3A_328 : i32
      %ne3A_330 = arith.constant 0 : i32
      %ne3A_331 = arith.cmpi ne, %rem3A_329, %ne3A_330 : i32
      %lt3A_332 = arith.constant 0 : i32
      %lt3A_333 = arith.cmpi slt, %rem3A_329, %lt3A_332 : i32
      %lt3A_334 = arith.constant 0 : i32
      %lt3A_335 = arith.cmpi slt, %select_n3A_328, %lt3A_334 : i32
      %ne3A_336 = arith.xori %lt3A_333, %lt3A_335 : i1
      %and3A_337 = arith.andi %ne3A_336, %ne3A_331 : i1
      %add3A_338 = arith.addi %rem3A_329, %select_n3A_328 : i32
      %select_n3A_339 = arith.select %and3A_337, %add3A_338, %rem3A_329 : i32
      %dma_wait3A_340 = arith.constant 0 : i32
      %dma_wait3A_341 = tpu.memref_slice %arg7[%select_n3A_323, %select_n3A_339, %dma_wait3A_340] : memref<2x8x128xi32, #tpu.memory_space<vmem>> -> memref<1x1x128xi32, #tpu.memory_space<vmem>>
      %dma_wait3A_342 = tpu.memref_squeeze %dma_wait3A_341 : memref<1x1x128xi32, #tpu.memory_space<vmem>> -> memref<128xi32, #tpu.memory_space<vmem>>
      %dma_wait3A_343 = arith.constant 0 : i32
      %dma_wait3A_344 = arith.constant 0 : i32
      %dma_wait3A_345 = tpu.memref_slice %arg11[%dma_wait3A_343, %dma_wait3A_344] : memref<10240x128xf32, #tpu.memory_space<vmem_shared>> -> memref<10240x128xf32, #tpu.memory_space<vmem_shared>>
      tpu.wait_indirect_dma semaphore(%arg13 : memref<!tpu.dma_semaphore, #tpu.memory_space<semaphore_mem>>) src(%arg8 : memref<128x128xf32, #tpu.memory_space<vmem>>) dst(%dma_wait3A_345 : memref<10240x128xf32, #tpu.memory_space<vmem_shared>>)
      %jit3A_346 = arith.constant 8 : i32
      %div3A_347 = arith.divsi %mul3A_181, %jit3A_346 : i32
      %sign3A_348 = arith.constant 0 : i32
      %sign3A_349 = arith.cmpi sgt, %mul3A_181, %sign3A_348 : i32
      %sign3A_350 = arith.extui %sign3A_349 : i1 to i32
      %sign3A_351 = arith.constant 0 : i32
      %sign3A_352 = arith.cmpi slt, %mul3A_181, %sign3A_351 : i32
      %sign3A_353 = arith.extui %sign3A_352 : i1 to i32
      %sign3A_354 = arith.subi %sign3A_350, %sign3A_353 : i32
      %sign3A_355 = arith.constant 0 : i32
      %sign3A_356 = arith.cmpi sgt, %jit3A_346, %sign3A_355 : i32
      %sign3A_357 = arith.extui %sign3A_356 : i1 to i32
      %sign3A_358 = arith.constant 0 : i32
      %sign3A_359 = arith.cmpi slt, %jit3A_346, %sign3A_358 : i32
      %sign3A_360 = arith.extui %sign3A_359 : i1 to i32
      %sign3A_361 = arith.subi %sign3A_357, %sign3A_360 : i32
      %ne3A_362 = arith.cmpi ne, %sign3A_354, %sign3A_361 : i32
      %rem3A_363 = arith.remsi %mul3A_181, %jit3A_346 : i32
      %ne3A_364 = arith.constant 0 : i32
      %ne3A_365 = arith.cmpi ne, %rem3A_363, %ne3A_364 : i32
      %and3A_366 = arith.andi %ne3A_362, %ne3A_365 : i1
      %sub3A_367 = arith.constant 1 : i32
      %sub3A_368 = arith.subi %div3A_347, %sub3A_367 : i32
      %select_n3A_369 = arith.select %and3A_366, %sub3A_368, %div3A_347 : i32
      %jit3A_370 = arith.constant 2 : i32
      %eq3A_371 = arith.constant 0 : i32
      %eq3A_372 = arith.cmpi eq, %jit3A_370, %eq3A_371 : i32
      %jit3A_373 = arith.constant 1 : i32
      %select_n3A_374 = arith.select %eq3A_372, %jit3A_373, %jit3A_370 : i32
      %rem3A_375 = arith.remsi %select_n3A_369, %select_n3A_374 : i32
      %ne3A_376 = arith.constant 0 : i32
      %ne3A_377 = arith.cmpi ne, %rem3A_375, %ne3A_376 : i32
      %lt3A_378 = arith.constant 0 : i32
      %lt3A_379 = arith.cmpi slt, %rem3A_375, %lt3A_378 : i32
      %lt3A_380 = arith.constant 0 : i32
      %lt3A_381 = arith.cmpi slt, %select_n3A_374, %lt3A_380 : i32
      %ne3A_382 = arith.xori %lt3A_379, %lt3A_381 : i1
      %and3A_383 = arith.andi %ne3A_382, %ne3A_377 : i1
      %add3A_384 = arith.addi %rem3A_375, %select_n3A_374 : i32
      %select_n3A_385 = arith.select %and3A_383, %add3A_384, %rem3A_375 : i32
      %jit3A_386 = arith.constant 8 : i32
      %eq3A_387 = arith.constant 0 : i32
      %eq3A_388 = arith.cmpi eq, %jit3A_386, %eq3A_387 : i32
      %jit3A_389 = arith.constant 1 : i32
      %select_n3A_390 = arith.select %eq3A_388, %jit3A_389, %jit3A_386 : i32
      %rem3A_391 = arith.remsi %mul3A_181, %select_n3A_390 : i32
      %ne3A_392 = arith.constant 0 : i32
      %ne3A_393 = arith.cmpi ne, %rem3A_391, %ne3A_392 : i32
      %lt3A_394 = arith.constant 0 : i32
      %lt3A_395 = arith.cmpi slt, %rem3A_391, %lt3A_394 : i32
      %lt3A_396 = arith.constant 0 : i32
      %lt3A_397 = arith.cmpi slt, %select_n3A_390, %lt3A_396 : i32
      %ne3A_398 = arith.xori %lt3A_395, %lt3A_397 : i1
      %and3A_399 = arith.andi %ne3A_398, %ne3A_393 : i1
      %add3A_400 = arith.addi %rem3A_391, %select_n3A_390 : i32
      %select_n3A_401 = arith.select %and3A_399, %add3A_400, %rem3A_391 : i32
      %dma_start3A_402 = arith.constant 0 : i32
      %dma_start3A_403 = tpu.memref_slice %arg6[%select_n3A_385, %select_n3A_401, %dma_start3A_402] : memref<2x8x128xi32, #tpu.memory_space<vmem>> -> memref<1x1x128xi32, #tpu.memory_space<vmem>>
      %dma_start3A_404 = tpu.memref_squeeze %dma_start3A_403 : memref<1x1x128xi32, #tpu.memory_space<vmem>> -> memref<128xi32, #tpu.memory_space<vmem>>
      %dma_start3A_405 = arith.constant 0 : i32
      %dma_start3A_406 = arith.constant 0 : i32
      %dma_start3A_407 = tpu.memref_slice %arg2[%dma_start3A_405, %dma_start3A_406] : memref<10000x128xf32, #tpu.memory_space<hbm>> -> memref<10000x128xf32, #tpu.memory_space<hbm>>
      tpu.enqueue_indirect_dma source(%dma_start3A_407 : memref<10000x128xf32, #tpu.memory_space<hbm>>) target(%arg8 : memref<128x128xf32, #tpu.memory_space<vmem>>) offsets(%dma_start3A_404 : memref<128xi32, #tpu.memory_space<vmem>>) semaphore(%arg12 : memref<!tpu.dma_semaphore, #tpu.memory_space<semaphore_mem>>)
      %sub3A_408 = arith.constant 1 : i32
      %sub3A_409 = arith.subi %mul3A_181, %sub3A_408 : i32
      %jit3A_410 = arith.constant 8 : i32
      %div3A_411 = arith.divsi %sub3A_409, %jit3A_410 : i32
      %sign3A_412 = arith.constant 0 : i32
      %sign3A_413 = arith.cmpi sgt, %sub3A_409, %sign3A_412 : i32
      %sign3A_414 = arith.extui %sign3A_413 : i1 to i32
      %sign3A_415 = arith.constant 0 : i32
      %sign3A_416 = arith.cmpi slt, %sub3A_409, %sign3A_415 : i32
      %sign3A_417 = arith.extui %sign3A_416 : i1 to i32
      %sign3A_418 = arith.subi %sign3A_414, %sign3A_417 : i32
      %sign3A_419 = arith.constant 0 : i32
      %sign3A_420 = arith.cmpi sgt, %jit3A_410, %sign3A_419 : i32
      %sign3A_421 = arith.extui %sign3A_420 : i1 to i32
      %sign3A_422 = arith.constant 0 : i32
      %sign3A_423 = arith.cmpi slt, %jit3A_410, %sign3A_422 : i32
      %sign3A_424 = arith.extui %sign3A_423 : i1 to i32
      %sign3A_425 = arith.subi %sign3A_421, %sign3A_424 : i32
      %ne3A_426 = arith.cmpi ne, %sign3A_418, %sign3A_425 : i32
      %rem3A_427 = arith.remsi %sub3A_409, %jit3A_410 : i32
      %ne3A_428 = arith.constant 0 : i32
      %ne3A_429 = arith.cmpi ne, %rem3A_427, %ne3A_428 : i32
      %and3A_430 = arith.andi %ne3A_426, %ne3A_429 : i1
      %sub3A_431 = arith.constant 1 : i32
      %sub3A_432 = arith.subi %div3A_411, %sub3A_431 : i32
      %select_n3A_433 = arith.select %and3A_430, %sub3A_432, %div3A_411 : i32
      %jit3A_434 = arith.constant 2 : i32
      %eq3A_435 = arith.constant 0 : i32
      %eq3A_436 = arith.cmpi eq, %jit3A_434, %eq3A_435 : i32
      %jit3A_437 = arith.constant 1 : i32
      %select_n3A_438 = arith.select %eq3A_436, %jit3A_437, %jit3A_434 : i32
      %rem3A_439 = arith.remsi %select_n3A_433, %select_n3A_438 : i32
      %ne3A_440 = arith.constant 0 : i32
      %ne3A_441 = arith.cmpi ne, %rem3A_439, %ne3A_440 : i32
      %lt3A_442 = arith.constant 0 : i32
      %lt3A_443 = arith.cmpi slt, %rem3A_439, %lt3A_442 : i32
      %lt3A_444 = arith.constant 0 : i32
      %lt3A_445 = arith.cmpi slt, %select_n3A_438, %lt3A_444 : i32
      %ne3A_446 = arith.xori %lt3A_443, %lt3A_445 : i1
      %and3A_447 = arith.andi %ne3A_446, %ne3A_441 : i1
      %add3A_448 = arith.addi %rem3A_439, %select_n3A_438 : i32
      %select_n3A_449 = arith.select %and3A_447, %add3A_448, %rem3A_439 : i32
      %jit3A_450 = arith.constant 8 : i32
      %eq3A_451 = arith.constant 0 : i32
      %eq3A_452 = arith.cmpi eq, %jit3A_450, %eq3A_451 : i32
      %jit3A_453 = arith.constant 1 : i32
      %select_n3A_454 = arith.select %eq3A_452, %jit3A_453, %jit3A_450 : i32
      %rem3A_455 = arith.remsi %sub3A_409, %select_n3A_454 : i32
      %ne3A_456 = arith.constant 0 : i32
      %ne3A_457 = arith.cmpi ne, %rem3A_455, %ne3A_456 : i32
      %lt3A_458 = arith.constant 0 : i32
      %lt3A_459 = arith.cmpi slt, %rem3A_455, %lt3A_458 : i32
      %lt3A_460 = arith.constant 0 : i32
      %lt3A_461 = arith.cmpi slt, %select_n3A_454, %lt3A_460 : i32
      %ne3A_462 = arith.xori %lt3A_459, %lt3A_461 : i1
      %and3A_463 = arith.andi %ne3A_462, %ne3A_457 : i1
      %add3A_464 = arith.addi %rem3A_455, %select_n3A_454 : i32
      %select_n3A_465 = arith.select %and3A_463, %add3A_464, %rem3A_455 : i32
      %dma_start3A_466 = arith.constant 0 : i32
      %dma_start3A_467 = tpu.memref_slice %arg7[%select_n3A_449, %select_n3A_465, %dma_start3A_466] : memref<2x8x128xi32, #tpu.memory_space<vmem>> -> memref<1x1x128xi32, #tpu.memory_space<vmem>>
      %dma_start3A_468 = tpu.memref_squeeze %dma_start3A_467 : memref<1x1x128xi32, #tpu.memory_space<vmem>> -> memref<128xi32, #tpu.memory_space<vmem>>
      %dma_start3A_469 = arith.constant 0 : i32
      %dma_start3A_470 = arith.constant 0 : i32
      %dma_start3A_471 = tpu.memref_slice %arg11[%dma_start3A_469, %dma_start3A_470] : memref<10240x128xf32, #tpu.memory_space<vmem_shared>> -> memref<10240x128xf32, #tpu.memory_space<vmem_shared>>
      tpu.enqueue_indirect_dma source(%arg9 : memref<128x128xf32, #tpu.memory_space<vmem>>) target(%dma_start3A_471 : memref<10240x128xf32, #tpu.memory_space<vmem_shared>>) offsets(%dma_start3A_468 : memref<128xi32, #tpu.memory_space<vmem>>) semaphore(%arg13 : memref<!tpu.dma_semaphore, #tpu.memory_space<semaphore_mem>>) {add = true}
      %jit3A_472 = arith.constant 8 : i32
      %div3A_473 = arith.divsi %mul3A_181, %jit3A_472 : i32
      %sign3A_474 = arith.constant 0 : i32
      %sign3A_475 = arith.cmpi sgt, %mul3A_181, %sign3A_474 : i32
      %sign3A_476 = arith.extui %sign3A_475 : i1 to i32
      %sign3A_477 = arith.constant 0 : i32
      %sign3A_478 = arith.cmpi slt, %mul3A_181, %sign3A_477 : i32
      %sign3A_479 = arith.extui %sign3A_478 : i1 to i32
      %sign3A_480 = arith.subi %sign3A_476, %sign3A_479 : i32
      %sign3A_481 = arith.constant 0 : i32
      %sign3A_482 = arith.cmpi sgt, %jit3A_472, %sign3A_481 : i32
      %sign3A_483 = arith.extui %sign3A_482 : i1 to i32
      %sign3A_484 = arith.constant 0 : i32
      %sign3A_485 = arith.cmpi slt, %jit3A_472, %sign3A_484 : i32
      %sign3A_486 = arith.extui %sign3A_485 : i1 to i32
      %sign3A_487 = arith.subi %sign3A_483, %sign3A_486 : i32
      %ne3A_488 = arith.cmpi ne, %sign3A_480, %sign3A_487 : i32
      %rem3A_489 = arith.remsi %mul3A_181, %jit3A_472 : i32
      %ne3A_490 = arith.constant 0 : i32
      %ne3A_491 = arith.cmpi ne, %rem3A_489, %ne3A_490 : i32
      %and3A_492 = arith.andi %ne3A_488, %ne3A_491 : i1
      %sub3A_493 = arith.constant 1 : i32
      %sub3A_494 = arith.subi %div3A_473, %sub3A_493 : i32
      %select_n3A_495 = arith.select %and3A_492, %sub3A_494, %div3A_473 : i32
      %jit3A_496 = arith.constant 2 : i32
      %eq3A_497 = arith.constant 0 : i32
      %eq3A_498 = arith.cmpi eq, %jit3A_496, %eq3A_497 : i32
      %jit3A_499 = arith.constant 1 : i32
      %select_n3A_500 = arith.select %eq3A_498, %jit3A_499, %jit3A_496 : i32
      %rem3A_501 = arith.remsi %select_n3A_495, %select_n3A_500 : i32
      %ne3A_502 = arith.constant 0 : i32
      %ne3A_503 = arith.cmpi ne, %rem3A_501, %ne3A_502 : i32
      %lt3A_504 = arith.constant 0 : i32
      %lt3A_505 = arith.cmpi slt, %rem3A_501, %lt3A_504 : i32
      %lt3A_506 = arith.constant 0 : i32
      %lt3A_507 = arith.cmpi slt, %select_n3A_500, %lt3A_506 : i32
      %ne3A_508 = arith.xori %lt3A_505, %lt3A_507 : i1
      %and3A_509 = arith.andi %ne3A_508, %ne3A_503 : i1
      %add3A_510 = arith.addi %rem3A_501, %select_n3A_500 : i32
      %select_n3A_511 = arith.select %and3A_509, %add3A_510, %rem3A_501 : i32
      %jit3A_512 = arith.constant 8 : i32
      %eq3A_513 = arith.constant 0 : i32
      %eq3A_514 = arith.cmpi eq, %jit3A_512, %eq3A_513 : i32
      %jit3A_515 = arith.constant 1 : i32
      %select_n3A_516 = arith.select %eq3A_514, %jit3A_515, %jit3A_512 : i32
      %rem3A_517 = arith.remsi %mul3A_181, %select_n3A_516 : i32
      %ne3A_518 = arith.constant 0 : i32
      %ne3A_519 = arith.cmpi ne, %rem3A_517, %ne3A_518 : i32
      %lt3A_520 = arith.constant 0 : i32
      %lt3A_521 = arith.cmpi slt, %rem3A_517, %lt3A_520 : i32
      %lt3A_522 = arith.constant 0 : i32
      %lt3A_523 = arith.cmpi slt, %select_n3A_516, %lt3A_522 : i32
      %ne3A_524 = arith.xori %lt3A_521, %lt3A_523 : i1
      %and3A_525 = arith.andi %ne3A_524, %ne3A_519 : i1
      %add3A_526 = arith.addi %rem3A_517, %select_n3A_516 : i32
      %select_n3A_527 = arith.select %and3A_525, %add3A_526, %rem3A_517 : i32
      %dma_wait3A_528 = arith.constant 0 : i32
      %dma_wait3A_529 = tpu.memref_slice %arg6[%select_n3A_511, %select_n3A_527, %dma_wait3A_528] : memref<2x8x128xi32, #tpu.memory_space<vmem>> -> memref<1x1x128xi32, #tpu.memory_space<vmem>>
      %dma_wait3A_530 = tpu.memref_squeeze %dma_wait3A_529 : memref<1x1x128xi32, #tpu.memory_space<vmem>> -> memref<128xi32, #tpu.memory_space<vmem>>
      %dma_wait3A_531 = arith.constant 0 : i32
      %dma_wait3A_532 = arith.constant 0 : i32
      %dma_wait3A_533 = tpu.memref_slice %arg2[%dma_wait3A_531, %dma_wait3A_532] : memref<10000x128xf32, #tpu.memory_space<hbm>> -> memref<10000x128xf32, #tpu.memory_space<hbm>>
      tpu.wait_indirect_dma semaphore(%arg12 : memref<!tpu.dma_semaphore, #tpu.memory_space<semaphore_mem>>) src(%dma_wait3A_533 : memref<10000x128xf32, #tpu.memory_space<hbm>>) dst(%arg8 : memref<128x128xf32, #tpu.memory_space<vmem>>)
      %sub3A_534 = arith.constant 1 : i32
      %sub3A_535 = arith.subi %mul3A_181, %sub3A_534 : i32
      %jit3A_536 = arith.constant 8 : i32
      %div3A_537 = arith.divsi %sub3A_535, %jit3A_536 : i32
      %sign3A_538 = arith.constant 0 : i32
      %sign3A_539 = arith.cmpi sgt, %sub3A_535, %sign3A_538 : i32
      %sign3A_540 = arith.extui %sign3A_539 : i1 to i32
      %sign3A_541 = arith.constant 0 : i32
      %sign3A_542 = arith.cmpi slt, %sub3A_535, %sign3A_541 : i32
      %sign3A_543 = arith.extui %sign3A_542 : i1 to i32
      %sign3A_544 = arith.subi %sign3A_540, %sign3A_543 : i32
      %sign3A_545 = arith.constant 0 : i32
      %sign3A_546 = arith.cmpi sgt, %jit3A_536, %sign3A_545 : i32
      %sign3A_547 = arith.extui %sign3A_546 : i1 to i32
      %sign3A_548 = arith.constant 0 : i32
      %sign3A_549 = arith.cmpi slt, %jit3A_536, %sign3A_548 : i32
      %sign3A_550 = arith.extui %sign3A_549 : i1 to i32
      %sign3A_551 = arith.subi %sign3A_547, %sign3A_550 : i32
      %ne3A_552 = arith.cmpi ne, %sign3A_544, %sign3A_551 : i32
      %rem3A_553 = arith.remsi %sub3A_535, %jit3A_536 : i32
      %ne3A_554 = arith.constant 0 : i32
      %ne3A_555 = arith.cmpi ne, %rem3A_553, %ne3A_554 : i32
      %and3A_556 = arith.andi %ne3A_552, %ne3A_555 : i1
      %sub3A_557 = arith.constant 1 : i32
      %sub3A_558 = arith.subi %div3A_537, %sub3A_557 : i32
      %select_n3A_559 = arith.select %and3A_556, %sub3A_558, %div3A_537 : i32
      %jit3A_560 = arith.constant 2 : i32
      %eq3A_561 = arith.constant 0 : i32
      %eq3A_562 = arith.cmpi eq, %jit3A_560, %eq3A_561 : i32
      %jit3A_563 = arith.constant 1 : i32
      %select_n3A_564 = arith.select %eq3A_562, %jit3A_563, %jit3A_560 : i32
      %rem3A_565 = arith.remsi %select_n3A_559, %select_n3A_564 : i32
      %ne3A_566 = arith.constant 0 : i32
      %ne3A_567 = arith.cmpi ne, %rem3A_565, %ne3A_566 : i32
      %lt3A_568 = arith.constant 0 : i32
      %lt3A_569 = arith.cmpi slt, %rem3A_565, %lt3A_568 : i32
      %lt3A_570 = arith.constant 0 : i32
      %lt3A_571 = arith.cmpi slt, %select_n3A_564, %lt3A_570 : i32
      %ne3A_572 = arith.xori %lt3A_569, %lt3A_571 : i1
      %and3A_573 = arith.andi %ne3A_572, %ne3A_567 : i1
      %add3A_574 = arith.addi %rem3A_565, %select_n3A_564 : i32
      %select_n3A_575 = arith.select %and3A_573, %add3A_574, %rem3A_565 : i32
      %jit3A_576 = arith.constant 8 : i32
      %eq3A_577 = arith.constant 0 : i32
      %eq3A_578 = arith.cmpi eq, %jit3A_576, %eq3A_577 : i32
      %jit3A_579 = arith.constant 1 : i32
      %select_n3A_580 = arith.select %eq3A_578, %jit3A_579, %jit3A_576 : i32
      %rem3A_581 = arith.remsi %sub3A_535, %select_n3A_580 : i32
      %ne3A_582 = arith.constant 0 : i32
      %ne3A_583 = arith.cmpi ne, %rem3A_581, %ne3A_582 : i32
      %lt3A_584 = arith.constant 0 : i32
      %lt3A_585 = arith.cmpi slt, %rem3A_581, %lt3A_584 : i32
      %lt3A_586 = arith.constant 0 : i32
      %lt3A_587 = arith.cmpi slt, %select_n3A_580, %lt3A_586 : i32
      %ne3A_588 = arith.xori %lt3A_585, %lt3A_587 : i1
      %and3A_589 = arith.andi %ne3A_588, %ne3A_583 : i1
      %add3A_590 = arith.addi %rem3A_581, %select_n3A_580 : i32
      %select_n3A_591 = arith.select %and3A_589, %add3A_590, %rem3A_581 : i32
      %dma_wait3A_592 = arith.constant 0 : i32
      %dma_wait3A_593 = tpu.memref_slice %arg7[%select_n3A_575, %select_n3A_591, %dma_wait3A_592] : memref<2x8x128xi32, #tpu.memory_space<vmem>> -> memref<1x1x128xi32, #tpu.memory_space<vmem>>
      %dma_wait3A_594 = tpu.memref_squeeze %dma_wait3A_593 : memref<1x1x128xi32, #tpu.memory_space<vmem>> -> memref<128xi32, #tpu.memory_space<vmem>>
      %dma_wait3A_595 = arith.constant 0 : i32
      %dma_wait3A_596 = arith.constant 0 : i32
      %dma_wait3A_597 = tpu.memref_slice %arg11[%dma_wait3A_595, %dma_wait3A_596] : memref<10240x128xf32, #tpu.memory_space<vmem_shared>> -> memref<10240x128xf32, #tpu.memory_space<vmem_shared>>
      tpu.wait_indirect_dma semaphore(%arg13 : memref<!tpu.dma_semaphore, #tpu.memory_space<semaphore_mem>>) src(%arg9 : memref<128x128xf32, #tpu.memory_space<vmem>>) dst(%dma_wait3A_597 : memref<10240x128xf32, #tpu.memory_space<vmem_shared>>)
      %lt3A_598 = arith.constant 9 : i32
      %lt3A_599 = arith.cmpi slt, %select_n3A, %lt3A_598 : i32
      %and3A_600 = arith.andi %eq3A_214, %lt3A_599 : i1
      %convert_element_type3A_601 = arith.extui %and3A_600 : i1 to i32
      %cond3A_602 = arith.constant 0 : i32
      %cond3A_603 = arith.cmpi ne, %convert_element_type3A_601, %cond3A_602 : i32
      scf.if %cond3A_603 {
        %add3A_730 = arith.constant 1 : i32
        %add3A_731 = arith.addi %select_n3A, %add3A_730 : i32
        %jit3A_732 = arith.constant 2 : i32
        %eq3A_733 = arith.constant 0 : i32
        %eq3A_734 = arith.cmpi eq, %jit3A_732, %eq3A_733 : i32
        %jit3A_735 = arith.constant 1 : i32
        %select_n3A_736 = arith.select %eq3A_734, %jit3A_735, %jit3A_732 : i32
        %rem3A_737 = arith.remsi %add3A_731, %select_n3A_736 : i32
        %ne3A_738 = arith.constant 0 : i32
        %ne3A_739 = arith.cmpi ne, %rem3A_737, %ne3A_738 : i32
        %lt3A_740 = arith.constant 0 : i32
        %lt3A_741 = arith.cmpi slt, %rem3A_737, %lt3A_740 : i32
        %lt3A_742 = arith.constant 0 : i32
        %lt3A_743 = arith.cmpi slt, %select_n3A_736, %lt3A_742 : i32
        %ne3A_744 = arith.xori %lt3A_741, %lt3A_743 : i1
        %and3A_745 = arith.andi %ne3A_744, %ne3A_739 : i1
        %add3A_746 = arith.addi %rem3A_737, %select_n3A_736 : i32
        %select_n3A_747 = arith.select %and3A_745, %add3A_746, %rem3A_737 : i32
        %dma_start3A_748 = arith.constant 0 : i32
        %dma_start3A_749 = arith.constant 0 : i32
        %dma_start3A_750 = tpu.memref_slice %arg6[%select_n3A_747, %dma_start3A_748, %dma_start3A_749] : memref<2x8x128xi32, #tpu.memory_space<vmem>> -> memref<1x8x128xi32, #tpu.memory_space<vmem>>
        %dma_start3A_751 = tpu.memref_squeeze %dma_start3A_750 : memref<1x8x128xi32, #tpu.memory_space<vmem>> -> memref<8x128xi32, #tpu.memory_space<vmem>>
        %dma_start3A_752 = arith.constant 0 : i32
        %dma_start3A_753 = arith.constant 0 : i32
        %dma_start3A_754 = tpu.memref_slice %arg3[%add3A, %add3A_731, %dma_start3A_752, %dma_start3A_753] : memref<32x10x8x128xi32, #tpu.memory_space<hbm>> -> memref<1x1x8x128xi32, #tpu.memory_space<hbm>>
        %dma_start3A_755 = tpu.memref_squeeze %dma_start3A_754 : memref<1x1x8x128xi32, #tpu.memory_space<hbm>> -> memref<8x128xi32, #tpu.memory_space<hbm>>
        %dma_start3A_756 = arith.constant 0 : i32
        %dma_start3A_757 = arith.constant 0 : i32
        %dma_start3A_758 = tpu.memref_slice %arg6[%select_n3A_747, %dma_start3A_756, %dma_start3A_757] : memref<2x8x128xi32, #tpu.memory_space<vmem>> -> memref<1x8x128xi32, #tpu.memory_space<vmem>>
        %dma_start3A_759 = tpu.memref_squeeze %dma_start3A_758 : memref<1x8x128xi32, #tpu.memory_space<vmem>> -> memref<8x128xi32, #tpu.memory_space<vmem>>
        %dma_start3A_760 = arith.constant 0 : i32
        %dma_start3A_761 = arith.constant 0 : i32
        %dma_start3A_762 = tpu.memref_slice %arg3[%add3A, %add3A_731, %dma_start3A_760, %dma_start3A_761] : memref<32x10x8x128xi32, #tpu.memory_space<hbm>> -> memref<1x1x8x128xi32, #tpu.memory_space<hbm>>
        %dma_start3A_763 = tpu.memref_squeeze %dma_start3A_762 : memref<1x1x8x128xi32, #tpu.memory_space<hbm>> -> memref<8x128xi32, #tpu.memory_space<hbm>>
        tpu.enqueue_dma source(%dma_start3A_763 : memref<8x128xi32, #tpu.memory_space<hbm>>) target(%dma_start3A_759 : memref<8x128xi32, #tpu.memory_space<vmem>>) target_semaphore(%arg14 : memref<!tpu.dma_semaphore, #tpu.memory_space<semaphore_mem>>)
        %jit3A_764 = arith.constant 2 : i32
        %eq3A_765 = arith.constant 0 : i32
        %eq3A_766 = arith.cmpi eq, %jit3A_764, %eq3A_765 : i32
        %jit3A_767 = arith.constant 1 : i32
        %select_n3A_768 = arith.select %eq3A_766, %jit3A_767, %jit3A_764 : i32
        %rem3A_769 = arith.remsi %add3A_731, %select_n3A_768 : i32
        %ne3A_770 = arith.constant 0 : i32
        %ne3A_771 = arith.cmpi ne, %rem3A_769, %ne3A_770 : i32
        %lt3A_772 = arith.constant 0 : i32
        %lt3A_773 = arith.cmpi slt, %rem3A_769, %lt3A_772 : i32
        %lt3A_774 = arith.constant 0 : i32
        %lt3A_775 = arith.cmpi slt, %select_n3A_768, %lt3A_774 : i32
        %ne3A_776 = arith.xori %lt3A_773, %lt3A_775 : i1
        %and3A_777 = arith.andi %ne3A_776, %ne3A_771 : i1
        %add3A_778 = arith.addi %rem3A_769, %select_n3A_768 : i32
        %select_n3A_779 = arith.select %and3A_777, %add3A_778, %rem3A_769 : i32
        %dma_start3A_780 = arith.constant 0 : i32
        %dma_start3A_781 = arith.constant 0 : i32
        %dma_start3A_782 = tpu.memref_slice %arg7[%select_n3A_779, %dma_start3A_780, %dma_start3A_781] : memref<2x8x128xi32, #tpu.memory_space<vmem>> -> memref<1x8x128xi32, #tpu.memory_space<vmem>>
        %dma_start3A_783 = tpu.memref_squeeze %dma_start3A_782 : memref<1x8x128xi32, #tpu.memory_space<vmem>> -> memref<8x128xi32, #tpu.memory_space<vmem>>
        %dma_start3A_784 = arith.constant 0 : i32
        %dma_start3A_785 = arith.constant 0 : i32
        %dma_start3A_786 = tpu.memref_slice %arg4[%add3A, %add3A_731, %dma_start3A_784, %dma_start3A_785] : memref<32x10x8x128xi32, #tpu.memory_space<hbm>> -> memref<1x1x8x128xi32, #tpu.memory_space<hbm>>
        %dma_start3A_787 = tpu.memref_squeeze %dma_start3A_786 : memref<1x1x8x128xi32, #tpu.memory_space<hbm>> -> memref<8x128xi32, #tpu.memory_space<hbm>>
        %dma_start3A_788 = arith.constant 0 : i32
        %dma_start3A_789 = arith.constant 0 : i32
        %dma_start3A_790 = tpu.memref_slice %arg7[%select_n3A_779, %dma_start3A_788, %dma_start3A_789] : memref<2x8x128xi32, #tpu.memory_space<vmem>> -> memref<1x8x128xi32, #tpu.memory_space<vmem>>
        %dma_start3A_791 = tpu.memref_squeeze %dma_start3A_790 : memref<1x8x128xi32, #tpu.memory_space<vmem>> -> memref<8x128xi32, #tpu.memory_space<vmem>>
        %dma_start3A_792 = arith.constant 0 : i32
        %dma_start3A_793 = arith.constant 0 : i32
        %dma_start3A_794 = tpu.memref_slice %arg4[%add3A, %add3A_731, %dma_start3A_792, %dma_start3A_793] : memref<32x10x8x128xi32, #tpu.memory_space<hbm>> -> memref<1x1x8x128xi32, #tpu.memory_space<hbm>>
        %dma_start3A_795 = tpu.memref_squeeze %dma_start3A_794 : memref<1x1x8x128xi32, #tpu.memory_space<hbm>> -> memref<8x128xi32, #tpu.memory_space<hbm>>
        tpu.enqueue_dma source(%dma_start3A_795 : memref<8x128xi32, #tpu.memory_space<hbm>>) target(%dma_start3A_791 : memref<8x128xi32, #tpu.memory_space<vmem>>) target_semaphore(%arg14 : memref<!tpu.dma_semaphore, #tpu.memory_space<semaphore_mem>>)
      } else {
      }
      %add3A_604 = arith.constant 1 : i32
      %add3A_605 = arith.addi %mul3A_181, %add3A_604 : i32
      %jit3A_606 = arith.constant 8 : i32
      %div3A_607 = arith.divsi %add3A_605, %jit3A_606 : i32
      %sign3A_608 = arith.constant 0 : i32
      %sign3A_609 = arith.cmpi sgt, %add3A_605, %sign3A_608 : i32
      %sign3A_610 = arith.extui %sign3A_609 : i1 to i32
      %sign3A_611 = arith.constant 0 : i32
      %sign3A_612 = arith.cmpi slt, %add3A_605, %sign3A_611 : i32
      %sign3A_613 = arith.extui %sign3A_612 : i1 to i32
      %sign3A_614 = arith.subi %sign3A_610, %sign3A_613 : i32
      %sign3A_615 = arith.constant 0 : i32
      %sign3A_616 = arith.cmpi sgt, %jit3A_606, %sign3A_615 : i32
      %sign3A_617 = arith.extui %sign3A_616 : i1 to i32
      %sign3A_618 = arith.constant 0 : i32
      %sign3A_619 = arith.cmpi slt, %jit3A_606, %sign3A_618 : i32
      %sign3A_620 = arith.extui %sign3A_619 : i1 to i32
      %sign3A_621 = arith.subi %sign3A_617, %sign3A_620 : i32
      %ne3A_622 = arith.cmpi ne, %sign3A_614, %sign3A_621 : i32
      %rem3A_623 = arith.remsi %add3A_605, %jit3A_606 : i32
      %ne3A_624 = arith.constant 0 : i32
      %ne3A_625 = arith.cmpi ne, %rem3A_623, %ne3A_624 : i32
      %and3A_626 = arith.andi %ne3A_622, %ne3A_625 : i1
      %sub3A_627 = arith.constant 1 : i32
      %sub3A_628 = arith.subi %div3A_607, %sub3A_627 : i32
      %select_n3A_629 = arith.select %and3A_626, %sub3A_628, %div3A_607 : i32
      %jit3A_630 = arith.constant 2 : i32
      %eq3A_631 = arith.constant 0 : i32
      %eq3A_632 = arith.cmpi eq, %jit3A_630, %eq3A_631 : i32
      %jit3A_633 = arith.constant 1 : i32
      %select_n3A_634 = arith.select %eq3A_632, %jit3A_633, %jit3A_630 : i32
      %rem3A_635 = arith.remsi %select_n3A_629, %select_n3A_634 : i32
      %ne3A_636 = arith.constant 0 : i32
      %ne3A_637 = arith.cmpi ne, %rem3A_635, %ne3A_636 : i32
      %lt3A_638 = arith.constant 0 : i32
      %lt3A_639 = arith.cmpi slt, %rem3A_635, %lt3A_638 : i32
      %lt3A_640 = arith.constant 0 : i32
      %lt3A_641 = arith.cmpi slt, %select_n3A_634, %lt3A_640 : i32
      %ne3A_642 = arith.xori %lt3A_639, %lt3A_641 : i1
      %and3A_643 = arith.andi %ne3A_642, %ne3A_637 : i1
      %add3A_644 = arith.addi %rem3A_635, %select_n3A_634 : i32
      %select_n3A_645 = arith.select %and3A_643, %add3A_644, %rem3A_635 : i32
      %jit3A_646 = arith.constant 8 : i32
      %eq3A_647 = arith.constant 0 : i32
      %eq3A_648 = arith.cmpi eq, %jit3A_646, %eq3A_647 : i32
      %jit3A_649 = arith.constant 1 : i32
      %select_n3A_650 = arith.select %eq3A_648, %jit3A_649, %jit3A_646 : i32
      %rem3A_651 = arith.remsi %add3A_605, %select_n3A_650 : i32
      %ne3A_652 = arith.constant 0 : i32
      %ne3A_653 = arith.cmpi ne, %rem3A_651, %ne3A_652 : i32
      %lt3A_654 = arith.constant 0 : i32
      %lt3A_655 = arith.cmpi slt, %rem3A_651, %lt3A_654 : i32
      %lt3A_656 = arith.constant 0 : i32
      %lt3A_657 = arith.cmpi slt, %select_n3A_650, %lt3A_656 : i32
      %ne3A_658 = arith.xori %lt3A_655, %lt3A_657 : i1
      %and3A_659 = arith.andi %ne3A_658, %ne3A_653 : i1
      %add3A_660 = arith.addi %rem3A_651, %select_n3A_650 : i32
      %select_n3A_661 = arith.select %and3A_659, %add3A_660, %rem3A_651 : i32
      %dma_start3A_662 = arith.constant 0 : i32
      %dma_start3A_663 = tpu.memref_slice %arg6[%select_n3A_645, %select_n3A_661, %dma_start3A_662] : memref<2x8x128xi32, #tpu.memory_space<vmem>> -> memref<1x1x128xi32, #tpu.memory_space<vmem>>
      %dma_start3A_664 = tpu.memref_squeeze %dma_start3A_663 : memref<1x1x128xi32, #tpu.memory_space<vmem>> -> memref<128xi32, #tpu.memory_space<vmem>>
      %dma_start3A_665 = arith.constant 0 : i32
      %dma_start3A_666 = arith.constant 0 : i32
      %dma_start3A_667 = tpu.memref_slice %arg2[%dma_start3A_665, %dma_start3A_666] : memref<10000x128xf32, #tpu.memory_space<hbm>> -> memref<10000x128xf32, #tpu.memory_space<hbm>>
      tpu.enqueue_indirect_dma source(%dma_start3A_667 : memref<10000x128xf32, #tpu.memory_space<hbm>>) target(%arg9 : memref<128x128xf32, #tpu.memory_space<vmem>>) offsets(%dma_start3A_664 : memref<128xi32, #tpu.memory_space<vmem>>) semaphore(%arg12 : memref<!tpu.dma_semaphore, #tpu.memory_space<semaphore_mem>>)
      %jit3A_668 = arith.constant 8 : i32
      %div3A_669 = arith.divsi %mul3A_181, %jit3A_668 : i32
      %sign3A_670 = arith.constant 0 : i32
      %sign3A_671 = arith.cmpi sgt, %mul3A_181, %sign3A_670 : i32
      %sign3A_672 = arith.extui %sign3A_671 : i1 to i32
      %sign3A_673 = arith.constant 0 : i32
      %sign3A_674 = arith.cmpi slt, %mul3A_181, %sign3A_673 : i32
      %sign3A_675 = arith.extui %sign3A_674 : i1 to i32
      %sign3A_676 = arith.subi %sign3A_672, %sign3A_675 : i32
      %sign3A_677 = arith.constant 0 : i32
      %sign3A_678 = arith.cmpi sgt, %jit3A_668, %sign3A_677 : i32
      %sign3A_679 = arith.extui %sign3A_678 : i1 to i32
      %sign3A_680 = arith.constant 0 : i32
      %sign3A_681 = arith.cmpi slt, %jit3A_668, %sign3A_680 : i32
      %sign3A_682 = arith.extui %sign3A_681 : i1 to i32
      %sign3A_683 = arith.subi %sign3A_679, %sign3A_682 : i32
      %ne3A_684 = arith.cmpi ne, %sign3A_676, %sign3A_683 : i32
      %rem3A_685 = arith.remsi %mul3A_181, %jit3A_668 : i32
      %ne3A_686 = arith.constant 0 : i32
      %ne3A_687 = arith.cmpi ne, %rem3A_685, %ne3A_686 : i32
      %and3A_688 = arith.andi %ne3A_684, %ne3A_687 : i1
      %sub3A_689 = arith.constant 1 : i32
      %sub3A_690 = arith.subi %div3A_669, %sub3A_689 : i32
      %select_n3A_691 = arith.select %and3A_688, %sub3A_690, %div3A_669 : i32
      %jit3A_692 = arith.constant 2 : i32
      %eq3A_693 = arith.constant 0 : i32
      %eq3A_694 = arith.cmpi eq, %jit3A_692, %eq3A_693 : i32
      %jit3A_695 = arith.constant 1 : i32
      %select_n3A_696 = arith.select %eq3A_694, %jit3A_695, %jit3A_692 : i32
      %rem3A_697 = arith.remsi %select_n3A_691, %select_n3A_696 : i32
      %ne3A_698 = arith.constant 0 : i32
      %ne3A_699 = arith.cmpi ne, %rem3A_697, %ne3A_698 : i32
      %lt3A_700 = arith.constant 0 : i32
      %lt3A_701 = arith.cmpi slt, %rem3A_697, %lt3A_700 : i32
      %lt3A_702 = arith.constant 0 : i32
      %lt3A_703 = arith.cmpi slt, %select_n3A_696, %lt3A_702 : i32
      %ne3A_704 = arith.xori %lt3A_701, %lt3A_703 : i1
      %and3A_705 = arith.andi %ne3A_704, %ne3A_699 : i1
      %add3A_706 = arith.addi %rem3A_697, %select_n3A_696 : i32
      %select_n3A_707 = arith.select %and3A_705, %add3A_706, %rem3A_697 : i32
      %jit3A_708 = arith.constant 8 : i32
      %eq3A_709 = arith.constant 0 : i32
      %eq3A_710 = arith.cmpi eq, %jit3A_708, %eq3A_709 : i32
      %jit3A_711 = arith.constant 1 : i32
      %select_n3A_712 = arith.select %eq3A_710, %jit3A_711, %jit3A_708 : i32
      %rem3A_713 = arith.remsi %mul3A_181, %select_n3A_712 : i32
      %ne3A_714 = arith.constant 0 : i32
      %ne3A_715 = arith.cmpi ne, %rem3A_713, %ne3A_714 : i32
      %lt3A_716 = arith.constant 0 : i32
      %lt3A_717 = arith.cmpi slt, %rem3A_713, %lt3A_716 : i32
      %lt3A_718 = arith.constant 0 : i32
      %lt3A_719 = arith.cmpi slt, %select_n3A_712, %lt3A_718 : i32
      %ne3A_720 = arith.xori %lt3A_717, %lt3A_719 : i1
      %and3A_721 = arith.andi %ne3A_720, %ne3A_715 : i1
      %add3A_722 = arith.addi %rem3A_713, %select_n3A_712 : i32
      %select_n3A_723 = arith.select %and3A_721, %add3A_722, %rem3A_713 : i32
      %dma_start3A_724 = arith.constant 0 : i32
      %dma_start3A_725 = tpu.memref_slice %arg7[%select_n3A_707, %select_n3A_723, %dma_start3A_724] : memref<2x8x128xi32, #tpu.memory_space<vmem>> -> memref<1x1x128xi32, #tpu.memory_space<vmem>>
      %dma_start3A_726 = tpu.memref_squeeze %dma_start3A_725 : memref<1x1x128xi32, #tpu.memory_space<vmem>> -> memref<128xi32, #tpu.memory_space<vmem>>
      %dma_start3A_727 = arith.constant 0 : i32
      %dma_start3A_728 = arith.constant 0 : i32
      %dma_start3A_729 = tpu.memref_slice %arg11[%dma_start3A_727, %dma_start3A_728] : memref<10240x128xf32, #tpu.memory_space<vmem_shared>> -> memref<10240x128xf32, #tpu.memory_space<vmem_shared>>
      tpu.enqueue_indirect_dma source(%arg8 : memref<128x128xf32, #tpu.memory_space<vmem>>) target(%dma_start3A_729 : memref<10240x128xf32, #tpu.memory_space<vmem_shared>>) offsets(%dma_start3A_726 : memref<128xi32, #tpu.memory_space<vmem>>) semaphore(%arg13 : memref<!tpu.dma_semaphore, #tpu.memory_space<semaphore_mem>>) {add = true}
    }
    %scan3A_136 = arith.constant 39 : i32
    %dma_wait3A_137 = arith.constant 1 : i32
    %dma_wait3A_138 = arith.constant 7 : i32
    %dma_wait3A_139 = arith.constant 0 : i32
    %dma_wait3A_140 = tpu.memref_slice %arg6[%dma_wait3A_137, %dma_wait3A_138, %dma_wait3A_139] : memref<2x8x128xi32, #tpu.memory_space<vmem>> -> memref<1x1x128xi32, #tpu.memory_space<vmem>>
    %dma_wait3A_141 = tpu.memref_squeeze %dma_wait3A_140 : memref<1x1x128xi32, #tpu.memory_space<vmem>> -> memref<128xi32, #tpu.memory_space<vmem>>
    %dma_wait3A_142 = arith.constant 0 : i32
    %dma_wait3A_143 = arith.constant 0 : i32
    %dma_wait3A_144 = tpu.memref_slice %arg2[%dma_wait3A_142, %dma_wait3A_143] : memref<10000x128xf32, #tpu.memory_space<hbm>> -> memref<10000x128xf32, #tpu.memory_space<hbm>>
    tpu.wait_indirect_dma semaphore(%arg12 : memref<!tpu.dma_semaphore, #tpu.memory_space<semaphore_mem>>) src(%dma_wait3A_144 : memref<10000x128xf32, #tpu.memory_space<hbm>>) dst(%arg9 : memref<128x128xf32, #tpu.memory_space<vmem>>)
    %dma_wait3A_145 = arith.constant 1 : i32
    %dma_wait3A_146 = arith.constant 6 : i32
    %dma_wait3A_147 = arith.constant 0 : i32
    %dma_wait3A_148 = tpu.memref_slice %arg7[%dma_wait3A_145, %dma_wait3A_146, %dma_wait3A_147] : memref<2x8x128xi32, #tpu.memory_space<vmem>> -> memref<1x1x128xi32, #tpu.memory_space<vmem>>
    %dma_wait3A_149 = tpu.memref_squeeze %dma_wait3A_148 : memref<1x1x128xi32, #tpu.memory_space<vmem>> -> memref<128xi32, #tpu.memory_space<vmem>>
    %dma_wait3A_150 = arith.constant 0 : i32
    %dma_wait3A_151 = arith.constant 0 : i32
    %dma_wait3A_152 = tpu.memref_slice %arg11[%dma_wait3A_150, %dma_wait3A_151] : memref<10240x128xf32, #tpu.memory_space<vmem_shared>> -> memref<10240x128xf32, #tpu.memory_space<vmem_shared>>
    tpu.wait_indirect_dma semaphore(%arg13 : memref<!tpu.dma_semaphore, #tpu.memory_space<semaphore_mem>>) src(%arg8 : memref<128x128xf32, #tpu.memory_space<vmem>>) dst(%dma_wait3A_152 : memref<10240x128xf32, #tpu.memory_space<vmem_shared>>)
    %dma_start3A_153 = arith.constant 1 : i32
    %dma_start3A_154 = arith.constant 7 : i32
    %dma_start3A_155 = arith.constant 0 : i32
    %dma_start3A_156 = tpu.memref_slice %arg7[%dma_start3A_153, %dma_start3A_154, %dma_start3A_155] : memref<2x8x128xi32, #tpu.memory_space<vmem>> -> memref<1x1x128xi32, #tpu.memory_space<vmem>>
    %dma_start3A_157 = tpu.memref_squeeze %dma_start3A_156 : memref<1x1x128xi32, #tpu.memory_space<vmem>> -> memref<128xi32, #tpu.memory_space<vmem>>
    %dma_start3A_158 = arith.constant 0 : i32
    %dma_start3A_159 = arith.constant 0 : i32
    %dma_start3A_160 = tpu.memref_slice %arg11[%dma_start3A_158, %dma_start3A_159] : memref<10240x128xf32, #tpu.memory_space<vmem_shared>> -> memref<10240x128xf32, #tpu.memory_space<vmem_shared>>
    tpu.enqueue_indirect_dma source(%arg9 : memref<128x128xf32, #tpu.memory_space<vmem>>) target(%dma_start3A_160 : memref<10240x128xf32, #tpu.memory_space<vmem_shared>>) offsets(%dma_start3A_157 : memref<128xi32, #tpu.memory_space<vmem>>) semaphore(%arg13 : memref<!tpu.dma_semaphore, #tpu.memory_space<semaphore_mem>>) {add = true}
    %dma_wait3A_161 = arith.constant 1 : i32
    %dma_wait3A_162 = arith.constant 7 : i32
    %dma_wait3A_163 = arith.constant 0 : i32
    %dma_wait3A_164 = tpu.memref_slice %arg7[%dma_wait3A_161, %dma_wait3A_162, %dma_wait3A_163] : memref<2x8x128xi32, #tpu.memory_space<vmem>> -> memref<1x1x128xi32, #tpu.memory_space<vmem>>
    %dma_wait3A_165 = tpu.memref_squeeze %dma_wait3A_164 : memref<1x1x128xi32, #tpu.memory_space<vmem>> -> memref<128xi32, #tpu.memory_space<vmem>>
    %dma_wait3A_166 = arith.constant 0 : i32
    %dma_wait3A_167 = arith.constant 0 : i32
    %dma_wait3A_168 = tpu.memref_slice %arg11[%dma_wait3A_166, %dma_wait3A_167] : memref<10240x128xf32, #tpu.memory_space<vmem_shared>> -> memref<10240x128xf32, #tpu.memory_space<vmem_shared>>
    tpu.wait_indirect_dma semaphore(%arg13 : memref<!tpu.dma_semaphore, #tpu.memory_space<semaphore_mem>>) src(%arg9 : memref<128x128xf32, #tpu.memory_space<vmem>>) dst(%dma_wait3A_168 : memref<10240x128xf32, #tpu.memory_space<vmem_shared>>)
    %barrier3A_169 = arith.constant 0 : index
    tpu.barrier barrier_id(%barrier3A_169)
    %mul3A_170 = arith.constant 624 : i32
    %mul3A_171 = arith.muli %arg1, %mul3A_170 : i32
    %mul3A_172 = arith.constant 624 : i32
    %mul3A_173 = arith.muli %arg1, %mul3A_172 : i32
    "tpu.region"() ({
      %run_scoped3A_179 = tpu.sem_alloc : memref<!tpu.dma_semaphore, #tpu.memory_space<semaphore_mem>>
      %dma_start3A_180 = arith.constant 0 : i32
      %dma_start3A_181 = tpu.memref_slice %arg5[%arg0, %mul3A_173, %dma_start3A_180] : memref<2x10000x128xf32, #tpu.memory_space<hbm>> -> memref<1x624x128xf32, #tpu.memory_space<hbm>>
      %dma_start3A_182 = tpu.memref_squeeze %dma_start3A_181 : memref<1x624x128xf32, #tpu.memory_space<hbm>> -> memref<624x128xf32, #tpu.memory_space<hbm>>
      %dma_start3A_183 = arith.constant 0 : i32
      %dma_start3A_184 = tpu.memref_slice %arg11[%mul3A_171, %dma_start3A_183] : memref<10240x128xf32, #tpu.memory_space<vmem_shared>> -> memref<624x128xf32, #tpu.memory_space<vmem_shared>>
      tpu.enqueue_dma source(%dma_start3A_184 : memref<624x128xf32, #tpu.memory_space<vmem_shared>>) target(%dma_start3A_182 : memref<624x128xf32, #tpu.memory_space<hbm>>) target_semaphore(%run_scoped3A_179 : memref<!tpu.dma_semaphore, #tpu.memory_space<semaphore_mem>>)
      %dma_wait3A_185 = arith.constant 0 : i32
      %dma_wait3A_186 = tpu.memref_slice %arg5[%arg0, %mul3A_173, %dma_wait3A_185] : memref<2x10000x128xf32, #tpu.memory_space<hbm>> -> memref<1x624x128xf32, #tpu.memory_space<hbm>>
      %dma_wait3A_187 = tpu.memref_squeeze %dma_wait3A_186 : memref<1x624x128xf32, #tpu.memory_space<hbm>> -> memref<624x128xf32, #tpu.memory_space<hbm>>
      %dma_wait3A_188 = arith.constant 0 : i32
      %dma_wait3A_189 = tpu.memref_slice %arg11[%mul3A_171, %dma_wait3A_188] : memref<10240x128xf32, #tpu.memory_space<vmem_shared>> -> memref<624x128xf32, #tpu.memory_space<vmem_shared>>
      tpu.wait_dma2 semaphore(%run_scoped3A_179 : memref<!tpu.dma_semaphore, #tpu.memory_space<semaphore_mem>>) src(%dma_wait3A_189 : memref<624x128xf32, #tpu.memory_space<vmem_shared>>) dst(%dma_wait3A_187 : memref<624x128xf32, #tpu.memory_space<hbm>>)
      tpu.yield
    }) : () -> ()
    %eq3A_174 = arith.constant 15 : i32
    %eq3A_175 = arith.cmpi eq, %arg1, %eq3A_174 : i32
    %convert_element_type3A_176 = arith.extui %eq3A_175 : i1 to i32
    %cond3A_177 = arith.constant 0 : i32
    %cond3A_178 = arith.cmpi ne, %convert_element_type3A_176, %cond3A_177 : i32
    scf.if %cond3A_178 {
      "tpu.region"() ({
        %run_scoped3A_179 = tpu.sem_alloc : memref<!tpu.dma_semaphore, #tpu.memory_space<semaphore_mem>>
        %dma_start3A_180 = arith.constant 9984 : i32
        %dma_start3A_181 = arith.constant 0 : i32
        %dma_start3A_182 = tpu.memref_slice %arg5[%arg0, %dma_start3A_180, %dma_start3A_181] : memref<2x10000x128xf32, #tpu.memory_space<hbm>> -> memref<1x16x128xf32, #tpu.memory_space<hbm>>
        %dma_start3A_183 = tpu.memref_squeeze %dma_start3A_182 : memref<1x16x128xf32, #tpu.memory_space<hbm>> -> memref<16x128xf32, #tpu.memory_space<hbm>>
        %dma_start3A_184 = arith.constant 9984 : i32
        %dma_start3A_185 = arith.constant 0 : i32
        %dma_start3A_186 = tpu.memref_slice %arg11[%dma_start3A_184, %dma_start3A_185] : memref<10240x128xf32, #tpu.memory_space<vmem_shared>> -> memref<16x128xf32, #tpu.memory_space<vmem_shared>>
        tpu.enqueue_dma source(%dma_start3A_186 : memref<16x128xf32, #tpu.memory_space<vmem_shared>>) target(%dma_start3A_183 : memref<16x128xf32, #tpu.memory_space<hbm>>) target_semaphore(%run_scoped3A_179 : memref<!tpu.dma_semaphore, #tpu.memory_space<semaphore_mem>>)
        %dma_wait3A_187 = arith.constant 9984 : i32
        %dma_wait3A_188 = arith.constant 0 : i32
        %dma_wait3A_189 = tpu.memref_slice %arg5[%arg0, %dma_wait3A_187, %dma_wait3A_188] : memref<2x10000x128xf32, #tpu.memory_space<hbm>> -> memref<1x16x128xf32, #tpu.memory_space<hbm>>
        %dma_wait3A_190 = tpu.memref_squeeze %dma_wait3A_189 : memref<1x16x128xf32, #tpu.memory_space<hbm>> -> memref<16x128xf32, #tpu.memory_space<hbm>>
        %dma_wait3A_191 = arith.constant 9984 : i32
        %dma_wait3A_192 = arith.constant 0 : i32
        %dma_wait3A_193 = tpu.memref_slice %arg11[%dma_wait3A_191, %dma_wait3A_192] : memref<10240x128xf32, #tpu.memory_space<vmem_shared>> -> memref<16x128xf32, #tpu.memory_space<vmem_shared>>
        tpu.wait_dma2 semaphore(%run_scoped3A_179 : memref<!tpu.dma_semaphore, #tpu.memory_space<semaphore_mem>>) src(%dma_wait3A_193 : memref<16x128xf32, #tpu.memory_space<vmem_shared>>) dst(%dma_wait3A_190 : memref<16x128xf32, #tpu.memory_space<hbm>>)
        tpu.yield
      }) : () -> ()
    } else {
    }
    return
  }
}

#map = affine_map<(d0, d1) -> (0, 0)>
#map1 = affine_map<(d0, d1) -> (0, 0, 0, 0)>
#map2 = affine_map<(d0, d1) -> (0, 0, 0)>
module attributes {stable_mosaic.version = 14 : i64} {
  func.func @_sc_agg_body(%arg0: i32, %arg1: i32, %arg2: memref<10000x128xf32, #tpu.memory_space<hbm>>, %arg3: memref<32x10x8x128xi32, #tpu.memory_space<hbm>>, %arg4: memref<32x10x8x128xi32, #tpu.memory_space<hbm>>, %arg5: memref<2x10000x128xf32, #tpu.memory_space<hbm>>, %arg6: memref<2x10240xf32, #tpu.memory_space<hbm>>, %arg7: memref<2x8x128xi32, #tpu.memory_space<vmem>>, %arg8: memref<2x8x128xi32, #tpu.memory_space<vmem>>, %arg9: memref<128x128xf32, #tpu.memory_space<vmem>>, %arg10: memref<128x128xf32, #tpu.memory_space<vmem>>, %arg11: memref<128xf32, #tpu.memory_space<vmem>>, %arg12: memref<10240x128xf32, #tpu.memory_space<vmem_shared>>, %arg13: memref<10240xf32, #tpu.memory_space<vmem_shared>>, %arg14: memref<!tpu.dma_semaphore, #tpu.memory_space<semaphore_mem>>, %arg15: memref<!tpu.dma_semaphore, #tpu.memory_space<semaphore_mem>>, %arg16: memref<!tpu.dma_semaphore, #tpu.memory_space<semaphore_mem>>) attributes {dimension_semantics = [#tpu.dimension_semantics<core_parallel>, #tpu.dimension_semantics<subcore_parallel>], iteration_bounds = array<i64: 2, 16>, scalar_prefetch = 0 : i64, scratch_operands = 10 : i64, tpu.core_type = #tpu.core_type<sc_vector_subcore>, window_params = [{transform_indices = #map}, {transform_indices = #map1}, {transform_indices = #map1}, {transform_indices = #map2}, {transform_indices = #map}]} {
    %mul3A = arith.constant 2 : i32
    %mul3A_0 = arith.muli %arg1, %mul3A : i32
    %add3A = arith.addi %mul3A_0, %arg0 : i32
    %broadcast_in_dim3A = arith.constant 0.000000e+00 : f32
    %broadcast_in_dim3A_1 = vector.broadcast %broadcast_in_dim3A : f32 to vector<16xf32>
    %scan3A = arith.constant 0 : i32
    %scan3A_2 = arith.constant 0 : i32
    %scan3A_3 = arith.constant 1024 : i32
    %scan3A_4 = arith.addi %scan3A_2, %scan3A_3 : i32
    %scan3A_5 = arith.constant 1 : i32
    scf.for %scan3A_212 = %scan3A_2 to %scan3A_4 step %scan3A_5  : i32 {
      %jit3A = arith.constant 8 : i32
      %div3A = arith.divsi %scan3A_212, %jit3A : i32
      %sign3A = arith.constant 0 : i32
      %sign3A_213 = arith.cmpi sgt, %scan3A_212, %sign3A : i32
      %sign3A_214 = arith.extui %sign3A_213 : i1 to i32
      %sign3A_215 = arith.constant 0 : i32
      %sign3A_216 = arith.cmpi slt, %scan3A_212, %sign3A_215 : i32
      %sign3A_217 = arith.extui %sign3A_216 : i1 to i32
      %sign3A_218 = arith.subi %sign3A_214, %sign3A_217 : i32
      %sign3A_219 = arith.constant 0 : i32
      %sign3A_220 = arith.cmpi sgt, %jit3A, %sign3A_219 : i32
      %sign3A_221 = arith.extui %sign3A_220 : i1 to i32
      %sign3A_222 = arith.constant 0 : i32
      %sign3A_223 = arith.cmpi slt, %jit3A, %sign3A_222 : i32
      %sign3A_224 = arith.extui %sign3A_223 : i1 to i32
      %sign3A_225 = arith.subi %sign3A_221, %sign3A_224 : i32
      %ne3A = arith.cmpi ne, %sign3A_218, %sign3A_225 : i32
      %rem3A = arith.remsi %scan3A_212, %jit3A : i32
      %ne3A_226 = arith.constant 0 : i32
      %ne3A_227 = arith.cmpi ne, %rem3A, %ne3A_226 : i32
      %and3A = arith.andi %ne3A, %ne3A_227 : i1
      %sub3A = arith.constant 1 : i32
      %sub3A_228 = arith.subi %div3A, %sub3A : i32
      %select_n3A = arith.select %and3A, %sub3A_228, %div3A : i32
      %jit3A_229 = arith.constant 8 : i32
      %eq3A_230 = arith.constant 0 : i32
      %eq3A_231 = arith.cmpi eq, %jit3A_229, %eq3A_230 : i32
      %jit3A_232 = arith.constant 1 : i32
      %select_n3A_233 = arith.select %eq3A_231, %jit3A_232, %jit3A_229 : i32
      %rem3A_234 = arith.remsi %scan3A_212, %select_n3A_233 : i32
      %ne3A_235 = arith.constant 0 : i32
      %ne3A_236 = arith.cmpi ne, %rem3A_234, %ne3A_235 : i32
      %lt3A = arith.constant 0 : i32
      %lt3A_237 = arith.cmpi slt, %rem3A_234, %lt3A : i32
      %lt3A_238 = arith.constant 0 : i32
      %lt3A_239 = arith.cmpi slt, %select_n3A_233, %lt3A_238 : i32
      %ne3A_240 = arith.xori %lt3A_237, %lt3A_239 : i1
      %and3A_241 = arith.andi %ne3A_240, %ne3A_236 : i1
      %add3A_242 = arith.addi %rem3A_234, %select_n3A_233 : i32
      %select_n3A_243 = arith.select %and3A_241, %add3A_242, %rem3A_234 : i32
      %mul3A_244 = arith.constant 16 : i32
      %mul3A_245 = arith.muli %select_n3A_243, %mul3A_244 : i32
      %swap3A_246 = arith.index_cast %select_n3A : i32 to index
      %swap3A_247 = arith.index_cast %mul3A_245 : i32 to index
      %swap3A_248 = tpu.vector_load %arg9[%swap3A_246, %swap3A_247] {strides = array<i32>} : memref<128x128xf32, #tpu.memory_space<vmem>>, vector<1x16xf32>,
      %swap3A_249 = vector.shape_cast %swap3A_248 : vector<1x16xf32> to vector<16xf32>
      %swap3A_250 = vector.shape_cast %broadcast_in_dim3A_1 : vector<16xf32> to vector<1x16xf32>
      tpu.vector_store %arg9[%swap3A_246, %swap3A_247], %swap3A_250 {strides = array<i32>} : memref<128x128xf32, #tpu.memory_space<vmem>>, vector<1x16xf32>,
    }
    %scan3A_6 = arith.constant 1024 : i32
    %broadcast_in_dim3A_7 = arith.constant 1.000000e+00 : f32
    %broadcast_in_dim3A_8 = vector.broadcast %broadcast_in_dim3A_7 : f32 to vector<16xf32>
    %swap3A = arith.constant 0 : index
    %swap3A_9 = tpu.vector_load %arg11[%swap3A] {strides = array<i32>} : memref<128xf32, #tpu.memory_space<vmem>>, vector<16xf32>,
    %swap3A_10 = vector.shape_cast %swap3A_9 : vector<16xf32> to vector<16xf32>
    %swap3A_11 = vector.shape_cast %broadcast_in_dim3A_8 : vector<16xf32> to vector<16xf32>
    tpu.vector_store %arg11[%swap3A], %swap3A_11 {strides = array<i32>} : memref<128xf32, #tpu.memory_space<vmem>>, vector<16xf32>,
    %swap3A_12 = arith.constant 16 : index
    %swap3A_13 = tpu.vector_load %arg11[%swap3A_12] {strides = array<i32>} : memref<128xf32, #tpu.memory_space<vmem>>, vector<16xf32>,
    %swap3A_14 = vector.shape_cast %swap3A_13 : vector<16xf32> to vector<16xf32>
    %swap3A_15 = vector.shape_cast %broadcast_in_dim3A_8 : vector<16xf32> to vector<16xf32>
    tpu.vector_store %arg11[%swap3A_12], %swap3A_15 {strides = array<i32>} : memref<128xf32, #tpu.memory_space<vmem>>, vector<16xf32>,
    %swap3A_16 = arith.constant 32 : index
    %swap3A_17 = tpu.vector_load %arg11[%swap3A_16] {strides = array<i32>} : memref<128xf32, #tpu.memory_space<vmem>>, vector<16xf32>,
    %swap3A_18 = vector.shape_cast %swap3A_17 : vector<16xf32> to vector<16xf32>
    %swap3A_19 = vector.shape_cast %broadcast_in_dim3A_8 : vector<16xf32> to vector<16xf32>
    tpu.vector_store %arg11[%swap3A_16], %swap3A_19 {strides = array<i32>} : memref<128xf32, #tpu.memory_space<vmem>>, vector<16xf32>,
    %swap3A_20 = arith.constant 48 : index
    %swap3A_21 = tpu.vector_load %arg11[%swap3A_20] {strides = array<i32>} : memref<128xf32, #tpu.memory_space<vmem>>, vector<16xf32>,
    %swap3A_22 = vector.shape_cast %swap3A_21 : vector<16xf32> to vector<16xf32>
    %swap3A_23 = vector.shape_cast %broadcast_in_dim3A_8 : vector<16xf32> to vector<16xf32>
    tpu.vector_store %arg11[%swap3A_20], %swap3A_23 {strides = array<i32>} : memref<128xf32, #tpu.memory_space<vmem>>, vector<16xf32>,
    %swap3A_24 = arith.constant 64 : index
    %swap3A_25 = tpu.vector_load %arg11[%swap3A_24] {strides = array<i32>} : memref<128xf32, #tpu.memory_space<vmem>>, vector<16xf32>,
    %swap3A_26 = vector.shape_cast %swap3A_25 : vector<16xf32> to vector<16xf32>
    %swap3A_27 = vector.shape_cast %broadcast_in_dim3A_8 : vector<16xf32> to vector<16xf32>
    tpu.vector_store %arg11[%swap3A_24], %swap3A_27 {strides = array<i32>} : memref<128xf32, #tpu.memory_space<vmem>>, vector<16xf32>,
    %swap3A_28 = arith.constant 80 : index
    %swap3A_29 = tpu.vector_load %arg11[%swap3A_28] {strides = array<i32>} : memref<128xf32, #tpu.memory_space<vmem>>, vector<16xf32>,
    %swap3A_30 = vector.shape_cast %swap3A_29 : vector<16xf32> to vector<16xf32>
    %swap3A_31 = vector.shape_cast %broadcast_in_dim3A_8 : vector<16xf32> to vector<16xf32>
    tpu.vector_store %arg11[%swap3A_28], %swap3A_31 {strides = array<i32>} : memref<128xf32, #tpu.memory_space<vmem>>, vector<16xf32>,
    %swap3A_32 = arith.constant 96 : index
    %swap3A_33 = tpu.vector_load %arg11[%swap3A_32] {strides = array<i32>} : memref<128xf32, #tpu.memory_space<vmem>>, vector<16xf32>,
    %swap3A_34 = vector.shape_cast %swap3A_33 : vector<16xf32> to vector<16xf32>
    %swap3A_35 = vector.shape_cast %broadcast_in_dim3A_8 : vector<16xf32> to vector<16xf32>
    tpu.vector_store %arg11[%swap3A_32], %swap3A_35 {strides = array<i32>} : memref<128xf32, #tpu.memory_space<vmem>>, vector<16xf32>,
    %swap3A_36 = arith.constant 112 : index
    %swap3A_37 = tpu.vector_load %arg11[%swap3A_36] {strides = array<i32>} : memref<128xf32, #tpu.memory_space<vmem>>, vector<16xf32>,
    %swap3A_38 = vector.shape_cast %swap3A_37 : vector<16xf32> to vector<16xf32>
    %swap3A_39 = vector.shape_cast %broadcast_in_dim3A_8 : vector<16xf32> to vector<16xf32>
    tpu.vector_store %arg11[%swap3A_36], %swap3A_39 {strides = array<i32>} : memref<128xf32, #tpu.memory_space<vmem>>, vector<16xf32>,
    %mul3A_40 = arith.constant 624 : i32
    %mul3A_41 = arith.muli %arg1, %mul3A_40 : i32
    %add3A_42 = arith.constant 0 : i32
    %add3A_43 = arith.addi %mul3A_41, %add3A_42 : i32
    "tpu.region"() ({
      %run_scoped3A_212 = tpu.sem_alloc : memref<!tpu.dma_semaphore, #tpu.memory_space<semaphore_mem>>
      %dma_start3A_213 = arith.constant 0 : i32
      %dma_start3A_214 = tpu.memref_slice %arg12[%add3A_43, %dma_start3A_213] : memref<10240x128xf32, #tpu.memory_space<vmem_shared>> -> memref<128x128xf32, #tpu.memory_space<vmem_shared>>
      %dma_start3A_215 = arith.constant 0 : i32
      %dma_start3A_216 = tpu.memref_slice %arg12[%add3A_43, %dma_start3A_215] : memref<10240x128xf32, #tpu.memory_space<vmem_shared>> -> memref<128x128xf32, #tpu.memory_space<vmem_shared>>
      tpu.enqueue_dma source(%arg9 : memref<128x128xf32, #tpu.memory_space<vmem>>) target(%dma_start3A_216 : memref<128x128xf32, #tpu.memory_space<vmem_shared>>) target_semaphore(%run_scoped3A_212 : memref<!tpu.dma_semaphore, #tpu.memory_space<semaphore_mem>>)
      %dma_wait3A_217 = arith.constant 0 : i32
      %dma_wait3A_218 = tpu.memref_slice %arg12[%add3A_43, %dma_wait3A_217] : memref<10240x128xf32, #tpu.memory_space<vmem_shared>> -> memref<128x128xf32, #tpu.memory_space<vmem_shared>>
      %dma_wait3A_219 = arith.constant 0 : i32
      %dma_wait3A_220 = tpu.memref_slice %arg12[%add3A_43, %dma_wait3A_219] : memref<10240x128xf32, #tpu.memory_space<vmem_shared>> -> memref<128x128xf32, #tpu.memory_space<vmem_shared>>
      tpu.wait_dma2 semaphore(%run_scoped3A_212 : memref<!tpu.dma_semaphore, #tpu.memory_space<semaphore_mem>>) src(%arg9 : memref<128x128xf32, #tpu.memory_space<vmem>>) dst(%dma_wait3A_220 : memref<128x128xf32, #tpu.memory_space<vmem_shared>>)
      tpu.yield
    }) : () -> ()
    %mul3A_44 = arith.constant 624 : i32
    %mul3A_45 = arith.muli %arg1, %mul3A_44 : i32
    %add3A_46 = arith.constant 128 : i32
    %add3A_47 = arith.addi %mul3A_45, %add3A_46 : i32
    "tpu.region"() ({
      %run_scoped3A_212 = tpu.sem_alloc : memref<!tpu.dma_semaphore, #tpu.memory_space<semaphore_mem>>
      %dma_start3A_213 = arith.constant 0 : i32
      %dma_start3A_214 = tpu.memref_slice %arg12[%add3A_47, %dma_start3A_213] : memref<10240x128xf32, #tpu.memory_space<vmem_shared>> -> memref<128x128xf32, #tpu.memory_space<vmem_shared>>
      %dma_start3A_215 = arith.constant 0 : i32
      %dma_start3A_216 = tpu.memref_slice %arg12[%add3A_47, %dma_start3A_215] : memref<10240x128xf32, #tpu.memory_space<vmem_shared>> -> memref<128x128xf32, #tpu.memory_space<vmem_shared>>
      tpu.enqueue_dma source(%arg9 : memref<128x128xf32, #tpu.memory_space<vmem>>) target(%dma_start3A_216 : memref<128x128xf32, #tpu.memory_space<vmem_shared>>) target_semaphore(%run_scoped3A_212 : memref<!tpu.dma_semaphore, #tpu.memory_space<semaphore_mem>>)
      %dma_wait3A_217 = arith.constant 0 : i32
      %dma_wait3A_218 = tpu.memref_slice %arg12[%add3A_47, %dma_wait3A_217] : memref<10240x128xf32, #tpu.memory_space<vmem_shared>> -> memref<128x128xf32, #tpu.memory_space<vmem_shared>>
      %dma_wait3A_219 = arith.constant 0 : i32
      %dma_wait3A_220 = tpu.memref_slice %arg12[%add3A_47, %dma_wait3A_219] : memref<10240x128xf32, #tpu.memory_space<vmem_shared>> -> memref<128x128xf32, #tpu.memory_space<vmem_shared>>
      tpu.wait_dma2 semaphore(%run_scoped3A_212 : memref<!tpu.dma_semaphore, #tpu.memory_space<semaphore_mem>>) src(%arg9 : memref<128x128xf32, #tpu.memory_space<vmem>>) dst(%dma_wait3A_220 : memref<128x128xf32, #tpu.memory_space<vmem_shared>>)
      tpu.yield
    }) : () -> ()
    %mul3A_48 = arith.constant 624 : i32
    %mul3A_49 = arith.muli %arg1, %mul3A_48 : i32
    %add3A_50 = arith.constant 256 : i32
    %add3A_51 = arith.addi %mul3A_49, %add3A_50 : i32
    "tpu.region"() ({
      %run_scoped3A_212 = tpu.sem_alloc : memref<!tpu.dma_semaphore, #tpu.memory_space<semaphore_mem>>
      %dma_start3A_213 = arith.constant 0 : i32
      %dma_start3A_214 = tpu.memref_slice %arg12[%add3A_51, %dma_start3A_213] : memref<10240x128xf32, #tpu.memory_space<vmem_shared>> -> memref<128x128xf32, #tpu.memory_space<vmem_shared>>
      %dma_start3A_215 = arith.constant 0 : i32
      %dma_start3A_216 = tpu.memref_slice %arg12[%add3A_51, %dma_start3A_215] : memref<10240x128xf32, #tpu.memory_space<vmem_shared>> -> memref<128x128xf32, #tpu.memory_space<vmem_shared>>
      tpu.enqueue_dma source(%arg9 : memref<128x128xf32, #tpu.memory_space<vmem>>) target(%dma_start3A_216 : memref<128x128xf32, #tpu.memory_space<vmem_shared>>) target_semaphore(%run_scoped3A_212 : memref<!tpu.dma_semaphore, #tpu.memory_space<semaphore_mem>>)
      %dma_wait3A_217 = arith.constant 0 : i32
      %dma_wait3A_218 = tpu.memref_slice %arg12[%add3A_51, %dma_wait3A_217] : memref<10240x128xf32, #tpu.memory_space<vmem_shared>> -> memref<128x128xf32, #tpu.memory_space<vmem_shared>>
      %dma_wait3A_219 = arith.constant 0 : i32
      %dma_wait3A_220 = tpu.memref_slice %arg12[%add3A_51, %dma_wait3A_219] : memref<10240x128xf32, #tpu.memory_space<vmem_shared>> -> memref<128x128xf32, #tpu.memory_space<vmem_shared>>
      tpu.wait_dma2 semaphore(%run_scoped3A_212 : memref<!tpu.dma_semaphore, #tpu.memory_space<semaphore_mem>>) src(%arg9 : memref<128x128xf32, #tpu.memory_space<vmem>>) dst(%dma_wait3A_220 : memref<128x128xf32, #tpu.memory_space<vmem_shared>>)
      tpu.yield
    }) : () -> ()
    %mul3A_52 = arith.constant 624 : i32
    %mul3A_53 = arith.muli %arg1, %mul3A_52 : i32
    %add3A_54 = arith.constant 384 : i32
    %add3A_55 = arith.addi %mul3A_53, %add3A_54 : i32
    "tpu.region"() ({
      %run_scoped3A_212 = tpu.sem_alloc : memref<!tpu.dma_semaphore, #tpu.memory_space<semaphore_mem>>
      %dma_start3A_213 = arith.constant 0 : i32
      %dma_start3A_214 = tpu.memref_slice %arg12[%add3A_55, %dma_start3A_213] : memref<10240x128xf32, #tpu.memory_space<vmem_shared>> -> memref<128x128xf32, #tpu.memory_space<vmem_shared>>
      %dma_start3A_215 = arith.constant 0 : i32
      %dma_start3A_216 = tpu.memref_slice %arg12[%add3A_55, %dma_start3A_215] : memref<10240x128xf32, #tpu.memory_space<vmem_shared>> -> memref<128x128xf32, #tpu.memory_space<vmem_shared>>
      tpu.enqueue_dma source(%arg9 : memref<128x128xf32, #tpu.memory_space<vmem>>) target(%dma_start3A_216 : memref<128x128xf32, #tpu.memory_space<vmem_shared>>) target_semaphore(%run_scoped3A_212 : memref<!tpu.dma_semaphore, #tpu.memory_space<semaphore_mem>>)
      %dma_wait3A_217 = arith.constant 0 : i32
      %dma_wait3A_218 = tpu.memref_slice %arg12[%add3A_55, %dma_wait3A_217] : memref<10240x128xf32, #tpu.memory_space<vmem_shared>> -> memref<128x128xf32, #tpu.memory_space<vmem_shared>>
      %dma_wait3A_219 = arith.constant 0 : i32
      %dma_wait3A_220 = tpu.memref_slice %arg12[%add3A_55, %dma_wait3A_219] : memref<10240x128xf32, #tpu.memory_space<vmem_shared>> -> memref<128x128xf32, #tpu.memory_space<vmem_shared>>
      tpu.wait_dma2 semaphore(%run_scoped3A_212 : memref<!tpu.dma_semaphore, #tpu.memory_space<semaphore_mem>>) src(%arg9 : memref<128x128xf32, #tpu.memory_space<vmem>>) dst(%dma_wait3A_220 : memref<128x128xf32, #tpu.memory_space<vmem_shared>>)
      tpu.yield
    }) : () -> ()
    %mul3A_56 = arith.constant 624 : i32
    %mul3A_57 = arith.muli %arg1, %mul3A_56 : i32
    %add3A_58 = arith.constant 512 : i32
    %add3A_59 = arith.addi %mul3A_57, %add3A_58 : i32
    "tpu.region"() ({
      %run_scoped3A_212 = tpu.sem_alloc : memref<!tpu.dma_semaphore, #tpu.memory_space<semaphore_mem>>
      %dma_start3A_213 = arith.constant 0 : i32
      %dma_start3A_214 = arith.constant 0 : i32
      %dma_start3A_215 = tpu.memref_slice %arg9[%dma_start3A_213, %dma_start3A_214] : memref<128x128xf32, #tpu.memory_space<vmem>> -> memref<112x128xf32, #tpu.memory_space<vmem>>
      %dma_start3A_216 = arith.constant 0 : i32
      %dma_start3A_217 = tpu.memref_slice %arg12[%add3A_59, %dma_start3A_216] : memref<10240x128xf32, #tpu.memory_space<vmem_shared>> -> memref<112x128xf32, #tpu.memory_space<vmem_shared>>
      %dma_start3A_218 = arith.constant 0 : i32
      %dma_start3A_219 = tpu.memref_slice %arg12[%add3A_59, %dma_start3A_218] : memref<10240x128xf32, #tpu.memory_space<vmem_shared>> -> memref<112x128xf32, #tpu.memory_space<vmem_shared>>
      %dma_start3A_220 = arith.constant 0 : i32
      %dma_start3A_221 = arith.constant 0 : i32
      %dma_start3A_222 = tpu.memref_slice %arg9[%dma_start3A_220, %dma_start3A_221] : memref<128x128xf32, #tpu.memory_space<vmem>> -> memref<112x128xf32, #tpu.memory_space<vmem>>
      tpu.enqueue_dma source(%dma_start3A_222 : memref<112x128xf32, #tpu.memory_space<vmem>>) target(%dma_start3A_219 : memref<112x128xf32, #tpu.memory_space<vmem_shared>>) target_semaphore(%run_scoped3A_212 : memref<!tpu.dma_semaphore, #tpu.memory_space<semaphore_mem>>)
      %dma_wait3A_223 = arith.constant 0 : i32
      %dma_wait3A_224 = arith.constant 0 : i32
      %dma_wait3A_225 = tpu.memref_slice %arg9[%dma_wait3A_223, %dma_wait3A_224] : memref<128x128xf32, #tpu.memory_space<vmem>> -> memref<112x128xf32, #tpu.memory_space<vmem>>
      %dma_wait3A_226 = arith.constant 0 : i32
      %dma_wait3A_227 = tpu.memref_slice %arg12[%add3A_59, %dma_wait3A_226] : memref<10240x128xf32, #tpu.memory_space<vmem_shared>> -> memref<112x128xf32, #tpu.memory_space<vmem_shared>>
      %dma_wait3A_228 = arith.constant 0 : i32
      %dma_wait3A_229 = tpu.memref_slice %arg12[%add3A_59, %dma_wait3A_228] : memref<10240x128xf32, #tpu.memory_space<vmem_shared>> -> memref<112x128xf32, #tpu.memory_space<vmem_shared>>
      %dma_wait3A_230 = arith.constant 0 : i32
      %dma_wait3A_231 = arith.constant 0 : i32
      %dma_wait3A_232 = tpu.memref_slice %arg9[%dma_wait3A_230, %dma_wait3A_231] : memref<128x128xf32, #tpu.memory_space<vmem>> -> memref<112x128xf32, #tpu.memory_space<vmem>>
      tpu.wait_dma2 semaphore(%run_scoped3A_212 : memref<!tpu.dma_semaphore, #tpu.memory_space<semaphore_mem>>) src(%dma_wait3A_232 : memref<112x128xf32, #tpu.memory_space<vmem>>) dst(%dma_wait3A_229 : memref<112x128xf32, #tpu.memory_space<vmem_shared>>)
      tpu.yield
    }) : () -> ()
    %eq3A = arith.constant 15 : i32
    %eq3A_60 = arith.cmpi eq, %arg1, %eq3A : i32
    %convert_element_type3A = arith.extui %eq3A_60 : i1 to i32
    %cond3A = arith.constant 0 : i32
    %cond3A_61 = arith.cmpi ne, %convert_element_type3A, %cond3A : i32
    scf.if %cond3A_61 {
      "tpu.region"() ({
        %run_scoped3A_212 = tpu.sem_alloc : memref<!tpu.dma_semaphore, #tpu.memory_space<semaphore_mem>>
        %dma_start3A_213 = arith.constant 0 : i32
        %dma_start3A_214 = arith.constant 0 : i32
        %dma_start3A_215 = tpu.memref_slice %arg9[%dma_start3A_213, %dma_start3A_214] : memref<128x128xf32, #tpu.memory_space<vmem>> -> memref<16x128xf32, #tpu.memory_space<vmem>>
        %dma_start3A_216 = arith.constant 9984 : i32
        %dma_start3A_217 = arith.constant 0 : i32
        %dma_start3A_218 = tpu.memref_slice %arg12[%dma_start3A_216, %dma_start3A_217] : memref<10240x128xf32, #tpu.memory_space<vmem_shared>> -> memref<16x128xf32, #tpu.memory_space<vmem_shared>>
        %dma_start3A_219 = arith.constant 9984 : i32
        %dma_start3A_220 = arith.constant 0 : i32
        %dma_start3A_221 = tpu.memref_slice %arg12[%dma_start3A_219, %dma_start3A_220] : memref<10240x128xf32, #tpu.memory_space<vmem_shared>> -> memref<16x128xf32, #tpu.memory_space<vmem_shared>>
        %dma_start3A_222 = arith.constant 0 : i32
        %dma_start3A_223 = arith.constant 0 : i32
        %dma_start3A_224 = tpu.memref_slice %arg9[%dma_start3A_222, %dma_start3A_223] : memref<128x128xf32, #tpu.memory_space<vmem>> -> memref<16x128xf32, #tpu.memory_space<vmem>>
        tpu.enqueue_dma source(%dma_start3A_224 : memref<16x128xf32, #tpu.memory_space<vmem>>) target(%dma_start3A_221 : memref<16x128xf32, #tpu.memory_space<vmem_shared>>) target_semaphore(%run_scoped3A_212 : memref<!tpu.dma_semaphore, #tpu.memory_space<semaphore_mem>>)
        %dma_wait3A_225 = arith.constant 0 : i32
        %dma_wait3A_226 = arith.constant 0 : i32
        %dma_wait3A_227 = tpu.memref_slice %arg9[%dma_wait3A_225, %dma_wait3A_226] : memref<128x128xf32, #tpu.memory_space<vmem>> -> memref<16x128xf32, #tpu.memory_space<vmem>>
        %dma_wait3A_228 = arith.constant 9984 : i32
        %dma_wait3A_229 = arith.constant 0 : i32
        %dma_wait3A_230 = tpu.memref_slice %arg12[%dma_wait3A_228, %dma_wait3A_229] : memref<10240x128xf32, #tpu.memory_space<vmem_shared>> -> memref<16x128xf32, #tpu.memory_space<vmem_shared>>
        %dma_wait3A_231 = arith.constant 9984 : i32
        %dma_wait3A_232 = arith.constant 0 : i32
        %dma_wait3A_233 = tpu.memref_slice %arg12[%dma_wait3A_231, %dma_wait3A_232] : memref<10240x128xf32, #tpu.memory_space<vmem_shared>> -> memref<16x128xf32, #tpu.memory_space<vmem_shared>>
        %dma_wait3A_234 = arith.constant 0 : i32
        %dma_wait3A_235 = arith.constant 0 : i32
        %dma_wait3A_236 = tpu.memref_slice %arg9[%dma_wait3A_234, %dma_wait3A_235] : memref<128x128xf32, #tpu.memory_space<vmem>> -> memref<16x128xf32, #tpu.memory_space<vmem>>
        tpu.wait_dma2 semaphore(%run_scoped3A_212 : memref<!tpu.dma_semaphore, #tpu.memory_space<semaphore_mem>>) src(%dma_wait3A_236 : memref<16x128xf32, #tpu.memory_space<vmem>>) dst(%dma_wait3A_233 : memref<16x128xf32, #tpu.memory_space<vmem_shared>>)
        tpu.yield
      }) : () -> ()
    } else {
    }
    %mul3A_62 = arith.constant 640 : i32
    %mul3A_63 = arith.muli %arg1, %mul3A_62 : i32
    %add3A_64 = arith.constant 0 : i32
    %add3A_65 = arith.addi %mul3A_63, %add3A_64 : i32
    %run_scoped3A = arith.constant 0 : i32
    "tpu.region"() ({
      %run_scoped3A_212 = tpu.sem_alloc : memref<!tpu.dma_semaphore, #tpu.memory_space<semaphore_mem>>
      %dma_start3A_213 = arith.constant 0 : i32
      %dma_start3A_214 = tpu.memref_slice %arg9[%run_scoped3A, %dma_start3A_213] : memref<128x128xf32, #tpu.memory_space<vmem>> -> memref<1x128xf32, #tpu.memory_space<vmem>>
      %dma_start3A_215 = tpu.memref_squeeze %dma_start3A_214 : memref<1x128xf32, #tpu.memory_space<vmem>> -> memref<128xf32, #tpu.memory_space<vmem>>
      %dma_start3A_216 = tpu.memref_slice %arg13[%add3A_65] : memref<10240xf32, #tpu.memory_space<vmem_shared>> -> memref<128xf32, #tpu.memory_space<vmem_shared>>
      %dma_start3A_217 = tpu.memref_slice %arg13[%add3A_65] : memref<10240xf32, #tpu.memory_space<vmem_shared>> -> memref<128xf32, #tpu.memory_space<vmem_shared>>
      %dma_start3A_218 = arith.constant 0 : i32
      %dma_start3A_219 = tpu.memref_slice %arg9[%run_scoped3A, %dma_start3A_218] : memref<128x128xf32, #tpu.memory_space<vmem>> -> memref<1x128xf32, #tpu.memory_space<vmem>>
      %dma_start3A_220 = tpu.memref_squeeze %dma_start3A_219 : memref<1x128xf32, #tpu.memory_space<vmem>> -> memref<128xf32, #tpu.memory_space<vmem>>
      tpu.enqueue_dma source(%dma_start3A_220 : memref<128xf32, #tpu.memory_space<vmem>>) target(%dma_start3A_217 : memref<128xf32, #tpu.memory_space<vmem_shared>>) target_semaphore(%run_scoped3A_212 : memref<!tpu.dma_semaphore, #tpu.memory_space<semaphore_mem>>)
      %dma_wait3A_221 = arith.constant 0 : i32
      %dma_wait3A_222 = tpu.memref_slice %arg9[%run_scoped3A, %dma_wait3A_221] : memref<128x128xf32, #tpu.memory_space<vmem>> -> memref<1x128xf32, #tpu.memory_space<vmem>>
      %dma_wait3A_223 = tpu.memref_squeeze %dma_wait3A_222 : memref<1x128xf32, #tpu.memory_space<vmem>> -> memref<128xf32, #tpu.memory_space<vmem>>
      %dma_wait3A_224 = tpu.memref_slice %arg13[%add3A_65] : memref<10240xf32, #tpu.memory_space<vmem_shared>> -> memref<128xf32, #tpu.memory_space<vmem_shared>>
      %dma_wait3A_225 = tpu.memref_slice %arg13[%add3A_65] : memref<10240xf32, #tpu.memory_space<vmem_shared>> -> memref<128xf32, #tpu.memory_space<vmem_shared>>
      %dma_wait3A_226 = arith.constant 0 : i32
      %dma_wait3A_227 = tpu.memref_slice %arg9[%run_scoped3A, %dma_wait3A_226] : memref<128x128xf32, #tpu.memory_space<vmem>> -> memref<1x128xf32, #tpu.memory_space<vmem>>
      %dma_wait3A_228 = tpu.memref_squeeze %dma_wait3A_227 : memref<1x128xf32, #tpu.memory_space<vmem>> -> memref<128xf32, #tpu.memory_space<vmem>>
      tpu.wait_dma2 semaphore(%run_scoped3A_212 : memref<!tpu.dma_semaphore, #tpu.memory_space<semaphore_mem>>) src(%dma_wait3A_228 : memref<128xf32, #tpu.memory_space<vmem>>) dst(%dma_wait3A_225 : memref<128xf32, #tpu.memory_space<vmem_shared>>)
      tpu.yield
    }) : () -> ()
    %mul3A_66 = arith.constant 640 : i32
    %mul3A_67 = arith.muli %arg1, %mul3A_66 : i32
    %add3A_68 = arith.constant 128 : i32
    %add3A_69 = arith.addi %mul3A_67, %add3A_68 : i32
    %run_scoped3A_70 = arith.constant 0 : i32
    "tpu.region"() ({
      %run_scoped3A_212 = tpu.sem_alloc : memref<!tpu.dma_semaphore, #tpu.memory_space<semaphore_mem>>
      %dma_start3A_213 = arith.constant 0 : i32
      %dma_start3A_214 = tpu.memref_slice %arg9[%run_scoped3A_70, %dma_start3A_213] : memref<128x128xf32, #tpu.memory_space<vmem>> -> memref<1x128xf32, #tpu.memory_space<vmem>>
      %dma_start3A_215 = tpu.memref_squeeze %dma_start3A_214 : memref<1x128xf32, #tpu.memory_space<vmem>> -> memref<128xf32, #tpu.memory_space<vmem>>
      %dma_start3A_216 = tpu.memref_slice %arg13[%add3A_69] : memref<10240xf32, #tpu.memory_space<vmem_shared>> -> memref<128xf32, #tpu.memory_space<vmem_shared>>
      %dma_start3A_217 = tpu.memref_slice %arg13[%add3A_69] : memref<10240xf32, #tpu.memory_space<vmem_shared>> -> memref<128xf32, #tpu.memory_space<vmem_shared>>
      %dma_start3A_218 = arith.constant 0 : i32
      %dma_start3A_219 = tpu.memref_slice %arg9[%run_scoped3A_70, %dma_start3A_218] : memref<128x128xf32, #tpu.memory_space<vmem>> -> memref<1x128xf32, #tpu.memory_space<vmem>>
      %dma_start3A_220 = tpu.memref_squeeze %dma_start3A_219 : memref<1x128xf32, #tpu.memory_space<vmem>> -> memref<128xf32, #tpu.memory_space<vmem>>
      tpu.enqueue_dma source(%dma_start3A_220 : memref<128xf32, #tpu.memory_space<vmem>>) target(%dma_start3A_217 : memref<128xf32, #tpu.memory_space<vmem_shared>>) target_semaphore(%run_scoped3A_212 : memref<!tpu.dma_semaphore, #tpu.memory_space<semaphore_mem>>)
      %dma_wait3A_221 = arith.constant 0 : i32
      %dma_wait3A_222 = tpu.memref_slice %arg9[%run_scoped3A_70, %dma_wait3A_221] : memref<128x128xf32, #tpu.memory_space<vmem>> -> memref<1x128xf32, #tpu.memory_space<vmem>>
      %dma_wait3A_223 = tpu.memref_squeeze %dma_wait3A_222 : memref<1x128xf32, #tpu.memory_space<vmem>> -> memref<128xf32, #tpu.memory_space<vmem>>
      %dma_wait3A_224 = tpu.memref_slice %arg13[%add3A_69] : memref<10240xf32, #tpu.memory_space<vmem_shared>> -> memref<128xf32, #tpu.memory_space<vmem_shared>>
      %dma_wait3A_225 = tpu.memref_slice %arg13[%add3A_69] : memref<10240xf32, #tpu.memory_space<vmem_shared>> -> memref<128xf32, #tpu.memory_space<vmem_shared>>
      %dma_wait3A_226 = arith.constant 0 : i32
      %dma_wait3A_227 = tpu.memref_slice %arg9[%run_scoped3A_70, %dma_wait3A_226] : memref<128x128xf32, #tpu.memory_space<vmem>> -> memref<1x128xf32, #tpu.memory_space<vmem>>
      %dma_wait3A_228 = tpu.memref_squeeze %dma_wait3A_227 : memref<1x128xf32, #tpu.memory_space<vmem>> -> memref<128xf32, #tpu.memory_space<vmem>>
      tpu.wait_dma2 semaphore(%run_scoped3A_212 : memref<!tpu.dma_semaphore, #tpu.memory_space<semaphore_mem>>) src(%dma_wait3A_228 : memref<128xf32, #tpu.memory_space<vmem>>) dst(%dma_wait3A_225 : memref<128xf32, #tpu.memory_space<vmem_shared>>)
      tpu.yield
    }) : () -> ()
    %mul3A_71 = arith.constant 640 : i32
    %mul3A_72 = arith.muli %arg1, %mul3A_71 : i32
    %add3A_73 = arith.constant 256 : i32
    %add3A_74 = arith.addi %mul3A_72, %add3A_73 : i32
    %run_scoped3A_75 = arith.constant 0 : i32
    "tpu.region"() ({
      %run_scoped3A_212 = tpu.sem_alloc : memref<!tpu.dma_semaphore, #tpu.memory_space<semaphore_mem>>
      %dma_start3A_213 = arith.constant 0 : i32
      %dma_start3A_214 = tpu.memref_slice %arg9[%run_scoped3A_75, %dma_start3A_213] : memref<128x128xf32, #tpu.memory_space<vmem>> -> memref<1x128xf32, #tpu.memory_space<vmem>>
      %dma_start3A_215 = tpu.memref_squeeze %dma_start3A_214 : memref<1x128xf32, #tpu.memory_space<vmem>> -> memref<128xf32, #tpu.memory_space<vmem>>
      %dma_start3A_216 = tpu.memref_slice %arg13[%add3A_74] : memref<10240xf32, #tpu.memory_space<vmem_shared>> -> memref<128xf32, #tpu.memory_space<vmem_shared>>
      %dma_start3A_217 = tpu.memref_slice %arg13[%add3A_74] : memref<10240xf32, #tpu.memory_space<vmem_shared>> -> memref<128xf32, #tpu.memory_space<vmem_shared>>
      %dma_start3A_218 = arith.constant 0 : i32
      %dma_start3A_219 = tpu.memref_slice %arg9[%run_scoped3A_75, %dma_start3A_218] : memref<128x128xf32, #tpu.memory_space<vmem>> -> memref<1x128xf32, #tpu.memory_space<vmem>>
      %dma_start3A_220 = tpu.memref_squeeze %dma_start3A_219 : memref<1x128xf32, #tpu.memory_space<vmem>> -> memref<128xf32, #tpu.memory_space<vmem>>
      tpu.enqueue_dma source(%dma_start3A_220 : memref<128xf32, #tpu.memory_space<vmem>>) target(%dma_start3A_217 : memref<128xf32, #tpu.memory_space<vmem_shared>>) target_semaphore(%run_scoped3A_212 : memref<!tpu.dma_semaphore, #tpu.memory_space<semaphore_mem>>)
      %dma_wait3A_221 = arith.constant 0 : i32
      %dma_wait3A_222 = tpu.memref_slice %arg9[%run_scoped3A_75, %dma_wait3A_221] : memref<128x128xf32, #tpu.memory_space<vmem>> -> memref<1x128xf32, #tpu.memory_space<vmem>>
      %dma_wait3A_223 = tpu.memref_squeeze %dma_wait3A_222 : memref<1x128xf32, #tpu.memory_space<vmem>> -> memref<128xf32, #tpu.memory_space<vmem>>
      %dma_wait3A_224 = tpu.memref_slice %arg13[%add3A_74] : memref<10240xf32, #tpu.memory_space<vmem_shared>> -> memref<128xf32, #tpu.memory_space<vmem_shared>>
      %dma_wait3A_225 = tpu.memref_slice %arg13[%add3A_74] : memref<10240xf32, #tpu.memory_space<vmem_shared>> -> memref<128xf32, #tpu.memory_space<vmem_shared>>
      %dma_wait3A_226 = arith.constant 0 : i32
      %dma_wait3A_227 = tpu.memref_slice %arg9[%run_scoped3A_75, %dma_wait3A_226] : memref<128x128xf32, #tpu.memory_space<vmem>> -> memref<1x128xf32, #tpu.memory_space<vmem>>
      %dma_wait3A_228 = tpu.memref_squeeze %dma_wait3A_227 : memref<1x128xf32, #tpu.memory_space<vmem>> -> memref<128xf32, #tpu.memory_space<vmem>>
      tpu.wait_dma2 semaphore(%run_scoped3A_212 : memref<!tpu.dma_semaphore, #tpu.memory_space<semaphore_mem>>) src(%dma_wait3A_228 : memref<128xf32, #tpu.memory_space<vmem>>) dst(%dma_wait3A_225 : memref<128xf32, #tpu.memory_space<vmem_shared>>)
      tpu.yield
    }) : () -> ()
    %mul3A_76 = arith.constant 640 : i32
    %mul3A_77 = arith.muli %arg1, %mul3A_76 : i32
    %add3A_78 = arith.constant 384 : i32
    %add3A_79 = arith.addi %mul3A_77, %add3A_78 : i32
    %run_scoped3A_80 = arith.constant 0 : i32
    "tpu.region"() ({
      %run_scoped3A_212 = tpu.sem_alloc : memref<!tpu.dma_semaphore, #tpu.memory_space<semaphore_mem>>
      %dma_start3A_213 = arith.constant 0 : i32
      %dma_start3A_214 = tpu.memref_slice %arg9[%run_scoped3A_80, %dma_start3A_213] : memref<128x128xf32, #tpu.memory_space<vmem>> -> memref<1x128xf32, #tpu.memory_space<vmem>>
      %dma_start3A_215 = tpu.memref_squeeze %dma_start3A_214 : memref<1x128xf32, #tpu.memory_space<vmem>> -> memref<128xf32, #tpu.memory_space<vmem>>
      %dma_start3A_216 = tpu.memref_slice %arg13[%add3A_79] : memref<10240xf32, #tpu.memory_space<vmem_shared>> -> memref<128xf32, #tpu.memory_space<vmem_shared>>
      %dma_start3A_217 = tpu.memref_slice %arg13[%add3A_79] : memref<10240xf32, #tpu.memory_space<vmem_shared>> -> memref<128xf32, #tpu.memory_space<vmem_shared>>
      %dma_start3A_218 = arith.constant 0 : i32
      %dma_start3A_219 = tpu.memref_slice %arg9[%run_scoped3A_80, %dma_start3A_218] : memref<128x128xf32, #tpu.memory_space<vmem>> -> memref<1x128xf32, #tpu.memory_space<vmem>>
      %dma_start3A_220 = tpu.memref_squeeze %dma_start3A_219 : memref<1x128xf32, #tpu.memory_space<vmem>> -> memref<128xf32, #tpu.memory_space<vmem>>
      tpu.enqueue_dma source(%dma_start3A_220 : memref<128xf32, #tpu.memory_space<vmem>>) target(%dma_start3A_217 : memref<128xf32, #tpu.memory_space<vmem_shared>>) target_semaphore(%run_scoped3A_212 : memref<!tpu.dma_semaphore, #tpu.memory_space<semaphore_mem>>)
      %dma_wait3A_221 = arith.constant 0 : i32
      %dma_wait3A_222 = tpu.memref_slice %arg9[%run_scoped3A_80, %dma_wait3A_221] : memref<128x128xf32, #tpu.memory_space<vmem>> -> memref<1x128xf32, #tpu.memory_space<vmem>>
      %dma_wait3A_223 = tpu.memref_squeeze %dma_wait3A_222 : memref<1x128xf32, #tpu.memory_space<vmem>> -> memref<128xf32, #tpu.memory_space<vmem>>
      %dma_wait3A_224 = tpu.memref_slice %arg13[%add3A_79] : memref<10240xf32, #tpu.memory_space<vmem_shared>> -> memref<128xf32, #tpu.memory_space<vmem_shared>>
      %dma_wait3A_225 = tpu.memref_slice %arg13[%add3A_79] : memref<10240xf32, #tpu.memory_space<vmem_shared>> -> memref<128xf32, #tpu.memory_space<vmem_shared>>
      %dma_wait3A_226 = arith.constant 0 : i32
      %dma_wait3A_227 = tpu.memref_slice %arg9[%run_scoped3A_80, %dma_wait3A_226] : memref<128x128xf32, #tpu.memory_space<vmem>> -> memref<1x128xf32, #tpu.memory_space<vmem>>
      %dma_wait3A_228 = tpu.memref_squeeze %dma_wait3A_227 : memref<1x128xf32, #tpu.memory_space<vmem>> -> memref<128xf32, #tpu.memory_space<vmem>>
      tpu.wait_dma2 semaphore(%run_scoped3A_212 : memref<!tpu.dma_semaphore, #tpu.memory_space<semaphore_mem>>) src(%dma_wait3A_228 : memref<128xf32, #tpu.memory_space<vmem>>) dst(%dma_wait3A_225 : memref<128xf32, #tpu.memory_space<vmem_shared>>)
      tpu.yield
    }) : () -> ()
    %mul3A_81 = arith.constant 640 : i32
    %mul3A_82 = arith.muli %arg1, %mul3A_81 : i32
    %add3A_83 = arith.constant 512 : i32
    %add3A_84 = arith.addi %mul3A_82, %add3A_83 : i32
    %run_scoped3A_85 = arith.constant 0 : i32
    "tpu.region"() ({
      %run_scoped3A_212 = tpu.sem_alloc : memref<!tpu.dma_semaphore, #tpu.memory_space<semaphore_mem>>
      %dma_start3A_213 = arith.constant 0 : i32
      %dma_start3A_214 = tpu.memref_slice %arg9[%run_scoped3A_85, %dma_start3A_213] : memref<128x128xf32, #tpu.memory_space<vmem>> -> memref<1x128xf32, #tpu.memory_space<vmem>>
      %dma_start3A_215 = tpu.memref_squeeze %dma_start3A_214 : memref<1x128xf32, #tpu.memory_space<vmem>> -> memref<128xf32, #tpu.memory_space<vmem>>
      %dma_start3A_216 = tpu.memref_slice %arg13[%add3A_84] : memref<10240xf32, #tpu.memory_space<vmem_shared>> -> memref<128xf32, #tpu.memory_space<vmem_shared>>
      %dma_start3A_217 = tpu.memref_slice %arg13[%add3A_84] : memref<10240xf32, #tpu.memory_space<vmem_shared>> -> memref<128xf32, #tpu.memory_space<vmem_shared>>
      %dma_start3A_218 = arith.constant 0 : i32
      %dma_start3A_219 = tpu.memref_slice %arg9[%run_scoped3A_85, %dma_start3A_218] : memref<128x128xf32, #tpu.memory_space<vmem>> -> memref<1x128xf32, #tpu.memory_space<vmem>>
      %dma_start3A_220 = tpu.memref_squeeze %dma_start3A_219 : memref<1x128xf32, #tpu.memory_space<vmem>> -> memref<128xf32, #tpu.memory_space<vmem>>
      tpu.enqueue_dma source(%dma_start3A_220 : memref<128xf32, #tpu.memory_space<vmem>>) target(%dma_start3A_217 : memref<128xf32, #tpu.memory_space<vmem_shared>>) target_semaphore(%run_scoped3A_212 : memref<!tpu.dma_semaphore, #tpu.memory_space<semaphore_mem>>)
      %dma_wait3A_221 = arith.constant 0 : i32
      %dma_wait3A_222 = tpu.memref_slice %arg9[%run_scoped3A_85, %dma_wait3A_221] : memref<128x128xf32, #tpu.memory_space<vmem>> -> memref<1x128xf32, #tpu.memory_space<vmem>>
      %dma_wait3A_223 = tpu.memref_squeeze %dma_wait3A_222 : memref<1x128xf32, #tpu.memory_space<vmem>> -> memref<128xf32, #tpu.memory_space<vmem>>
      %dma_wait3A_224 = tpu.memref_slice %arg13[%add3A_84] : memref<10240xf32, #tpu.memory_space<vmem_shared>> -> memref<128xf32, #tpu.memory_space<vmem_shared>>
      %dma_wait3A_225 = tpu.memref_slice %arg13[%add3A_84] : memref<10240xf32, #tpu.memory_space<vmem_shared>> -> memref<128xf32, #tpu.memory_space<vmem_shared>>
      %dma_wait3A_226 = arith.constant 0 : i32
      %dma_wait3A_227 = tpu.memref_slice %arg9[%run_scoped3A_85, %dma_wait3A_226] : memref<128x128xf32, #tpu.memory_space<vmem>> -> memref<1x128xf32, #tpu.memory_space<vmem>>
      %dma_wait3A_228 = tpu.memref_squeeze %dma_wait3A_227 : memref<1x128xf32, #tpu.memory_space<vmem>> -> memref<128xf32, #tpu.memory_space<vmem>>
      tpu.wait_dma2 semaphore(%run_scoped3A_212 : memref<!tpu.dma_semaphore, #tpu.memory_space<semaphore_mem>>) src(%dma_wait3A_228 : memref<128xf32, #tpu.memory_space<vmem>>) dst(%dma_wait3A_225 : memref<128xf32, #tpu.memory_space<vmem_shared>>)
      tpu.yield
    }) : () -> ()
    %barrier3A = arith.constant 0 : index
    tpu.barrier barrier_id(%barrier3A)
    %run_scoped3A_86 = arith.constant 0 : i32
    %run_scoped3A_87 = arith.constant 0 : i32
    "tpu.region"() ({
      %run_scoped3A_212 = tpu.sem_alloc : memref<!tpu.dma_semaphore, #tpu.memory_space<semaphore_mem>>
      %dma_start3A_213 = arith.constant 0 : i32
      %dma_start3A_214 = arith.constant 0 : i32
      %dma_start3A_215 = tpu.memref_slice %arg7[%run_scoped3A_87, %dma_start3A_213, %dma_start3A_214] : memref<2x8x128xi32, #tpu.memory_space<vmem>> -> memref<1x8x128xi32, #tpu.memory_space<vmem>>
      %dma_start3A_216 = tpu.memref_squeeze %dma_start3A_215 : memref<1x8x128xi32, #tpu.memory_space<vmem>> -> memref<8x128xi32, #tpu.memory_space<vmem>>
      %dma_start3A_217 = arith.constant 0 : i32
      %dma_start3A_218 = arith.constant 0 : i32
      %dma_start3A_219 = tpu.memref_slice %arg3[%add3A, %run_scoped3A_86, %dma_start3A_217, %dma_start3A_218] : memref<32x10x8x128xi32, #tpu.memory_space<hbm>> -> memref<1x1x8x128xi32, #tpu.memory_space<hbm>>
      %dma_start3A_220 = tpu.memref_squeeze %dma_start3A_219 : memref<1x1x8x128xi32, #tpu.memory_space<hbm>> -> memref<8x128xi32, #tpu.memory_space<hbm>>
      %dma_start3A_221 = arith.constant 0 : i32
      %dma_start3A_222 = arith.constant 0 : i32
      %dma_start3A_223 = tpu.memref_slice %arg7[%run_scoped3A_87, %dma_start3A_221, %dma_start3A_222] : memref<2x8x128xi32, #tpu.memory_space<vmem>> -> memref<1x8x128xi32, #tpu.memory_space<vmem>>
      %dma_start3A_224 = tpu.memref_squeeze %dma_start3A_223 : memref<1x8x128xi32, #tpu.memory_space<vmem>> -> memref<8x128xi32, #tpu.memory_space<vmem>>
      %dma_start3A_225 = arith.constant 0 : i32
      %dma_start3A_226 = arith.constant 0 : i32
      %dma_start3A_227 = tpu.memref_slice %arg3[%add3A, %run_scoped3A_86, %dma_start3A_225, %dma_start3A_226] : memref<32x10x8x128xi32, #tpu.memory_space<hbm>> -> memref<1x1x8x128xi32, #tpu.memory_space<hbm>>
      %dma_start3A_228 = tpu.memref_squeeze %dma_start3A_227 : memref<1x1x8x128xi32, #tpu.memory_space<hbm>> -> memref<8x128xi32, #tpu.memory_space<hbm>>
      tpu.enqueue_dma source(%dma_start3A_228 : memref<8x128xi32, #tpu.memory_space<hbm>>) target(%dma_start3A_224 : memref<8x128xi32, #tpu.memory_space<vmem>>) target_semaphore(%run_scoped3A_212 : memref<!tpu.dma_semaphore, #tpu.memory_space<semaphore_mem>>)
      %dma_wait3A_229 = arith.constant 0 : i32
      %dma_wait3A_230 = arith.constant 0 : i32
      %dma_wait3A_231 = tpu.memref_slice %arg7[%run_scoped3A_87, %dma_wait3A_229, %dma_wait3A_230] : memref<2x8x128xi32, #tpu.memory_space<vmem>> -> memref<1x8x128xi32, #tpu.memory_space<vmem>>
      %dma_wait3A_232 = tpu.memref_squeeze %dma_wait3A_231 : memref<1x8x128xi32, #tpu.memory_space<vmem>> -> memref<8x128xi32, #tpu.memory_space<vmem>>
      %dma_wait3A_233 = arith.constant 0 : i32
      %dma_wait3A_234 = arith.constant 0 : i32
      %dma_wait3A_235 = tpu.memref_slice %arg3[%add3A, %run_scoped3A_86, %dma_wait3A_233, %dma_wait3A_234] : memref<32x10x8x128xi32, #tpu.memory_space<hbm>> -> memref<1x1x8x128xi32, #tpu.memory_space<hbm>>
      %dma_wait3A_236 = tpu.memref_squeeze %dma_wait3A_235 : memref<1x1x8x128xi32, #tpu.memory_space<hbm>> -> memref<8x128xi32, #tpu.memory_space<hbm>>
      %dma_wait3A_237 = arith.constant 0 : i32
      %dma_wait3A_238 = arith.constant 0 : i32
      %dma_wait3A_239 = tpu.memref_slice %arg7[%run_scoped3A_87, %dma_wait3A_237, %dma_wait3A_238] : memref<2x8x128xi32, #tpu.memory_space<vmem>> -> memref<1x8x128xi32, #tpu.memory_space<vmem>>
      %dma_wait3A_240 = tpu.memref_squeeze %dma_wait3A_239 : memref<1x8x128xi32, #tpu.memory_space<vmem>> -> memref<8x128xi32, #tpu.memory_space<vmem>>
      %dma_wait3A_241 = arith.constant 0 : i32
      %dma_wait3A_242 = arith.constant 0 : i32
      %dma_wait3A_243 = tpu.memref_slice %arg3[%add3A, %run_scoped3A_86, %dma_wait3A_241, %dma_wait3A_242] : memref<32x10x8x128xi32, #tpu.memory_space<hbm>> -> memref<1x1x8x128xi32, #tpu.memory_space<hbm>>
      %dma_wait3A_244 = tpu.memref_squeeze %dma_wait3A_243 : memref<1x1x8x128xi32, #tpu.memory_space<hbm>> -> memref<8x128xi32, #tpu.memory_space<hbm>>
      tpu.wait_dma2 semaphore(%run_scoped3A_212 : memref<!tpu.dma_semaphore, #tpu.memory_space<semaphore_mem>>) src(%dma_wait3A_244 : memref<8x128xi32, #tpu.memory_space<hbm>>) dst(%dma_wait3A_240 : memref<8x128xi32, #tpu.memory_space<vmem>>)
      tpu.yield
    }) : () -> ()
    %run_scoped3A_88 = arith.constant 0 : i32
    %run_scoped3A_89 = arith.constant 0 : i32
    "tpu.region"() ({
      %run_scoped3A_212 = tpu.sem_alloc : memref<!tpu.dma_semaphore, #tpu.memory_space<semaphore_mem>>
      %dma_start3A_213 = arith.constant 0 : i32
      %dma_start3A_214 = arith.constant 0 : i32
      %dma_start3A_215 = tpu.memref_slice %arg8[%run_scoped3A_89, %dma_start3A_213, %dma_start3A_214] : memref<2x8x128xi32, #tpu.memory_space<vmem>> -> memref<1x8x128xi32, #tpu.memory_space<vmem>>
      %dma_start3A_216 = tpu.memref_squeeze %dma_start3A_215 : memref<1x8x128xi32, #tpu.memory_space<vmem>> -> memref<8x128xi32, #tpu.memory_space<vmem>>
      %dma_start3A_217 = arith.constant 0 : i32
      %dma_start3A_218 = arith.constant 0 : i32
      %dma_start3A_219 = tpu.memref_slice %arg4[%add3A, %run_scoped3A_88, %dma_start3A_217, %dma_start3A_218] : memref<32x10x8x128xi32, #tpu.memory_space<hbm>> -> memref<1x1x8x128xi32, #tpu.memory_space<hbm>>
      %dma_start3A_220 = tpu.memref_squeeze %dma_start3A_219 : memref<1x1x8x128xi32, #tpu.memory_space<hbm>> -> memref<8x128xi32, #tpu.memory_space<hbm>>
      %dma_start3A_221 = arith.constant 0 : i32
      %dma_start3A_222 = arith.constant 0 : i32
      %dma_start3A_223 = tpu.memref_slice %arg8[%run_scoped3A_89, %dma_start3A_221, %dma_start3A_222] : memref<2x8x128xi32, #tpu.memory_space<vmem>> -> memref<1x8x128xi32, #tpu.memory_space<vmem>>
      %dma_start3A_224 = tpu.memref_squeeze %dma_start3A_223 : memref<1x8x128xi32, #tpu.memory_space<vmem>> -> memref<8x128xi32, #tpu.memory_space<vmem>>
      %dma_start3A_225 = arith.constant 0 : i32
      %dma_start3A_226 = arith.constant 0 : i32
      %dma_start3A_227 = tpu.memref_slice %arg4[%add3A, %run_scoped3A_88, %dma_start3A_225, %dma_start3A_226] : memref<32x10x8x128xi32, #tpu.memory_space<hbm>> -> memref<1x1x8x128xi32, #tpu.memory_space<hbm>>
      %dma_start3A_228 = tpu.memref_squeeze %dma_start3A_227 : memref<1x1x8x128xi32, #tpu.memory_space<hbm>> -> memref<8x128xi32, #tpu.memory_space<hbm>>
      tpu.enqueue_dma source(%dma_start3A_228 : memref<8x128xi32, #tpu.memory_space<hbm>>) target(%dma_start3A_224 : memref<8x128xi32, #tpu.memory_space<vmem>>) target_semaphore(%run_scoped3A_212 : memref<!tpu.dma_semaphore, #tpu.memory_space<semaphore_mem>>)
      %dma_wait3A_229 = arith.constant 0 : i32
      %dma_wait3A_230 = arith.constant 0 : i32
      %dma_wait3A_231 = tpu.memref_slice %arg8[%run_scoped3A_89, %dma_wait3A_229, %dma_wait3A_230] : memref<2x8x128xi32, #tpu.memory_space<vmem>> -> memref<1x8x128xi32, #tpu.memory_space<vmem>>
      %dma_wait3A_232 = tpu.memref_squeeze %dma_wait3A_231 : memref<1x8x128xi32, #tpu.memory_space<vmem>> -> memref<8x128xi32, #tpu.memory_space<vmem>>
      %dma_wait3A_233 = arith.constant 0 : i32
      %dma_wait3A_234 = arith.constant 0 : i32
      %dma_wait3A_235 = tpu.memref_slice %arg4[%add3A, %run_scoped3A_88, %dma_wait3A_233, %dma_wait3A_234] : memref<32x10x8x128xi32, #tpu.memory_space<hbm>> -> memref<1x1x8x128xi32, #tpu.memory_space<hbm>>
      %dma_wait3A_236 = tpu.memref_squeeze %dma_wait3A_235 : memref<1x1x8x128xi32, #tpu.memory_space<hbm>> -> memref<8x128xi32, #tpu.memory_space<hbm>>
      %dma_wait3A_237 = arith.constant 0 : i32
      %dma_wait3A_238 = arith.constant 0 : i32
      %dma_wait3A_239 = tpu.memref_slice %arg8[%run_scoped3A_89, %dma_wait3A_237, %dma_wait3A_238] : memref<2x8x128xi32, #tpu.memory_space<vmem>> -> memref<1x8x128xi32, #tpu.memory_space<vmem>>
      %dma_wait3A_240 = tpu.memref_squeeze %dma_wait3A_239 : memref<1x8x128xi32, #tpu.memory_space<vmem>> -> memref<8x128xi32, #tpu.memory_space<vmem>>
      %dma_wait3A_241 = arith.constant 0 : i32
      %dma_wait3A_242 = arith.constant 0 : i32
      %dma_wait3A_243 = tpu.memref_slice %arg4[%add3A, %run_scoped3A_88, %dma_wait3A_241, %dma_wait3A_242] : memref<32x10x8x128xi32, #tpu.memory_space<hbm>> -> memref<1x1x8x128xi32, #tpu.memory_space<hbm>>
      %dma_wait3A_244 = tpu.memref_squeeze %dma_wait3A_243 : memref<1x1x8x128xi32, #tpu.memory_space<hbm>> -> memref<8x128xi32, #tpu.memory_space<hbm>>
      tpu.wait_dma2 semaphore(%run_scoped3A_212 : memref<!tpu.dma_semaphore, #tpu.memory_space<semaphore_mem>>) src(%dma_wait3A_244 : memref<8x128xi32, #tpu.memory_space<hbm>>) dst(%dma_wait3A_240 : memref<8x128xi32, #tpu.memory_space<vmem>>)
      tpu.yield
    }) : () -> ()
    %dma_start3A = arith.constant 1 : i32
    %dma_start3A_90 = arith.constant 1 : i32
    %dma_start3A_91 = arith.constant 0 : i32
    %dma_start3A_92 = arith.constant 0 : i32
    %dma_start3A_93 = tpu.memref_slice %arg7[%dma_start3A_90, %dma_start3A_91, %dma_start3A_92] : memref<2x8x128xi32, #tpu.memory_space<vmem>> -> memref<1x8x128xi32, #tpu.memory_space<vmem>>
    %dma_start3A_94 = tpu.memref_squeeze %dma_start3A_93 : memref<1x8x128xi32, #tpu.memory_space<vmem>> -> memref<8x128xi32, #tpu.memory_space<vmem>>
    %dma_start3A_95 = arith.constant 0 : i32
    %dma_start3A_96 = arith.constant 0 : i32
    %dma_start3A_97 = tpu.memref_slice %arg3[%add3A, %dma_start3A, %dma_start3A_95, %dma_start3A_96] : memref<32x10x8x128xi32, #tpu.memory_space<hbm>> -> memref<1x1x8x128xi32, #tpu.memory_space<hbm>>
    %dma_start3A_98 = tpu.memref_squeeze %dma_start3A_97 : memref<1x1x8x128xi32, #tpu.memory_space<hbm>> -> memref<8x128xi32, #tpu.memory_space<hbm>>
    %dma_start3A_99 = arith.constant 0 : i32
    %dma_start3A_100 = arith.constant 0 : i32
    %dma_start3A_101 = tpu.memref_slice %arg7[%dma_start3A_90, %dma_start3A_99, %dma_start3A_100] : memref<2x8x128xi32, #tpu.memory_space<vmem>> -> memref<1x8x128xi32, #tpu.memory_space<vmem>>
    %dma_start3A_102 = tpu.memref_squeeze %dma_start3A_101 : memref<1x8x128xi32, #tpu.memory_space<vmem>> -> memref<8x128xi32, #tpu.memory_space<vmem>>
    %dma_start3A_103 = arith.constant 0 : i32
    %dma_start3A_104 = arith.constant 0 : i32
    %dma_start3A_105 = tpu.memref_slice %arg3[%add3A, %dma_start3A, %dma_start3A_103, %dma_start3A_104] : memref<32x10x8x128xi32, #tpu.memory_space<hbm>> -> memref<1x1x8x128xi32, #tpu.memory_space<hbm>>
    %dma_start3A_106 = tpu.memref_squeeze %dma_start3A_105 : memref<1x1x8x128xi32, #tpu.memory_space<hbm>> -> memref<8x128xi32, #tpu.memory_space<hbm>>
    tpu.enqueue_dma source(%dma_start3A_106 : memref<8x128xi32, #tpu.memory_space<hbm>>) target(%dma_start3A_102 : memref<8x128xi32, #tpu.memory_space<vmem>>) target_semaphore(%arg16 : memref<!tpu.dma_semaphore, #tpu.memory_space<semaphore_mem>>)
    %dma_start3A_107 = arith.constant 1 : i32
    %dma_start3A_108 = arith.constant 1 : i32
    %dma_start3A_109 = arith.constant 0 : i32
    %dma_start3A_110 = arith.constant 0 : i32
    %dma_start3A_111 = tpu.memref_slice %arg8[%dma_start3A_108, %dma_start3A_109, %dma_start3A_110] : memref<2x8x128xi32, #tpu.memory_space<vmem>> -> memref<1x8x128xi32, #tpu.memory_space<vmem>>
    %dma_start3A_112 = tpu.memref_squeeze %dma_start3A_111 : memref<1x8x128xi32, #tpu.memory_space<vmem>> -> memref<8x128xi32, #tpu.memory_space<vmem>>
    %dma_start3A_113 = arith.constant 0 : i32
    %dma_start3A_114 = arith.constant 0 : i32
    %dma_start3A_115 = tpu.memref_slice %arg4[%add3A, %dma_start3A_107, %dma_start3A_113, %dma_start3A_114] : memref<32x10x8x128xi32, #tpu.memory_space<hbm>> -> memref<1x1x8x128xi32, #tpu.memory_space<hbm>>
    %dma_start3A_116 = tpu.memref_squeeze %dma_start3A_115 : memref<1x1x8x128xi32, #tpu.memory_space<hbm>> -> memref<8x128xi32, #tpu.memory_space<hbm>>
    %dma_start3A_117 = arith.constant 0 : i32
    %dma_start3A_118 = arith.constant 0 : i32
    %dma_start3A_119 = tpu.memref_slice %arg8[%dma_start3A_108, %dma_start3A_117, %dma_start3A_118] : memref<2x8x128xi32, #tpu.memory_space<vmem>> -> memref<1x8x128xi32, #tpu.memory_space<vmem>>
    %dma_start3A_120 = tpu.memref_squeeze %dma_start3A_119 : memref<1x8x128xi32, #tpu.memory_space<vmem>> -> memref<8x128xi32, #tpu.memory_space<vmem>>
    %dma_start3A_121 = arith.constant 0 : i32
    %dma_start3A_122 = arith.constant 0 : i32
    %dma_start3A_123 = tpu.memref_slice %arg4[%add3A, %dma_start3A_107, %dma_start3A_121, %dma_start3A_122] : memref<32x10x8x128xi32, #tpu.memory_space<hbm>> -> memref<1x1x8x128xi32, #tpu.memory_space<hbm>>
    %dma_start3A_124 = tpu.memref_squeeze %dma_start3A_123 : memref<1x1x8x128xi32, #tpu.memory_space<hbm>> -> memref<8x128xi32, #tpu.memory_space<hbm>>
    tpu.enqueue_dma source(%dma_start3A_124 : memref<8x128xi32, #tpu.memory_space<hbm>>) target(%dma_start3A_120 : memref<8x128xi32, #tpu.memory_space<vmem>>) target_semaphore(%arg16 : memref<!tpu.dma_semaphore, #tpu.memory_space<semaphore_mem>>)
    %dma_start3A_125 = arith.constant 0 : i32
    %dma_start3A_126 = arith.constant 0 : i32
    %dma_start3A_127 = arith.constant 0 : i32
    %dma_start3A_128 = tpu.memref_slice %arg7[%dma_start3A_125, %dma_start3A_126, %dma_start3A_127] : memref<2x8x128xi32, #tpu.memory_space<vmem>> -> memref<1x1x128xi32, #tpu.memory_space<vmem>>
    %dma_start3A_129 = tpu.memref_squeeze %dma_start3A_128 : memref<1x1x128xi32, #tpu.memory_space<vmem>> -> memref<128xi32, #tpu.memory_space<vmem>>
    %dma_start3A_130 = arith.constant 0 : i32
    %dma_start3A_131 = arith.constant 0 : i32
    %dma_start3A_132 = tpu.memref_slice %arg2[%dma_start3A_130, %dma_start3A_131] : memref<10000x128xf32, #tpu.memory_space<hbm>> -> memref<10000x128xf32, #tpu.memory_space<hbm>>
    tpu.enqueue_indirect_dma source(%dma_start3A_132 : memref<10000x128xf32, #tpu.memory_space<hbm>>) target(%arg9 : memref<128x128xf32, #tpu.memory_space<vmem>>) offsets(%dma_start3A_129 : memref<128xi32, #tpu.memory_space<vmem>>) semaphore(%arg14 : memref<!tpu.dma_semaphore, #tpu.memory_space<semaphore_mem>>)
    %dma_wait3A = arith.constant 0 : i32
    %dma_wait3A_133 = arith.constant 0 : i32
    %dma_wait3A_134 = arith.constant 0 : i32
    %dma_wait3A_135 = tpu.memref_slice %arg7[%dma_wait3A, %dma_wait3A_133, %dma_wait3A_134] : memref<2x8x128xi32, #tpu.memory_space<vmem>> -> memref<1x1x128xi32, #tpu.memory_space<vmem>>
    %dma_wait3A_136 = tpu.memref_squeeze %dma_wait3A_135 : memref<1x1x128xi32, #tpu.memory_space<vmem>> -> memref<128xi32, #tpu.memory_space<vmem>>
    %dma_wait3A_137 = arith.constant 0 : i32
    %dma_wait3A_138 = arith.constant 0 : i32
    %dma_wait3A_139 = tpu.memref_slice %arg2[%dma_wait3A_137, %dma_wait3A_138] : memref<10000x128xf32, #tpu.memory_space<hbm>> -> memref<10000x128xf32, #tpu.memory_space<hbm>>
    tpu.wait_indirect_dma semaphore(%arg14 : memref<!tpu.dma_semaphore, #tpu.memory_space<semaphore_mem>>) src(%dma_wait3A_139 : memref<10000x128xf32, #tpu.memory_space<hbm>>) dst(%arg9 : memref<128x128xf32, #tpu.memory_space<vmem>>)
    %dma_start3A_140 = arith.constant 0 : i32
    %dma_start3A_141 = arith.constant 1 : i32
    %dma_start3A_142 = arith.constant 0 : i32
    %dma_start3A_143 = tpu.memref_slice %arg7[%dma_start3A_140, %dma_start3A_141, %dma_start3A_142] : memref<2x8x128xi32, #tpu.memory_space<vmem>> -> memref<1x1x128xi32, #tpu.memory_space<vmem>>
    %dma_start3A_144 = tpu.memref_squeeze %dma_start3A_143 : memref<1x1x128xi32, #tpu.memory_space<vmem>> -> memref<128xi32, #tpu.memory_space<vmem>>
    %dma_start3A_145 = arith.constant 0 : i32
    %dma_start3A_146 = arith.constant 0 : i32
    %dma_start3A_147 = tpu.memref_slice %arg2[%dma_start3A_145, %dma_start3A_146] : memref<10000x128xf32, #tpu.memory_space<hbm>> -> memref<10000x128xf32, #tpu.memory_space<hbm>>
    tpu.enqueue_indirect_dma source(%dma_start3A_147 : memref<10000x128xf32, #tpu.memory_space<hbm>>) target(%arg10 : memref<128x128xf32, #tpu.memory_space<vmem>>) offsets(%dma_start3A_144 : memref<128xi32, #tpu.memory_space<vmem>>) semaphore(%arg14 : memref<!tpu.dma_semaphore, #tpu.memory_space<semaphore_mem>>)
    %dma_start3A_148 = arith.constant 0 : i32
    %dma_start3A_149 = arith.constant 0 : i32
    %dma_start3A_150 = arith.constant 0 : i32
    %dma_start3A_151 = tpu.memref_slice %arg8[%dma_start3A_148, %dma_start3A_149, %dma_start3A_150] : memref<2x8x128xi32, #tpu.memory_space<vmem>> -> memref<1x1x128xi32, #tpu.memory_space<vmem>>
    %dma_start3A_152 = tpu.memref_squeeze %dma_start3A_151 : memref<1x1x128xi32, #tpu.memory_space<vmem>> -> memref<128xi32, #tpu.memory_space<vmem>>
    %dma_start3A_153 = arith.constant 0 : i32
    %dma_start3A_154 = arith.constant 0 : i32
    %dma_start3A_155 = tpu.memref_slice %arg12[%dma_start3A_153, %dma_start3A_154] : memref<10240x128xf32, #tpu.memory_space<vmem_shared>> -> memref<10240x128xf32, #tpu.memory_space<vmem_shared>>
    tpu.enqueue_indirect_dma source(%arg9 : memref<128x128xf32, #tpu.memory_space<vmem>>) target(%dma_start3A_155 : memref<10240x128xf32, #tpu.memory_space<vmem_shared>>) offsets(%dma_start3A_152 : memref<128xi32, #tpu.memory_space<vmem>>) semaphore(%arg15 : memref<!tpu.dma_semaphore, #tpu.memory_space<semaphore_mem>>) {add = true}
    %run_scoped3A_156 = arith.constant 0 : i32
    %run_scoped3A_157 = arith.constant 0 : i32
    "tpu.region"() ({
      %run_scoped3A_212 = tpu.sem_alloc : memref<!tpu.dma_semaphore, #tpu.memory_space<semaphore_mem>>
      %dma_start3A_213 = arith.constant 0 : i32
      %dma_start3A_214 = tpu.memref_slice %arg8[%run_scoped3A_156, %run_scoped3A_157, %dma_start3A_213] : memref<2x8x128xi32, #tpu.memory_space<vmem>> -> memref<1x1x128xi32, #tpu.memory_space<vmem>>
      %dma_start3A_215 = tpu.memref_squeeze %dma_start3A_214 : memref<1x1x128xi32, #tpu.memory_space<vmem>> -> memref<128xi32, #tpu.memory_space<vmem>>
      %dma_start3A_216 = arith.constant 0 : i32
      %dma_start3A_217 = tpu.memref_slice %arg13[%dma_start3A_216] : memref<10240xf32, #tpu.memory_space<vmem_shared>> -> memref<10240xf32, #tpu.memory_space<vmem_shared>>
      tpu.enqueue_indirect_dma source(%arg11 : memref<128xf32, #tpu.memory_space<vmem>>) target(%dma_start3A_217 : memref<10240xf32, #tpu.memory_space<vmem_shared>>) offsets(%dma_start3A_215 : memref<128xi32, #tpu.memory_space<vmem>>) semaphore(%run_scoped3A_212 : memref<!tpu.dma_semaphore, #tpu.memory_space<semaphore_mem>>) {add = true}
      %dma_wait3A_218 = arith.constant 0 : i32
      %dma_wait3A_219 = tpu.memref_slice %arg8[%run_scoped3A_156, %run_scoped3A_157, %dma_wait3A_218] : memref<2x8x128xi32, #tpu.memory_space<vmem>> -> memref<1x1x128xi32, #tpu.memory_space<vmem>>
      %dma_wait3A_220 = tpu.memref_squeeze %dma_wait3A_219 : memref<1x1x128xi32, #tpu.memory_space<vmem>> -> memref<128xi32, #tpu.memory_space<vmem>>
      %dma_wait3A_221 = arith.constant 0 : i32
      %dma_wait3A_222 = tpu.memref_slice %arg13[%dma_wait3A_221] : memref<10240xf32, #tpu.memory_space<vmem_shared>> -> memref<10240xf32, #tpu.memory_space<vmem_shared>>
      tpu.wait_indirect_dma semaphore(%run_scoped3A_212 : memref<!tpu.dma_semaphore, #tpu.memory_space<semaphore_mem>>) src(%arg11 : memref<128xf32, #tpu.memory_space<vmem>>) dst(%dma_wait3A_222 : memref<10240xf32, #tpu.memory_space<vmem_shared>>)
      tpu.yield
    }) : () -> ()
    %scan3A_158 = arith.constant 0 : i32
    %scan3A_159 = arith.constant 1 : i32
    %scan3A_160 = arith.constant 39 : i32
    %scan3A_161 = arith.addi %scan3A_159, %scan3A_160 : i32
    %scan3A_162 = arith.constant 1 : i32
    scf.for %scan3A_212 = %scan3A_159 to %scan3A_161 step %scan3A_162  : i32 {
      %mul3A_213 = arith.constant 2 : i32
      %mul3A_214 = arith.muli %mul3A_213, %scan3A_212 : i32
      %jit3A = arith.constant 8 : i32
      %div3A = arith.divsi %mul3A_214, %jit3A : i32
      %sign3A = arith.constant 0 : i32
      %sign3A_215 = arith.cmpi sgt, %mul3A_214, %sign3A : i32
      %sign3A_216 = arith.extui %sign3A_215 : i1 to i32
      %sign3A_217 = arith.constant 0 : i32
      %sign3A_218 = arith.cmpi slt, %mul3A_214, %sign3A_217 : i32
      %sign3A_219 = arith.extui %sign3A_218 : i1 to i32
      %sign3A_220 = arith.subi %sign3A_216, %sign3A_219 : i32
      %sign3A_221 = arith.constant 0 : i32
      %sign3A_222 = arith.cmpi sgt, %jit3A, %sign3A_221 : i32
      %sign3A_223 = arith.extui %sign3A_222 : i1 to i32
      %sign3A_224 = arith.constant 0 : i32
      %sign3A_225 = arith.cmpi slt, %jit3A, %sign3A_224 : i32
      %sign3A_226 = arith.extui %sign3A_225 : i1 to i32
      %sign3A_227 = arith.subi %sign3A_223, %sign3A_226 : i32
      %ne3A = arith.cmpi ne, %sign3A_220, %sign3A_227 : i32
      %rem3A = arith.remsi %mul3A_214, %jit3A : i32
      %ne3A_228 = arith.constant 0 : i32
      %ne3A_229 = arith.cmpi ne, %rem3A, %ne3A_228 : i32
      %and3A = arith.andi %ne3A, %ne3A_229 : i1
      %sub3A = arith.constant 1 : i32
      %sub3A_230 = arith.subi %div3A, %sub3A : i32
      %select_n3A = arith.select %and3A, %sub3A_230, %div3A : i32
      %jit3A_231 = arith.constant 8 : i32
      %eq3A_232 = arith.constant 0 : i32
      %eq3A_233 = arith.cmpi eq, %jit3A_231, %eq3A_232 : i32
      %jit3A_234 = arith.constant 1 : i32
      %select_n3A_235 = arith.select %eq3A_233, %jit3A_234, %jit3A_231 : i32
      %rem3A_236 = arith.remsi %mul3A_214, %select_n3A_235 : i32
      %ne3A_237 = arith.constant 0 : i32
      %ne3A_238 = arith.cmpi ne, %rem3A_236, %ne3A_237 : i32
      %lt3A = arith.constant 0 : i32
      %lt3A_239 = arith.cmpi slt, %rem3A_236, %lt3A : i32
      %lt3A_240 = arith.constant 0 : i32
      %lt3A_241 = arith.cmpi slt, %select_n3A_235, %lt3A_240 : i32
      %ne3A_242 = arith.xori %lt3A_239, %lt3A_241 : i1
      %and3A_243 = arith.andi %ne3A_242, %ne3A_238 : i1
      %add3A_244 = arith.addi %rem3A_236, %select_n3A_235 : i32
      %select_n3A_245 = arith.select %and3A_243, %add3A_244, %rem3A_236 : i32
      %eq3A_246 = arith.constant 0 : i32
      %eq3A_247 = arith.cmpi eq, %select_n3A_245, %eq3A_246 : i32
      %convert_element_type3A_248 = arith.extui %eq3A_247 : i1 to i32
      %cond3A_249 = arith.constant 0 : i32
      %cond3A_250 = arith.cmpi ne, %convert_element_type3A_248, %cond3A_249 : i32
      scf.if %cond3A_250 {
        %jit3A_875 = arith.constant 2 : i32
        %eq3A_876 = arith.constant 0 : i32
        %eq3A_877 = arith.cmpi eq, %jit3A_875, %eq3A_876 : i32
        %jit3A_878 = arith.constant 1 : i32
        %select_n3A_879 = arith.select %eq3A_877, %jit3A_878, %jit3A_875 : i32
        %rem3A_880 = arith.remsi %select_n3A, %select_n3A_879 : i32
        %ne3A_881 = arith.constant 0 : i32
        %ne3A_882 = arith.cmpi ne, %rem3A_880, %ne3A_881 : i32
        %lt3A_883 = arith.constant 0 : i32
        %lt3A_884 = arith.cmpi slt, %rem3A_880, %lt3A_883 : i32
        %lt3A_885 = arith.constant 0 : i32
        %lt3A_886 = arith.cmpi slt, %select_n3A_879, %lt3A_885 : i32
        %ne3A_887 = arith.xori %lt3A_884, %lt3A_886 : i1
        %and3A_888 = arith.andi %ne3A_887, %ne3A_882 : i1
        %add3A_889 = arith.addi %rem3A_880, %select_n3A_879 : i32
        %select_n3A_890 = arith.select %and3A_888, %add3A_889, %rem3A_880 : i32
        %dma_wait3A_891 = arith.constant 0 : i32
        %dma_wait3A_892 = arith.constant 0 : i32
        %dma_wait3A_893 = tpu.memref_slice %arg7[%select_n3A_890, %dma_wait3A_891, %dma_wait3A_892] : memref<2x8x128xi32, #tpu.memory_space<vmem>> -> memref<1x8x128xi32, #tpu.memory_space<vmem>>
        %dma_wait3A_894 = tpu.memref_squeeze %dma_wait3A_893 : memref<1x8x128xi32, #tpu.memory_space<vmem>> -> memref<8x128xi32, #tpu.memory_space<vmem>>
        %dma_wait3A_895 = arith.constant 0 : i32
        %dma_wait3A_896 = arith.constant 0 : i32
        %dma_wait3A_897 = tpu.memref_slice %arg3[%add3A, %select_n3A, %dma_wait3A_895, %dma_wait3A_896] : memref<32x10x8x128xi32, #tpu.memory_space<hbm>> -> memref<1x1x8x128xi32, #tpu.memory_space<hbm>>
        %dma_wait3A_898 = tpu.memref_squeeze %dma_wait3A_897 : memref<1x1x8x128xi32, #tpu.memory_space<hbm>> -> memref<8x128xi32, #tpu.memory_space<hbm>>
        %dma_wait3A_899 = arith.constant 0 : i32
        %dma_wait3A_900 = arith.constant 0 : i32
        %dma_wait3A_901 = tpu.memref_slice %arg7[%select_n3A_890, %dma_wait3A_899, %dma_wait3A_900] : memref<2x8x128xi32, #tpu.memory_space<vmem>> -> memref<1x8x128xi32, #tpu.memory_space<vmem>>
        %dma_wait3A_902 = tpu.memref_squeeze %dma_wait3A_901 : memref<1x8x128xi32, #tpu.memory_space<vmem>> -> memref<8x128xi32, #tpu.memory_space<vmem>>
        %dma_wait3A_903 = arith.constant 0 : i32
        %dma_wait3A_904 = arith.constant 0 : i32
        %dma_wait3A_905 = tpu.memref_slice %arg3[%add3A, %select_n3A, %dma_wait3A_903, %dma_wait3A_904] : memref<32x10x8x128xi32, #tpu.memory_space<hbm>> -> memref<1x1x8x128xi32, #tpu.memory_space<hbm>>
        %dma_wait3A_906 = tpu.memref_squeeze %dma_wait3A_905 : memref<1x1x8x128xi32, #tpu.memory_space<hbm>> -> memref<8x128xi32, #tpu.memory_space<hbm>>
        tpu.wait_dma2 semaphore(%arg16 : memref<!tpu.dma_semaphore, #tpu.memory_space<semaphore_mem>>) src(%dma_wait3A_906 : memref<8x128xi32, #tpu.memory_space<hbm>>) dst(%dma_wait3A_902 : memref<8x128xi32, #tpu.memory_space<vmem>>)
        %jit3A_907 = arith.constant 2 : i32
        %eq3A_908 = arith.constant 0 : i32
        %eq3A_909 = arith.cmpi eq, %jit3A_907, %eq3A_908 : i32
        %jit3A_910 = arith.constant 1 : i32
        %select_n3A_911 = arith.select %eq3A_909, %jit3A_910, %jit3A_907 : i32
        %rem3A_912 = arith.remsi %select_n3A, %select_n3A_911 : i32
        %ne3A_913 = arith.constant 0 : i32
        %ne3A_914 = arith.cmpi ne, %rem3A_912, %ne3A_913 : i32
        %lt3A_915 = arith.constant 0 : i32
        %lt3A_916 = arith.cmpi slt, %rem3A_912, %lt3A_915 : i32
        %lt3A_917 = arith.constant 0 : i32
        %lt3A_918 = arith.cmpi slt, %select_n3A_911, %lt3A_917 : i32
        %ne3A_919 = arith.xori %lt3A_916, %lt3A_918 : i1
        %and3A_920 = arith.andi %ne3A_919, %ne3A_914 : i1
        %add3A_921 = arith.addi %rem3A_912, %select_n3A_911 : i32
        %select_n3A_922 = arith.select %and3A_920, %add3A_921, %rem3A_912 : i32
        %dma_wait3A_923 = arith.constant 0 : i32
        %dma_wait3A_924 = arith.constant 0 : i32
        %dma_wait3A_925 = tpu.memref_slice %arg8[%select_n3A_922, %dma_wait3A_923, %dma_wait3A_924] : memref<2x8x128xi32, #tpu.memory_space<vmem>> -> memref<1x8x128xi32, #tpu.memory_space<vmem>>
        %dma_wait3A_926 = tpu.memref_squeeze %dma_wait3A_925 : memref<1x8x128xi32, #tpu.memory_space<vmem>> -> memref<8x128xi32, #tpu.memory_space<vmem>>
        %dma_wait3A_927 = arith.constant 0 : i32
        %dma_wait3A_928 = arith.constant 0 : i32
        %dma_wait3A_929 = tpu.memref_slice %arg4[%add3A, %select_n3A, %dma_wait3A_927, %dma_wait3A_928] : memref<32x10x8x128xi32, #tpu.memory_space<hbm>> -> memref<1x1x8x128xi32, #tpu.memory_space<hbm>>
        %dma_wait3A_930 = tpu.memref_squeeze %dma_wait3A_929 : memref<1x1x8x128xi32, #tpu.memory_space<hbm>> -> memref<8x128xi32, #tpu.memory_space<hbm>>
        %dma_wait3A_931 = arith.constant 0 : i32
        %dma_wait3A_932 = arith.constant 0 : i32
        %dma_wait3A_933 = tpu.memref_slice %arg8[%select_n3A_922, %dma_wait3A_931, %dma_wait3A_932] : memref<2x8x128xi32, #tpu.memory_space<vmem>> -> memref<1x8x128xi32, #tpu.memory_space<vmem>>
        %dma_wait3A_934 = tpu.memref_squeeze %dma_wait3A_933 : memref<1x8x128xi32, #tpu.memory_space<vmem>> -> memref<8x128xi32, #tpu.memory_space<vmem>>
        %dma_wait3A_935 = arith.constant 0 : i32
        %dma_wait3A_936 = arith.constant 0 : i32
        %dma_wait3A_937 = tpu.memref_slice %arg4[%add3A, %select_n3A, %dma_wait3A_935, %dma_wait3A_936] : memref<32x10x8x128xi32, #tpu.memory_space<hbm>> -> memref<1x1x8x128xi32, #tpu.memory_space<hbm>>
        %dma_wait3A_938 = tpu.memref_squeeze %dma_wait3A_937 : memref<1x1x8x128xi32, #tpu.memory_space<hbm>> -> memref<8x128xi32, #tpu.memory_space<hbm>>
        tpu.wait_dma2 semaphore(%arg16 : memref<!tpu.dma_semaphore, #tpu.memory_space<semaphore_mem>>) src(%dma_wait3A_938 : memref<8x128xi32, #tpu.memory_space<hbm>>) dst(%dma_wait3A_934 : memref<8x128xi32, #tpu.memory_space<vmem>>)
      } else {
      }
      %sub3A_251 = arith.constant 1 : i32
      %sub3A_252 = arith.subi %mul3A_214, %sub3A_251 : i32
      %jit3A_253 = arith.constant 8 : i32
      %div3A_254 = arith.divsi %sub3A_252, %jit3A_253 : i32
      %sign3A_255 = arith.constant 0 : i32
      %sign3A_256 = arith.cmpi sgt, %sub3A_252, %sign3A_255 : i32
      %sign3A_257 = arith.extui %sign3A_256 : i1 to i32
      %sign3A_258 = arith.constant 0 : i32
      %sign3A_259 = arith.cmpi slt, %sub3A_252, %sign3A_258 : i32
      %sign3A_260 = arith.extui %sign3A_259 : i1 to i32
      %sign3A_261 = arith.subi %sign3A_257, %sign3A_260 : i32
      %sign3A_262 = arith.constant 0 : i32
      %sign3A_263 = arith.cmpi sgt, %jit3A_253, %sign3A_262 : i32
      %sign3A_264 = arith.extui %sign3A_263 : i1 to i32
      %sign3A_265 = arith.constant 0 : i32
      %sign3A_266 = arith.cmpi slt, %jit3A_253, %sign3A_265 : i32
      %sign3A_267 = arith.extui %sign3A_266 : i1 to i32
      %sign3A_268 = arith.subi %sign3A_264, %sign3A_267 : i32
      %ne3A_269 = arith.cmpi ne, %sign3A_261, %sign3A_268 : i32
      %rem3A_270 = arith.remsi %sub3A_252, %jit3A_253 : i32
      %ne3A_271 = arith.constant 0 : i32
      %ne3A_272 = arith.cmpi ne, %rem3A_270, %ne3A_271 : i32
      %and3A_273 = arith.andi %ne3A_269, %ne3A_272 : i1
      %sub3A_274 = arith.constant 1 : i32
      %sub3A_275 = arith.subi %div3A_254, %sub3A_274 : i32
      %select_n3A_276 = arith.select %and3A_273, %sub3A_275, %div3A_254 : i32
      %jit3A_277 = arith.constant 2 : i32
      %eq3A_278 = arith.constant 0 : i32
      %eq3A_279 = arith.cmpi eq, %jit3A_277, %eq3A_278 : i32
      %jit3A_280 = arith.constant 1 : i32
      %select_n3A_281 = arith.select %eq3A_279, %jit3A_280, %jit3A_277 : i32
      %rem3A_282 = arith.remsi %select_n3A_276, %select_n3A_281 : i32
      %ne3A_283 = arith.constant 0 : i32
      %ne3A_284 = arith.cmpi ne, %rem3A_282, %ne3A_283 : i32
      %lt3A_285 = arith.constant 0 : i32
      %lt3A_286 = arith.cmpi slt, %rem3A_282, %lt3A_285 : i32
      %lt3A_287 = arith.constant 0 : i32
      %lt3A_288 = arith.cmpi slt, %select_n3A_281, %lt3A_287 : i32
      %ne3A_289 = arith.xori %lt3A_286, %lt3A_288 : i1
      %and3A_290 = arith.andi %ne3A_289, %ne3A_284 : i1
      %add3A_291 = arith.addi %rem3A_282, %select_n3A_281 : i32
      %select_n3A_292 = arith.select %and3A_290, %add3A_291, %rem3A_282 : i32
      %jit3A_293 = arith.constant 8 : i32
      %eq3A_294 = arith.constant 0 : i32
      %eq3A_295 = arith.cmpi eq, %jit3A_293, %eq3A_294 : i32
      %jit3A_296 = arith.constant 1 : i32
      %select_n3A_297 = arith.select %eq3A_295, %jit3A_296, %jit3A_293 : i32
      %rem3A_298 = arith.remsi %sub3A_252, %select_n3A_297 : i32
      %ne3A_299 = arith.constant 0 : i32
      %ne3A_300 = arith.cmpi ne, %rem3A_298, %ne3A_299 : i32
      %lt3A_301 = arith.constant 0 : i32
      %lt3A_302 = arith.cmpi slt, %rem3A_298, %lt3A_301 : i32
      %lt3A_303 = arith.constant 0 : i32
      %lt3A_304 = arith.cmpi slt, %select_n3A_297, %lt3A_303 : i32
      %ne3A_305 = arith.xori %lt3A_302, %lt3A_304 : i1
      %and3A_306 = arith.andi %ne3A_305, %ne3A_300 : i1
      %add3A_307 = arith.addi %rem3A_298, %select_n3A_297 : i32
      %select_n3A_308 = arith.select %and3A_306, %add3A_307, %rem3A_298 : i32
      %dma_wait3A_309 = arith.constant 0 : i32
      %dma_wait3A_310 = tpu.memref_slice %arg7[%select_n3A_292, %select_n3A_308, %dma_wait3A_309] : memref<2x8x128xi32, #tpu.memory_space<vmem>> -> memref<1x1x128xi32, #tpu.memory_space<vmem>>
      %dma_wait3A_311 = tpu.memref_squeeze %dma_wait3A_310 : memref<1x1x128xi32, #tpu.memory_space<vmem>> -> memref<128xi32, #tpu.memory_space<vmem>>
      %dma_wait3A_312 = arith.constant 0 : i32
      %dma_wait3A_313 = arith.constant 0 : i32
      %dma_wait3A_314 = tpu.memref_slice %arg2[%dma_wait3A_312, %dma_wait3A_313] : memref<10000x128xf32, #tpu.memory_space<hbm>> -> memref<10000x128xf32, #tpu.memory_space<hbm>>
      tpu.wait_indirect_dma semaphore(%arg14 : memref<!tpu.dma_semaphore, #tpu.memory_space<semaphore_mem>>) src(%dma_wait3A_314 : memref<10000x128xf32, #tpu.memory_space<hbm>>) dst(%arg10 : memref<128x128xf32, #tpu.memory_space<vmem>>)
      %sub3A_315 = arith.constant 2 : i32
      %sub3A_316 = arith.subi %mul3A_214, %sub3A_315 : i32
      %jit3A_317 = arith.constant 8 : i32
      %div3A_318 = arith.divsi %sub3A_316, %jit3A_317 : i32
      %sign3A_319 = arith.constant 0 : i32
      %sign3A_320 = arith.cmpi sgt, %sub3A_316, %sign3A_319 : i32
      %sign3A_321 = arith.extui %sign3A_320 : i1 to i32
      %sign3A_322 = arith.constant 0 : i32
      %sign3A_323 = arith.cmpi slt, %sub3A_316, %sign3A_322 : i32
      %sign3A_324 = arith.extui %sign3A_323 : i1 to i32
      %sign3A_325 = arith.subi %sign3A_321, %sign3A_324 : i32
      %sign3A_326 = arith.constant 0 : i32
      %sign3A_327 = arith.cmpi sgt, %jit3A_317, %sign3A_326 : i32
      %sign3A_328 = arith.extui %sign3A_327 : i1 to i32
      %sign3A_329 = arith.constant 0 : i32
      %sign3A_330 = arith.cmpi slt, %jit3A_317, %sign3A_329 : i32
      %sign3A_331 = arith.extui %sign3A_330 : i1 to i32
      %sign3A_332 = arith.subi %sign3A_328, %sign3A_331 : i32
      %ne3A_333 = arith.cmpi ne, %sign3A_325, %sign3A_332 : i32
      %rem3A_334 = arith.remsi %sub3A_316, %jit3A_317 : i32
      %ne3A_335 = arith.constant 0 : i32
      %ne3A_336 = arith.cmpi ne, %rem3A_334, %ne3A_335 : i32
      %and3A_337 = arith.andi %ne3A_333, %ne3A_336 : i1
      %sub3A_338 = arith.constant 1 : i32
      %sub3A_339 = arith.subi %div3A_318, %sub3A_338 : i32
      %select_n3A_340 = arith.select %and3A_337, %sub3A_339, %div3A_318 : i32
      %jit3A_341 = arith.constant 2 : i32
      %eq3A_342 = arith.constant 0 : i32
      %eq3A_343 = arith.cmpi eq, %jit3A_341, %eq3A_342 : i32
      %jit3A_344 = arith.constant 1 : i32
      %select_n3A_345 = arith.select %eq3A_343, %jit3A_344, %jit3A_341 : i32
      %rem3A_346 = arith.remsi %select_n3A_340, %select_n3A_345 : i32
      %ne3A_347 = arith.constant 0 : i32
      %ne3A_348 = arith.cmpi ne, %rem3A_346, %ne3A_347 : i32
      %lt3A_349 = arith.constant 0 : i32
      %lt3A_350 = arith.cmpi slt, %rem3A_346, %lt3A_349 : i32
      %lt3A_351 = arith.constant 0 : i32
      %lt3A_352 = arith.cmpi slt, %select_n3A_345, %lt3A_351 : i32
      %ne3A_353 = arith.xori %lt3A_350, %lt3A_352 : i1
      %and3A_354 = arith.andi %ne3A_353, %ne3A_348 : i1
      %add3A_355 = arith.addi %rem3A_346, %select_n3A_345 : i32
      %select_n3A_356 = arith.select %and3A_354, %add3A_355, %rem3A_346 : i32
      %jit3A_357 = arith.constant 8 : i32
      %eq3A_358 = arith.constant 0 : i32
      %eq3A_359 = arith.cmpi eq, %jit3A_357, %eq3A_358 : i32
      %jit3A_360 = arith.constant 1 : i32
      %select_n3A_361 = arith.select %eq3A_359, %jit3A_360, %jit3A_357 : i32
      %rem3A_362 = arith.remsi %sub3A_316, %select_n3A_361 : i32
      %ne3A_363 = arith.constant 0 : i32
      %ne3A_364 = arith.cmpi ne, %rem3A_362, %ne3A_363 : i32
      %lt3A_365 = arith.constant 0 : i32
      %lt3A_366 = arith.cmpi slt, %rem3A_362, %lt3A_365 : i32
      %lt3A_367 = arith.constant 0 : i32
      %lt3A_368 = arith.cmpi slt, %select_n3A_361, %lt3A_367 : i32
      %ne3A_369 = arith.xori %lt3A_366, %lt3A_368 : i1
      %and3A_370 = arith.andi %ne3A_369, %ne3A_364 : i1
      %add3A_371 = arith.addi %rem3A_362, %select_n3A_361 : i32
      %select_n3A_372 = arith.select %and3A_370, %add3A_371, %rem3A_362 : i32
      %dma_wait3A_373 = arith.constant 0 : i32
      %dma_wait3A_374 = tpu.memref_slice %arg8[%select_n3A_356, %select_n3A_372, %dma_wait3A_373] : memref<2x8x128xi32, #tpu.memory_space<vmem>> -> memref<1x1x128xi32, #tpu.memory_space<vmem>>
      %dma_wait3A_375 = tpu.memref_squeeze %dma_wait3A_374 : memref<1x1x128xi32, #tpu.memory_space<vmem>> -> memref<128xi32, #tpu.memory_space<vmem>>
      %dma_wait3A_376 = arith.constant 0 : i32
      %dma_wait3A_377 = arith.constant 0 : i32
      %dma_wait3A_378 = tpu.memref_slice %arg12[%dma_wait3A_376, %dma_wait3A_377] : memref<10240x128xf32, #tpu.memory_space<vmem_shared>> -> memref<10240x128xf32, #tpu.memory_space<vmem_shared>>
      tpu.wait_indirect_dma semaphore(%arg15 : memref<!tpu.dma_semaphore, #tpu.memory_space<semaphore_mem>>) src(%arg9 : memref<128x128xf32, #tpu.memory_space<vmem>>) dst(%dma_wait3A_378 : memref<10240x128xf32, #tpu.memory_space<vmem_shared>>)
      %jit3A_379 = arith.constant 8 : i32
      %div3A_380 = arith.divsi %mul3A_214, %jit3A_379 : i32
      %sign3A_381 = arith.constant 0 : i32
      %sign3A_382 = arith.cmpi sgt, %mul3A_214, %sign3A_381 : i32
      %sign3A_383 = arith.extui %sign3A_382 : i1 to i32
      %sign3A_384 = arith.constant 0 : i32
      %sign3A_385 = arith.cmpi slt, %mul3A_214, %sign3A_384 : i32
      %sign3A_386 = arith.extui %sign3A_385 : i1 to i32
      %sign3A_387 = arith.subi %sign3A_383, %sign3A_386 : i32
      %sign3A_388 = arith.constant 0 : i32
      %sign3A_389 = arith.cmpi sgt, %jit3A_379, %sign3A_388 : i32
      %sign3A_390 = arith.extui %sign3A_389 : i1 to i32
      %sign3A_391 = arith.constant 0 : i32
      %sign3A_392 = arith.cmpi slt, %jit3A_379, %sign3A_391 : i32
      %sign3A_393 = arith.extui %sign3A_392 : i1 to i32
      %sign3A_394 = arith.subi %sign3A_390, %sign3A_393 : i32
      %ne3A_395 = arith.cmpi ne, %sign3A_387, %sign3A_394 : i32
      %rem3A_396 = arith.remsi %mul3A_214, %jit3A_379 : i32
      %ne3A_397 = arith.constant 0 : i32
      %ne3A_398 = arith.cmpi ne, %rem3A_396, %ne3A_397 : i32
      %and3A_399 = arith.andi %ne3A_395, %ne3A_398 : i1
      %sub3A_400 = arith.constant 1 : i32
      %sub3A_401 = arith.subi %div3A_380, %sub3A_400 : i32
      %select_n3A_402 = arith.select %and3A_399, %sub3A_401, %div3A_380 : i32
      %jit3A_403 = arith.constant 2 : i32
      %eq3A_404 = arith.constant 0 : i32
      %eq3A_405 = arith.cmpi eq, %jit3A_403, %eq3A_404 : i32
      %jit3A_406 = arith.constant 1 : i32
      %select_n3A_407 = arith.select %eq3A_405, %jit3A_406, %jit3A_403 : i32
      %rem3A_408 = arith.remsi %select_n3A_402, %select_n3A_407 : i32
      %ne3A_409 = arith.constant 0 : i32
      %ne3A_410 = arith.cmpi ne, %rem3A_408, %ne3A_409 : i32
      %lt3A_411 = arith.constant 0 : i32
      %lt3A_412 = arith.cmpi slt, %rem3A_408, %lt3A_411 : i32
      %lt3A_413 = arith.constant 0 : i32
      %lt3A_414 = arith.cmpi slt, %select_n3A_407, %lt3A_413 : i32
      %ne3A_415 = arith.xori %lt3A_412, %lt3A_414 : i1
      %and3A_416 = arith.andi %ne3A_415, %ne3A_410 : i1
      %add3A_417 = arith.addi %rem3A_408, %select_n3A_407 : i32
      %select_n3A_418 = arith.select %and3A_416, %add3A_417, %rem3A_408 : i32
      %jit3A_419 = arith.constant 8 : i32
      %eq3A_420 = arith.constant 0 : i32
      %eq3A_421 = arith.cmpi eq, %jit3A_419, %eq3A_420 : i32
      %jit3A_422 = arith.constant 1 : i32
      %select_n3A_423 = arith.select %eq3A_421, %jit3A_422, %jit3A_419 : i32
      %rem3A_424 = arith.remsi %mul3A_214, %select_n3A_423 : i32
      %ne3A_425 = arith.constant 0 : i32
      %ne3A_426 = arith.cmpi ne, %rem3A_424, %ne3A_425 : i32
      %lt3A_427 = arith.constant 0 : i32
      %lt3A_428 = arith.cmpi slt, %rem3A_424, %lt3A_427 : i32
      %lt3A_429 = arith.constant 0 : i32
      %lt3A_430 = arith.cmpi slt, %select_n3A_423, %lt3A_429 : i32
      %ne3A_431 = arith.xori %lt3A_428, %lt3A_430 : i1
      %and3A_432 = arith.andi %ne3A_431, %ne3A_426 : i1
      %add3A_433 = arith.addi %rem3A_424, %select_n3A_423 : i32
      %select_n3A_434 = arith.select %and3A_432, %add3A_433, %rem3A_424 : i32
      %dma_start3A_435 = arith.constant 0 : i32
      %dma_start3A_436 = tpu.memref_slice %arg7[%select_n3A_418, %select_n3A_434, %dma_start3A_435] : memref<2x8x128xi32, #tpu.memory_space<vmem>> -> memref<1x1x128xi32, #tpu.memory_space<vmem>>
      %dma_start3A_437 = tpu.memref_squeeze %dma_start3A_436 : memref<1x1x128xi32, #tpu.memory_space<vmem>> -> memref<128xi32, #tpu.memory_space<vmem>>
      %dma_start3A_438 = arith.constant 0 : i32
      %dma_start3A_439 = arith.constant 0 : i32
      %dma_start3A_440 = tpu.memref_slice %arg2[%dma_start3A_438, %dma_start3A_439] : memref<10000x128xf32, #tpu.memory_space<hbm>> -> memref<10000x128xf32, #tpu.memory_space<hbm>>
      tpu.enqueue_indirect_dma source(%dma_start3A_440 : memref<10000x128xf32, #tpu.memory_space<hbm>>) target(%arg9 : memref<128x128xf32, #tpu.memory_space<vmem>>) offsets(%dma_start3A_437 : memref<128xi32, #tpu.memory_space<vmem>>) semaphore(%arg14 : memref<!tpu.dma_semaphore, #tpu.memory_space<semaphore_mem>>)
      %sub3A_441 = arith.constant 1 : i32
      %sub3A_442 = arith.subi %mul3A_214, %sub3A_441 : i32
      %jit3A_443 = arith.constant 8 : i32
      %div3A_444 = arith.divsi %sub3A_442, %jit3A_443 : i32
      %sign3A_445 = arith.constant 0 : i32
      %sign3A_446 = arith.cmpi sgt, %sub3A_442, %sign3A_445 : i32
      %sign3A_447 = arith.extui %sign3A_446 : i1 to i32
      %sign3A_448 = arith.constant 0 : i32
      %sign3A_449 = arith.cmpi slt, %sub3A_442, %sign3A_448 : i32
      %sign3A_450 = arith.extui %sign3A_449 : i1 to i32
      %sign3A_451 = arith.subi %sign3A_447, %sign3A_450 : i32
      %sign3A_452 = arith.constant 0 : i32
      %sign3A_453 = arith.cmpi sgt, %jit3A_443, %sign3A_452 : i32
      %sign3A_454 = arith.extui %sign3A_453 : i1 to i32
      %sign3A_455 = arith.constant 0 : i32
      %sign3A_456 = arith.cmpi slt, %jit3A_443, %sign3A_455 : i32
      %sign3A_457 = arith.extui %sign3A_456 : i1 to i32
      %sign3A_458 = arith.subi %sign3A_454, %sign3A_457 : i32
      %ne3A_459 = arith.cmpi ne, %sign3A_451, %sign3A_458 : i32
      %rem3A_460 = arith.remsi %sub3A_442, %jit3A_443 : i32
      %ne3A_461 = arith.constant 0 : i32
      %ne3A_462 = arith.cmpi ne, %rem3A_460, %ne3A_461 : i32
      %and3A_463 = arith.andi %ne3A_459, %ne3A_462 : i1
      %sub3A_464 = arith.constant 1 : i32
      %sub3A_465 = arith.subi %div3A_444, %sub3A_464 : i32
      %select_n3A_466 = arith.select %and3A_463, %sub3A_465, %div3A_444 : i32
      %jit3A_467 = arith.constant 2 : i32
      %eq3A_468 = arith.constant 0 : i32
      %eq3A_469 = arith.cmpi eq, %jit3A_467, %eq3A_468 : i32
      %jit3A_470 = arith.constant 1 : i32
      %select_n3A_471 = arith.select %eq3A_469, %jit3A_470, %jit3A_467 : i32
      %rem3A_472 = arith.remsi %select_n3A_466, %select_n3A_471 : i32
      %ne3A_473 = arith.constant 0 : i32
      %ne3A_474 = arith.cmpi ne, %rem3A_472, %ne3A_473 : i32
      %lt3A_475 = arith.constant 0 : i32
      %lt3A_476 = arith.cmpi slt, %rem3A_472, %lt3A_475 : i32
      %lt3A_477 = arith.constant 0 : i32
      %lt3A_478 = arith.cmpi slt, %select_n3A_471, %lt3A_477 : i32
      %ne3A_479 = arith.xori %lt3A_476, %lt3A_478 : i1
      %and3A_480 = arith.andi %ne3A_479, %ne3A_474 : i1
      %add3A_481 = arith.addi %rem3A_472, %select_n3A_471 : i32
      %select_n3A_482 = arith.select %and3A_480, %add3A_481, %rem3A_472 : i32
      %jit3A_483 = arith.constant 8 : i32
      %eq3A_484 = arith.constant 0 : i32
      %eq3A_485 = arith.cmpi eq, %jit3A_483, %eq3A_484 : i32
      %jit3A_486 = arith.constant 1 : i32
      %select_n3A_487 = arith.select %eq3A_485, %jit3A_486, %jit3A_483 : i32
      %rem3A_488 = arith.remsi %sub3A_442, %select_n3A_487 : i32
      %ne3A_489 = arith.constant 0 : i32
      %ne3A_490 = arith.cmpi ne, %rem3A_488, %ne3A_489 : i32
      %lt3A_491 = arith.constant 0 : i32
      %lt3A_492 = arith.cmpi slt, %rem3A_488, %lt3A_491 : i32
      %lt3A_493 = arith.constant 0 : i32
      %lt3A_494 = arith.cmpi slt, %select_n3A_487, %lt3A_493 : i32
      %ne3A_495 = arith.xori %lt3A_492, %lt3A_494 : i1
      %and3A_496 = arith.andi %ne3A_495, %ne3A_490 : i1
      %add3A_497 = arith.addi %rem3A_488, %select_n3A_487 : i32
      %select_n3A_498 = arith.select %and3A_496, %add3A_497, %rem3A_488 : i32
      %dma_start3A_499 = arith.constant 0 : i32
      %dma_start3A_500 = tpu.memref_slice %arg8[%select_n3A_482, %select_n3A_498, %dma_start3A_499] : memref<2x8x128xi32, #tpu.memory_space<vmem>> -> memref<1x1x128xi32, #tpu.memory_space<vmem>>
      %dma_start3A_501 = tpu.memref_squeeze %dma_start3A_500 : memref<1x1x128xi32, #tpu.memory_space<vmem>> -> memref<128xi32, #tpu.memory_space<vmem>>
      %dma_start3A_502 = arith.constant 0 : i32
      %dma_start3A_503 = arith.constant 0 : i32
      %dma_start3A_504 = tpu.memref_slice %arg12[%dma_start3A_502, %dma_start3A_503] : memref<10240x128xf32, #tpu.memory_space<vmem_shared>> -> memref<10240x128xf32, #tpu.memory_space<vmem_shared>>
      tpu.enqueue_indirect_dma source(%arg10 : memref<128x128xf32, #tpu.memory_space<vmem>>) target(%dma_start3A_504 : memref<10240x128xf32, #tpu.memory_space<vmem_shared>>) offsets(%dma_start3A_501 : memref<128xi32, #tpu.memory_space<vmem>>) semaphore(%arg15 : memref<!tpu.dma_semaphore, #tpu.memory_space<semaphore_mem>>) {add = true}
      %jit3A_505 = arith.constant 8 : i32
      %div3A_506 = arith.divsi %sub3A_442, %jit3A_505 : i32
      %sign3A_507 = arith.constant 0 : i32
      %sign3A_508 = arith.cmpi sgt, %sub3A_442, %sign3A_507 : i32
      %sign3A_509 = arith.extui %sign3A_508 : i1 to i32
      %sign3A_510 = arith.constant 0 : i32
      %sign3A_511 = arith.cmpi slt, %sub3A_442, %sign3A_510 : i32
      %sign3A_512 = arith.extui %sign3A_511 : i1 to i32
      %sign3A_513 = arith.subi %sign3A_509, %sign3A_512 : i32
      %sign3A_514 = arith.constant 0 : i32
      %sign3A_515 = arith.cmpi sgt, %jit3A_505, %sign3A_514 : i32
      %sign3A_516 = arith.extui %sign3A_515 : i1 to i32
      %sign3A_517 = arith.constant 0 : i32
      %sign3A_518 = arith.cmpi slt, %jit3A_505, %sign3A_517 : i32
      %sign3A_519 = arith.extui %sign3A_518 : i1 to i32
      %sign3A_520 = arith.subi %sign3A_516, %sign3A_519 : i32
      %ne3A_521 = arith.cmpi ne, %sign3A_513, %sign3A_520 : i32
      %rem3A_522 = arith.remsi %sub3A_442, %jit3A_505 : i32
      %ne3A_523 = arith.constant 0 : i32
      %ne3A_524 = arith.cmpi ne, %rem3A_522, %ne3A_523 : i32
      %and3A_525 = arith.andi %ne3A_521, %ne3A_524 : i1
      %sub3A_526 = arith.constant 1 : i32
      %sub3A_527 = arith.subi %div3A_506, %sub3A_526 : i32
      %select_n3A_528 = arith.select %and3A_525, %sub3A_527, %div3A_506 : i32
      %jit3A_529 = arith.constant 2 : i32
      %eq3A_530 = arith.constant 0 : i32
      %eq3A_531 = arith.cmpi eq, %jit3A_529, %eq3A_530 : i32
      %jit3A_532 = arith.constant 1 : i32
      %select_n3A_533 = arith.select %eq3A_531, %jit3A_532, %jit3A_529 : i32
      %rem3A_534 = arith.remsi %select_n3A_528, %select_n3A_533 : i32
      %ne3A_535 = arith.constant 0 : i32
      %ne3A_536 = arith.cmpi ne, %rem3A_534, %ne3A_535 : i32
      %lt3A_537 = arith.constant 0 : i32
      %lt3A_538 = arith.cmpi slt, %rem3A_534, %lt3A_537 : i32
      %lt3A_539 = arith.constant 0 : i32
      %lt3A_540 = arith.cmpi slt, %select_n3A_533, %lt3A_539 : i32
      %ne3A_541 = arith.xori %lt3A_538, %lt3A_540 : i1
      %and3A_542 = arith.andi %ne3A_541, %ne3A_536 : i1
      %add3A_543 = arith.addi %rem3A_534, %select_n3A_533 : i32
      %select_n3A_544 = arith.select %and3A_542, %add3A_543, %rem3A_534 : i32
      %jit3A_545 = arith.constant 8 : i32
      %eq3A_546 = arith.constant 0 : i32
      %eq3A_547 = arith.cmpi eq, %jit3A_545, %eq3A_546 : i32
      %jit3A_548 = arith.constant 1 : i32
      %select_n3A_549 = arith.select %eq3A_547, %jit3A_548, %jit3A_545 : i32
      %rem3A_550 = arith.remsi %sub3A_442, %select_n3A_549 : i32
      %ne3A_551 = arith.constant 0 : i32
      %ne3A_552 = arith.cmpi ne, %rem3A_550, %ne3A_551 : i32
      %lt3A_553 = arith.constant 0 : i32
      %lt3A_554 = arith.cmpi slt, %rem3A_550, %lt3A_553 : i32
      %lt3A_555 = arith.constant 0 : i32
      %lt3A_556 = arith.cmpi slt, %select_n3A_549, %lt3A_555 : i32
      %ne3A_557 = arith.xori %lt3A_554, %lt3A_556 : i1
      %and3A_558 = arith.andi %ne3A_557, %ne3A_552 : i1
      %add3A_559 = arith.addi %rem3A_550, %select_n3A_549 : i32
      %select_n3A_560 = arith.select %and3A_558, %add3A_559, %rem3A_550 : i32
      "tpu.region"() ({
        %run_scoped3A_875 = tpu.sem_alloc : memref<!tpu.dma_semaphore, #tpu.memory_space<semaphore_mem>>
        %dma_start3A_876 = arith.constant 0 : i32
        %dma_start3A_877 = tpu.memref_slice %arg8[%select_n3A_544, %select_n3A_560, %dma_start3A_876] : memref<2x8x128xi32, #tpu.memory_space<vmem>> -> memref<1x1x128xi32, #tpu.memory_space<vmem>>
        %dma_start3A_878 = tpu.memref_squeeze %dma_start3A_877 : memref<1x1x128xi32, #tpu.memory_space<vmem>> -> memref<128xi32, #tpu.memory_space<vmem>>
        %dma_start3A_879 = arith.constant 0 : i32
        %dma_start3A_880 = tpu.memref_slice %arg13[%dma_start3A_879] : memref<10240xf32, #tpu.memory_space<vmem_shared>> -> memref<10240xf32, #tpu.memory_space<vmem_shared>>
        tpu.enqueue_indirect_dma source(%arg11 : memref<128xf32, #tpu.memory_space<vmem>>) target(%dma_start3A_880 : memref<10240xf32, #tpu.memory_space<vmem_shared>>) offsets(%dma_start3A_878 : memref<128xi32, #tpu.memory_space<vmem>>) semaphore(%run_scoped3A_875 : memref<!tpu.dma_semaphore, #tpu.memory_space<semaphore_mem>>) {add = true}
        %dma_wait3A_881 = arith.constant 0 : i32
        %dma_wait3A_882 = tpu.memref_slice %arg8[%select_n3A_544, %select_n3A_560, %dma_wait3A_881] : memref<2x8x128xi32, #tpu.memory_space<vmem>> -> memref<1x1x128xi32, #tpu.memory_space<vmem>>
        %dma_wait3A_883 = tpu.memref_squeeze %dma_wait3A_882 : memref<1x1x128xi32, #tpu.memory_space<vmem>> -> memref<128xi32, #tpu.memory_space<vmem>>
        %dma_wait3A_884 = arith.constant 0 : i32
        %dma_wait3A_885 = tpu.memref_slice %arg13[%dma_wait3A_884] : memref<10240xf32, #tpu.memory_space<vmem_shared>> -> memref<10240xf32, #tpu.memory_space<vmem_shared>>
        tpu.wait_indirect_dma semaphore(%run_scoped3A_875 : memref<!tpu.dma_semaphore, #tpu.memory_space<semaphore_mem>>) src(%arg11 : memref<128xf32, #tpu.memory_space<vmem>>) dst(%dma_wait3A_885 : memref<10240xf32, #tpu.memory_space<vmem_shared>>)
        tpu.yield
      }) : () -> ()
      %jit3A_561 = arith.constant 8 : i32
      %div3A_562 = arith.divsi %mul3A_214, %jit3A_561 : i32
      %sign3A_563 = arith.constant 0 : i32
      %sign3A_564 = arith.cmpi sgt, %mul3A_214, %sign3A_563 : i32
      %sign3A_565 = arith.extui %sign3A_564 : i1 to i32
      %sign3A_566 = arith.constant 0 : i32
      %sign3A_567 = arith.cmpi slt, %mul3A_214, %sign3A_566 : i32
      %sign3A_568 = arith.extui %sign3A_567 : i1 to i32
      %sign3A_569 = arith.subi %sign3A_565, %sign3A_568 : i32
      %sign3A_570 = arith.constant 0 : i32
      %sign3A_571 = arith.cmpi sgt, %jit3A_561, %sign3A_570 : i32
      %sign3A_572 = arith.extui %sign3A_571 : i1 to i32
      %sign3A_573 = arith.constant 0 : i32
      %sign3A_574 = arith.cmpi slt, %jit3A_561, %sign3A_573 : i32
      %sign3A_575 = arith.extui %sign3A_574 : i1 to i32
      %sign3A_576 = arith.subi %sign3A_572, %sign3A_575 : i32
      %ne3A_577 = arith.cmpi ne, %sign3A_569, %sign3A_576 : i32
      %rem3A_578 = arith.remsi %mul3A_214, %jit3A_561 : i32
      %ne3A_579 = arith.constant 0 : i32
      %ne3A_580 = arith.cmpi ne, %rem3A_578, %ne3A_579 : i32
      %and3A_581 = arith.andi %ne3A_577, %ne3A_580 : i1
      %sub3A_582 = arith.constant 1 : i32
      %sub3A_583 = arith.subi %div3A_562, %sub3A_582 : i32
      %select_n3A_584 = arith.select %and3A_581, %sub3A_583, %div3A_562 : i32
      %jit3A_585 = arith.constant 2 : i32
      %eq3A_586 = arith.constant 0 : i32
      %eq3A_587 = arith.cmpi eq, %jit3A_585, %eq3A_586 : i32
      %jit3A_588 = arith.constant 1 : i32
      %select_n3A_589 = arith.select %eq3A_587, %jit3A_588, %jit3A_585 : i32
      %rem3A_590 = arith.remsi %select_n3A_584, %select_n3A_589 : i32
      %ne3A_591 = arith.constant 0 : i32
      %ne3A_592 = arith.cmpi ne, %rem3A_590, %ne3A_591 : i32
      %lt3A_593 = arith.constant 0 : i32
      %lt3A_594 = arith.cmpi slt, %rem3A_590, %lt3A_593 : i32
      %lt3A_595 = arith.constant 0 : i32
      %lt3A_596 = arith.cmpi slt, %select_n3A_589, %lt3A_595 : i32
      %ne3A_597 = arith.xori %lt3A_594, %lt3A_596 : i1
      %and3A_598 = arith.andi %ne3A_597, %ne3A_592 : i1
      %add3A_599 = arith.addi %rem3A_590, %select_n3A_589 : i32
      %select_n3A_600 = arith.select %and3A_598, %add3A_599, %rem3A_590 : i32
      %jit3A_601 = arith.constant 8 : i32
      %eq3A_602 = arith.constant 0 : i32
      %eq3A_603 = arith.cmpi eq, %jit3A_601, %eq3A_602 : i32
      %jit3A_604 = arith.constant 1 : i32
      %select_n3A_605 = arith.select %eq3A_603, %jit3A_604, %jit3A_601 : i32
      %rem3A_606 = arith.remsi %mul3A_214, %select_n3A_605 : i32
      %ne3A_607 = arith.constant 0 : i32
      %ne3A_608 = arith.cmpi ne, %rem3A_606, %ne3A_607 : i32
      %lt3A_609 = arith.constant 0 : i32
      %lt3A_610 = arith.cmpi slt, %rem3A_606, %lt3A_609 : i32
      %lt3A_611 = arith.constant 0 : i32
      %lt3A_612 = arith.cmpi slt, %select_n3A_605, %lt3A_611 : i32
      %ne3A_613 = arith.xori %lt3A_610, %lt3A_612 : i1
      %and3A_614 = arith.andi %ne3A_613, %ne3A_608 : i1
      %add3A_615 = arith.addi %rem3A_606, %select_n3A_605 : i32
      %select_n3A_616 = arith.select %and3A_614, %add3A_615, %rem3A_606 : i32
      %dma_wait3A_617 = arith.constant 0 : i32
      %dma_wait3A_618 = tpu.memref_slice %arg7[%select_n3A_600, %select_n3A_616, %dma_wait3A_617] : memref<2x8x128xi32, #tpu.memory_space<vmem>> -> memref<1x1x128xi32, #tpu.memory_space<vmem>>
      %dma_wait3A_619 = tpu.memref_squeeze %dma_wait3A_618 : memref<1x1x128xi32, #tpu.memory_space<vmem>> -> memref<128xi32, #tpu.memory_space<vmem>>
      %dma_wait3A_620 = arith.constant 0 : i32
      %dma_wait3A_621 = arith.constant 0 : i32
      %dma_wait3A_622 = tpu.memref_slice %arg2[%dma_wait3A_620, %dma_wait3A_621] : memref<10000x128xf32, #tpu.memory_space<hbm>> -> memref<10000x128xf32, #tpu.memory_space<hbm>>
      tpu.wait_indirect_dma semaphore(%arg14 : memref<!tpu.dma_semaphore, #tpu.memory_space<semaphore_mem>>) src(%dma_wait3A_622 : memref<10000x128xf32, #tpu.memory_space<hbm>>) dst(%arg9 : memref<128x128xf32, #tpu.memory_space<vmem>>)
      %sub3A_623 = arith.constant 1 : i32
      %sub3A_624 = arith.subi %mul3A_214, %sub3A_623 : i32
      %jit3A_625 = arith.constant 8 : i32
      %div3A_626 = arith.divsi %sub3A_624, %jit3A_625 : i32
      %sign3A_627 = arith.constant 0 : i32
      %sign3A_628 = arith.cmpi sgt, %sub3A_624, %sign3A_627 : i32
      %sign3A_629 = arith.extui %sign3A_628 : i1 to i32
      %sign3A_630 = arith.constant 0 : i32
      %sign3A_631 = arith.cmpi slt, %sub3A_624, %sign3A_630 : i32
      %sign3A_632 = arith.extui %sign3A_631 : i1 to i32
      %sign3A_633 = arith.subi %sign3A_629, %sign3A_632 : i32
      %sign3A_634 = arith.constant 0 : i32
      %sign3A_635 = arith.cmpi sgt, %jit3A_625, %sign3A_634 : i32
      %sign3A_636 = arith.extui %sign3A_635 : i1 to i32
      %sign3A_637 = arith.constant 0 : i32
      %sign3A_638 = arith.cmpi slt, %jit3A_625, %sign3A_637 : i32
      %sign3A_639 = arith.extui %sign3A_638 : i1 to i32
      %sign3A_640 = arith.subi %sign3A_636, %sign3A_639 : i32
      %ne3A_641 = arith.cmpi ne, %sign3A_633, %sign3A_640 : i32
      %rem3A_642 = arith.remsi %sub3A_624, %jit3A_625 : i32
      %ne3A_643 = arith.constant 0 : i32
      %ne3A_644 = arith.cmpi ne, %rem3A_642, %ne3A_643 : i32
      %and3A_645 = arith.andi %ne3A_641, %ne3A_644 : i1
      %sub3A_646 = arith.constant 1 : i32
      %sub3A_647 = arith.subi %div3A_626, %sub3A_646 : i32
      %select_n3A_648 = arith.select %and3A_645, %sub3A_647, %div3A_626 : i32
      %jit3A_649 = arith.constant 2 : i32
      %eq3A_650 = arith.constant 0 : i32
      %eq3A_651 = arith.cmpi eq, %jit3A_649, %eq3A_650 : i32
      %jit3A_652 = arith.constant 1 : i32
      %select_n3A_653 = arith.select %eq3A_651, %jit3A_652, %jit3A_649 : i32
      %rem3A_654 = arith.remsi %select_n3A_648, %select_n3A_653 : i32
      %ne3A_655 = arith.constant 0 : i32
      %ne3A_656 = arith.cmpi ne, %rem3A_654, %ne3A_655 : i32
      %lt3A_657 = arith.constant 0 : i32
      %lt3A_658 = arith.cmpi slt, %rem3A_654, %lt3A_657 : i32
      %lt3A_659 = arith.constant 0 : i32
      %lt3A_660 = arith.cmpi slt, %select_n3A_653, %lt3A_659 : i32
      %ne3A_661 = arith.xori %lt3A_658, %lt3A_660 : i1
      %and3A_662 = arith.andi %ne3A_661, %ne3A_656 : i1
      %add3A_663 = arith.addi %rem3A_654, %select_n3A_653 : i32
      %select_n3A_664 = arith.select %and3A_662, %add3A_663, %rem3A_654 : i32
      %jit3A_665 = arith.constant 8 : i32
      %eq3A_666 = arith.constant 0 : i32
      %eq3A_667 = arith.cmpi eq, %jit3A_665, %eq3A_666 : i32
      %jit3A_668 = arith.constant 1 : i32
      %select_n3A_669 = arith.select %eq3A_667, %jit3A_668, %jit3A_665 : i32
      %rem3A_670 = arith.remsi %sub3A_624, %select_n3A_669 : i32
      %ne3A_671 = arith.constant 0 : i32
      %ne3A_672 = arith.cmpi ne, %rem3A_670, %ne3A_671 : i32
      %lt3A_673 = arith.constant 0 : i32
      %lt3A_674 = arith.cmpi slt, %rem3A_670, %lt3A_673 : i32
      %lt3A_675 = arith.constant 0 : i32
      %lt3A_676 = arith.cmpi slt, %select_n3A_669, %lt3A_675 : i32
      %ne3A_677 = arith.xori %lt3A_674, %lt3A_676 : i1
      %and3A_678 = arith.andi %ne3A_677, %ne3A_672 : i1
      %add3A_679 = arith.addi %rem3A_670, %select_n3A_669 : i32
      %select_n3A_680 = arith.select %and3A_678, %add3A_679, %rem3A_670 : i32
      %dma_wait3A_681 = arith.constant 0 : i32
      %dma_wait3A_682 = tpu.memref_slice %arg8[%select_n3A_664, %select_n3A_680, %dma_wait3A_681] : memref<2x8x128xi32, #tpu.memory_space<vmem>> -> memref<1x1x128xi32, #tpu.memory_space<vmem>>
      %dma_wait3A_683 = tpu.memref_squeeze %dma_wait3A_682 : memref<1x1x128xi32, #tpu.memory_space<vmem>> -> memref<128xi32, #tpu.memory_space<vmem>>
      %dma_wait3A_684 = arith.constant 0 : i32
      %dma_wait3A_685 = arith.constant 0 : i32
      %dma_wait3A_686 = tpu.memref_slice %arg12[%dma_wait3A_684, %dma_wait3A_685] : memref<10240x128xf32, #tpu.memory_space<vmem_shared>> -> memref<10240x128xf32, #tpu.memory_space<vmem_shared>>
      tpu.wait_indirect_dma semaphore(%arg15 : memref<!tpu.dma_semaphore, #tpu.memory_space<semaphore_mem>>) src(%arg10 : memref<128x128xf32, #tpu.memory_space<vmem>>) dst(%dma_wait3A_686 : memref<10240x128xf32, #tpu.memory_space<vmem_shared>>)
      %lt3A_687 = arith.constant 9 : i32
      %lt3A_688 = arith.cmpi slt, %select_n3A, %lt3A_687 : i32
      %and3A_689 = arith.andi %eq3A_247, %lt3A_688 : i1
      %convert_element_type3A_690 = arith.extui %and3A_689 : i1 to i32
      %cond3A_691 = arith.constant 0 : i32
      %cond3A_692 = arith.cmpi ne, %convert_element_type3A_690, %cond3A_691 : i32
      scf.if %cond3A_692 {
        %add3A_875 = arith.constant 1 : i32
        %add3A_876 = arith.addi %select_n3A, %add3A_875 : i32
        %jit3A_877 = arith.constant 2 : i32
        %eq3A_878 = arith.constant 0 : i32
        %eq3A_879 = arith.cmpi eq, %jit3A_877, %eq3A_878 : i32
        %jit3A_880 = arith.constant 1 : i32
        %select_n3A_881 = arith.select %eq3A_879, %jit3A_880, %jit3A_877 : i32
        %rem3A_882 = arith.remsi %add3A_876, %select_n3A_881 : i32
        %ne3A_883 = arith.constant 0 : i32
        %ne3A_884 = arith.cmpi ne, %rem3A_882, %ne3A_883 : i32
        %lt3A_885 = arith.constant 0 : i32
        %lt3A_886 = arith.cmpi slt, %rem3A_882, %lt3A_885 : i32
        %lt3A_887 = arith.constant 0 : i32
        %lt3A_888 = arith.cmpi slt, %select_n3A_881, %lt3A_887 : i32
        %ne3A_889 = arith.xori %lt3A_886, %lt3A_888 : i1
        %and3A_890 = arith.andi %ne3A_889, %ne3A_884 : i1
        %add3A_891 = arith.addi %rem3A_882, %select_n3A_881 : i32
        %select_n3A_892 = arith.select %and3A_890, %add3A_891, %rem3A_882 : i32
        %dma_start3A_893 = arith.constant 0 : i32
        %dma_start3A_894 = arith.constant 0 : i32
        %dma_start3A_895 = tpu.memref_slice %arg7[%select_n3A_892, %dma_start3A_893, %dma_start3A_894] : memref<2x8x128xi32, #tpu.memory_space<vmem>> -> memref<1x8x128xi32, #tpu.memory_space<vmem>>
        %dma_start3A_896 = tpu.memref_squeeze %dma_start3A_895 : memref<1x8x128xi32, #tpu.memory_space<vmem>> -> memref<8x128xi32, #tpu.memory_space<vmem>>
        %dma_start3A_897 = arith.constant 0 : i32
        %dma_start3A_898 = arith.constant 0 : i32
        %dma_start3A_899 = tpu.memref_slice %arg3[%add3A, %add3A_876, %dma_start3A_897, %dma_start3A_898] : memref<32x10x8x128xi32, #tpu.memory_space<hbm>> -> memref<1x1x8x128xi32, #tpu.memory_space<hbm>>
        %dma_start3A_900 = tpu.memref_squeeze %dma_start3A_899 : memref<1x1x8x128xi32, #tpu.memory_space<hbm>> -> memref<8x128xi32, #tpu.memory_space<hbm>>
        %dma_start3A_901 = arith.constant 0 : i32
        %dma_start3A_902 = arith.constant 0 : i32
        %dma_start3A_903 = tpu.memref_slice %arg7[%select_n3A_892, %dma_start3A_901, %dma_start3A_902] : memref<2x8x128xi32, #tpu.memory_space<vmem>> -> memref<1x8x128xi32, #tpu.memory_space<vmem>>
        %dma_start3A_904 = tpu.memref_squeeze %dma_start3A_903 : memref<1x8x128xi32, #tpu.memory_space<vmem>> -> memref<8x128xi32, #tpu.memory_space<vmem>>
        %dma_start3A_905 = arith.constant 0 : i32
        %dma_start3A_906 = arith.constant 0 : i32
        %dma_start3A_907 = tpu.memref_slice %arg3[%add3A, %add3A_876, %dma_start3A_905, %dma_start3A_906] : memref<32x10x8x128xi32, #tpu.memory_space<hbm>> -> memref<1x1x8x128xi32, #tpu.memory_space<hbm>>
        %dma_start3A_908 = tpu.memref_squeeze %dma_start3A_907 : memref<1x1x8x128xi32, #tpu.memory_space<hbm>> -> memref<8x128xi32, #tpu.memory_space<hbm>>
        tpu.enqueue_dma source(%dma_start3A_908 : memref<8x128xi32, #tpu.memory_space<hbm>>) target(%dma_start3A_904 : memref<8x128xi32, #tpu.memory_space<vmem>>) target_semaphore(%arg16 : memref<!tpu.dma_semaphore, #tpu.memory_space<semaphore_mem>>)
        %jit3A_909 = arith.constant 2 : i32
        %eq3A_910 = arith.constant 0 : i32
        %eq3A_911 = arith.cmpi eq, %jit3A_909, %eq3A_910 : i32
        %jit3A_912 = arith.constant 1 : i32
        %select_n3A_913 = arith.select %eq3A_911, %jit3A_912, %jit3A_909 : i32
        %rem3A_914 = arith.remsi %add3A_876, %select_n3A_913 : i32
        %ne3A_915 = arith.constant 0 : i32
        %ne3A_916 = arith.cmpi ne, %rem3A_914, %ne3A_915 : i32
        %lt3A_917 = arith.constant 0 : i32
        %lt3A_918 = arith.cmpi slt, %rem3A_914, %lt3A_917 : i32
        %lt3A_919 = arith.constant 0 : i32
        %lt3A_920 = arith.cmpi slt, %select_n3A_913, %lt3A_919 : i32
        %ne3A_921 = arith.xori %lt3A_918, %lt3A_920 : i1
        %and3A_922 = arith.andi %ne3A_921, %ne3A_916 : i1
        %add3A_923 = arith.addi %rem3A_914, %select_n3A_913 : i32
        %select_n3A_924 = arith.select %and3A_922, %add3A_923, %rem3A_914 : i32
        %dma_start3A_925 = arith.constant 0 : i32
        %dma_start3A_926 = arith.constant 0 : i32
        %dma_start3A_927 = tpu.memref_slice %arg8[%select_n3A_924, %dma_start3A_925, %dma_start3A_926] : memref<2x8x128xi32, #tpu.memory_space<vmem>> -> memref<1x8x128xi32, #tpu.memory_space<vmem>>
        %dma_start3A_928 = tpu.memref_squeeze %dma_start3A_927 : memref<1x8x128xi32, #tpu.memory_space<vmem>> -> memref<8x128xi32, #tpu.memory_space<vmem>>
        %dma_start3A_929 = arith.constant 0 : i32
        %dma_start3A_930 = arith.constant 0 : i32
        %dma_start3A_931 = tpu.memref_slice %arg4[%add3A, %add3A_876, %dma_start3A_929, %dma_start3A_930] : memref<32x10x8x128xi32, #tpu.memory_space<hbm>> -> memref<1x1x8x128xi32, #tpu.memory_space<hbm>>
        %dma_start3A_932 = tpu.memref_squeeze %dma_start3A_931 : memref<1x1x8x128xi32, #tpu.memory_space<hbm>> -> memref<8x128xi32, #tpu.memory_space<hbm>>
        %dma_start3A_933 = arith.constant 0 : i32
        %dma_start3A_934 = arith.constant 0 : i32
        %dma_start3A_935 = tpu.memref_slice %arg8[%select_n3A_924, %dma_start3A_933, %dma_start3A_934] : memref<2x8x128xi32, #tpu.memory_space<vmem>> -> memref<1x8x128xi32, #tpu.memory_space<vmem>>
        %dma_start3A_936 = tpu.memref_squeeze %dma_start3A_935 : memref<1x8x128xi32, #tpu.memory_space<vmem>> -> memref<8x128xi32, #tpu.memory_space<vmem>>
        %dma_start3A_937 = arith.constant 0 : i32
        %dma_start3A_938 = arith.constant 0 : i32
        %dma_start3A_939 = tpu.memref_slice %arg4[%add3A, %add3A_876, %dma_start3A_937, %dma_start3A_938] : memref<32x10x8x128xi32, #tpu.memory_space<hbm>> -> memref<1x1x8x128xi32, #tpu.memory_space<hbm>>
        %dma_start3A_940 = tpu.memref_squeeze %dma_start3A_939 : memref<1x1x8x128xi32, #tpu.memory_space<hbm>> -> memref<8x128xi32, #tpu.memory_space<hbm>>
        tpu.enqueue_dma source(%dma_start3A_940 : memref<8x128xi32, #tpu.memory_space<hbm>>) target(%dma_start3A_936 : memref<8x128xi32, #tpu.memory_space<vmem>>) target_semaphore(%arg16 : memref<!tpu.dma_semaphore, #tpu.memory_space<semaphore_mem>>)
      } else {
      }
      %add3A_693 = arith.constant 1 : i32
      %add3A_694 = arith.addi %mul3A_214, %add3A_693 : i32
      %jit3A_695 = arith.constant 8 : i32
      %div3A_696 = arith.divsi %add3A_694, %jit3A_695 : i32
      %sign3A_697 = arith.constant 0 : i32
      %sign3A_698 = arith.cmpi sgt, %add3A_694, %sign3A_697 : i32
      %sign3A_699 = arith.extui %sign3A_698 : i1 to i32
      %sign3A_700 = arith.constant 0 : i32
      %sign3A_701 = arith.cmpi slt, %add3A_694, %sign3A_700 : i32
      %sign3A_702 = arith.extui %sign3A_701 : i1 to i32
      %sign3A_703 = arith.subi %sign3A_699, %sign3A_702 : i32
      %sign3A_704 = arith.constant 0 : i32
      %sign3A_705 = arith.cmpi sgt, %jit3A_695, %sign3A_704 : i32
      %sign3A_706 = arith.extui %sign3A_705 : i1 to i32
      %sign3A_707 = arith.constant 0 : i32
      %sign3A_708 = arith.cmpi slt, %jit3A_695, %sign3A_707 : i32
      %sign3A_709 = arith.extui %sign3A_708 : i1 to i32
      %sign3A_710 = arith.subi %sign3A_706, %sign3A_709 : i32
      %ne3A_711 = arith.cmpi ne, %sign3A_703, %sign3A_710 : i32
      %rem3A_712 = arith.remsi %add3A_694, %jit3A_695 : i32
      %ne3A_713 = arith.constant 0 : i32
      %ne3A_714 = arith.cmpi ne, %rem3A_712, %ne3A_713 : i32
      %and3A_715 = arith.andi %ne3A_711, %ne3A_714 : i1
      %sub3A_716 = arith.constant 1 : i32
      %sub3A_717 = arith.subi %div3A_696, %sub3A_716 : i32
      %select_n3A_718 = arith.select %and3A_715, %sub3A_717, %div3A_696 : i32
      %jit3A_719 = arith.constant 2 : i32
      %eq3A_720 = arith.constant 0 : i32
      %eq3A_721 = arith.cmpi eq, %jit3A_719, %eq3A_720 : i32
      %jit3A_722 = arith.constant 1 : i32
      %select_n3A_723 = arith.select %eq3A_721, %jit3A_722, %jit3A_719 : i32
      %rem3A_724 = arith.remsi %select_n3A_718, %select_n3A_723 : i32
      %ne3A_725 = arith.constant 0 : i32
      %ne3A_726 = arith.cmpi ne, %rem3A_724, %ne3A_725 : i32
      %lt3A_727 = arith.constant 0 : i32
      %lt3A_728 = arith.cmpi slt, %rem3A_724, %lt3A_727 : i32
      %lt3A_729 = arith.constant 0 : i32
      %lt3A_730 = arith.cmpi slt, %select_n3A_723, %lt3A_729 : i32
      %ne3A_731 = arith.xori %lt3A_728, %lt3A_730 : i1
      %and3A_732 = arith.andi %ne3A_731, %ne3A_726 : i1
      %add3A_733 = arith.addi %rem3A_724, %select_n3A_723 : i32
      %select_n3A_734 = arith.select %and3A_732, %add3A_733, %rem3A_724 : i32
      %jit3A_735 = arith.constant 8 : i32
      %eq3A_736 = arith.constant 0 : i32
      %eq3A_737 = arith.cmpi eq, %jit3A_735, %eq3A_736 : i32
      %jit3A_738 = arith.constant 1 : i32
      %select_n3A_739 = arith.select %eq3A_737, %jit3A_738, %jit3A_735 : i32
      %rem3A_740 = arith.remsi %add3A_694, %select_n3A_739 : i32
      %ne3A_741 = arith.constant 0 : i32
      %ne3A_742 = arith.cmpi ne, %rem3A_740, %ne3A_741 : i32
      %lt3A_743 = arith.constant 0 : i32
      %lt3A_744 = arith.cmpi slt, %rem3A_740, %lt3A_743 : i32
      %lt3A_745 = arith.constant 0 : i32
      %lt3A_746 = arith.cmpi slt, %select_n3A_739, %lt3A_745 : i32
      %ne3A_747 = arith.xori %lt3A_744, %lt3A_746 : i1
      %and3A_748 = arith.andi %ne3A_747, %ne3A_742 : i1
      %add3A_749 = arith.addi %rem3A_740, %select_n3A_739 : i32
      %select_n3A_750 = arith.select %and3A_748, %add3A_749, %rem3A_740 : i32
      %dma_start3A_751 = arith.constant 0 : i32
      %dma_start3A_752 = tpu.memref_slice %arg7[%select_n3A_734, %select_n3A_750, %dma_start3A_751] : memref<2x8x128xi32, #tpu.memory_space<vmem>> -> memref<1x1x128xi32, #tpu.memory_space<vmem>>
      %dma_start3A_753 = tpu.memref_squeeze %dma_start3A_752 : memref<1x1x128xi32, #tpu.memory_space<vmem>> -> memref<128xi32, #tpu.memory_space<vmem>>
      %dma_start3A_754 = arith.constant 0 : i32
      %dma_start3A_755 = arith.constant 0 : i32
      %dma_start3A_756 = tpu.memref_slice %arg2[%dma_start3A_754, %dma_start3A_755] : memref<10000x128xf32, #tpu.memory_space<hbm>> -> memref<10000x128xf32, #tpu.memory_space<hbm>>
      tpu.enqueue_indirect_dma source(%dma_start3A_756 : memref<10000x128xf32, #tpu.memory_space<hbm>>) target(%arg10 : memref<128x128xf32, #tpu.memory_space<vmem>>) offsets(%dma_start3A_753 : memref<128xi32, #tpu.memory_space<vmem>>) semaphore(%arg14 : memref<!tpu.dma_semaphore, #tpu.memory_space<semaphore_mem>>)
      %jit3A_757 = arith.constant 8 : i32
      %div3A_758 = arith.divsi %mul3A_214, %jit3A_757 : i32
      %sign3A_759 = arith.constant 0 : i32
      %sign3A_760 = arith.cmpi sgt, %mul3A_214, %sign3A_759 : i32
      %sign3A_761 = arith.extui %sign3A_760 : i1 to i32
      %sign3A_762 = arith.constant 0 : i32
      %sign3A_763 = arith.cmpi slt, %mul3A_214, %sign3A_762 : i32
      %sign3A_764 = arith.extui %sign3A_763 : i1 to i32
      %sign3A_765 = arith.subi %sign3A_761, %sign3A_764 : i32
      %sign3A_766 = arith.constant 0 : i32
      %sign3A_767 = arith.cmpi sgt, %jit3A_757, %sign3A_766 : i32
      %sign3A_768 = arith.extui %sign3A_767 : i1 to i32
      %sign3A_769 = arith.constant 0 : i32
      %sign3A_770 = arith.cmpi slt, %jit3A_757, %sign3A_769 : i32
      %sign3A_771 = arith.extui %sign3A_770 : i1 to i32
      %sign3A_772 = arith.subi %sign3A_768, %sign3A_771 : i32
      %ne3A_773 = arith.cmpi ne, %sign3A_765, %sign3A_772 : i32
      %rem3A_774 = arith.remsi %mul3A_214, %jit3A_757 : i32
      %ne3A_775 = arith.constant 0 : i32
      %ne3A_776 = arith.cmpi ne, %rem3A_774, %ne3A_775 : i32
      %and3A_777 = arith.andi %ne3A_773, %ne3A_776 : i1
      %sub3A_778 = arith.constant 1 : i32
      %sub3A_779 = arith.subi %div3A_758, %sub3A_778 : i32
      %select_n3A_780 = arith.select %and3A_777, %sub3A_779, %div3A_758 : i32
      %jit3A_781 = arith.constant 2 : i32
      %eq3A_782 = arith.constant 0 : i32
      %eq3A_783 = arith.cmpi eq, %jit3A_781, %eq3A_782 : i32
      %jit3A_784 = arith.constant 1 : i32
      %select_n3A_785 = arith.select %eq3A_783, %jit3A_784, %jit3A_781 : i32
      %rem3A_786 = arith.remsi %select_n3A_780, %select_n3A_785 : i32
      %ne3A_787 = arith.constant 0 : i32
      %ne3A_788 = arith.cmpi ne, %rem3A_786, %ne3A_787 : i32
      %lt3A_789 = arith.constant 0 : i32
      %lt3A_790 = arith.cmpi slt, %rem3A_786, %lt3A_789 : i32
      %lt3A_791 = arith.constant 0 : i32
      %lt3A_792 = arith.cmpi slt, %select_n3A_785, %lt3A_791 : i32
      %ne3A_793 = arith.xori %lt3A_790, %lt3A_792 : i1
      %and3A_794 = arith.andi %ne3A_793, %ne3A_788 : i1
      %add3A_795 = arith.addi %rem3A_786, %select_n3A_785 : i32
      %select_n3A_796 = arith.select %and3A_794, %add3A_795, %rem3A_786 : i32
      %jit3A_797 = arith.constant 8 : i32
      %eq3A_798 = arith.constant 0 : i32
      %eq3A_799 = arith.cmpi eq, %jit3A_797, %eq3A_798 : i32
      %jit3A_800 = arith.constant 1 : i32
      %select_n3A_801 = arith.select %eq3A_799, %jit3A_800, %jit3A_797 : i32
      %rem3A_802 = arith.remsi %mul3A_214, %select_n3A_801 : i32
      %ne3A_803 = arith.constant 0 : i32
      %ne3A_804 = arith.cmpi ne, %rem3A_802, %ne3A_803 : i32
      %lt3A_805 = arith.constant 0 : i32
      %lt3A_806 = arith.cmpi slt, %rem3A_802, %lt3A_805 : i32
      %lt3A_807 = arith.constant 0 : i32
      %lt3A_808 = arith.cmpi slt, %select_n3A_801, %lt3A_807 : i32
      %ne3A_809 = arith.xori %lt3A_806, %lt3A_808 : i1
      %and3A_810 = arith.andi %ne3A_809, %ne3A_804 : i1
      %add3A_811 = arith.addi %rem3A_802, %select_n3A_801 : i32
      %select_n3A_812 = arith.select %and3A_810, %add3A_811, %rem3A_802 : i32
      %dma_start3A_813 = arith.constant 0 : i32
      %dma_start3A_814 = tpu.memref_slice %arg8[%select_n3A_796, %select_n3A_812, %dma_start3A_813] : memref<2x8x128xi32, #tpu.memory_space<vmem>> -> memref<1x1x128xi32, #tpu.memory_space<vmem>>
      %dma_start3A_815 = tpu.memref_squeeze %dma_start3A_814 : memref<1x1x128xi32, #tpu.memory_space<vmem>> -> memref<128xi32, #tpu.memory_space<vmem>>
      %dma_start3A_816 = arith.constant 0 : i32
      %dma_start3A_817 = arith.constant 0 : i32
      %dma_start3A_818 = tpu.memref_slice %arg12[%dma_start3A_816, %dma_start3A_817] : memref<10240x128xf32, #tpu.memory_space<vmem_shared>> -> memref<10240x128xf32, #tpu.memory_space<vmem_shared>>
      tpu.enqueue_indirect_dma source(%arg9 : memref<128x128xf32, #tpu.memory_space<vmem>>) target(%dma_start3A_818 : memref<10240x128xf32, #tpu.memory_space<vmem_shared>>) offsets(%dma_start3A_815 : memref<128xi32, #tpu.memory_space<vmem>>) semaphore(%arg15 : memref<!tpu.dma_semaphore, #tpu.memory_space<semaphore_mem>>) {add = true}
      %jit3A_819 = arith.constant 8 : i32
      %div3A_820 = arith.divsi %mul3A_214, %jit3A_819 : i32
      %sign3A_821 = arith.constant 0 : i32
      %sign3A_822 = arith.cmpi sgt, %mul3A_214, %sign3A_821 : i32
      %sign3A_823 = arith.extui %sign3A_822 : i1 to i32
      %sign3A_824 = arith.constant 0 : i32
      %sign3A_825 = arith.cmpi slt, %mul3A_214, %sign3A_824 : i32
      %sign3A_826 = arith.extui %sign3A_825 : i1 to i32
      %sign3A_827 = arith.subi %sign3A_823, %sign3A_826 : i32
      %sign3A_828 = arith.constant 0 : i32
      %sign3A_829 = arith.cmpi sgt, %jit3A_819, %sign3A_828 : i32
      %sign3A_830 = arith.extui %sign3A_829 : i1 to i32
      %sign3A_831 = arith.constant 0 : i32
      %sign3A_832 = arith.cmpi slt, %jit3A_819, %sign3A_831 : i32
      %sign3A_833 = arith.extui %sign3A_832 : i1 to i32
      %sign3A_834 = arith.subi %sign3A_830, %sign3A_833 : i32
      %ne3A_835 = arith.cmpi ne, %sign3A_827, %sign3A_834 : i32
      %rem3A_836 = arith.remsi %mul3A_214, %jit3A_819 : i32
      %ne3A_837 = arith.constant 0 : i32
      %ne3A_838 = arith.cmpi ne, %rem3A_836, %ne3A_837 : i32
      %and3A_839 = arith.andi %ne3A_835, %ne3A_838 : i1
      %sub3A_840 = arith.constant 1 : i32
      %sub3A_841 = arith.subi %div3A_820, %sub3A_840 : i32
      %select_n3A_842 = arith.select %and3A_839, %sub3A_841, %div3A_820 : i32
      %jit3A_843 = arith.constant 2 : i32
      %eq3A_844 = arith.constant 0 : i32
      %eq3A_845 = arith.cmpi eq, %jit3A_843, %eq3A_844 : i32
      %jit3A_846 = arith.constant 1 : i32
      %select_n3A_847 = arith.select %eq3A_845, %jit3A_846, %jit3A_843 : i32
      %rem3A_848 = arith.remsi %select_n3A_842, %select_n3A_847 : i32
      %ne3A_849 = arith.constant 0 : i32
      %ne3A_850 = arith.cmpi ne, %rem3A_848, %ne3A_849 : i32
      %lt3A_851 = arith.constant 0 : i32
      %lt3A_852 = arith.cmpi slt, %rem3A_848, %lt3A_851 : i32
      %lt3A_853 = arith.constant 0 : i32
      %lt3A_854 = arith.cmpi slt, %select_n3A_847, %lt3A_853 : i32
      %ne3A_855 = arith.xori %lt3A_852, %lt3A_854 : i1
      %and3A_856 = arith.andi %ne3A_855, %ne3A_850 : i1
      %add3A_857 = arith.addi %rem3A_848, %select_n3A_847 : i32
      %select_n3A_858 = arith.select %and3A_856, %add3A_857, %rem3A_848 : i32
      %jit3A_859 = arith.constant 8 : i32
      %eq3A_860 = arith.constant 0 : i32
      %eq3A_861 = arith.cmpi eq, %jit3A_859, %eq3A_860 : i32
      %jit3A_862 = arith.constant 1 : i32
      %select_n3A_863 = arith.select %eq3A_861, %jit3A_862, %jit3A_859 : i32
      %rem3A_864 = arith.remsi %mul3A_214, %select_n3A_863 : i32
      %ne3A_865 = arith.constant 0 : i32
      %ne3A_866 = arith.cmpi ne, %rem3A_864, %ne3A_865 : i32
      %lt3A_867 = arith.constant 0 : i32
      %lt3A_868 = arith.cmpi slt, %rem3A_864, %lt3A_867 : i32
      %lt3A_869 = arith.constant 0 : i32
      %lt3A_870 = arith.cmpi slt, %select_n3A_863, %lt3A_869 : i32
      %ne3A_871 = arith.xori %lt3A_868, %lt3A_870 : i1
      %and3A_872 = arith.andi %ne3A_871, %ne3A_866 : i1
      %add3A_873 = arith.addi %rem3A_864, %select_n3A_863 : i32
      %select_n3A_874 = arith.select %and3A_872, %add3A_873, %rem3A_864 : i32
      "tpu.region"() ({
        %run_scoped3A_875 = tpu.sem_alloc : memref<!tpu.dma_semaphore, #tpu.memory_space<semaphore_mem>>
        %dma_start3A_876 = arith.constant 0 : i32
        %dma_start3A_877 = tpu.memref_slice %arg8[%select_n3A_858, %select_n3A_874, %dma_start3A_876] : memref<2x8x128xi32, #tpu.memory_space<vmem>> -> memref<1x1x128xi32, #tpu.memory_space<vmem>>
        %dma_start3A_878 = tpu.memref_squeeze %dma_start3A_877 : memref<1x1x128xi32, #tpu.memory_space<vmem>> -> memref<128xi32, #tpu.memory_space<vmem>>
        %dma_start3A_879 = arith.constant 0 : i32
        %dma_start3A_880 = tpu.memref_slice %arg13[%dma_start3A_879] : memref<10240xf32, #tpu.memory_space<vmem_shared>> -> memref<10240xf32, #tpu.memory_space<vmem_shared>>
        tpu.enqueue_indirect_dma source(%arg11 : memref<128xf32, #tpu.memory_space<vmem>>) target(%dma_start3A_880 : memref<10240xf32, #tpu.memory_space<vmem_shared>>) offsets(%dma_start3A_878 : memref<128xi32, #tpu.memory_space<vmem>>) semaphore(%run_scoped3A_875 : memref<!tpu.dma_semaphore, #tpu.memory_space<semaphore_mem>>) {add = true}
        %dma_wait3A_881 = arith.constant 0 : i32
        %dma_wait3A_882 = tpu.memref_slice %arg8[%select_n3A_858, %select_n3A_874, %dma_wait3A_881] : memref<2x8x128xi32, #tpu.memory_space<vmem>> -> memref<1x1x128xi32, #tpu.memory_space<vmem>>
        %dma_wait3A_883 = tpu.memref_squeeze %dma_wait3A_882 : memref<1x1x128xi32, #tpu.memory_space<vmem>> -> memref<128xi32, #tpu.memory_space<vmem>>
        %dma_wait3A_884 = arith.constant 0 : i32
        %dma_wait3A_885 = tpu.memref_slice %arg13[%dma_wait3A_884] : memref<10240xf32, #tpu.memory_space<vmem_shared>> -> memref<10240xf32, #tpu.memory_space<vmem_shared>>
        tpu.wait_indirect_dma semaphore(%run_scoped3A_875 : memref<!tpu.dma_semaphore, #tpu.memory_space<semaphore_mem>>) src(%arg11 : memref<128xf32, #tpu.memory_space<vmem>>) dst(%dma_wait3A_885 : memref<10240xf32, #tpu.memory_space<vmem_shared>>)
        tpu.yield
      }) : () -> ()
    }
    %scan3A_163 = arith.constant 39 : i32
    %dma_wait3A_164 = arith.constant 1 : i32
    %dma_wait3A_165 = arith.constant 7 : i32
    %dma_wait3A_166 = arith.constant 0 : i32
    %dma_wait3A_167 = tpu.memref_slice %arg7[%dma_wait3A_164, %dma_wait3A_165, %dma_wait3A_166] : memref<2x8x128xi32, #tpu.memory_space<vmem>> -> memref<1x1x128xi32, #tpu.memory_space<vmem>>
    %dma_wait3A_168 = tpu.memref_squeeze %dma_wait3A_167 : memref<1x1x128xi32, #tpu.memory_space<vmem>> -> memref<128xi32, #tpu.memory_space<vmem>>
    %dma_wait3A_169 = arith.constant 0 : i32
    %dma_wait3A_170 = arith.constant 0 : i32
    %dma_wait3A_171 = tpu.memref_slice %arg2[%dma_wait3A_169, %dma_wait3A_170] : memref<10000x128xf32, #tpu.memory_space<hbm>> -> memref<10000x128xf32, #tpu.memory_space<hbm>>
    tpu.wait_indirect_dma semaphore(%arg14 : memref<!tpu.dma_semaphore, #tpu.memory_space<semaphore_mem>>) src(%dma_wait3A_171 : memref<10000x128xf32, #tpu.memory_space<hbm>>) dst(%arg10 : memref<128x128xf32, #tpu.memory_space<vmem>>)
    %dma_wait3A_172 = arith.constant 1 : i32
    %dma_wait3A_173 = arith.constant 6 : i32
    %dma_wait3A_174 = arith.constant 0 : i32
    %dma_wait3A_175 = tpu.memref_slice %arg8[%dma_wait3A_172, %dma_wait3A_173, %dma_wait3A_174] : memref<2x8x128xi32, #tpu.memory_space<vmem>> -> memref<1x1x128xi32, #tpu.memory_space<vmem>>
    %dma_wait3A_176 = tpu.memref_squeeze %dma_wait3A_175 : memref<1x1x128xi32, #tpu.memory_space<vmem>> -> memref<128xi32, #tpu.memory_space<vmem>>
    %dma_wait3A_177 = arith.constant 0 : i32
    %dma_wait3A_178 = arith.constant 0 : i32
    %dma_wait3A_179 = tpu.memref_slice %arg12[%dma_wait3A_177, %dma_wait3A_178] : memref<10240x128xf32, #tpu.memory_space<vmem_shared>> -> memref<10240x128xf32, #tpu.memory_space<vmem_shared>>
    tpu.wait_indirect_dma semaphore(%arg15 : memref<!tpu.dma_semaphore, #tpu.memory_space<semaphore_mem>>) src(%arg9 : memref<128x128xf32, #tpu.memory_space<vmem>>) dst(%dma_wait3A_179 : memref<10240x128xf32, #tpu.memory_space<vmem_shared>>)
    %dma_start3A_180 = arith.constant 1 : i32
    %dma_start3A_181 = arith.constant 7 : i32
    %dma_start3A_182 = arith.constant 0 : i32
    %dma_start3A_183 = tpu.memref_slice %arg8[%dma_start3A_180, %dma_start3A_181, %dma_start3A_182] : memref<2x8x128xi32, #tpu.memory_space<vmem>> -> memref<1x1x128xi32, #tpu.memory_space<vmem>>
    %dma_start3A_184 = tpu.memref_squeeze %dma_start3A_183 : memref<1x1x128xi32, #tpu.memory_space<vmem>> -> memref<128xi32, #tpu.memory_space<vmem>>
    %dma_start3A_185 = arith.constant 0 : i32
    %dma_start3A_186 = arith.constant 0 : i32
    %dma_start3A_187 = tpu.memref_slice %arg12[%dma_start3A_185, %dma_start3A_186] : memref<10240x128xf32, #tpu.memory_space<vmem_shared>> -> memref<10240x128xf32, #tpu.memory_space<vmem_shared>>
    tpu.enqueue_indirect_dma source(%arg10 : memref<128x128xf32, #tpu.memory_space<vmem>>) target(%dma_start3A_187 : memref<10240x128xf32, #tpu.memory_space<vmem_shared>>) offsets(%dma_start3A_184 : memref<128xi32, #tpu.memory_space<vmem>>) semaphore(%arg15 : memref<!tpu.dma_semaphore, #tpu.memory_space<semaphore_mem>>) {add = true}
    %run_scoped3A_188 = arith.constant 1 : i32
    %run_scoped3A_189 = arith.constant 7 : i32
    "tpu.region"() ({
      %run_scoped3A_212 = tpu.sem_alloc : memref<!tpu.dma_semaphore, #tpu.memory_space<semaphore_mem>>
      %dma_start3A_213 = arith.constant 0 : i32
      %dma_start3A_214 = tpu.memref_slice %arg8[%run_scoped3A_188, %run_scoped3A_189, %dma_start3A_213] : memref<2x8x128xi32, #tpu.memory_space<vmem>> -> memref<1x1x128xi32, #tpu.memory_space<vmem>>
      %dma_start3A_215 = tpu.memref_squeeze %dma_start3A_214 : memref<1x1x128xi32, #tpu.memory_space<vmem>> -> memref<128xi32, #tpu.memory_space<vmem>>
      %dma_start3A_216 = arith.constant 0 : i32
      %dma_start3A_217 = tpu.memref_slice %arg13[%dma_start3A_216] : memref<10240xf32, #tpu.memory_space<vmem_shared>> -> memref<10240xf32, #tpu.memory_space<vmem_shared>>
      tpu.enqueue_indirect_dma source(%arg11 : memref<128xf32, #tpu.memory_space<vmem>>) target(%dma_start3A_217 : memref<10240xf32, #tpu.memory_space<vmem_shared>>) offsets(%dma_start3A_215 : memref<128xi32, #tpu.memory_space<vmem>>) semaphore(%run_scoped3A_212 : memref<!tpu.dma_semaphore, #tpu.memory_space<semaphore_mem>>) {add = true}
      %dma_wait3A_218 = arith.constant 0 : i32
      %dma_wait3A_219 = tpu.memref_slice %arg8[%run_scoped3A_188, %run_scoped3A_189, %dma_wait3A_218] : memref<2x8x128xi32, #tpu.memory_space<vmem>> -> memref<1x1x128xi32, #tpu.memory_space<vmem>>
      %dma_wait3A_220 = tpu.memref_squeeze %dma_wait3A_219 : memref<1x1x128xi32, #tpu.memory_space<vmem>> -> memref<128xi32, #tpu.memory_space<vmem>>
      %dma_wait3A_221 = arith.constant 0 : i32
      %dma_wait3A_222 = tpu.memref_slice %arg13[%dma_wait3A_221] : memref<10240xf32, #tpu.memory_space<vmem_shared>> -> memref<10240xf32, #tpu.memory_space<vmem_shared>>
      tpu.wait_indirect_dma semaphore(%run_scoped3A_212 : memref<!tpu.dma_semaphore, #tpu.memory_space<semaphore_mem>>) src(%arg11 : memref<128xf32, #tpu.memory_space<vmem>>) dst(%dma_wait3A_222 : memref<10240xf32, #tpu.memory_space<vmem_shared>>)
      tpu.yield
    }) : () -> ()
    %dma_wait3A_190 = arith.constant 1 : i32
    %dma_wait3A_191 = arith.constant 7 : i32
    %dma_wait3A_192 = arith.constant 0 : i32
    %dma_wait3A_193 = tpu.memref_slice %arg8[%dma_wait3A_190, %dma_wait3A_191, %dma_wait3A_192] : memref<2x8x128xi32, #tpu.memory_space<vmem>> -> memref<1x1x128xi32, #tpu.memory_space<vmem>>
    %dma_wait3A_194 = tpu.memref_squeeze %dma_wait3A_193 : memref<1x1x128xi32, #tpu.memory_space<vmem>> -> memref<128xi32, #tpu.memory_space<vmem>>
    %dma_wait3A_195 = arith.constant 0 : i32
    %dma_wait3A_196 = arith.constant 0 : i32
    %dma_wait3A_197 = tpu.memref_slice %arg12[%dma_wait3A_195, %dma_wait3A_196] : memref<10240x128xf32, #tpu.memory_space<vmem_shared>> -> memref<10240x128xf32, #tpu.memory_space<vmem_shared>>
    tpu.wait_indirect_dma semaphore(%arg15 : memref<!tpu.dma_semaphore, #tpu.memory_space<semaphore_mem>>) src(%arg10 : memref<128x128xf32, #tpu.memory_space<vmem>>) dst(%dma_wait3A_197 : memref<10240x128xf32, #tpu.memory_space<vmem_shared>>)
    %barrier3A_198 = arith.constant 0 : index
    tpu.barrier barrier_id(%barrier3A_198)
    %mul3A_199 = arith.constant 624 : i32
    %mul3A_200 = arith.muli %arg1, %mul3A_199 : i32
    %mul3A_201 = arith.constant 624 : i32
    %mul3A_202 = arith.muli %arg1, %mul3A_201 : i32
    "tpu.region"() ({
      %run_scoped3A_212 = tpu.sem_alloc : memref<!tpu.dma_semaphore, #tpu.memory_space<semaphore_mem>>
      %dma_start3A_213 = arith.constant 0 : i32
      %dma_start3A_214 = tpu.memref_slice %arg5[%arg0, %mul3A_202, %dma_start3A_213] : memref<2x10000x128xf32, #tpu.memory_space<hbm>> -> memref<1x624x128xf32, #tpu.memory_space<hbm>>
      %dma_start3A_215 = tpu.memref_squeeze %dma_start3A_214 : memref<1x624x128xf32, #tpu.memory_space<hbm>> -> memref<624x128xf32, #tpu.memory_space<hbm>>
      %dma_start3A_216 = arith.constant 0 : i32
      %dma_start3A_217 = tpu.memref_slice %arg12[%mul3A_200, %dma_start3A_216] : memref<10240x128xf32, #tpu.memory_space<vmem_shared>> -> memref<624x128xf32, #tpu.memory_space<vmem_shared>>
      tpu.enqueue_dma source(%dma_start3A_217 : memref<624x128xf32, #tpu.memory_space<vmem_shared>>) target(%dma_start3A_215 : memref<624x128xf32, #tpu.memory_space<hbm>>) target_semaphore(%run_scoped3A_212 : memref<!tpu.dma_semaphore, #tpu.memory_space<semaphore_mem>>)
      %dma_wait3A_218 = arith.constant 0 : i32
      %dma_wait3A_219 = tpu.memref_slice %arg5[%arg0, %mul3A_202, %dma_wait3A_218] : memref<2x10000x128xf32, #tpu.memory_space<hbm>> -> memref<1x624x128xf32, #tpu.memory_space<hbm>>
      %dma_wait3A_220 = tpu.memref_squeeze %dma_wait3A_219 : memref<1x624x128xf32, #tpu.memory_space<hbm>> -> memref<624x128xf32, #tpu.memory_space<hbm>>
      %dma_wait3A_221 = arith.constant 0 : i32
      %dma_wait3A_222 = tpu.memref_slice %arg12[%mul3A_200, %dma_wait3A_221] : memref<10240x128xf32, #tpu.memory_space<vmem_shared>> -> memref<624x128xf32, #tpu.memory_space<vmem_shared>>
      tpu.wait_dma2 semaphore(%run_scoped3A_212 : memref<!tpu.dma_semaphore, #tpu.memory_space<semaphore_mem>>) src(%dma_wait3A_222 : memref<624x128xf32, #tpu.memory_space<vmem_shared>>) dst(%dma_wait3A_220 : memref<624x128xf32, #tpu.memory_space<hbm>>)
      tpu.yield
    }) : () -> ()
    %eq3A_203 = arith.constant 15 : i32
    %eq3A_204 = arith.cmpi eq, %arg1, %eq3A_203 : i32
    %convert_element_type3A_205 = arith.extui %eq3A_204 : i1 to i32
    %cond3A_206 = arith.constant 0 : i32
    %cond3A_207 = arith.cmpi ne, %convert_element_type3A_205, %cond3A_206 : i32
    scf.if %cond3A_207 {
      "tpu.region"() ({
        %run_scoped3A_212 = tpu.sem_alloc : memref<!tpu.dma_semaphore, #tpu.memory_space<semaphore_mem>>
        %dma_start3A_213 = arith.constant 9984 : i32
        %dma_start3A_214 = arith.constant 0 : i32
        %dma_start3A_215 = tpu.memref_slice %arg5[%arg0, %dma_start3A_213, %dma_start3A_214] : memref<2x10000x128xf32, #tpu.memory_space<hbm>> -> memref<1x16x128xf32, #tpu.memory_space<hbm>>
        %dma_start3A_216 = tpu.memref_squeeze %dma_start3A_215 : memref<1x16x128xf32, #tpu.memory_space<hbm>> -> memref<16x128xf32, #tpu.memory_space<hbm>>
        %dma_start3A_217 = arith.constant 9984 : i32
        %dma_start3A_218 = arith.constant 0 : i32
        %dma_start3A_219 = tpu.memref_slice %arg12[%dma_start3A_217, %dma_start3A_218] : memref<10240x128xf32, #tpu.memory_space<vmem_shared>> -> memref<16x128xf32, #tpu.memory_space<vmem_shared>>
        tpu.enqueue_dma source(%dma_start3A_219 : memref<16x128xf32, #tpu.memory_space<vmem_shared>>) target(%dma_start3A_216 : memref<16x128xf32, #tpu.memory_space<hbm>>) target_semaphore(%run_scoped3A_212 : memref<!tpu.dma_semaphore, #tpu.memory_space<semaphore_mem>>)
        %dma_wait3A_220 = arith.constant 9984 : i32
        %dma_wait3A_221 = arith.constant 0 : i32
        %dma_wait3A_222 = tpu.memref_slice %arg5[%arg0, %dma_wait3A_220, %dma_wait3A_221] : memref<2x10000x128xf32, #tpu.memory_space<hbm>> -> memref<1x16x128xf32, #tpu.memory_space<hbm>>
        %dma_wait3A_223 = tpu.memref_squeeze %dma_wait3A_222 : memref<1x16x128xf32, #tpu.memory_space<hbm>> -> memref<16x128xf32, #tpu.memory_space<hbm>>
        %dma_wait3A_224 = arith.constant 9984 : i32
        %dma_wait3A_225 = arith.constant 0 : i32
        %dma_wait3A_226 = tpu.memref_slice %arg12[%dma_wait3A_224, %dma_wait3A_225] : memref<10240x128xf32, #tpu.memory_space<vmem_shared>> -> memref<16x128xf32, #tpu.memory_space<vmem_shared>>
        tpu.wait_dma2 semaphore(%run_scoped3A_212 : memref<!tpu.dma_semaphore, #tpu.memory_space<semaphore_mem>>) src(%dma_wait3A_226 : memref<16x128xf32, #tpu.memory_space<vmem_shared>>) dst(%dma_wait3A_223 : memref<16x128xf32, #tpu.memory_space<hbm>>)
        tpu.yield
      }) : () -> ()
    } else {
    }
    %mul3A_208 = arith.constant 640 : i32
    %mul3A_209 = arith.muli %arg1, %mul3A_208 : i32
    %mul3A_210 = arith.constant 640 : i32
    %mul3A_211 = arith.muli %arg1, %mul3A_210 : i32
    "tpu.region"() ({
      %run_scoped3A_212 = tpu.sem_alloc : memref<!tpu.dma_semaphore, #tpu.memory_space<semaphore_mem>>
      %dma_start3A_213 = tpu.memref_slice %arg6[%arg0, %mul3A_211] : memref<2x10240xf32, #tpu.memory_space<hbm>> -> memref<1x640xf32, #tpu.memory_space<hbm>>
      %dma_start3A_214 = tpu.memref_squeeze %dma_start3A_213 : memref<1x640xf32, #tpu.memory_space<hbm>> -> memref<640xf32, #tpu.memory_space<hbm>>
      %dma_start3A_215 = tpu.memref_slice %arg13[%mul3A_209] : memref<10240xf32, #tpu.memory_space<vmem_shared>> -> memref<640xf32, #tpu.memory_space<vmem_shared>>
      tpu.enqueue_dma source(%dma_start3A_215 : memref<640xf32, #tpu.memory_space<vmem_shared>>) target(%dma_start3A_214 : memref<640xf32, #tpu.memory_space<hbm>>) target_semaphore(%run_scoped3A_212 : memref<!tpu.dma_semaphore, #tpu.memory_space<semaphore_mem>>)
      %dma_wait3A_216 = tpu.memref_slice %arg6[%arg0, %mul3A_211] : memref<2x10240xf32, #tpu.memory_space<hbm>> -> memref<1x640xf32, #tpu.memory_space<hbm>>
      %dma_wait3A_217 = tpu.memref_squeeze %dma_wait3A_216 : memref<1x640xf32, #tpu.memory_space<hbm>> -> memref<640xf32, #tpu.memory_space<hbm>>
      %dma_wait3A_218 = tpu.memref_slice %arg13[%mul3A_209] : memref<10240xf32, #tpu.memory_space<vmem_shared>> -> memref<640xf32, #tpu.memory_space<vmem_shared>>
      tpu.wait_dma2 semaphore(%run_scoped3A_212 : memref<!tpu.dma_semaphore, #tpu.memory_space<semaphore_mem>>) src(%dma_wait3A_218 : memref<640xf32, #tpu.memory_space<vmem_shared>>) dst(%dma_wait3A_217 : memref<640xf32, #tpu.memory_space<hbm>>)
      tpu.yield
    }) : () -> ()
    return
  }
}

module attributes {stable_mosaic.version = 14 : i64} {
  func.func @_layer1_body(%arg0: i32, %arg1: memref<2000x128xf32, #tpu.memory_space<vmem>>, %arg2: memref<2x2000x128xf32, #tpu.memory_space<vmem>>, %arg3: memref<2000x1xf32, #tpu.memory_space<vmem>>, %arg4: memref<128x128xf32, #tpu.memory_space<vmem>>, %arg5: memref<128x128xf32, #tpu.memory_space<vmem>>, %arg6: memref<1x128xf32, #tpu.memory_space<vmem>>, %arg7: memref<2000x128xf32, #tpu.memory_space<vmem>>) attributes {dimension_semantics = [#tpu.dimension_semantics<arbitrary>], iteration_bounds = array<i64: 5>, scalar_prefetch = 0 : i64, scratch_operands = 0 : i64, tpu.core_type = #tpu.core_type<tc>, window_params = [{transform_indices = @transform_0, window_bounds = array<i64: 2000, 128>}, {transform_indices = @transform_1, window_bounds = array<i64: 2, 2000, 128>}, {transform_indices = @transform_2, window_bounds = array<i64: 2000, 1>}, {pipeline_mode = #tpu.pipeline_mode<synchronous>, transform_indices = @transform_3, window_bounds = array<i64: 128, 128>}, {pipeline_mode = #tpu.pipeline_mode<synchronous>, transform_indices = @transform_4, window_bounds = array<i64: 128, 128>}, {pipeline_mode = #tpu.pipeline_mode<synchronous>, transform_indices = @transform_5, window_bounds = array<i64: 1, 128>}, {transform_indices = @transform_6, window_bounds = array<i64: 2000, 128>}]} {
    %get3A = arith.constant 0 : index
    %get3A_0 = arith.constant 0 : index
    %get3A_1 = arith.constant 0 : index
    %get3A_2 = vector.load %arg2[%get3A, %get3A_0, %get3A_1] : memref<2x2000x128xf32, #tpu.memory_space<vmem>>, vector<1x2000x128xf32>
    %get3A_3 = vector.shape_cast %get3A_2 : vector<1x2000x128xf32> to vector<2000x128xf32>
    %get3A_4 = arith.constant 1 : index
    %get3A_5 = arith.constant 0 : index
    %get3A_6 = arith.constant 0 : index
    %get3A_7 = vector.load %arg2[%get3A_4, %get3A_5, %get3A_6] : memref<2x2000x128xf32, #tpu.memory_space<vmem>>, vector<1x2000x128xf32>
    %get3A_8 = vector.shape_cast %get3A_7 : vector<1x2000x128xf32> to vector<2000x128xf32>
    %add3A = arith.addf %get3A_3, %get3A_8 : vector<2000x128xf32>
    %get3A_9 = arith.constant 0 : index
    %get3A_10 = arith.constant 0 : index
    %get3A_11 = vector.load %arg3[%get3A_9, %get3A_10] : memref<2000x1xf32, #tpu.memory_space<vmem>>, vector<2000x1xf32>
    %max3A = arith.constant 1.000000e+00 : f32
    %max3A_12 = vector.broadcast %max3A : f32 to vector<2000x1xf32>
    %max3A_13 = arith.maximumf %get3A_11, %max3A_12 : vector<2000x1xf32>
    %div3A = arith.constant 1.000000e+00 : f32
    %div3A_14 = vector.broadcast %div3A : f32 to vector<2000x1xf32>
    %div3A_15 = arith.divf %div3A_14, %max3A_13 : vector<2000x1xf32>
    %get3A_16 = arith.constant 0 : index
    %get3A_17 = arith.constant 0 : index
    %get3A_18 = vector.load %arg1[%get3A_16, %get3A_17] : memref<2000x128xf32, #tpu.memory_space<vmem>>, vector<2000x128xf32>
    %get3A_19 = arith.constant 0 : index
    %get3A_20 = arith.constant 0 : index
    %get3A_21 = vector.load %arg4[%get3A_19, %get3A_20] : memref<128x128xf32, #tpu.memory_space<vmem>>, vector<128x128xf32>
    %dot_general3A = arith.constant dense<0.000000e+00> : vector<2000x128xf32>
    %dot_general3A_22 = tpu.matmul %get3A_18, %get3A_21, %dot_general3A {dimension_numbers = #tpu.dot_dimension_numbers<[1], [0], [0], [1], [0, 0, 1, 1], [], []>, precision = #tpu.contract_precision<fp32>, transpose_lhs_hint = false} : vector<2000x128xf32>, vector<128x128xf32>, vector<2000x128xf32> -> vector<2000x128xf32>
    %mul3A = vector.broadcast %div3A_15 : vector<2000x1xf32> to vector<2000x128xf32>
    %mul3A_23 = arith.mulf %add3A, %mul3A : vector<2000x128xf32>
    %get3A_24 = arith.constant 0 : index
    %get3A_25 = arith.constant 0 : index
    %get3A_26 = vector.load %arg5[%get3A_24, %get3A_25] : memref<128x128xf32, #tpu.memory_space<vmem>>, vector<128x128xf32>
    %dot_general3A_27 = arith.constant dense<0.000000e+00> : vector<2000x128xf32>
    %dot_general3A_28 = tpu.matmul %mul3A_23, %get3A_26, %dot_general3A_27 {dimension_numbers = #tpu.dot_dimension_numbers<[1], [0], [0], [1], [0, 0, 1, 1], [], []>, precision = #tpu.contract_precision<fp32>, transpose_lhs_hint = false} : vector<2000x128xf32>, vector<128x128xf32>, vector<2000x128xf32> -> vector<2000x128xf32>
    %add3A_29 = arith.addf %dot_general3A_22, %dot_general3A_28 : vector<2000x128xf32>
    %get3A_30 = arith.constant 0 : index
    %get3A_31 = arith.constant 0 : index
    %get3A_32 = vector.load %arg6[%get3A_30, %get3A_31] : memref<1x128xf32, #tpu.memory_space<vmem>>, vector<1x128xf32>
    %add3A_33 = vector.broadcast %get3A_32 : vector<1x128xf32> to vector<2000x128xf32>
    %add3A_34 = arith.addf %add3A_29, %add3A_33 : vector<2000x128xf32>
    %max3A_35 = arith.constant 0.000000e+00 : f32
    %max3A_36 = vector.broadcast %max3A_35 : f32 to vector<2000x128xf32>
    %max3A_37 = arith.maximumf %add3A_34, %max3A_36 : vector<2000x128xf32>
    %swap3A = arith.constant 0 : index
    %swap3A_38 = arith.constant 0 : index
    %swap3A_39 = vector.load %arg7[%swap3A, %swap3A_38] : memref<2000x128xf32, #tpu.memory_space<vmem>>, vector<2000x128xf32>
    tpu.vector_store %arg7[%swap3A, %swap3A_38], %max3A_37 {strides = array<i32>} : memref<2000x128xf32, #tpu.memory_space<vmem>>, vector<2000x128xf32>,
    return
  }
  func.func @transform_0(%arg0: i32) -> (i32, i32) {
    %c0_i32 = arith.constant 0 : i32
    %c0_i32_0 = arith.constant 0 : i32
    return %arg0, %c0_i32 : i32, i32
  }
  func.func @transform_1(%arg0: i32) -> (i32, i32, i32) {
    %c0_i32 = arith.constant 0 : i32
    %c0_i32_0 = arith.constant 0 : i32
    %c0_i32_1 = arith.constant 0 : i32
    return %c0_i32, %arg0, %c0_i32_0 : i32, i32, i32
  }
  func.func @transform_2(%arg0: i32) -> (i32, i32) {
    %c0_i32 = arith.constant 0 : i32
    %c0_i32_0 = arith.constant 0 : i32
    return %arg0, %c0_i32 : i32, i32
  }
  func.func @transform_3(%arg0: i32) -> (i32, i32) {
    %c0_i32 = arith.constant 0 : i32
    %c0_i32_0 = arith.constant 0 : i32
    %c0_i32_1 = arith.constant 0 : i32
    return %c0_i32, %c0_i32_0 : i32, i32
  }
  func.func @transform_4(%arg0: i32) -> (i32, i32) {
    %c0_i32 = arith.constant 0 : i32
    %c0_i32_0 = arith.constant 0 : i32
    %c0_i32_1 = arith.constant 0 : i32
    return %c0_i32, %c0_i32_0 : i32, i32
  }
  func.func @transform_5(%arg0: i32) -> (i32, i32) {
    %c0_i32 = arith.constant 0 : i32
    %c0_i32_0 = arith.constant 0 : i32
    %c0_i32_1 = arith.constant 0 : i32
    return %c0_i32, %c0_i32_0 : i32, i32
  }
  func.func @transform_6(%arg0: i32) -> (i32, i32) {
    %c0_i32 = arith.constant 0 : i32
    %c0_i32_0 = arith.constant 0 : i32
    return %arg0, %c0_i32 : i32, i32
  }
}

module attributes {stable_mosaic.version = 14 : i64} {
  func.func @_layer2_body(%arg0: i32, %arg1: memref<2000x128xf32, #tpu.memory_space<vmem>>, %arg2: memref<2x2000x128xf32, #tpu.memory_space<vmem>>, %arg3: memref<2000x1xf32, #tpu.memory_space<vmem>>, %arg4: memref<128x128xf32, #tpu.memory_space<vmem>>, %arg5: memref<128x128xf32, #tpu.memory_space<vmem>>, %arg6: memref<1x128xf32, #tpu.memory_space<vmem>>, %arg7: memref<128x1xf32, #tpu.memory_space<vmem>>, %arg8: memref<1x1xf32, #tpu.memory_space<vmem>>, %arg9: memref<1x1xf32, #tpu.memory_space<vmem>>, %arg10: memref<1x128xf32, #tpu.memory_space<vmem>>) attributes {dimension_semantics = [#tpu.dimension_semantics<arbitrary>], iteration_bounds = array<i64: 5>, scalar_prefetch = 0 : i64, scratch_operands = 1 : i64, tpu.core_type = #tpu.core_type<tc>, window_params = [{transform_indices = @transform_0, window_bounds = array<i64: 2000, 128>}, {transform_indices = @transform_1, window_bounds = array<i64: 2, 2000, 128>}, {transform_indices = @transform_2, window_bounds = array<i64: 2000, 1>}, {pipeline_mode = #tpu.pipeline_mode<synchronous>, transform_indices = @transform_3, window_bounds = array<i64: 128, 128>}, {pipeline_mode = #tpu.pipeline_mode<synchronous>, transform_indices = @transform_4, window_bounds = array<i64: 128, 128>}, {pipeline_mode = #tpu.pipeline_mode<synchronous>, transform_indices = @transform_5, window_bounds = array<i64: 1, 128>}, {pipeline_mode = #tpu.pipeline_mode<synchronous>, transform_indices = @transform_6, window_bounds = array<i64: 128, 1>}, {pipeline_mode = #tpu.pipeline_mode<synchronous>, transform_indices = @transform_7, window_bounds = array<i64: 1, 1>}, {pipeline_mode = #tpu.pipeline_mode<synchronous>, transform_indices = @transform_8, window_bounds = array<i64: 1, 1>}]} {
    %get3A = arith.constant 0 : index
    %get3A_0 = arith.constant 0 : index
    %get3A_1 = arith.constant 0 : index
    %get3A_2 = vector.load %arg2[%get3A, %get3A_0, %get3A_1] : memref<2x2000x128xf32, #tpu.memory_space<vmem>>, vector<1x2000x128xf32>
    %get3A_3 = vector.shape_cast %get3A_2 : vector<1x2000x128xf32> to vector<2000x128xf32>
    %get3A_4 = arith.constant 1 : index
    %get3A_5 = arith.constant 0 : index
    %get3A_6 = arith.constant 0 : index
    %get3A_7 = vector.load %arg2[%get3A_4, %get3A_5, %get3A_6] : memref<2x2000x128xf32, #tpu.memory_space<vmem>>, vector<1x2000x128xf32>
    %get3A_8 = vector.shape_cast %get3A_7 : vector<1x2000x128xf32> to vector<2000x128xf32>
    %add3A = arith.addf %get3A_3, %get3A_8 : vector<2000x128xf32>
    %get3A_9 = arith.constant 0 : index
    %get3A_10 = arith.constant 0 : index
    %get3A_11 = vector.load %arg3[%get3A_9, %get3A_10] : memref<2000x1xf32, #tpu.memory_space<vmem>>, vector<2000x1xf32>
    %max3A = arith.constant 1.000000e+00 : f32
    %max3A_12 = vector.broadcast %max3A : f32 to vector<2000x1xf32>
    %max3A_13 = arith.maximumf %get3A_11, %max3A_12 : vector<2000x1xf32>
    %div3A = arith.constant 1.000000e+00 : f32
    %div3A_14 = vector.broadcast %div3A : f32 to vector<2000x1xf32>
    %div3A_15 = arith.divf %div3A_14, %max3A_13 : vector<2000x1xf32>
    %get3A_16 = arith.constant 0 : index
    %get3A_17 = arith.constant 0 : index
    %get3A_18 = vector.load %arg1[%get3A_16, %get3A_17] : memref<2000x128xf32, #tpu.memory_space<vmem>>, vector<2000x128xf32>
    %get3A_19 = arith.constant 0 : index
    %get3A_20 = arith.constant 0 : index
    %get3A_21 = vector.load %arg4[%get3A_19, %get3A_20] : memref<128x128xf32, #tpu.memory_space<vmem>>, vector<128x128xf32>
    %dot_general3A = arith.constant dense<0.000000e+00> : vector<2000x128xf32>
    %dot_general3A_22 = tpu.matmul %get3A_18, %get3A_21, %dot_general3A {dimension_numbers = #tpu.dot_dimension_numbers<[1], [0], [0], [1], [0, 0, 1, 1], [], []>, precision = #tpu.contract_precision<fp32>, transpose_lhs_hint = false} : vector<2000x128xf32>, vector<128x128xf32>, vector<2000x128xf32> -> vector<2000x128xf32>
    %mul3A = vector.broadcast %div3A_15 : vector<2000x1xf32> to vector<2000x128xf32>
    %mul3A_23 = arith.mulf %add3A, %mul3A : vector<2000x128xf32>
    %get3A_24 = arith.constant 0 : index
    %get3A_25 = arith.constant 0 : index
    %get3A_26 = vector.load %arg5[%get3A_24, %get3A_25] : memref<128x128xf32, #tpu.memory_space<vmem>>, vector<128x128xf32>
    %dot_general3A_27 = arith.constant dense<0.000000e+00> : vector<2000x128xf32>
    %dot_general3A_28 = tpu.matmul %mul3A_23, %get3A_26, %dot_general3A_27 {dimension_numbers = #tpu.dot_dimension_numbers<[1], [0], [0], [1], [0, 0, 1, 1], [], []>, precision = #tpu.contract_precision<fp32>, transpose_lhs_hint = false} : vector<2000x128xf32>, vector<128x128xf32>, vector<2000x128xf32> -> vector<2000x128xf32>
    %add3A_29 = arith.addf %dot_general3A_22, %dot_general3A_28 : vector<2000x128xf32>
    %get3A_30 = arith.constant 0 : index
    %get3A_31 = arith.constant 0 : index
    %get3A_32 = vector.load %arg6[%get3A_30, %get3A_31] : memref<1x128xf32, #tpu.memory_space<vmem>>, vector<1x128xf32>
    %add3A_33 = vector.broadcast %get3A_32 : vector<1x128xf32> to vector<2000x128xf32>
    %add3A_34 = arith.addf %add3A_29, %add3A_33 : vector<2000x128xf32>
    %max3A_35 = arith.constant 0.000000e+00 : f32
    %max3A_36 = vector.broadcast %max3A_35 : f32 to vector<2000x128xf32>
    %max3A_37 = arith.maximumf %add3A_34, %max3A_36 : vector<2000x128xf32>
    %eq3A = arith.constant 0 : i32
    %eq3A_38 = arith.cmpi eq, %arg0, %eq3A : i32
    %convert_element_type3A = arith.extui %eq3A_38 : i1 to i32
    %cond3A = arith.constant 0 : i32
    %cond3A_39 = arith.cmpi ne, %convert_element_type3A, %cond3A : i32
    scf.if %cond3A_39 {
      %broadcast_in_dim3A_52 = arith.constant 0.000000e+00 : f32
      %broadcast_in_dim3A_53 = vector.broadcast %broadcast_in_dim3A_52 : f32 to vector<1x128xf32>
      %swap3A_54 = arith.constant 0 : index
      %swap3A_55 = arith.constant 0 : index
      %swap3A_56 = vector.load %arg10[%swap3A_54, %swap3A_55] : memref<1x128xf32, #tpu.memory_space<vmem>>, vector<1x128xf32>
      tpu.vector_store %arg10[%swap3A_54, %swap3A_55], %broadcast_in_dim3A_53 {strides = array<i32>} : memref<1x128xf32, #tpu.memory_space<vmem>>, vector<1x128xf32>,
    } else {
    }
    %get3A_40 = arith.constant 0 : index
    %get3A_41 = arith.constant 0 : index
    %get3A_42 = vector.load %arg10[%get3A_40, %get3A_41] : memref<1x128xf32, #tpu.memory_space<vmem>>, vector<1x128xf32>
    %reduce_sum3A = arith.constant dense<0.000000e+00> : vector<128xf32>
    %reduce_sum3A_43 = vector.multi_reduction <add>, %max3A_37, %reduce_sum3A [0] : vector<2000x128xf32> to vector<128xf32>
    %broadcast_in_dim3A = vector.shape_cast %reduce_sum3A_43 : vector<128xf32> to vector<1x128xf32>
    %add3A_44 = arith.addf %get3A_42, %broadcast_in_dim3A : vector<1x128xf32>
    %swap3A = arith.constant 0 : index
    %swap3A_45 = arith.constant 0 : index
    %swap3A_46 = vector.load %arg10[%swap3A, %swap3A_45] : memref<1x128xf32, #tpu.memory_space<vmem>>, vector<1x128xf32>
    tpu.vector_store %arg10[%swap3A, %swap3A_45], %add3A_44 {strides = array<i32>} : memref<1x128xf32, #tpu.memory_space<vmem>>, vector<1x128xf32>,
    %eq3A_47 = arith.constant 4 : i32
    %eq3A_48 = arith.cmpi eq, %arg0, %eq3A_47 : i32
    %convert_element_type3A_49 = arith.extui %eq3A_48 : i1 to i32
    %cond3A_50 = arith.constant 0 : i32
    %cond3A_51 = arith.cmpi ne, %convert_element_type3A_49, %cond3A_50 : i32
    scf.if %cond3A_51 {
      %get3A_52 = arith.constant 0 : index
      %get3A_53 = arith.constant 0 : index
      %get3A_54 = vector.load %arg10[%get3A_52, %get3A_53] : memref<1x128xf32, #tpu.memory_space<vmem>>, vector<1x128xf32>
      %mul3A_55 = arith.constant 9.99999974E-5 : f32
      %mul3A_56 = vector.broadcast %mul3A_55 : f32 to vector<1x128xf32>
      %mul3A_57 = arith.mulf %get3A_54, %mul3A_56 : vector<1x128xf32>
      %get3A_58 = arith.constant 0 : index
      %get3A_59 = arith.constant 0 : index
      %get3A_60 = vector.load %arg7[%get3A_58, %get3A_59] : memref<128x1xf32, #tpu.memory_space<vmem>>, vector<128x1xf32>
      %dot_general3A_61 = arith.constant dense<0.000000e+00> : vector<1x1xf32>
      %dot_general3A_62 = tpu.matmul %mul3A_57, %get3A_60, %dot_general3A_61 {dimension_numbers = #tpu.dot_dimension_numbers<[1], [0], [0], [1], [0, 0, 1, 1], [], []>, precision = #tpu.contract_precision<fp32>, transpose_lhs_hint = false} : vector<1x128xf32>, vector<128x1xf32>, vector<1x1xf32> -> vector<1x1xf32>
      %get3A_63 = arith.constant 0 : index
      %get3A_64 = arith.constant 0 : index
      %get3A_65 = vector.load %arg8[%get3A_63, %get3A_64] : memref<1x1xf32, #tpu.memory_space<vmem>>, vector<1x1xf32>
      %add3A_66 = arith.addf %dot_general3A_62, %get3A_65 : vector<1x1xf32>
      %swap3A_67 = arith.constant 0 : index
      %swap3A_68 = arith.constant 0 : index
      %swap3A_69 = vector.load %arg9[%swap3A_67, %swap3A_68] : memref<1x1xf32, #tpu.memory_space<vmem>>, vector<1x1xf32>
      tpu.vector_store %arg9[%swap3A_67, %swap3A_68], %add3A_66 {strides = array<i32>} : memref<1x1xf32, #tpu.memory_space<vmem>>, vector<1x1xf32>,
    } else {
    }
    return
  }
  func.func @transform_0(%arg0: i32) -> (i32, i32) {
    %c0_i32 = arith.constant 0 : i32
    %c0_i32_0 = arith.constant 0 : i32
    return %arg0, %c0_i32 : i32, i32
  }
  func.func @transform_1(%arg0: i32) -> (i32, i32, i32) {
    %c0_i32 = arith.constant 0 : i32
    %c0_i32_0 = arith.constant 0 : i32
    %c0_i32_1 = arith.constant 0 : i32
    return %c0_i32, %arg0, %c0_i32_0 : i32, i32, i32
  }
  func.func @transform_2(%arg0: i32) -> (i32, i32) {
    %c0_i32 = arith.constant 0 : i32
    %c0_i32_0 = arith.constant 0 : i32
    return %arg0, %c0_i32 : i32, i32
  }
  func.func @transform_3(%arg0: i32) -> (i32, i32) {
    %c0_i32 = arith.constant 0 : i32
    %c0_i32_0 = arith.constant 0 : i32
    %c0_i32_1 = arith.constant 0 : i32
    return %c0_i32, %c0_i32_0 : i32, i32
  }
  func.func @transform_4(%arg0: i32) -> (i32, i32) {
    %c0_i32 = arith.constant 0 : i32
    %c0_i32_0 = arith.constant 0 : i32
    %c0_i32_1 = arith.constant 0 : i32
    return %c0_i32, %c0_i32_0 : i32, i32
  }
  func.func @transform_5(%arg0: i32) -> (i32, i32) {
    %c0_i32 = arith.constant 0 : i32
    %c0_i32_0 = arith.constant 0 : i32
    %c0_i32_1 = arith.constant 0 : i32
    return %c0_i32, %c0_i32_0 : i32, i32
  }
  func.func @transform_6(%arg0: i32) -> (i32, i32) {
    %c0_i32 = arith.constant 0 : i32
    %c0_i32_0 = arith.constant 0 : i32
    %c0_i32_1 = arith.constant 0 : i32
    return %c0_i32, %c0_i32_0 : i32, i32
  }
  func.func @transform_7(%arg0: i32) -> (i32, i32) {
    %c0_i32 = arith.constant 0 : i32
    %c0_i32_0 = arith.constant 0 : i32
    %c0_i32_1 = arith.constant 0 : i32
    return %c0_i32, %c0_i32_0 : i32, i32
  }
  func.func @transform_8(%arg0: i32) -> (i32, i32) {
    %c0_i32 = arith.constant 0 : i32
    %c0_i32_0 = arith.constant 0 : i32
    %c0_i32_1 = arith.constant 0 : i32
    return %c0_i32, %c0_i32_0 : i32, i32
  }
}

</mosaic_0001>

<sc_bundles>
// kernel: kernel.6.cloned.1.call-start
scs
__scs_entry_jumppad:
0x0: {  	(pc) =	sbr.rel $0x88, $3  }
0x1: {  	(tag) =	ssettag $0x0;
	lr =	simm.s32 $0x1  }
0x2: {  	[smem:$0x3F97] =	sst lr;
	_ =	strace $0xD0000000  }
0x3: {  	_ = 	snop  }
0x4: {  	_ = 	snop  }
0x5: {  	_ = 	snop  }
0x6: {  	_ = 	snop  }
0x7: {  	_ = 	snop  }
__scs_overlays_trampoline_lowered:
0x8: {  	[smem:$0x3FA6] =	sst s0  }
0x9: {  	[smem:$0x3FA7] =	sst s1  }
0xa: {  	[smem:$0x3FA8] =	sst s2  }
0xb: {  	[smem:$0x3FA9] =	sst s3  }
0xc: {  	[smem:$0x3FAA] =	sst s4  }
0xd: {  	[smem:$0x3FAB] =	sst s5  }
0xe: {  	[smem:$0x3FAC] =	sst s6  }
0xf: {  	[smem:$0x3FAD] =	sst s7  }
0x10: {  	[smem:$0x3FAE] =	sst s8  }
0x11: {  	[smem:$0x3FAF] =	sst s9;
	s0 =	simm.s32 @!p0 $0x0  }
0x12: {  	s1 =	sld [smem:$0x3F95];
	s0 =	simm.s32 @p0 $0x1  }
0x13: {  	[smem:$0x3FB0] =	sst s0;
	s0 =	simm.s32 @!p1 $0x0  }
0x14: {  	s2 =	sld [smem:$0x3F94];
	s0 =	simm.s32 @p1 $0x1  }
0x15: {  	[smem:$0x3FB1] =	sst s0;
	s0 =	simm.s32 @!p2 $0x0  }
0x16: {  	s3 =	sld [smem:$0x3FDB];
	s0 =	simm.s32 @p2 $0x1  }
0x17: {  	s4 =	simm.s32 $0x1BF5;
	[smem:$0x3FB3] =	sst s0  }
0x18: {  	s0 =	sld [smem:$0x3F96];
	_ =	swait.ge [sflag:s4], $0x0  }
0x19: {  	s7 =	sld [smem:$0x3F97]  }
0x1a: {  	s8 =	sadd.s32 $0xFFFFE003, lr  }
0x1b: {  	s9 =	sadd.s32 $0xFFFFFEF7, lr;
	s5 =	simm.s32 $0xFFFFFFFF;
	p2 =	slt.u32 s8, $0xFFFFF086  }
0x1c: {  	p1 =	slt.u32 s9, $0xF7A;
	s5 =	simm.s32 @!p2 $0x0  }
0x1d: {  	s5 =	simm.s32 @p1 $0x1;
	p0 =	seq.s32 s7, s2  }
0x1e: {  	s7 =	smul.u32 @!p0 $0xF7A, s2;
	p2 =	seq.s32 @!p0 s5, $0x0  }
0x1f: {  	s9 =	smul.u32 $0xF7A, s1;
	s8 =	simm.s32 @!p0 $0x1BF5;
	p2 =	por !p2, p0  }
0x20: {  	[sflag:s8] =	ssyncset.s32 @!p0 $0xFFFFF086;
	s6 =	sadd.s32 @!p0 s3, s7;
	s7 =	simm.s32 @!p0 $0x108  }
0x21: {  	s3 =	sadd.s32 s3, s9;
	s6 =	sadd.s32 @!p0 $0x88, s6;
	s7 =	simm.s32 @p2 $0x1082  }
0x22: {  	[simem:s7], [sflag:s8] =	dma.local @!p0 [hbm:s6], $0xF7A  }
0x23: {  	s9 =	sor.u32 $0xD0000000, s2;
	s6 =	simm.s32 $0x108;
	_ =	swait.ge @!p0 [sflag:s8], $0x0  }
0x24: {  	s3 =	sadd.s32 $0x88, s3;
	s6 =	simm.s32 @!p1 $0x1082;
	[sflag:s4] =	ssyncset.s32 $0xFFFFF086  }
0x25: {  	[simem:s6], [sflag:s4] =	dma.local [hbm:s3], $0xF7A  }
0x26: {  	[smem:$0x3F97] =	sst s1;
	(tag) =	ssettag s2;
	_ =	strace s9  }
0x27: {  	s1 =	sld [smem:$0x3FA7]  }
0x28: {  	s2 =	sld [smem:$0x3FA8]  }
0x29: {  	s4 =	sld [smem:$0x3FAA]  }
0x2a: {  	p0 =	seq.s32 s5, $0x0;
	s5 =	sld [smem:$0x3FAB]  }
0x2b: {  	s6 =	sld [smem:$0x3FAC]  }
0x2c: {  	s7 =	sld [smem:$0x3FAD]  }
0x2d: {  	s3 =	simm.s32 $0x108;
	s8 =	sld [smem:$0x3FAE]  }
0x2e: {  	s3 =	simm.s32 @!p0 $0x1082;
	s9 =	sld [smem:$0x3FAF]  }
0x2f: {  	lr =	sadd.s32 s0, s3;
	s0 =	sld [smem:$0x3FA6]  }
0x30: {  	s3 =	sld [smem:$0x3FA9]  }
0x31: {  	[smem:$0x3FB2] =	sst s10  }
0x32: {  	s10 =	sld [smem:$0x3FB0];
	_ =	sdelay $0x3  }
0x33: {  	p0 =	seq.s32 s10, $0x1;
	s10 =	sld [smem:$0x3FB2];
	_ =	sdelay $0x3  }
0x34: {  	[smem:$0x3FB2] =	sst s10  }
0x35: {  	s10 =	sld [smem:$0x3FB1];
	_ =	sdelay $0x3  }
0x36: {  	p1 =	seq.s32 s10, $0x1;
	s10 =	sld [smem:$0x3FB2];
	_ =	sdelay $0x3  }
0x37: {  	[smem:$0x3FB2] =	sst s10  }
0x38: {  	s10 =	sld [smem:$0x3FB3]  }
0x39: {  	_ = 	snop;
	(pc) =	sbr.ind lr, $3  }
0x3a: {  	_ = 	snop  }
0x3b: {  	_ = 	snop  }
0x3c: {  	p2 =	seq.s32 s10, $0x1;
	s10 =	sld [smem:$0x3FB2]  }
0x3d: {  	_ =	shalt  }
0x3e: {  	_ =	shalt  }
0x3f: {  	_ =	shalt  }
0x40: {  	_ =	shalt  }
0x41: {  	_ =	shalt  }
0x42: {  	_ =	shalt  }
0x43: {  	_ =	shalt  }
0x44: {  	_ =	shalt  }
0x45: {  	_ =	shalt  }
0x46: {  	_ =	shalt  }
0x47: {  	_ =	shalt  }
0x48: {  	_ =	shalt  }
0x49: {  	_ =	shalt  }
0x4a: {  	_ =	shalt  }
0x4b: {  	_ =	shalt  }
0x4c: {  	_ =	shalt  }
0x4d: {  	_ =	shalt  }
0x4e: {  	_ =	shalt  }
0x4f: {  	_ =	shalt  }
0x50: {  	_ =	shalt  }
0x51: {  	_ =	shalt  }
0x52: {  	_ =	shalt  }
0x53: {  	_ =	shalt  }
0x54: {  	_ =	shalt  }
0x55: {  	_ =	shalt  }
0x56: {  	_ =	shalt  }
0x57: {  	_ =	shalt  }
0x58: {  	_ =	shalt  }
0x59: {  	_ =	shalt  }
0x5a: {  	_ =	shalt  }
0x5b: {  	_ =	shalt  }
0x5c: {  	_ =	shalt  }
0x5d: {  	_ =	shalt  }
0x5e: {  	_ =	shalt  }
0x5f: {  	_ =	shalt  }
0x60: {  	_ =	shalt  }
0x61: {  	_ =	shalt  }
0x62: {  	_ =	shalt  }
0x63: {  	_ =	shalt  }
0x64: {  	_ =	shalt  }
0x65: {  	_ =	shalt  }
0x66: {  	_ =	shalt  }
0x67: {  	_ =	shalt  }
0x68: {  	_ =	shalt  }
0x69: {  	_ =	shalt  }
0x6a: {  	_ =	shalt  }
0x6b: {  	_ =	shalt  }
0x6c: {  	_ =	shalt  }
0x6d: {  	_ =	shalt  }
0x6e: {  	_ =	shalt  }
0x6f: {  	_ =	shalt  }
0x70: {  	_ =	shalt  }
0x71: {  	_ =	shalt  }
0x72: {  	_ =	shalt  }
0x73: {  	_ =	shalt  }
0x74: {  	_ =	shalt  }
0x75: {  	_ =	shalt  }
0x76: {  	_ =	shalt  }
0x77: {  	_ =	shalt  }
0x78: {  	_ =	shalt  }
0x79: {  	_ =	shalt  }
0x7a: {  	_ =	shalt  }
0x7b: {  	_ =	shalt  }
0x7c: {  	_ =	shalt  }
0x7d: {  	_ =	shalt  }
0x7e: {  	_ =	shalt  }
0x7f: {  	_ =	shalt  }
0x80: {  	_ =	shalt  }
0x81: {  	_ =	shalt  }
0x82: {  	_ =	shalt  }
0x83: {  	_ =	shalt  }
0x84: {  	_ =	shalt  }
0x85: {  	_ =	shalt  }
0x86: {  	_ =	shalt  }
0x87: {  	_ =	shalt  }
.Lfunc_end0:
.L_simem_size_0:
called_computation_lowered:
.L_overlay_start_0:
0x88: {  	s2 =	sld [smem:$0x3FD9]  }
0x89: {  	s3 =	sld [smem:$0x3FFE];
	_ =	sdelay $0x1  }
0x8a: {  	s1 =	srdreg.scid  }
0x8b: {  	s0 =	sand.u32 $0x1, s1  }
0x8c: {  	s17 =	sshll.u32 s0, $0xA;
	s2 =	sadd.s32 s3, s2  }
0x8d: {  	s2 =	sadd.s32 s2, s17  }
0x8e: {  	[smem:$0x3FBE] =	sst s2  }
0x8f: {  	_ = 	snop  }
0x90: {  	s2 =	sld [smem:$0x3FC9];
	(tm) =	ssettm $0x1  }
0x91: {  	s18 =	sld [smem:$0x3FFB];
	_ =	sdelay $0x3  }
0x92: {  	_ =	strace s18  }
0x93: {  	s3 =	sld [smem:$0x3FFC];
	_ =	sdelay $0x3  }
0x94: {  	_ =	strace s3  }
0x95: {  	s3 =	sld [smem:$0x3FFD];
	_ =	sdelay $0x3  }
0x96: {  	_ =	strace s3  }
0x97: {  	_ =	strace $0x8FFFFFFF  }
0x98: {  	s19 =	sld [smem:$0x3FDB];
	_ =	sdelay $0x1  }
0x99: {  	s4 =	simm.s32 $_scs_section_size  }
0x9a: {  	s5 =	simm.s32 $_size__tile_overlayer_lowered;
	s6 =	simm.s32 $_tile_overlayer_lowered  }
0x9b: {  	s22 =	simm.s32 $0x1BFF;
	s21 =	sshll.u32 s6, $0x1;
	s3 =	sadd.s32 s4, s19  }
0x9c: {  	s7 =	simm.s32 $0x0;
	s20 =	sshll.u32 s5, $0x1;
	s5 =	sadd.s32 s21, s3  }
0x9d: {  	[timem:s7], [sflag:s22] =	dma.local [hbm:s5], s20  }
0x9e: {  	_ =	swait.ge [sflag:s22], s20  }
0x9f: {  	s4 =	ssub.s32 $0x0, s20;
	[sflag:s22] =	ssyncset.done $0x0  }
0xa0: {  	[sflag:s22] =	ssyncadd.s32 s4;
	_ =	sdelay $0x1  }
0xa1: {  	s23 =	simm.s32 $0x1B8B  }
0xa2: {  	_ =	swait.ge [sflag:s23], $0x1  }
0xa3: {  	[sflag:s23] =	ssyncset.done $0x0  }
0xa4: {  	s25 =	simm.s32 $0x1B8E;
	s24 =	sld [smem:$0x3FFE];
	[sflag:s23] =	ssyncadd.s32 $0xFFFFFFFF  }
0xa5: {  	s26 =	simm.s32 $execute0_lowered;
	[smem:$0x3FD2] =	sst s25  }
0xa6: {  	s5 =	sshll.u32 s26, $0x1;
	_ =	strace $0x80000046;
	[dreg:$0x1] =	wrdreg $0xFFFFFFFF  }
0xa7: {  	s28 =	simm.s32 $_size_execute0_lowered;
	s3 =	sadd.s32 s3, s5;
	[dreg:$0x0] =	wrdreg $0x0  }
0xa8: {  	s5 =	sshll.u32 s28, $0x1;
	[dreg:$0x2] =	wrdreg s3  }
0xa9: {  	[dreg:$0x3] =	wrdreg s5  }
0xaa: {  	[dreg:$0x4] =	wrdreg $0xC0  }
0xab: {  	_ =	task [dreg:s7], $0x5FFFF  }
0xac: {  	[dreg:$0x1] =	wrdreg $0xFFFFFFFF  }
0xad: {  	[dreg:$0x0] =	wrdreg $0x60  }
0xae: {  	[dreg:$0x2] =	wrdreg s2  }
0xaf: {  	[dreg:$0x3] =	wrdreg s24  }
0xb0: {  	[dreg:$0x4] =	wrdreg $0x90800  }
0xb1: {  	[dreg:$0x5] =	wrdreg $0x1D0800  }
0xb2: {  	[dreg:$0x6] =	wrdreg $0x9  }
0xb3: {  	_ =	task.clear_ibuf [dreg:s7], $0x7FFFF;
	_ =	strace $0x90000046  }
0xb4: {  	s29 =	simm.s32 $0x9;
	_ =	strace $0x80000048  }
0xb5: {  	_ =	swait.ge [sflag:s29], $0x1  }
0xb6: {  	[sflag:s29] =	ssyncadd.s32 $0xFFFFFFFF  }
0xb7: {  	_ =	strace $0x90000048  }
0xb8: {  	_ =	sfence  }
0xb9: {  	s30 =	sld [smem:$0x0];
	_ =	sdelay $0x2  }
0xba: {  	s31 =	sshll.u32 s1, $0xD;
	s1 =	sshrl.u32 s1, $0x2  }
0xbb: {  	s3 =	sand.u32 $0x4000, s31;
	s1 =	sadd.s32 s1, s30  }
0xbc: {  	s0 =	sor.u32 s3, s0;
	s1 =	sshll.u32 s1, $0x11  }
0xbd: {  	s0 =	sor.u32 s1, s0  }
0xbe: {  	s0 =	sadd.s32 $0x8F2B, s0  }
0xbf: {  	[sflag:s0] =	ssyncadd.remote.s32 $0x1  }
0xc0: {  	_ =	sfence.sel $0xFFFF  }
0xc1: {  	[dreg:$0x0] =	wrdreg $0xFFFFFFFF;
	(pc) =	sbr.abs _section_cstart, $3  }
0xc2: {  	[dreg:$0x1] =	wrdreg $0xFFFFFFFF  }
0xc3: {  	_ =	task.clear_ibuf [dreg:s7], $0x2FFFF;
	_ =	strace $0x9FFFFFFF  }
0xc4: {  	(tm) =	ssettm $0x7FFFFFFF  }
0xc5: {  	_ =	shalt  }
tec
execute0_lowered:
.L_overlay_start_1:
0x0: {  	(tag) =	ssettag $0x1  }
0x1: {  	s1 =	rddreg [dreg:$0x0]  }
0x2: {  	s0 =	rddreg [dreg:$0x1]  }
0x3: {  	s2 =	rddreg [dreg:$0x2]  }
0x4: {  	s4 =	rddreg [dreg:$0x3]  }
0x5: {  	s5 =	simm.s32 $0x0;
	s3 =	srdreg.scid;
	s16 =	stileid.u32  }
0x6: {  	s29 =	simm.s32 $0x1000;
	s30 =	simm.s32 $0x4;
	s31 =	simm.s32 $0x800  }
0x7: {  	[smem:$0x7FF] =	sst s5;
	s3 =	sand.u32 $0x1, s3;
	s8 =	smul.u32 $0x500, s16  }
0x8: {  	s6 =	sadd.s32 $0x2200, s0;
	s7 =	sadd.s32 $0xC200, s0;
	s23 =	smul.u32 $0x4E000, s16  }
0x9: {  	s10 =	sadd.s32 $0x16C00, s0;
	s12 =	sshll.u32 s16, $0x1;
	s13 =	smul.u32 $0xA00, s16  }
0xa: {  	s18 =	smul.u32 $0x13800, s16;
	p0 =	sne.s32 s16, $0xF;
	s16 =	simm.s32 $0x0  }
0xb: {  	s9 =	sshll.u32 s3, $0x7;
	s11 =	ssub.s32 $0x2, s3;
	s25 =	sor.u32 s3, s12  }
0xc: {  	s8 =	sor.u32 s9, s8;
	s24 =	sshrl.u32 s11, $0x1;
	s9 =	sshrl.u32 s23, $0x2  }
0xd: {  	s12 =	smul.u32 $0x2800, s25;
	s8 =	sshrl.u32 s8, $0x3;
	s11 =	ssub.s32 s11, s24  }
0xe: {  	s0 =	sadd.s32 s8, s0;
	s8 =	sadd.s32 s9, s2;
	s25 =	smax.u32 s11, $0x1  }
0xf: {  	_ =	strace $0x80000047;
	s26 =	sadd.s32 $0x4000, s8;
	[dreg:$0x12] =	wrdreg s25  }
0x10: {  	s3 =	smul.u32 $0x138800, s3;
	s28 =	sadd.s32 $0x8000, s8;
	[dreg:$0x5] =	wrdreg s26  }
0x11: {  	s17 =	sshrl.u32 s13, $0x2;
	s14 =	sadd.s32 $0xC000, s8;
	[dreg:$0x6] =	wrdreg s28  }
0x12: {  	s21 =	sshrl.u32 s12, $0x3;
	s15 =	sadd.s32 $0x10000, s8;
	[dreg:$0x7] =	wrdreg s14  }
0x13: {  	s9 =	sadd.s32 s18, s3;
	s22 =	sadd.s32 s7, s21;
	[dreg:$0x8] =	wrdreg s15  }
0x14: {  	s9 =	sshrl.u32 s9, $0x3;
	s0 =	sadd.s32 $0x16200, s0;
	[dreg:$0xc] =	wrdreg s22  }
0x15: {  	s15 =	sadd.s32 s17, s4;
	s17 =	sadd.s32 s6, s21;
	[dreg:$0x11] =	wrdreg s0  }
0x16: {  	s13 =	sor.u32 $0x80, s21;
	s9 =	sadd.s32 s10, s9;
	[dreg:$0xb] =	wrdreg s17  }
0x17: {  	s3 =	sshrl.u32 s3, $0x3;
	s23 =	sadd.s32 s6, s13;
	[dreg:$0xd] =	wrdreg s9  }
0x18: {  	s3 =	sadd.s32 s10, s3;
	s24 =	sadd.s32 s7, s13;
	[dreg:$0xe] =	wrdreg s23  }
0x19: {  	s11 =	simm.s32 $0x2;
	s3 =	sadd.s32 $0x27000, s3;
	[dreg:$0xf] =	wrdreg s24  }
0x1a: {  	s14 =	sadd.s32 $0x138000, s2;
	s19 =	sadd.s32 $0x80, s15;
	[dreg:$0x10] =	wrdreg s3  }
0x1b: {  	s0 =	simm.s32 $0x80;
	s20 =	sadd.s32 $0x100, s15;
	[dreg:$0x9] =	wrdreg s19  }
0x1c: {  	s10 =	simm.s32 $0x1;
	s26 =	sadd.s32 $0x180, s15;
	[dreg:$0xa] =	wrdreg s20  }
0x1d: {  	s13 =	simm.s32 $0xF80;
	s28 =	sadd.s32 $0x200, s15;
	[dreg:$0x13] =	wrdreg s26  }
0x1e: {  	v0 =	vimm.f32 $0.0e+00;
	v1 =	vimm.f32 $1.000000000e+00;
	s3 =	simm.s32 $0x5000;
	s9 =	simm.s32 $0x9000;
	[dreg:$0x14] =	wrdreg s28  }
.LBB2_1:
0x1f: {  	s17 =	sand.u32 $0xFE00, s5  }
0x20: {  	s18 =	sand.u32 $0x70, s5;
	s19 =	sshrl.u32 s17, $0x2  }
0x21: {  	s17 =	simm.s32 $0x40;
	s19 =	sor.u32 s18, s19;
	s18 =	simm.s32 $0x0  }
.LBB2_2:
0x22: {  	p1 =	sne.s32 s17, $0xFFC0  }
0x23: {  	[tilespmem:s19+$0x1000] =	vst v0;
	s18 =	sadd.s32 $0x10, s18;
	s19 =	smov.u32 s17;
	s17 =	sadd.s32 $0x40, s17  }
.Ltmp0:
0x24: {  	(pc) =	sbr.rel @p1 .LBB2_2-.Ltmp0, $4  }
0x25: {  	_ = 	snop  }
0x26: {  	s19 =	sand.u32 $0xFE00, s19  }
0x27: {  	s20 =	sand.u32 $0x70, s18;
	s19 =	sshrl.u32 s19, $0x2  }
0x28: {  	s19 =	sor.u32 s20, s19  }
0x29: {  	[tilespmem:s19+$0x1000] =	vst v0  }
0x2a: {  	[tilespmem:$0x9000] =	vst v1  }
0x2b: {  	[tilespmem:$0x9010] =	vst v1  }
0x2c: {  	[tilespmem:$0x9020] =	vst v1  }
0x2d: {  	[tilespmem:$0x9030] =	vst v1  }
0x2e: {  	[tilespmem:$0x9040] =	vst v1  }
0x2f: {  	[tilespmem:$0x9050] =	vst v1  }
0x30: {  	[tilespmem:$0x9060] =	vst v1  }
0x31: {  	[tilespmem:$0x9070] =	vst v1  }
0x32: {  	[spmem:s8] =	stream.linear.scatter [tilespmem:s29], [sflag:$0x4], $0x4000, $0x38;
	[tilespmem:$0x1D300] =	vst v63  }
0x33: {  	_ =	swait.ge [sflag:s30], $0x4000  }
0x34: {  	[sflag:s30] =	ssyncset.done $0x0  }
0x35: {  	s17 =	rddreg [dreg:$0x5];
	[sflag:s30] =	ssyncadd.s32 $0xFFFFC000  }
0x36: {  	[spmem:s17] =	stream.linear.scatter [tilespmem:s29], [sflag:$0x4], $0x4000, $0x38;
	[tilespmem:$0x1D300] =	vst v63  }
0x37: {  	_ =	swait.ge [sflag:s30], $0x4000  }
0x38: {  	[sflag:s30] =	ssyncset.done $0x0  }
0x39: {  	s21 =	rddreg [dreg:$0x6];
	[sflag:s30] =	ssyncadd.s32 $0xFFFFC000  }
0x3a: {  	[spmem:s21] =	stream.linear.scatter [tilespmem:s29], [sflag:$0x4], $0x4000, $0x38;
	[tilespmem:$0x1D300] =	vst v63  }
0x3b: {  	_ =	swait.ge [sflag:s30], $0x4000  }
0x3c: {  	[sflag:s30] =	ssyncset.done $0x0  }
0x3d: {  	s22 =	rddreg [dreg:$0x7];
	[sflag:s30] =	ssyncadd.s32 $0xFFFFC000  }
0x3e: {  	[spmem:s22] =	stream.linear.scatter [tilespmem:s29], [sflag:$0x4], $0x4000, $0x38;
	[tilespmem:$0x1D300] =	vst v63  }
0x3f: {  	_ =	swait.ge [sflag:s30], $0x4000  }
0x40: {  	[sflag:s30] =	ssyncset.done $0x0  }
0x41: {  	s23 =	rddreg [dreg:$0x8];
	[sflag:s30] =	ssyncadd.s32 $0xFFFFC000  }
0x42: {  	[spmem:s23] =	stream.linear.scatter [tilespmem:s29], [sflag:$0x4], $0x3800, $0x38;
	[tilespmem:$0x1D300] =	vst v63  }
0x43: {  	_ =	swait.ge [sflag:s30], $0x3800  }
0x44: {  	[sflag:s30] =	ssyncset.done $0x0  }
0x45: {  	s17 =	simm.s32 @!p0 $0x1000;
	[sflag:s30] =	ssyncadd.s32 $0xFFFFC800  }
0x46: {  	[spmem:s14] =	stream.linear.scatter @!p0 [tilespmem:s17], [sflag:$0x4], $0x800, $0x38;
	[tilespmem:$0x1D300] =	vst v63  }
0x47: {  	s17 =	simm.s32 @!p0 $0x4  }
0x48: {  	_ =	swait.ge @!p0 [sflag:s17], $0x800  }
0x49: {  	[sflag:s17] =	ssyncset.done @!p0 $0x0  }
0x4a: {  	[sflag:s17] =	ssyncadd.s32 @!p0 $0xFFFFF800  }
0x4b: {  	[spmem:s15] =	stream.linear.scatter [tilespmem:s29], [sflag:$0x4], $0x80, $0x38;
	[tilespmem:$0x1D300] =	vst v63  }
0x4c: {  	_ =	swait.ge [sflag:s30], $0x80  }
0x4d: {  	[sflag:s30] =	ssyncset.done $0x0  }
0x4e: {  	s24 =	rddreg [dreg:$0x9];
	[sflag:s30] =	ssyncadd.s32 $0xFFFFFF80  }
0x4f: {  	[spmem:s24] =	stream.linear.scatter [tilespmem:s29], [sflag:$0x4], $0x80, $0x38;
	[tilespmem:$0x1D300] =	vst v63  }
0x50: {  	_ =	swait.ge [sflag:s30], $0x80  }
0x51: {  	[sflag:s30] =	ssyncset.done $0x0  }
0x52: {  	s25 =	rddreg [dreg:$0xa];
	[sflag:s30] =	ssyncadd.s32 $0xFFFFFF80  }
0x53: {  	[spmem:s25] =	stream.linear.scatter [tilespmem:s29], [sflag:$0x4], $0x80, $0x38;
	[tilespmem:$0x1D300] =	vst v63  }
0x54: {  	_ =	swait.ge [sflag:s30], $0x80  }
0x55: {  	[sflag:s30] =	ssyncset.done $0x0  }
0x56: {  	s26 =	rddreg [dreg:$0x13];
	[sflag:s30] =	ssyncadd.s32 $0xFFFFFF80  }
0x57: {  	[spmem:s26] =	stream.linear.scatter [tilespmem:s29], [sflag:$0x4], $0x80, $0x38;
	[tilespmem:$0x1D300] =	vst v63  }
0x58: {  	_ =	swait.ge [sflag:s30], $0x80  }
0x59: {  	[sflag:s30] =	ssyncset.done $0x0  }
0x5a: {  	s28 =	rddreg [dreg:$0x14];
	[sflag:s30] =	ssyncadd.s32 $0xFFFFFF80  }
0x5b: {  	[spmem:s28] =	stream.linear.scatter [tilespmem:s29], [sflag:$0x4], $0x80, $0x38;
	[tilespmem:$0x1D300] =	vst v63  }
0x5c: {  	_ =	swait.ge [sflag:s30], $0x80  }
0x5d: {  	[sflag:s30] =	ssyncset.done $0x0  }
0x5e: {  	[sflag:s30] =	ssyncadd.s32 $0xFFFFFF80  }
0x5f: {  	[bflag:$0x0] =	sbarrier.arrive $0xFFFF  }
0x60: {  	s18 =	rddreg [dreg:$0xb]  }
0x61: {  	[tilespmem:s5], [sflag:$0x4] =	stream.linear.gather [hbm4b:s18+s5], $0x400, $0x38;
	[tilespmem:$0x1D300] =	vst v63  }
0x62: {  	_ =	swait.ge [sflag:s30], $0x400  }
0x63: {  	[sflag:s30] =	ssyncset.done $0x0  }
0x64: {  	s19 =	rddreg [dreg:$0xc];
	[sflag:s30] =	ssyncadd.s32 $0xFFFFFC00  }
0x65: {  	[tilespmem:s31], [sflag:$0x4] =	stream.linear.gather [hbm4b:s19+s5], $0x400, $0x38;
	[tilespmem:$0x1D300] =	vst v63  }
0x66: {  	_ =	swait.ge [sflag:s30], $0x400  }
0x67: {  	[sflag:s30] =	ssyncset.done $0x0  }
0x68: {  	s18 =	simm.s32 $0x400;
	s20 =	rddreg [dreg:$0xe];
	[sflag:s30] =	ssyncadd.s32 $0xFFFFFC00  }
0x69: {  	[tilespmem:s18], [sflag:$0x3] =	stream.linear.gather [hbm4b:s20+s5], $0x400, $0x38;
	[tilespmem:$0x1D300] =	vst v63  }
0x6a: {  	s22 =	simm.s32 $0xC00;
	s21 =	rddreg [dreg:$0xf]  }
0x6b: {  	[tilespmem:s22], [sflag:$0x3] =	stream.linear.gather [hbm4b:s21+s5], $0x400, $0x38;
	[tilespmem:$0x1D300] =	vst v63  }
0x6c: {  	s23 =	simm.s32 $0x1  }
0x6d: {  	[tilespmem:s29], [sflag:$0x1] =	stream.indirect.gather [hbm4b:s1+s0], $0x80, s5, s0, $0xb8;
	[tilespmem:$0x1D300] =	vst v63  }
0x6e: {  	_ =	swait.ge [sflag:s23], $0x4000  }
0x6f: {  	[sflag:s23] =	ssyncset.done $0x0  }
0x70: {  	[sflag:s23] =	ssyncadd.s32 $0xFFFFC000  }
0x71: {  	[tilespmem:s3], [sflag:$0x1] =	stream.indirect.gather [hbm4b:s1+s0], $0x80, s0, s0, $0xb8;
	[tilespmem:$0x1D300] =	vst v63  }
0x72: {  	_ = 	snop  }
0x73: {  	[spmem:s2] =	stream.indirect.scatter.add.f32 [tilespmem:s29], [sflag:$0x2], $0x80, s31, s0, $0xb8;
	[tilespmem:$0x1D300] =	vst v63  }
0x74: {  	s24 =	simm.s32 $0x2  }
0x75: {  	[spmem:s4] =	stream.indirect.scatter.add.f32 [tilespmem:s9], [sflag:$0x4], $0x1, s31, s0, $0xb8;
	[tilespmem:$0x1D300] =	vst v63  }
0x76: {  	s17 =	sand.u32 $0x6, s24;
	_ =	swait.ge [sflag:s30], $0x80  }
0x77: {  	p1 =	sne.s32 s17, $0x0;
	[sflag:s30] =	ssyncset.done $0x0  }
0x78: {  	s18 =	simm.s32 @!p1 $0x3;
	[sflag:s30] =	ssyncadd.s32 $0xFFFFFF80  }
0x79: {  	_ =	swait.ge @!p1 [sflag:s18], $0x400  }
0x7a: {  	[sflag:s18] =	ssyncset.done @!p1 $0x0  }
0x7b: {  	[sflag:s18] =	ssyncadd.s32 @!p1 $0xFFFFFC00  }
0x7c: {  	_ =	swait.ge @!p1 [sflag:s18], $0x400  }
0x7d: {  	s25 =	simm.s32 $0x0;
	[sflag:s18] =	ssyncset.done @!p1 $0x0  }
0x7e: {  	[sflag:s18] =	ssyncadd.s32 @!p1 $0xFFFFFC00;
	s18 =	sand.u32 $0x7, s25  }
0x7f: {  	s19 =	simm.s32 $0x100;
	_ =	swait.ge [sflag:s10], $0x4000;
	s18 =	sadd.s32 $0x1, s18  }
0x80: {  	s20 =	simm.s32 $0x80;
	[sflag:s10] =	ssyncset.done $0x0;
	s18 =	sshrl.u32 s18, $0x3  }
0x81: {  	s20 =	sand.u32 $0x380, s20;
	[sflag:s10] =	ssyncadd.s32 $0xFFFFC000;
	s18 =	sadd.s32 $0x0, s18  }
0x82: {  	s21 =	sand.u32 $0x400, s19;
	_ =	swait.ge [sflag:s11], $0x4000;
	s18 =	sshll.u32 s18, $0xA  }
0x83: {  	s22 =	sshll.u32 s17, $0x7;
	[sflag:s11] =	ssyncset.done $0x0;
	s18 =	sand.u32 $0x400, s18  }
0x84: {  	s22 =	sor.u32 s22, s21;
	[sflag:s11] =	ssyncadd.s32 $0xFFFFC000;
	s18 =	sor.u32 s20, s18  }
0x85: {  	[tilespmem:s29], [sflag:$0x1] =	stream.indirect.gather [hbm4b:s1+s0], $0x80, s22, s0, $0xb8;
	[tilespmem:$0x1D300] =	vst v63  }
0x86: {  	s18 =	sor.u32 $0x800, s18  }
0x87: {  	[spmem:s2] =	stream.indirect.scatter.add.f32 [tilespmem:s3], [sflag:$0x2], $0x80, s18, s0, $0xb8;
	[tilespmem:$0x1D300] =	vst v63  }
0x88: {  	_ = 	snop  }
0x89: {  	[spmem:s4] =	stream.indirect.scatter.add.f32 [tilespmem:s9], [sflag:$0x4], $0x1, s18, s0, $0xb8;
	[tilespmem:$0x1D300] =	vst v63  }
0x8a: {  	_ =	swait.ge [sflag:s30], $0x80  }
0x8b: {  	p1 =	por $0x0, $0x0;
	[sflag:s30] =	ssyncset.done $0x0  }
0x8c: {  	p2 =	sne.s32 @!p1 s17, $0x0;
	[sflag:s30] =	ssyncadd.s32 $0xFFFFFF80  }
0x8d: {  	p1 =	por p2, p1;
	_ =	swait.ge [sflag:s10], $0x4000  }
0x8e: {  	s17 =	sand.u32 @!p1 $0x3C00, s19;
	[sflag:s10] =	ssyncset.done $0x0  }
0x8f: {  	s17 =	sadd.s32 @!p1 $0x400, s17;
	[sflag:s10] =	ssyncadd.s32 $0xFFFFC000  }
0x90: {  	s19 =	sand.u32 $0x300, s19;
	s18 =	sadd.s32 @!p1 s12, s17;
	_ =	swait.ge [sflag:s11], $0x4000  }
0x91: {  	s20 =	simm.s32 @!p1 $0x0;
	s18 =	sshrl.u32 @!p1 s18, $0x3;
	[sflag:s11] =	ssyncset.done $0x0  }
0x92: {  	s17 =	sand.u32 @!p1 $0x400, s17;
	s23 =	sadd.s32 @!p1 s6, s18;
	[sflag:s11] =	ssyncadd.s32 $0xFFFFC000  }
0x93: {  	[tilespmem:s17], [sflag:$0x3] =	stream.linear.gather @!p1 [hbm4b:s23+s20], $0x400, $0x38;
	[tilespmem:$0x1D300] =	vst v63  }
0x94: {  	s19 =	sadd.s32 s19, s21;
	s18 =	sadd.s32 @!p1 s7, s18;
	s17 =	sor.u32 @!p1 $0x800, s17  }
0x95: {  	[tilespmem:s17], [sflag:$0x3] =	stream.linear.gather @!p1 [hbm4b:s18+s20], $0x400, $0x38;
	[tilespmem:$0x1D300] =	vst v63  }
0x96: {  	s26 =	sadd.s32 $0x80, s19  }
0x97: {  	[tilespmem:s3], [sflag:$0x1] =	stream.indirect.gather [hbm4b:s1+s0], $0x80, s26, s0, $0xb8;
	[tilespmem:$0x1D300] =	vst v63  }
0x98: {  	s28 =	sor.u32 $0x800, s22;
	s19 =	simm.s32 $0x4  }
0x99: {  	[spmem:s2] =	stream.indirect.scatter.add.f32 [tilespmem:s29], [sflag:$0x2], $0x80, s28, s0, $0xb8;
	[tilespmem:$0x1D300] =	vst v63  }
0x9a: {  	s21 =	sand.u32 $0x6, s19;
	s17 =	simm.s32 $0x200  }
0x9b: {  	[spmem:s4] =	stream.indirect.scatter.add.f32 [tilespmem:s9], [sflag:$0x4], $0x1, s28, s0, $0xb8;
	[tilespmem:$0x1D300] =	vst v63  }
0x9c: {  	s20 =	simm.s32 $0x300;
	s18 =	simm.s32 $0x2;
	_ =	swait.ge [sflag:s30], $0x80  }
.LBB2_4:
0x9d: {  	p2 =	sne.s32 s21, $0x0  }
0x9e: {  	[sflag:s30] =	ssyncset.done $0x0;
	s22 =	smov.u32 s20;
	s20 =	sadd.s32 $0x100, s20  }
0x9f: {  	p1 =	sne.s32 s20, $0x2800;
	s23 =	simm.s32 @!p2 $0x3;
	[sflag:s30] =	ssyncadd.s32 $0xFFFFFF80  }
0xa0: {  	_ =	swait.ge @!p2 [sflag:s23], $0x400  }
0xa1: {  	[sflag:s23] =	ssyncset.done @!p2 $0x0  }
0xa2: {  	[sflag:s23] =	ssyncadd.s32 @!p2 $0xFFFFFC00  }
0xa3: {  	s24 =	sadd.s32 $0xFFFFFFFF, s19;
	_ =	swait.ge @!p2 [sflag:s23], $0x400  }
0xa4: {  	s25 =	sshll.u32 s24, $0x18;
	[sflag:s23] =	ssyncset.done @!p2 $0x0  }
0xa5: {  	[sflag:s23] =	ssyncadd.s32 @!p2 $0xFFFFFC00;
	s23 =	sshra.s32 s25, $0x1F;
	s25 =	sand.u32 $0x300, s17  }
0xa6: {  	s26 =	sshrl.u32 s24, $0x1F;
	_ =	swait.ge [sflag:s10], $0x4000;
	s23 =	sand.u32 $0x7, s23  }
0xa7: {  	[sflag:s10] =	ssyncset.done $0x0;
	s23 =	sadd.s32 s23, s24;
	s24 =	sadd.s32 $0xFFFFFF80, s17  }
0xa8: {  	[sflag:s10] =	ssyncadd.s32 $0xFFFFC000;
	s23 =	sshrl.u32 s23, $0x3;
	s24 =	sand.u32 $0x380, s24  }
0xa9: {  	s28 =	sand.u32 $0x400, s17;
	_ =	swait.ge [sflag:s11], $0x4000;
	s23 =	sadd.s32 s23, s26  }
0xaa: {  	s26 =	sshll.u32 s21, $0x7;
	[sflag:s11] =	ssyncset.done $0x0;
	s23 =	sshll.u32 s23, $0xA  }
0xab: {  	s26 =	sor.u32 s26, s28;
	[sflag:s11] =	ssyncadd.s32 $0xFFFFC000;
	s23 =	sand.u32 $0x400, s23  }
0xac: {  	[tilespmem:s29], [sflag:$0x1] =	stream.indirect.gather [hbm4b:s1+s0], $0x80, s26, s0, $0xb8;
	[tilespmem:$0x1D300] =	vst v63  }
0xad: {  	s23 =	sor.u32 s24, s23;
	s24 =	sadd.s32 s25, s28  }
0xae: {  	s23 =	sor.u32 $0x800, s23  }
0xaf: {  	[spmem:s2] =	stream.indirect.scatter.add.f32 [tilespmem:s3], [sflag:$0x2], $0x80, s23, s0, $0xb8;
	[tilespmem:$0x1D300] =	vst v63  }
0xb0: {  	_ = 	snop  }
0xb1: {  	[spmem:s4] =	stream.indirect.scatter.add.f32 [tilespmem:s9], [sflag:$0x4], $0x1, s23, s0, $0xb8;
	[tilespmem:$0x1D300] =	vst v63  }
0xb2: {  	p2 =	sgt.u32 s18, $0x23;
	_ =	swait.ge [sflag:s30], $0x80  }
0xb3: {  	p3 =	sne.s32 @!p2 s21, $0x0;
	[sflag:s30] =	ssyncset.done $0x0  }
0xb4: {  	p2 =	por p3, p2;
	[sflag:s30] =	ssyncadd.s32 $0xFFFFFF80  }
0xb5: {  	s21 =	sand.u32 @!p2 $0x3C00, s17;
	s17 =	smov.u32 s22;
	_ =	swait.ge [sflag:s10], $0x4000  }
0xb6: {  	s22 =	simm.s32 @!p2 $0x0;
	s21 =	sadd.s32 @!p2 $0x400, s21;
	[sflag:s10] =	ssyncset.done $0x0  }
0xb7: {  	s23 =	sadd.s32 @!p2 s12, s21;
	s21 =	sand.u32 @!p2 $0x400, s21;
	[sflag:s10] =	ssyncadd.s32 $0xFFFFC000  }
0xb8: {  	s23 =	sshrl.u32 @!p2 s23, $0x3;
	s25 =	sor.u32 @!p2 $0x800, s21;
	_ =	swait.ge [sflag:s11], $0x4000  }
0xb9: {  	s28 =	sadd.s32 @!p2 s6, s23;
	s23 =	sadd.s32 @!p2 s7, s23;
	[sflag:s11] =	ssyncset.done $0x0  }
0xba: {  	[sflag:s11] =	ssyncadd.s32 $0xFFFFC000  }
0xbb: {  	[tilespmem:s21], [sflag:$0x3] =	stream.linear.gather @!p2 [hbm4b:s28+s22], $0x400, $0x38;
	[tilespmem:$0x1D300] =	vst v63  }
0xbc: {  	s21 =	sadd.s32 $0x80, s24  }
0xbd: {  	[tilespmem:s25], [sflag:$0x3] =	stream.linear.gather @!p2 [hbm4b:s23+s22], $0x400, $0x38;
	[tilespmem:$0x1D300] =	vst v63  }
0xbe: {  	_ = 	snop  }
0xbf: {  	[tilespmem:s3], [sflag:$0x1] =	stream.indirect.gather [hbm4b:s1+s0], $0x80, s21, s0, $0xb8;
	[tilespmem:$0x1D300] =	vst v63  }
.Ltmp1:
0xc0: {  	s21 =	sor.u32 $0x800, s26;
	(pc) =	sbr.rel @p1 .LBB2_4-.Ltmp1, $4  }
0xc1: {  	[spmem:s2] =	stream.indirect.scatter.add.f32 [tilespmem:s29], [sflag:$0x2], $0x80, s21, s0, $0xb8;
	[tilespmem:$0x1D300] =	vst v63  }
0xc2: {  	s19 =	sadd.s32 $0x2, s19  }
0xc3: {  	[spmem:s4] =	stream.indirect.scatter.add.f32 [tilespmem:s9], [sflag:$0x4], $0x1, s21, s0, $0xb8;
	[tilespmem:$0x1D300] =	vst v63  }
0xc4: {  	s18 =	sadd.s32 $0x1, s18;
	s21 =	sand.u32 $0x6, s19;
	_ =	swait.ge [sflag:s30], $0x80  }
0xc5: {  	p1 =	sne.s32 s21, $0x0;
	[sflag:s30] =	ssyncset.done $0x0  }
0xc6: {  	s20 =	simm.s32 @!p1 $0x3;
	[sflag:s30] =	ssyncadd.s32 $0xFFFFFF80  }
0xc7: {  	_ =	swait.ge @!p1 [sflag:s20], $0x400  }
0xc8: {  	[sflag:s20] =	ssyncset.done @!p1 $0x0  }
0xc9: {  	s19 =	sadd.s32 $0xFFFFFFFF, s19;
	[sflag:s20] =	ssyncadd.s32 @!p1 $0xFFFFFC00  }
0xca: {  	s22 =	sshll.u32 s19, $0x18;
	_ =	swait.ge @!p1 [sflag:s20], $0x400  }
0xcb: {  	s24 =	sshra.s32 s22, $0x1F;
	[sflag:s20] =	ssyncset.done @!p1 $0x0  }
0xcc: {  	[sflag:s20] =	ssyncadd.s32 @!p1 $0xFFFFFC00;
	s20 =	sand.u32 $0x7, s24  }
0xcd: {  	s25 =	sshrl.u32 s19, $0x1F;
	_ =	swait.ge [sflag:s10], $0x4000;
	s19 =	sadd.s32 s20, s19  }
0xce: {  	s26 =	sadd.s32 $0xFFFFFF80, s17;
	[sflag:s10] =	ssyncset.done $0x0;
	s19 =	sshrl.u32 s19, $0x3  }
0xcf: {  	s23 =	sand.u32 $0x400, s17;
	[sflag:s10] =	ssyncadd.s32 $0xFFFFC000;
	s19 =	sadd.s32 s19, s25  }
0xd0: {  	s28 =	sshll.u32 s21, $0x7;
	_ =	swait.ge [sflag:s11], $0x4000;
	s19 =	sshll.u32 s19, $0xA  }
0xd1: {  	s20 =	sand.u32 $0x380, s26;
	[sflag:s11] =	ssyncset.done $0x0;
	s19 =	sand.u32 $0x400, s19  }
0xd2: {  	s22 =	sor.u32 s28, s23;
	[sflag:s11] =	ssyncadd.s32 $0xFFFFC000;
	s19 =	sor.u32 s20, s19  }
0xd3: {  	[tilespmem:s29], [sflag:$0x1] =	stream.indirect.gather [hbm4b:s1+s0], $0x80, s22, s0, $0xb8;
	[tilespmem:$0x1D300] =	vst v63  }
0xd4: {  	s19 =	sor.u32 $0x800, s19  }
0xd5: {  	[spmem:s2] =	stream.indirect.scatter.add.f32 [tilespmem:s3], [sflag:$0x2], $0x80, s19, s0, $0xb8;
	[tilespmem:$0x1D300] =	vst v63  }
0xd6: {  	_ = 	snop  }
0xd7: {  	[spmem:s4] =	stream.indirect.scatter.add.f32 [tilespmem:s9], [sflag:$0x4], $0x1, s19, s0, $0xb8;
	[tilespmem:$0x1D300] =	vst v63  }
0xd8: {  	_ =	swait.ge [sflag:s30], $0x80  }
0xd9: {  	p1 =	sgt.u32 s18, $0x23;
	[sflag:s30] =	ssyncset.done $0x0  }
0xda: {  	p2 =	sne.s32 @!p1 s21, $0x0;
	[sflag:s30] =	ssyncadd.s32 $0xFFFFFF80  }
0xdb: {  	p1 =	por p2, p1;
	_ =	swait.ge [sflag:s10], $0x4000  }
0xdc: {  	s18 =	sand.u32 @!p1 $0x3C00, s17;
	[sflag:s10] =	ssyncset.done $0x0  }
0xdd: {  	s18 =	sadd.s32 @!p1 $0x400, s18;
	[sflag:s10] =	ssyncadd.s32 $0xFFFFC000  }
0xde: {  	s19 =	sadd.s32 @!p1 s12, s18;
	_ =	swait.ge [sflag:s11], $0x4000  }
0xdf: {  	s20 =	simm.s32 @!p1 $0x0;
	s19 =	sshrl.u32 @!p1 s19, $0x3;
	[sflag:s11] =	ssyncset.done $0x0  }
0xe0: {  	s18 =	sand.u32 @!p1 $0x400, s18;
	s21 =	sadd.s32 @!p1 s6, s19;
	[sflag:s11] =	ssyncadd.s32 $0xFFFFC000  }
0xe1: {  	[tilespmem:s18], [sflag:$0x3] =	stream.linear.gather @!p1 [hbm4b:s21+s20], $0x400, $0x38;
	[tilespmem:$0x1D300] =	vst v63  }
0xe2: {  	s19 =	sadd.s32 @!p1 s7, s19;
	s18 =	sor.u32 @!p1 $0x800, s18  }
0xe3: {  	[tilespmem:s18], [sflag:$0x3] =	stream.linear.gather @!p1 [hbm4b:s19+s20], $0x400, $0x38;
	[tilespmem:$0x1D300] =	vst v63  }
0xe4: {  	s18 =	sand.u32 $0x300, s17  }
0xe5: {  	s17 =	sadd.s32 s18, s23  }
0xe6: {  	s17 =	sadd.s32 $0x80, s17  }
0xe7: {  	[tilespmem:s3], [sflag:$0x1] =	stream.indirect.gather [hbm4b:s1+s0], $0x80, s17, s0, $0xb8;
	[tilespmem:$0x1D300] =	vst v63  }
0xe8: {  	s19 =	sor.u32 $0x800, s22  }
0xe9: {  	[spmem:s2] =	stream.indirect.scatter.add.f32 [tilespmem:s29], [sflag:$0x2], $0x80, s19, s0, $0xb8;
	[tilespmem:$0x1D300] =	vst v63  }
0xea: {  	_ = 	snop  }
0xeb: {  	[spmem:s4] =	stream.indirect.scatter.add.f32 [tilespmem:s9], [sflag:$0x4], $0x1, s19, s0, $0xb8;
	[tilespmem:$0x1D300] =	vst v63  }
0xec: {  	_ =	swait.ge [sflag:s30], $0x80  }
0xed: {  	[sflag:s30] =	ssyncset.done $0x0  }
0xee: {  	[sflag:s30] =	ssyncadd.s32 $0xFFFFFF80  }
0xef: {  	_ =	swait.ge [sflag:s10], $0x4000  }
0xf0: {  	[sflag:s10] =	ssyncset.done $0x0  }
0xf1: {  	[sflag:s10] =	ssyncadd.s32 $0xFFFFC000  }
0xf2: {  	_ =	swait.ge [sflag:s11], $0x4000  }
0xf3: {  	[sflag:s11] =	ssyncset.done $0x0  }
0xf4: {  	[sflag:s11] =	ssyncadd.s32 $0xFFFFC000  }
0xf5: {  	[spmem:s2] =	stream.indirect.scatter.add.f32 [tilespmem:s3], [sflag:$0x2], $0x80, s13, s0, $0xb8;
	[tilespmem:$0x1D300] =	vst v63  }
0xf6: {  	_ = 	snop  }
0xf7: {  	[spmem:s4] =	stream.indirect.scatter.add.f32 [tilespmem:s9], [sflag:$0x4], $0x1, s13, s0, $0xb8;
	[tilespmem:$0x1D300] =	vst v63  }
0xf8: {  	_ =	swait.ge [sflag:s30], $0x80  }
0xf9: {  	[sflag:s30] =	ssyncset.done $0x0  }
0xfa: {  	[sflag:s30] =	ssyncadd.s32 $0xFFFFFF80  }
0xfb: {  	_ =	swait.ge [sflag:s11], $0x4000  }
0xfc: {  	[sflag:s11] =	ssyncset.done $0x0  }
0xfd: {  	s20 =	stileid.u32;
	[sflag:s11] =	ssyncadd.s32 $0xFFFFC000  }
0xfe: {  	s17 =	sshll.u32 s20, $0x6;
	[bflag:$0x0] =	sbarrier.arrive $0xFFFF  }
0xff: {  	s21 =	sshrl.u32 s8, $0x3;
	s17 =	sor.u32 $0x1C04, s17;
	s22 =	rddreg [dreg:$0xd]  }
0x100: {  	[hbm:s22], [sflag:s17] =	dma.local [spmem:s21], $0x2700  }
0x101: {  	_ =	swait.ge [sflag:s30], $0x2700  }
0x102: {  	[sflag:s30] =	ssyncset.done $0x0  }
0x103: {  	s18 =	sshrl.u32 @!p0 s14, $0x3;
	s19 =	rddreg [dreg:$0x10];
	[sflag:s30] =	ssyncadd.s32 $0xFFFFD900  }
0x104: {  	[hbm:s19], [sflag:s17] =	dma.local @!p0 [spmem:s18], $0x100  }
0x105: {  	s18 =	simm.s32 @!p0 $0x4  }
0x106: {  	_ =	swait.ge @!p0 [sflag:s18], $0x100  }
0x107: {  	s26 =	simm.s32 $0x10;
	s25 =	simm.s32 $0x20;
	[sflag:s18] =	ssyncset.done @!p0 $0x0  }
0x108: {  	s23 =	sshrl.u32 s15, $0x3;
	s24 =	rddreg [dreg:$0x11];
	[sflag:s18] =	ssyncadd.s32 @!p0 $0xFFFFFF00  }
0x109: {  	[hbm:s24@s25], [sflag:s17] =	dma.strided [spmem:s23@s26], $0x50, s10, $0x10   }
0x10a: {  	_ =	swait.ge [sflag:s30], $0x50  }
0x10b: {  	s16 =	sadd.s32 $0x1, s16;
	s28 =	rddreg [dreg:$0x12]  }
0x10c: {  	p1 =	sne.s32 s16, s28  }
.Ltmp2:
0x10d: {  	_ = 	snop;
	(pc) =	sbr.rel @p1 .LBB2_1-.Ltmp2, $3  }
0x10e: {  	_ =	sdelay $0x1  }
0x10f: {  	[sflag:s30] =	ssyncset.done $0x0  }
0x110: {  	[sflag:s30] =	ssyncadd.s32 $0xFFFFFFB0  }
0x111: {  	_ =	sfence.sel $0x180000  }
0x112: {  	[bflag:$0x0] =	sbarrier.arrive $0xFFFF  }
0x113: {  	_ =	strace $0x90000047  }
0x114: {  	s0 =	stileid.u32;
	[bflag:$0x2] =	sbarrier.arrive $0xFFFF  }
0x115: {  	p0 =	sne.s32 s0, $0x0;
	s0 =	rddreg [dreg:$0x4]  }
0x116: {  	s0 =	sadd.s32 @!p0 $0x100000, s0  }
0x117: {  	[sflag:s0] =	ssyncadd.tile.s32 @!p0 $0x1;
	_ =	shalt  }
.Lfunc_end2:
_tile_overlayer_lowered:
.L_overlay_start_2:
0x118: {  	(tag) =	ssettag $0x2  }
0x119: {  	s0 =	rddreg [dreg:$0x0];
	s2 =	stileid.u32  }
0x11a: {  	s1 =	rddreg [dreg:$0x1];
	p0 =	sne.s32 s2, $0x0  }
0x11b: {  	s3 =	rddreg [dreg:$0x2];
	[bflag:$0x3] =	sbarrier.arrive $0xFFFF;
	s2 =	simm.s32 @!p0 $0x1C04  }
0x11c: {  	[timem:s3], [sflag:s2] =	dma.local @!p0 [hbm:s0], s1  }
0x11d: {  	s0 =	simm.s32 @!p0 $0x4  }
0x11e: {  	_ =	swait.ge @!p0 [sflag:s0], s1  }
0x11f: {  	s1 =	ssub.s32 @!p0 $0x0, s1;
	[sflag:s0] =	ssyncset.done @!p0 $0x0  }
0x120: {  	[sflag:s0] =	ssyncadd.s32 @!p0 s1  }
0x121: {  	[bflag:$0x3] =	sbarrier.arrive $0xFFFF  }
0x122: {  	_ =	shalt  }

// kernel: kernel.9.cloned.1.call-start
scs
__scs_entry_jumppad:
0x0: {  	(pc) =	sbr.rel $0x88, $3  }
0x1: {  	(tag) =	ssettag $0x0;
	lr =	simm.s32 $0x1  }
0x2: {  	[smem:$0x3F97] =	sst lr;
	_ =	strace $0xD0000000  }
0x3: {  	_ = 	snop  }
0x4: {  	_ = 	snop  }
0x5: {  	_ = 	snop  }
0x6: {  	_ = 	snop  }
0x7: {  	_ = 	snop  }
__scs_overlays_trampoline_lowered:
0x8: {  	[smem:$0x3FA6] =	sst s0  }
0x9: {  	[smem:$0x3FA7] =	sst s1  }
0xa: {  	[smem:$0x3FA8] =	sst s2  }
0xb: {  	[smem:$0x3FA9] =	sst s3  }
0xc: {  	[smem:$0x3FAA] =	sst s4  }
0xd: {  	[smem:$0x3FAB] =	sst s5  }
0xe: {  	[smem:$0x3FAC] =	sst s6  }
0xf: {  	[smem:$0x3FAD] =	sst s7  }
0x10: {  	[smem:$0x3FAE] =	sst s8  }
0x11: {  	[smem:$0x3FAF] =	sst s9;
	s0 =	simm.s32 @!p0 $0x0  }
0x12: {  	s1 =	sld [smem:$0x3F95];
	s0 =	simm.s32 @p0 $0x1  }
0x13: {  	[smem:$0x3FB0] =	sst s0;
	s0 =	simm.s32 @!p1 $0x0  }
0x14: {  	s2 =	sld [smem:$0x3F94];
	s0 =	simm.s32 @p1 $0x1  }
0x15: {  	[smem:$0x3FB1] =	sst s0;
	s0 =	simm.s32 @!p2 $0x0  }
0x16: {  	s3 =	sld [smem:$0x3FDB];
	s0 =	simm.s32 @p2 $0x1  }
0x17: {  	s4 =	simm.s32 $0x1BF5;
	[smem:$0x3FB3] =	sst s0  }
0x18: {  	s0 =	sld [smem:$0x3F96];
	_ =	swait.ge [sflag:s4], $0x0  }
0x19: {  	s7 =	sld [smem:$0x3F97]  }
0x1a: {  	s8 =	sadd.s32 $0xFFFFE003, lr  }
0x1b: {  	s9 =	sadd.s32 $0xFFFFFEF7, lr;
	s5 =	simm.s32 $0xFFFFFFFF;
	p2 =	slt.u32 s8, $0xFFFFF086  }
0x1c: {  	p1 =	slt.u32 s9, $0xF7A;
	s5 =	simm.s32 @!p2 $0x0  }
0x1d: {  	s5 =	simm.s32 @p1 $0x1;
	p0 =	seq.s32 s7, s2  }
0x1e: {  	s7 =	smul.u32 @!p0 $0xF7A, s2;
	p2 =	seq.s32 @!p0 s5, $0x0  }
0x1f: {  	s9 =	smul.u32 $0xF7A, s1;
	s8 =	simm.s32 @!p0 $0x1BF5;
	p2 =	por !p2, p0  }
0x20: {  	[sflag:s8] =	ssyncset.s32 @!p0 $0xFFFFF086;
	s6 =	sadd.s32 @!p0 s3, s7;
	s7 =	simm.s32 @!p0 $0x108  }
0x21: {  	s3 =	sadd.s32 s3, s9;
	s6 =	sadd.s32 @!p0 $0x88, s6;
	s7 =	simm.s32 @p2 $0x1082  }
0x22: {  	[simem:s7], [sflag:s8] =	dma.local @!p0 [hbm:s6], $0xF7A  }
0x23: {  	s9 =	sor.u32 $0xD0000000, s2;
	s6 =	simm.s32 $0x108;
	_ =	swait.ge @!p0 [sflag:s8], $0x0  }
0x24: {  	s3 =	sadd.s32 $0x88, s3;
	s6 =	simm.s32 @!p1 $0x1082;
	[sflag:s4] =	ssyncset.s32 $0xFFFFF086  }
0x25: {  	[simem:s6], [sflag:s4] =	dma.local [hbm:s3], $0xF7A  }
0x26: {  	[smem:$0x3F97] =	sst s1;
	(tag) =	ssettag s2;
	_ =	strace s9  }
0x27: {  	s1 =	sld [smem:$0x3FA7]  }
0x28: {  	s2 =	sld [smem:$0x3FA8]  }
0x29: {  	s4 =	sld [smem:$0x3FAA]  }
0x2a: {  	p0 =	seq.s32 s5, $0x0;
	s5 =	sld [smem:$0x3FAB]  }
0x2b: {  	s6 =	sld [smem:$0x3FAC]  }
0x2c: {  	s7 =	sld [smem:$0x3FAD]  }
0x2d: {  	s3 =	simm.s32 $0x108;
	s8 =	sld [smem:$0x3FAE]  }
0x2e: {  	s3 =	simm.s32 @!p0 $0x1082;
	s9 =	sld [smem:$0x3FAF]  }
0x2f: {  	lr =	sadd.s32 s0, s3;
	s0 =	sld [smem:$0x3FA6]  }
0x30: {  	s3 =	sld [smem:$0x3FA9]  }
0x31: {  	[smem:$0x3FB2] =	sst s10  }
0x32: {  	s10 =	sld [smem:$0x3FB0];
	_ =	sdelay $0x3  }
0x33: {  	p0 =	seq.s32 s10, $0x1;
	s10 =	sld [smem:$0x3FB2];
	_ =	sdelay $0x3  }
0x34: {  	[smem:$0x3FB2] =	sst s10  }
0x35: {  	s10 =	sld [smem:$0x3FB1];
	_ =	sdelay $0x3  }
0x36: {  	p1 =	seq.s32 s10, $0x1;
	s10 =	sld [smem:$0x3FB2];
	_ =	sdelay $0x3  }
0x37: {  	[smem:$0x3FB2] =	sst s10  }
0x38: {  	s10 =	sld [smem:$0x3FB3]  }
0x39: {  	_ = 	snop;
	(pc) =	sbr.ind lr, $3  }
0x3a: {  	_ = 	snop  }
0x3b: {  	_ = 	snop  }
0x3c: {  	p2 =	seq.s32 s10, $0x1;
	s10 =	sld [smem:$0x3FB2]  }
0x3d: {  	_ =	shalt  }
0x3e: {  	_ =	shalt  }
0x3f: {  	_ =	shalt  }
0x40: {  	_ =	shalt  }
0x41: {  	_ =	shalt  }
0x42: {  	_ =	shalt  }
0x43: {  	_ =	shalt  }
0x44: {  	_ =	shalt  }
0x45: {  	_ =	shalt  }
0x46: {  	_ =	shalt  }
0x47: {  	_ =	shalt  }
0x48: {  	_ =	shalt  }
0x49: {  	_ =	shalt  }
0x4a: {  	_ =	shalt  }
0x4b: {  	_ =	shalt  }
0x4c: {  	_ =	shalt  }
0x4d: {  	_ =	shalt  }
0x4e: {  	_ =	shalt  }
0x4f: {  	_ =	shalt  }
0x50: {  	_ =	shalt  }
0x51: {  	_ =	shalt  }
0x52: {  	_ =	shalt  }
0x53: {  	_ =	shalt  }
0x54: {  	_ =	shalt  }
0x55: {  	_ =	shalt  }
0x56: {  	_ =	shalt  }
0x57: {  	_ =	shalt  }
0x58: {  	_ =	shalt  }
0x59: {  	_ =	shalt  }
0x5a: {  	_ =	shalt  }
0x5b: {  	_ =	shalt  }
0x5c: {  	_ =	shalt  }
0x5d: {  	_ =	shalt  }
0x5e: {  	_ =	shalt  }
0x5f: {  	_ =	shalt  }
0x60: {  	_ =	shalt  }
0x61: {  	_ =	shalt  }
0x62: {  	_ =	shalt  }
0x63: {  	_ =	shalt  }
0x64: {  	_ =	shalt  }
0x65: {  	_ =	shalt  }
0x66: {  	_ =	shalt  }
0x67: {  	_ =	shalt  }
0x68: {  	_ =	shalt  }
0x69: {  	_ =	shalt  }
0x6a: {  	_ =	shalt  }
0x6b: {  	_ =	shalt  }
0x6c: {  	_ =	shalt  }
0x6d: {  	_ =	shalt  }
0x6e: {  	_ =	shalt  }
0x6f: {  	_ =	shalt  }
0x70: {  	_ =	shalt  }
0x71: {  	_ =	shalt  }
0x72: {  	_ =	shalt  }
0x73: {  	_ =	shalt  }
0x74: {  	_ =	shalt  }
0x75: {  	_ =	shalt  }
0x76: {  	_ =	shalt  }
0x77: {  	_ =	shalt  }
0x78: {  	_ =	shalt  }
0x79: {  	_ =	shalt  }
0x7a: {  	_ =	shalt  }
0x7b: {  	_ =	shalt  }
0x7c: {  	_ =	shalt  }
0x7d: {  	_ =	shalt  }
0x7e: {  	_ =	shalt  }
0x7f: {  	_ =	shalt  }
0x80: {  	_ =	shalt  }
0x81: {  	_ =	shalt  }
0x82: {  	_ =	shalt  }
0x83: {  	_ =	shalt  }
0x84: {  	_ =	shalt  }
0x85: {  	_ =	shalt  }
0x86: {  	_ =	shalt  }
0x87: {  	_ =	shalt  }
.Lfunc_end0:
.L_simem_size_0:
called_computation.1_lowered:
.L_overlay_start_0:
0x88: {  	s2 =	sld [smem:$0x3FD9]  }
0x89: {  	s3 =	sld [smem:$0x3FFE];
	_ =	sdelay $0x1  }
0x8a: {  	s1 =	srdreg.scid  }
0x8b: {  	s0 =	sand.u32 $0x1, s1  }
0x8c: {  	s16 =	sshll.u32 s0, $0xA;
	s2 =	sadd.s32 s3, s2  }
0x8d: {  	s2 =	sadd.s32 s2, s16  }
0x8e: {  	[smem:$0x3FBE] =	sst s2  }
0x8f: {  	_ = 	snop  }
0x90: {  	(tm) =	ssettm $0x1  }
0x91: {  	s17 =	sld [smem:$0x3FFB];
	_ =	sdelay $0x3  }
0x92: {  	_ =	strace s17  }
0x93: {  	s2 =	sld [smem:$0x3FFC];
	_ =	sdelay $0x3  }
0x94: {  	_ =	strace s2  }
0x95: {  	s2 =	sld [smem:$0x3FFD];
	_ =	sdelay $0x3  }
0x96: {  	_ =	strace s2  }
0x97: {  	_ =	strace $0x8FFFFFFF  }
0x98: {  	s18 =	sld [smem:$0x3FDB];
	_ =	sdelay $0x1  }
0x99: {  	s19 =	simm.s32 $_scs_section_size  }
0x9a: {  	s4 =	simm.s32 $_size__tile_overlayer_lowered;
	s5 =	simm.s32 $_tile_overlayer_lowered  }
0x9b: {  	s22 =	simm.s32 $0x1BFF;
	s21 =	sshll.u32 s5, $0x1;
	s2 =	sadd.s32 s19, s18  }
0x9c: {  	s6 =	simm.s32 $0x0;
	s20 =	sshll.u32 s4, $0x1;
	s4 =	sadd.s32 s21, s2  }
0x9d: {  	[timem:s6], [sflag:s22] =	dma.local [hbm:s4], s20  }
0x9e: {  	_ =	swait.ge [sflag:s22], s20  }
0x9f: {  	s3 =	ssub.s32 $0x0, s20;
	[sflag:s22] =	ssyncset.done $0x0  }
0xa0: {  	[sflag:s22] =	ssyncadd.s32 s3;
	_ =	sdelay $0x1  }
0xa1: {  	s23 =	simm.s32 $0x1B8B  }
0xa2: {  	_ =	swait.ge [sflag:s23], $0x1  }
0xa3: {  	[sflag:s23] =	ssyncset.done $0x0  }
0xa4: {  	s25 =	simm.s32 $0x1B8E;
	s24 =	sld [smem:$0x3FFE];
	[sflag:s23] =	ssyncadd.s32 $0xFFFFFFFF  }
0xa5: {  	s26 =	simm.s32 $execute0_lowered;
	[smem:$0x3FD2] =	sst s25  }
0xa6: {  	s4 =	sshll.u32 s26, $0x1;
	_ =	strace $0x80000049;
	[dreg:$0x1] =	wrdreg $0xFFFFFFFF  }
0xa7: {  	s28 =	simm.s32 $_size_execute0_lowered;
	s2 =	sadd.s32 s2, s4;
	[dreg:$0x0] =	wrdreg $0x0  }
0xa8: {  	s4 =	sshll.u32 s28, $0x1;
	[dreg:$0x2] =	wrdreg s2  }
0xa9: {  	[dreg:$0x3] =	wrdreg s4  }
0xaa: {  	[dreg:$0x4] =	wrdreg $0xC0  }
0xab: {  	_ =	task [dreg:s6], $0x5FFFF  }
0xac: {  	[dreg:$0x1] =	wrdreg $0xFFFFFFFF  }
0xad: {  	[dreg:$0x0] =	wrdreg $0x60  }
0xae: {  	[dreg:$0x2] =	wrdreg s24  }
0xaf: {  	[dreg:$0x3] =	wrdreg $0x90800  }
0xb0: {  	[dreg:$0x4] =	wrdreg $0x9  }
0xb1: {  	_ =	task.clear_ibuf [dreg:s6], $0x5FFFF;
	_ =	strace $0x90000049  }
0xb2: {  	s29 =	simm.s32 $0x9;
	_ =	strace $0x8000004B  }
0xb3: {  	_ =	swait.ge [sflag:s29], $0x1  }
0xb4: {  	[sflag:s29] =	ssyncadd.s32 $0xFFFFFFFF  }
0xb5: {  	_ =	strace $0x9000004B  }
0xb6: {  	_ =	sfence  }
0xb7: {  	s30 =	sld [smem:$0x0];
	_ =	sdelay $0x2  }
0xb8: {  	s31 =	sshll.u32 s1, $0xD;
	s1 =	sshrl.u32 s1, $0x2  }
0xb9: {  	s3 =	sand.u32 $0x4000, s31;
	s1 =	sadd.s32 s1, s30  }
0xba: {  	s0 =	sor.u32 s3, s0;
	s1 =	sshll.u32 s1, $0x11  }
0xbb: {  	s0 =	sor.u32 s1, s0  }
0xbc: {  	s0 =	sadd.s32 $0x8F2B, s0  }
0xbd: {  	[sflag:s0] =	ssyncadd.remote.s32 $0x1  }
0xbe: {  	_ =	sfence.sel $0xFFFF  }
0xbf: {  	[dreg:$0x0] =	wrdreg $0xFFFFFFFF;
	(pc) =	sbr.abs _section_cstart, $3  }
0xc0: {  	[dreg:$0x1] =	wrdreg $0xFFFFFFFF  }
0xc1: {  	_ =	task.clear_ibuf [dreg:s6], $0x2FFFF;
	_ =	strace $0x9FFFFFFF  }
0xc2: {  	(tm) =	ssettm $0x7FFFFFFF  }
0xc3: {  	_ =	shalt  }
tec
execute0_lowered:
.L_overlay_start_1:
0x0: {  	(tag) =	ssettag $0x1  }
0x1: {  	s0 =	rddreg [dreg:$0x0]  }
0x2: {  	s1 =	rddreg [dreg:$0x1];
	s2 =	simm.s32 $0x0;
	s3 =	srdreg.scid  }
0x3: {  	s12 =	stileid.u32;
	s28 =	simm.s32 $0x5000;
	s29 =	simm.s32 $0x1  }
0x4: {  	s30 =	simm.s32 $0x2;
	[smem:$0x7FF] =	sst s2;
	s4 =	sadd.s32 $0x16200, s0  }
0x5: {  	s5 =	sadd.s32 $0x2200, s0;
	s3 =	sand.u32 $0x1, s3;
	s7 =	smul.u32 $0x4E000, s12  }
0x6: {  	s6 =	sadd.s32 $0xC200, s0;
	s0 =	sadd.s32 $0x3D400, s0;
	s10 =	sshll.u32 s12, $0x1  }
0x7: {  	s13 =	sadd.s32 $0x138000, s1;
	s11 =	smul.u32 $0x13800, s12;
	p0 =	sne.s32 s12, $0xF  }
0x8: {  	_ =	strace $0x8000004A;
	s8 =	ssub.s32 $0x2, s3;
	s7 =	sshrl.u32 s7, $0x2  }
0x9: {  	s15 =	sor.u32 s3, s10;
	s3 =	smul.u32 $0x138800, s3;
	s14 =	sadd.s32 s7, s1  }
0xa: {  	s9 =	sshrl.u32 s8, $0x1;
	s16 =	sadd.s32 $0x4000, s14;
	[dreg:$0x7] =	wrdreg s14  }
0xb: {  	s10 =	smul.u32 $0x2800, s15;
	s17 =	sadd.s32 $0x8000, s14;
	[dreg:$0x3] =	wrdreg s16  }
0xc: {  	s8 =	ssub.s32 s8, s9;
	s18 =	sadd.s32 $0xC000, s14;
	[dreg:$0x4] =	wrdreg s17  }
0xd: {  	s11 =	sadd.s32 s11, s3;
	s19 =	sadd.s32 $0x10000, s14;
	[dreg:$0x5] =	wrdreg s18  }
0xe: {  	s20 =	sshrl.u32 s10, $0x3;
	s31 =	smax.u32 s8, $0x1;
	[dreg:$0x6] =	wrdreg s19  }
0xf: {  	s3 =	sshrl.u32 s3, $0x3;
	s21 =	sadd.s32 s5, s20;
	[dreg:$0xe] =	wrdreg s31  }
0x10: {  	s25 =	sshrl.u32 s11, $0x3;
	s22 =	sadd.s32 s6, s20;
	[dreg:$0x8] =	wrdreg s21  }
0x11: {  	s3 =	sadd.s32 s0, s3;
	s0 =	sadd.s32 s0, s25;
	[dreg:$0x9] =	wrdreg s22  }
0x12: {  	s9 =	sor.u32 $0x80, s20;
	s26 =	sadd.s32 $0x27000, s3;
	[dreg:$0xc] =	wrdreg s0  }
0x13: {  	s23 =	sadd.s32 s5, s9;
	s24 =	sadd.s32 s6, s9;
	[dreg:$0xd] =	wrdreg s26  }
0x14: {  	s21 =	simm.s32 $0x1000;
	s22 =	simm.s32 $0x4;
	[dreg:$0xa] =	wrdreg s23  }
0x15: {  	v0 =	vimm.f32 $0.0e+00;
	v1 =	vimm.f32 $1.000000000e+00;
	s26 =	simm.s32 $0x80;
	s0 =	simm.s32 $0x0;
	[dreg:$0xb] =	wrdreg s24  }
.LBB2_1:
0x16: {  	s3 =	sand.u32 $0xFE00, s2  }
0x17: {  	s8 =	sand.u32 $0x70, s2;
	s9 =	sshrl.u32 s3, $0x2  }
0x18: {  	s3 =	simm.s32 $0x40;
	s9 =	sor.u32 s8, s9;
	s8 =	simm.s32 $0x0  }
.LBB2_2:
0x19: {  	p1 =	sne.s32 s3, $0xFFC0  }
0x1a: {  	[tilespmem:s9+$0x1000] =	vst v0;
	s8 =	sadd.s32 $0x10, s8;
	s9 =	smov.u32 s3;
	s3 =	sadd.s32 $0x40, s3  }
.Ltmp0:
0x1b: {  	(pc) =	sbr.rel @p1 .LBB2_2-.Ltmp0, $4  }
0x1c: {  	_ = 	snop  }
0x1d: {  	s9 =	sand.u32 $0xFE00, s9  }
0x1e: {  	s11 =	sand.u32 $0x70, s8;
	s9 =	sshrl.u32 s9, $0x2  }
0x1f: {  	s9 =	sor.u32 s11, s9  }
0x20: {  	[tilespmem:s9+$0x1000] =	vst v0  }
0x21: {  	[tilespmem:$0x9000] =	vst v1  }
0x22: {  	[tilespmem:$0x9010] =	vst v1  }
0x23: {  	[tilespmem:$0x9020] =	vst v1  }
0x24: {  	[tilespmem:$0x9030] =	vst v1  }
0x25: {  	[tilespmem:$0x9040] =	vst v1  }
0x26: {  	[tilespmem:$0x9050] =	vst v1  }
0x27: {  	[tilespmem:$0x9060] =	vst v1  }
0x28: {  	[tilespmem:$0x9070] =	vst v1  }
0x29: {  	[spmem:s14] =	stream.linear.scatter [tilespmem:s21], [sflag:$0x4], $0x4000, $0x38;
	[tilespmem:$0x1D080] =	vst v63  }
0x2a: {  	_ =	swait.ge [sflag:s22], $0x4000  }
0x2b: {  	[sflag:s22] =	ssyncset.done $0x0  }
0x2c: {  	s3 =	rddreg [dreg:$0x3];
	[sflag:s22] =	ssyncadd.s32 $0xFFFFC000  }
0x2d: {  	[spmem:s3] =	stream.linear.scatter [tilespmem:s21], [sflag:$0x4], $0x4000, $0x38;
	[tilespmem:$0x1D080] =	vst v63  }
0x2e: {  	_ =	swait.ge [sflag:s22], $0x4000  }
0x2f: {  	[sflag:s22] =	ssyncset.done $0x0  }
0x30: {  	s25 =	rddreg [dreg:$0x4];
	[sflag:s22] =	ssyncadd.s32 $0xFFFFC000  }
0x31: {  	[spmem:s25] =	stream.linear.scatter [tilespmem:s21], [sflag:$0x4], $0x4000, $0x38;
	[tilespmem:$0x1D080] =	vst v63  }
0x32: {  	_ =	swait.ge [sflag:s22], $0x4000  }
0x33: {  	[sflag:s22] =	ssyncset.done $0x0  }
0x34: {  	s7 =	rddreg [dreg:$0x5];
	[sflag:s22] =	ssyncadd.s32 $0xFFFFC000  }
0x35: {  	[spmem:s7] =	stream.linear.scatter [tilespmem:s21], [sflag:$0x4], $0x4000, $0x38;
	[tilespmem:$0x1D080] =	vst v63  }
0x36: {  	_ =	swait.ge [sflag:s22], $0x4000  }
0x37: {  	[sflag:s22] =	ssyncset.done $0x0  }
0x38: {  	s8 =	rddreg [dreg:$0x6];
	[sflag:s22] =	ssyncadd.s32 $0xFFFFC000  }
0x39: {  	[spmem:s8] =	stream.linear.scatter [tilespmem:s21], [sflag:$0x4], $0x3800, $0x38;
	[tilespmem:$0x1D080] =	vst v63  }
0x3a: {  	_ =	swait.ge [sflag:s22], $0x3800  }
0x3b: {  	[sflag:s22] =	ssyncset.done $0x0  }
0x3c: {  	s3 =	simm.s32 @!p0 $0x1000;
	[sflag:s22] =	ssyncadd.s32 $0xFFFFC800  }
0x3d: {  	[spmem:s13] =	stream.linear.scatter @!p0 [tilespmem:s3], [sflag:$0x4], $0x800, $0x38;
	[tilespmem:$0x1D080] =	vst v63  }
0x3e: {  	s3 =	simm.s32 @!p0 $0x4  }
0x3f: {  	_ =	swait.ge @!p0 [sflag:s3], $0x800  }
0x40: {  	[sflag:s3] =	ssyncset.done @!p0 $0x0  }
0x41: {  	[sflag:s3] =	ssyncadd.s32 @!p0 $0xFFFFF800  }
0x42: {  	[bflag:$0x0] =	sbarrier.arrive $0xFFFF  }
0x43: {  	s9 =	rddreg [dreg:$0x8]  }
0x44: {  	[tilespmem:s2], [sflag:$0x4] =	stream.linear.gather [hbm4b:s9+s2], $0x400, $0x38;
	[tilespmem:$0x1D080] =	vst v63  }
0x45: {  	_ =	swait.ge [sflag:s22], $0x400  }
0x46: {  	[sflag:s22] =	ssyncset.done $0x0  }
0x47: {  	s8 =	simm.s32 $0x800;
	s11 =	rddreg [dreg:$0x9];
	[sflag:s22] =	ssyncadd.s32 $0xFFFFFC00  }
0x48: {  	[tilespmem:s8], [sflag:$0x4] =	stream.linear.gather [hbm4b:s11+s2], $0x400, $0x38;
	[tilespmem:$0x1D080] =	vst v63  }
0x49: {  	_ =	swait.ge [sflag:s22], $0x400  }
0x4a: {  	s7 =	smov.u32 s13;
	[sflag:s22] =	ssyncset.done $0x0  }
0x4b: {  	s13 =	simm.s32 $0x400;
	s12 =	rddreg [dreg:$0xa];
	[sflag:s22] =	ssyncadd.s32 $0xFFFFFC00  }
0x4c: {  	[tilespmem:s13], [sflag:$0x3] =	stream.linear.gather [hbm4b:s12+s2], $0x400, $0x38;
	[tilespmem:$0x1D080] =	vst v63  }
0x4d: {  	s15 =	simm.s32 $0xC00;
	s16 =	simm.s32 $0x1;
	s14 =	rddreg [dreg:$0xb]  }
0x4e: {  	[tilespmem:s15], [sflag:$0x3] =	stream.linear.gather [hbm4b:s14+s2], $0x400, $0x38;
	[tilespmem:$0x1D080] =	vst v63  }
0x4f: {  	s17 =	simm.s32 $0x2;
	s24 =	simm.s32 $0x200;
	s31 =	simm.s32 $0x4  }
0x50: {  	[tilespmem:s21], [sflag:$0x1] =	stream.indirect.gather [hbm4b:s4+s26], $0x80, s2, s26, $0xb8;
	[tilespmem:$0x1D080] =	vst v63  }
0x51: {  	s18 =	simm.s32 $0x0;
	s19 =	simm.s32 $0x80;
	_ =	swait.ge [sflag:s16], $0x4000  }
0x52: {  	p2 =	por $0x0, $0x0;
	s3 =	sand.u32 $0x6, s17;
	[sflag:s16] =	ssyncset.done $0x0  }
0x53: {  	p1 =	sne.s32 s3, $0x0;
	s9 =	sand.u32 $0x7, s18;
	[sflag:s16] =	ssyncadd.s32 $0xFFFFC000  }
0x54: {  	[tilespmem:s28], [sflag:$0x1] =	stream.indirect.gather [hbm4b:s4+s26], $0x80, s26, s26, $0xb8;
	[tilespmem:$0x1D080] =	vst v63  }
0x55: {  	s25 =	sand.u32 $0x6, s31;
	s17 =	sadd.s32 $0x1, s9;
	s12 =	simm.s32 @!p1 $0x3  }
0x56: {  	[spmem:s1] =	stream.indirect.scatter.add.f32 [tilespmem:s21], [sflag:$0x2], $0x80, s8, s26, $0xb8;
	[tilespmem:$0x1D080] =	vst v63  }
0x57: {  	p3 =	sne.s32 @!p2 s3, $0x0;
	s20 =	sshrl.u32 s17, $0x3;
	_ =	swait.ge @!p1 [sflag:s12], $0x400  }
0x58: {  	s11 =	simm.s32 $0x100;
	s15 =	sshll.u32 s3, $0x7;
	[sflag:s12] =	ssyncset.done @!p1 $0x0  }
0x59: {  	s14 =	sand.u32 $0x380, s19;
	s16 =	sand.u32 $0x400, s11;
	[sflag:s12] =	ssyncadd.s32 @!p1 $0xFFFFFC00  }
0x5a: {  	s9 =	sor.u32 s15, s16;
	s15 =	sadd.s32 $0x0, s20;
	_ =	swait.ge @!p1 [sflag:s12], $0x400  }
0x5b: {  	s23 =	sshll.u32 s15, $0xA;
	s8 =	simm.s32 $0x300;
	[sflag:s12] =	ssyncset.done @!p1 $0x0  }
0x5c: {  	s3 =	sand.u32 $0x400, s23;
	[sflag:s12] =	ssyncadd.s32 @!p1 $0xFFFFFC00;
	p1 =	por p3, p2  }
0x5d: {  	s23 =	sor.u32 s14, s3;
	_ =	swait.ge [sflag:s29], $0x4000;
	s12 =	sand.u32 @!p1 $0x3C00, s11  }
0x5e: {  	s11 =	sand.u32 $0x300, s11;
	[sflag:s29] =	ssyncset.done $0x0;
	s3 =	sadd.s32 @!p1 $0x400, s12  }
0x5f: {  	s16 =	sadd.s32 s11, s16;
	s11 =	simm.s32 $0x6;
	[sflag:s29] =	ssyncadd.s32 $0xFFFFC000  }
0x60: {  	s12 =	sadd.s32 @!p1 s10, s3;
	s14 =	sand.u32 @!p1 $0x400, s3;
	_ =	swait.ge [sflag:s30], $0x4000  }
0x61: {  	s3 =	sshrl.u32 @!p1 s12, $0x3;
	s15 =	sor.u32 @!p1 $0x800, s14;
	s12 =	sor.u32 $0x800, s23  }
0x62: {  	s23 =	sadd.s32 $0x80, s16;
	[sflag:s30] =	ssyncset.done $0x0;
	s18 =	sadd.s32 @!p1 s5, s3  }
0x63: {  	s17 =	sadd.s32 @!p1 s6, s3;
	s3 =	simm.s32 $0x2;
	[sflag:s30] =	ssyncadd.s32 $0xFFFFC000  }
0x64: {  	[tilespmem:s21], [sflag:$0x1] =	stream.indirect.gather [hbm4b:s4+s26], $0x80, s9, s26, $0xb8;
	[tilespmem:$0x1D080] =	vst v63  }
.LBB2_4:
0x65: {  	[spmem:s1] =	stream.indirect.scatter.add.f32 [tilespmem:s28], [sflag:$0x2], $0x80, s12, s26, $0xb8;
	[tilespmem:$0x1D080] =	vst v63  }
0x66: {  	s12 =	smov.u32 s8  }
0x67: {  	p3 =	sne.s32 s25, $0x0;
	s9 =	sor.u32 $0x800, s9;
	_ =	swait.ge [sflag:s29], $0x4000  }
0x68: {  	s19 =	sand.u32 $0x6, s11;
	s8 =	sadd.s32 $0x100, s8;
	[sflag:s29] =	ssyncset.done $0x0  }
0x69: {  	p2 =	sne.s32 s8, $0x2800;
	[sflag:s29] =	ssyncadd.s32 $0xFFFFC000  }
0x6a: {  	_ =	swait.ge [sflag:s30], $0x4000  }
0x6b: {  	[sflag:s30] =	ssyncset.done $0x0  }
0x6c: {  	s20 =	sadd.s32 $0xFFFFFFFF, s31;
	s13 =	simm.s32 @!p1 $0x0;
	[sflag:s30] =	ssyncadd.s32 $0xFFFFC000  }
0x6d: {  	[tilespmem:s14], [sflag:$0x3] =	stream.linear.gather @!p1 [hbm4b:s18+s13], $0x400, $0x38;
	[tilespmem:$0x1D080] =	vst v63  }
0x6e: {  	s16 =	sand.u32 $0x400, s24;
	s31 =	smov.u32 s11;
	s14 =	sshll.u32 s20, $0x18  }
0x6f: {  	[tilespmem:s15], [sflag:$0x3] =	stream.linear.gather @!p1 [hbm4b:s17+s13], $0x400, $0x38;
	[tilespmem:$0x1D080] =	vst v63  }
0x70: {  	s14 =	sshra.s32 s14, $0x1F;
	s13 =	simm.s32 @!p3 $0x3;
	s15 =	sadd.s32 $0xFFFFFF80, s24  }
0x71: {  	[tilespmem:s28], [sflag:$0x1] =	stream.indirect.gather [hbm4b:s4+s26], $0x80, s23, s26, $0xb8;
	[tilespmem:$0x1D080] =	vst v63  }
0x72: {  	s18 =	sshrl.u32 s20, $0x1F;
	s17 =	sshll.u32 s25, $0x7;
	s14 =	sand.u32 $0x7, s14  }
0x73: {  	[spmem:s1] =	stream.indirect.scatter.add.f32 [tilespmem:s21], [sflag:$0x2], $0x80, s9, s26, $0xb8;
	[tilespmem:$0x1D080] =	vst v63  }
0x74: {  	s14 =	sadd.s32 s14, s20;
	s15 =	sand.u32 $0x380, s15;
	_ =	swait.ge @!p3 [sflag:s13], $0x400  }
0x75: {  	s14 =	sshrl.u32 s14, $0x3;
	s9 =	sor.u32 s17, s16;
	[sflag:s13] =	ssyncset.done @!p3 $0x0  }
0x76: {  	p1 =	sgt.u32 s3, $0x23;
	s14 =	sadd.s32 s14, s18;
	[sflag:s13] =	ssyncadd.s32 @!p3 $0xFFFFFC00  }
0x77: {  	p4 =	sne.s32 @!p1 s25, $0x0;
	s14 =	sshll.u32 s14, $0xA;
	_ =	swait.ge @!p3 [sflag:s13], $0x400  }
0x78: {  	p1 =	por p4, p1;
	s14 =	sand.u32 $0x400, s14;
	[sflag:s13] =	ssyncset.done @!p3 $0x0  }
0x79: {  	[sflag:s13] =	ssyncadd.s32 @!p3 $0xFFFFFC00;
	s13 =	sor.u32 s15, s14;
	s14 =	sand.u32 @!p1 $0x3C00, s24  }
0x7a: {  	s25 =	smov.u32 s19;
	_ =	swait.ge [sflag:s29], $0x4000;
	s14 =	sadd.s32 @!p1 $0x400, s14  }
0x7b: {  	[sflag:s29] =	ssyncset.done $0x0;
	s15 =	sadd.s32 @!p1 s10, s14  }
0x7c: {  	s14 =	sand.u32 @!p1 $0x400, s14;
	[sflag:s29] =	ssyncadd.s32 $0xFFFFC000;
	s17 =	sshrl.u32 @!p1 s15, $0x3  }
0x7d: {  	s15 =	sor.u32 @!p1 $0x800, s14;
	_ =	swait.ge [sflag:s30], $0x4000;
	s18 =	sadd.s32 @!p1 s5, s17  }
.Ltmp1:
0x7e: {  	s17 =	sadd.s32 @!p1 s6, s17;
	[sflag:s30] =	ssyncset.done $0x0;
	(pc) =	sbr.rel @p2 .LBB2_4-.Ltmp1, $4  }
0x7f: {  	s19 =	sand.u32 $0x300, s24;
	s24 =	smov.u32 s12;
	[sflag:s30] =	ssyncadd.s32 $0xFFFFC000  }
0x80: {  	[tilespmem:s21], [sflag:$0x1] =	stream.indirect.gather [hbm4b:s4+s26], $0x80, s9, s26, $0xb8;
	[tilespmem:$0x1D080] =	vst v63  }
0x81: {  	s3 =	sadd.s32 $0x1, s3;
	s16 =	sadd.s32 s19, s16  }
0x82: {  	s11 =	sadd.s32 $0x2, s11;
	s23 =	sadd.s32 $0x80, s16;
	s12 =	sor.u32 $0x800, s13  }
0x83: {  	[spmem:s1] =	stream.indirect.scatter.add.f32 [tilespmem:s28], [sflag:$0x2], $0x80, s12, s26, $0xb8;
	[tilespmem:$0x1D080] =	vst v63  }
0x84: {  	_ =	swait.ge [sflag:s29], $0x4000  }
0x85: {  	[sflag:s29] =	ssyncset.done $0x0  }
0x86: {  	[sflag:s29] =	ssyncadd.s32 $0xFFFFC000  }
0x87: {  	_ =	swait.ge [sflag:s30], $0x4000  }
0x88: {  	[sflag:s30] =	ssyncset.done $0x0  }
0x89: {  	s8 =	simm.s32 @!p1 $0x0;
	[sflag:s30] =	ssyncadd.s32 $0xFFFFC000  }
0x8a: {  	[tilespmem:s14], [sflag:$0x3] =	stream.linear.gather @!p1 [hbm4b:s18+s8], $0x400, $0x38;
	[tilespmem:$0x1D080] =	vst v63  }
0x8b: {  	_ = 	snop  }
0x8c: {  	[tilespmem:s15], [sflag:$0x3] =	stream.linear.gather @!p1 [hbm4b:s17+s8], $0x400, $0x38;
	[tilespmem:$0x1D080] =	vst v63  }
0x8d: {  	p1 =	sne.s32 s25, $0x0  }
0x8e: {  	[tilespmem:s28], [sflag:$0x1] =	stream.indirect.gather [hbm4b:s4+s26], $0x80, s23, s26, $0xb8;
	[tilespmem:$0x1D080] =	vst v63  }
0x8f: {  	s12 =	sor.u32 $0x800, s9;
	s9 =	simm.s32 @!p1 $0x3  }
0x90: {  	[spmem:s1] =	stream.indirect.scatter.add.f32 [tilespmem:s21], [sflag:$0x2], $0x80, s12, s26, $0xb8;
	[tilespmem:$0x1D080] =	vst v63  }
0x91: {  	_ =	swait.ge @!p1 [sflag:s9], $0x400  }
0x92: {  	s13 =	sadd.s32 $0xFFFFFFFF, s31;
	[sflag:s9] =	ssyncset.done @!p1 $0x0  }
0x93: {  	s11 =	sshll.u32 s13, $0x18;
	[sflag:s9] =	ssyncadd.s32 @!p1 $0xFFFFFC00  }
0x94: {  	s11 =	sshra.s32 s11, $0x1F;
	_ =	swait.ge @!p1 [sflag:s9], $0x400  }
0x95: {  	s11 =	sand.u32 $0x7, s11;
	[sflag:s9] =	ssyncset.done @!p1 $0x0  }
0x96: {  	s11 =	sadd.s32 s11, s13;
	[sflag:s9] =	ssyncadd.s32 @!p1 $0xFFFFFC00  }
0x97: {  	s16 =	sshll.u32 s25, $0x7;
	s11 =	sshrl.u32 s11, $0x3;
	_ =	swait.ge [sflag:s29], $0x4000  }
0x98: {  	s14 =	sand.u32 $0x400, s24;
	s8 =	sshrl.u32 s13, $0x1F;
	[sflag:s29] =	ssyncset.done $0x0  }
0x99: {  	s15 =	sadd.s32 $0xFFFFFF80, s24;
	s8 =	sadd.s32 s11, s8;
	[sflag:s29] =	ssyncadd.s32 $0xFFFFC000  }
0x9a: {  	s11 =	sor.u32 s16, s14;
	s8 =	sshll.u32 s8, $0xA;
	_ =	swait.ge [sflag:s30], $0x4000  }
0x9b: {  	s8 =	sand.u32 $0x400, s8;
	s9 =	sand.u32 $0x380, s15;
	[sflag:s30] =	ssyncset.done $0x0  }
0x9c: {  	p1 =	sgt.u32 s3, $0x23;
	s17 =	sor.u32 s9, s8;
	[sflag:s30] =	ssyncadd.s32 $0xFFFFC000  }
0x9d: {  	[tilespmem:s21], [sflag:$0x1] =	stream.indirect.gather [hbm4b:s4+s26], $0x80, s11, s26, $0xb8;
	[tilespmem:$0x1D080] =	vst v63  }
0x9e: {  	p2 =	sne.s32 @!p1 s25, $0x0;
	s3 =	sor.u32 $0x800, s17  }
0x9f: {  	[spmem:s1] =	stream.indirect.scatter.add.f32 [tilespmem:s28], [sflag:$0x2], $0x80, s3, s26, $0xb8;
	[tilespmem:$0x1D080] =	vst v63  }
0xa0: {  	p1 =	por p2, p1;
	_ =	swait.ge [sflag:s29], $0x4000  }
0xa1: {  	s3 =	sand.u32 @!p1 $0x3C00, s24;
	[sflag:s29] =	ssyncset.done $0x0  }
0xa2: {  	s3 =	sadd.s32 @!p1 $0x400, s3;
	[sflag:s29] =	ssyncadd.s32 $0xFFFFC000  }
0xa3: {  	s8 =	sadd.s32 @!p1 s10, s3;
	_ =	swait.ge [sflag:s30], $0x4000  }
0xa4: {  	s13 =	simm.s32 @!p1 $0x0;
	s8 =	sshrl.u32 @!p1 s8, $0x3;
	[sflag:s30] =	ssyncset.done $0x0  }
0xa5: {  	s3 =	sand.u32 @!p1 $0x400, s3;
	s9 =	sadd.s32 @!p1 s5, s8;
	[sflag:s30] =	ssyncadd.s32 $0xFFFFC000  }
0xa6: {  	[tilespmem:s3], [sflag:$0x3] =	stream.linear.gather @!p1 [hbm4b:s9+s13], $0x400, $0x38;
	[tilespmem:$0x1D080] =	vst v63  }
0xa7: {  	s18 =	sand.u32 $0x300, s24;
	s8 =	sadd.s32 @!p1 s6, s8;
	s3 =	sor.u32 @!p1 $0x800, s3  }
0xa8: {  	[tilespmem:s3], [sflag:$0x3] =	stream.linear.gather @!p1 [hbm4b:s8+s13], $0x400, $0x38;
	[tilespmem:$0x1D080] =	vst v63  }
0xa9: {  	s3 =	sadd.s32 s18, s14  }
0xaa: {  	s3 =	sadd.s32 $0x80, s3  }
0xab: {  	[tilespmem:s28], [sflag:$0x1] =	stream.indirect.gather [hbm4b:s4+s26], $0x80, s3, s26, $0xb8;
	[tilespmem:$0x1D080] =	vst v63  }
0xac: {  	s19 =	sor.u32 $0x800, s11  }
0xad: {  	[spmem:s1] =	stream.indirect.scatter.add.f32 [tilespmem:s21], [sflag:$0x2], $0x80, s19, s26, $0xb8;
	[tilespmem:$0x1D080] =	vst v63  }
0xae: {  	_ =	swait.ge [sflag:s29], $0x4000  }
0xaf: {  	[sflag:s29] =	ssyncset.done $0x0  }
0xb0: {  	[sflag:s29] =	ssyncadd.s32 $0xFFFFC000  }
0xb1: {  	_ =	swait.ge [sflag:s30], $0x4000  }
0xb2: {  	[sflag:s30] =	ssyncset.done $0x0  }
0xb3: {  	s20 =	simm.s32 $0xF80;
	[sflag:s30] =	ssyncadd.s32 $0xFFFFC000  }
0xb4: {  	[spmem:s1] =	stream.indirect.scatter.add.f32 [tilespmem:s28], [sflag:$0x2], $0x80, s20, s26, $0xb8;
	[tilespmem:$0x1D080] =	vst v63  }
0xb5: {  	_ =	swait.ge [sflag:s30], $0x4000  }
0xb6: {  	[sflag:s30] =	ssyncset.done $0x0  }
0xb7: {  	[sflag:s30] =	ssyncadd.s32 $0xFFFFC000  }
0xb8: {  	s23 =	stileid.u32;
	[bflag:$0x0] =	sbarrier.arrive $0xFFFF  }
0xb9: {  	s3 =	sshll.u32 s23, $0x6;
	s14 =	rddreg [dreg:$0x7]  }
0xba: {  	s3 =	sor.u32 $0x1C04, s3;
	s25 =	rddreg [dreg:$0xc];
	s24 =	sshrl.u32 s14, $0x3  }
0xbb: {  	[hbm:s25], [sflag:s3] =	dma.local [spmem:s24], $0x2700  }
0xbc: {  	_ =	swait.ge [sflag:s22], $0x2700  }
0xbd: {  	s13 =	smov.u32 s7;
	[sflag:s22] =	ssyncset.done $0x0  }
0xbe: {  	s8 =	sshrl.u32 @!p0 s7, $0x3;
	s7 =	rddreg [dreg:$0xd];
	[sflag:s22] =	ssyncadd.s32 $0xFFFFD900  }
0xbf: {  	[hbm:s7], [sflag:s3] =	dma.local @!p0 [spmem:s8], $0x100  }
0xc0: {  	s3 =	simm.s32 @!p0 $0x4  }
0xc1: {  	_ =	swait.ge @!p0 [sflag:s3], $0x100  }
0xc2: {  	s0 =	sadd.s32 $0x1, s0;
	s31 =	rddreg [dreg:$0xe]  }
0xc3: {  	p1 =	sne.s32 s0, s31  }
.Ltmp2:
0xc4: {  	_ = 	snop;
	(pc) =	sbr.rel @p1 .LBB2_1-.Ltmp2, $3  }
0xc5: {  	_ =	sdelay $0x1  }
0xc6: {  	[sflag:s3] =	ssyncset.done @!p0 $0x0  }
0xc7: {  	[sflag:s3] =	ssyncadd.s32 @!p0 $0xFFFFFF00  }
0xc8: {  	_ =	sfence.sel $0x180000  }
0xc9: {  	[bflag:$0x0] =	sbarrier.arrive $0xFFFF  }
0xca: {  	_ =	strace $0x9000004A  }
0xcb: {  	s0 =	stileid.u32;
	[bflag:$0x2] =	sbarrier.arrive $0xFFFF  }
0xcc: {  	p0 =	sne.s32 s0, $0x0;
	s0 =	rddreg [dreg:$0x2]  }
0xcd: {  	s0 =	sadd.s32 @!p0 $0x100000, s0  }
0xce: {  	[sflag:s0] =	ssyncadd.tile.s32 @!p0 $0x1;
	_ =	shalt  }
.Lfunc_end2:
_tile_overlayer_lowered:
.L_overlay_start_2:
0xcf: {  	(tag) =	ssettag $0x2  }
0xd0: {  	s0 =	rddreg [dreg:$0x0];
	s2 =	stileid.u32  }
0xd1: {  	s1 =	rddreg [dreg:$0x1];
	p0 =	sne.s32 s2, $0x0  }
0xd2: {  	s3 =	rddreg [dreg:$0x2];
	[bflag:$0x3] =	sbarrier.arrive $0xFFFF;
	s2 =	simm.s32 @!p0 $0x1C04  }
0xd3: {  	[timem:s3], [sflag:s2] =	dma.local @!p0 [hbm:s0], s1  }
0xd4: {  	s0 =	simm.s32 @!p0 $0x4  }
0xd5: {  	_ =	swait.ge @!p0 [sflag:s0], s1  }
0xd6: {  	s1 =	ssub.s32 @!p0 $0x0, s1;
	[sflag:s0] =	ssyncset.done @!p0 $0x0  }
0xd7: {  	[sflag:s0] =	ssyncadd.s32 @!p0 s1  }
0xd8: {  	[bflag:$0x3] =	sbarrier.arrive $0xFFFF  }
0xd9: {  	_ =	shalt  }

</sc_bundles>
